<compile_context>
chip_gen: v7x
topology: tpu7x:2x2x1
jax: 0.10.2.dev20260603
libtpu: 0.0.44.dev20260713+nightly
codegen_flags: <defaults>
</compile_context>

<pallas_src>
import functools

import jax
import jax.numpy as jnp
from jax import lax
from jax.experimental import pallas as pl
from jax.experimental.pallas import tpu as pltpu
from jax.experimental.pallas import tpu_sc as plsc

N = 10000
E = 320000
D = 128
NL = 5

NC = 2
NS = 16
NW = NC * NS

CHUNK = 128
NCH = 80
SLOT = NCH * CHUNK
GRP = 16

NROWS = 10240
RPT = NROWS // NS

WIN = 240


def _worker_bounds():
    bounds = []
    half = E // 2
    nw = -(-half // WIN)
    per = [nw // NS + (1 if t < nw % NS else 0) for t in range(NS)]
    for c in range(NC):
        pos = c * half
        for t in range(NS):
            bounds.append(pos)
            pos = min(pos + per[t] * WIN, (c + 1) * half)
    bounds.append(E)
    return bounds


_BOUNDS = _worker_bounds()


def _sc_agg_body(h_hbm, src_hbm, dst_hbm, zeros_hbm, meta_hbm, out_hbm,
                 src_v, dst_v, rows0, rows1, midx_v, mrows_v, acc_sh, sem):
    c = lax.axis_index("c")
    s = lax.axis_index("s")
    w = c * NS + s

    pltpu.sync_copy(zeros_hbm, acc_sh.at[pl.ds(s * RPT, RPT)])
    plsc.subcore_barrier()

    def group(g, carry):
        base = w * NCH + g * GRP
        pltpu.sync_copy(src_hbm.at[pl.ds(base, GRP)], src_v)
        pltpu.sync_copy(dst_hbm.at[pl.ds(base, GRP)], dst_v)
        pltpu.async_copy(h_hbm.at[src_v.at[0]], rows0, sem)

        def pair(i, c2):
            j = 2 * i
            pltpu.async_copy(h_hbm.at[src_v.at[j + 1]], rows1, sem)
            pltpu.make_async_copy(h_hbm.at[src_v.at[j]], rows0, sem).wait()
            pltpu.sync_copy(rows0, acc_sh.at[dst_v.at[j]], add=True)

            @pl.when(j + 2 < GRP)
            def _():
                pltpu.async_copy(h_hbm.at[src_v.at[j + 2]], rows0, sem)

            pltpu.make_async_copy(h_hbm.at[src_v.at[j + 1]], rows1, sem).wait()
            pltpu.sync_copy(rows1, acc_sh.at[dst_v.at[j + 1]], add=True)
            return c2

        lax.fori_loop(0, GRP // 2, pair, carry)
        return carry

    lax.fori_loop(0, NCH // GRP, group, 0)

    plsc.subcore_barrier()

    @pl.when(s == 0)
    def _():
        pltpu.sync_copy(meta_hbm.at[c], midx_v)
        pltpu.sync_copy(acc_sh.at[pl.ds(N, 2 * NS)], mrows_v)
        pltpu.sync_copy(mrows_v, acc_sh.at[midx_v], add=True)

    plsc.subcore_barrier()
    pltpu.sync_copy(acc_sh.at[pl.ds(s * RPT, RPT)],
                    out_hbm.at[c, pl.ds(s * RPT, RPT)])


@functools.cache
def _get_sc_agg():
    return pl.kernel(
        _sc_agg_body,
        out_type=jax.ShapeDtypeStruct((NC, NROWS, D), jnp.float32),
        mesh=plsc.VectorSubcoreMesh(core_axis_name="c", subcore_axis_name="s",
                                    num_cores=NC, num_subcores=NS),
        scratch_types=[
            pltpu.VMEM((GRP, CHUNK), jnp.int32),
            pltpu.VMEM((GRP, CHUNK), jnp.int32),
            pltpu.VMEM((CHUNK, D), jnp.float32),
            pltpu.VMEM((CHUNK, D), jnp.float32),
            pltpu.VMEM((2 * NS,), jnp.int32),
            pltpu.VMEM((2 * NS, D), jnp.float32),
            pltpu.VMEM_SHARED((NROWS, D), jnp.float32),
            pltpu.SemaphoreType.DMA,
        ],
    )


def _sum_rows(ref, base, nblk, m=None):
    def body(i, acc):
        blk = ref[pl.ds(base + i * 8, 8), :]
        if m is not None:
            dd = blk - m
            blk = dd * dd
        return acc + blk

    acc = lax.fori_loop(0, nblk, body, jnp.zeros((8, D), jnp.float32))
    t4 = acc[0:4] + acc[4:8]
    t2 = t4[0:2] + t4[2:4]
    return t2[0:1] + t2[1:2]


def _mlp_body(h_ref, agg_ref, sc_ref, w1_ref, b1_ref, g1_ref, be1_ref,
              w2_ref, b2_ref, g2_ref, be2_ref, o_ref, u_scr, y_scr):
    agg = agg_ref[0, :N, :] + agg_ref[1, :N, :]
    z = h_ref[...] * sc_ref[...] + agg

    u_scr[...] = jnp.dot(z, w1_ref[...],
                         preferred_element_type=jnp.float32) + b1_ref[...]
    m = _sum_rows(u_scr, 0, N // 8) * 0.0001
    v = (_sum_rows(u_scr, 0, 625, m) + _sum_rows(u_scr, 5000, 625, m)) * 0.0001
    d = u_scr[...] - m
    a = g1_ref[...] * (d / jnp.sqrt(v + 1e-5)) + be1_ref[...]
    a = jnp.maximum(a, 0.0)

    y_scr[...] = jnp.dot(a, w2_ref[...],
                         preferred_element_type=jnp.float32) + b2_ref[...]
    m2 = _sum_rows(y_scr, 0, N // 8) * 0.0001
    v2 = (_sum_rows(y_scr, 0, 625, m2) + _sum_rows(y_scr, 5000, 625, m2)) * 0.0001
    d2 = y_scr[...] - m2
    o = g2_ref[...] * (d2 / jnp.sqrt(v2 + 1e-5)) + be2_ref[...]
    o_ref[...] = jnp.maximum(o, 0.0)


_mlp = pl.pallas_call(
    _mlp_body,
    out_shape=jax.ShapeDtypeStruct((N, D), jnp.float32),
    scratch_shapes=[pltpu.VMEM((N, D), jnp.float32),
                    pltpu.VMEM((N, D), jnp.float32)],
)


def _prepare_edges(src, dst):
    order = jnp.argsort(dst, stable=True)
    s_src = src[order]
    s_dst = dst[order]
    src_segs = []
    dst_segs = []
    fds = []
    lds = []
    for w in range(NW):
        lo, hi = _BOUNDS[w], _BOUNDS[w + 1]
        cnt = hi - lo
        sloc = w % NS
        seg_s = s_src[lo:hi]
        seg_d = s_dst[lo:hi]
        fd = seg_d[0]
        ld = seg_d[-1]
        fds.append(fd)
        lds.append(ld)
        seg_d = jnp.where(seg_d == fd, N + 2 * sloc,
                          jnp.where(seg_d == ld, N + 2 * sloc + 1, seg_d))
        src_segs.append(jnp.pad(seg_s, (0, SLOT - cnt)))
        dst_segs.append(jnp.pad(seg_d, (0, SLOT - cnt),
                                constant_values=N + 64 + w))
    srcp = jnp.concatenate(src_segs).reshape(NW * NCH, CHUNK)
    dstp = jnp.concatenate(dst_segs).reshape(NW * NCH, CHUNK)
    meta = jnp.stack([jnp.stack(fds), jnp.stack(lds)], axis=1)
    meta = meta.reshape(NC, NS * 2)
    return srcp, dstp, meta


def kernel(x, edge_index, eps, W1, b1, g1, be1, W2, b2, g2, be2):
    src = edge_index[0]
    dst = edge_index[1]
    srcp, dstp, meta = _prepare_edges(src, dst)
    zeros = jnp.zeros((RPT, D), jnp.float32)

    h = x
    outs = []
    for l in range(NL):
        agg2 = _get_sc_agg()(h, srcp, dstp, zeros, meta)
        sc = (1.0 + eps[l]).reshape(1, 1)
        h = _mlp(h, agg2, sc, W1[l], b1[l].reshape(1, D), g1[l].reshape(1, D),
                 be1[l].reshape(1, D), W2[l], b2[l].reshape(1, D),
                 g2[l].reshape(1, D), be2[l].reshape(1, D))
        outs.append(h)
    return tuple(outs)

# --- scband reference (transcript-rebuilt; emitter-appended) ---
"""Pipeline reference for scband-gin-74792560493162 (READ-ONLY COPY).

The authoritative reference and input builder live on the scoring server;
editing this copy changes nothing except your own understanding.
"""

import jax, jax.numpy as jnp
import numpy as np

N_NODES = 10000
N_EDGES = 320000
D = 128
L = 5


def setup_inputs(seed: int = 0) -> dict:
    key = jax.random.key(seed)
    ks = jax.random.split(key, 6)
    x = jax.random.normal(ks[0], (N_NODES, D), dtype=jnp.float32)
    edge_index = jax.random.randint(ks[1], (2, N_EDGES), 0, N_NODES, dtype=jnp.int32)
    scale = 1.0 / np.sqrt(D)
    W1 = jax.random.normal(ks[2], (L, D, D), dtype=jnp.float32) * scale
    b1 = jnp.zeros((L, D), dtype=jnp.float32)
    g1 = jnp.ones((L, D), dtype=jnp.float32)
    be1 = jnp.zeros((L, D), dtype=jnp.float32)
    W2 = jax.random.normal(ks[3], (L, D, D), dtype=jnp.float32) * scale
    b2 = jnp.zeros((L, D), dtype=jnp.float32)
    g2 = jnp.ones((L, D), dtype=jnp.float32)
    be2 = jnp.zeros((L, D), dtype=jnp.float32)
    eps = jnp.full((L,), 0.1, dtype=jnp.float32)
    return {"x": x, "edge_index": edge_index, "eps": eps, "W1": W1, "b1": b1,
            "g1": g1, "be1": be1, "W2": W2, "b2": b2, "g2": g2, "be2": be2}


def _bn(h, gamma, beta):
    # BatchNorm1d in training mode: batch statistics, biased variance
    m = jnp.mean(h, axis=0)
    v = jnp.mean((h - m) ** 2, axis=0)
    return gamma * (h - m) / jnp.sqrt(v + 1e-5) + beta


def reference(x, edge_index, eps, W1, b1, g1, be1, W2, b2, g2, be2):
    src = edge_index[0]
    dst = edge_index[1]
    h = x
    hidden_rep = []
    for l in range(L):
        # GINConv: (1+eps)*x_i + sum_{j in N(i)} x_j  (scatter-add over dst)
        agg = jnp.zeros_like(h).at[dst].add(h[src])
        h = (1.0 + eps[l]) * h + agg
        # MLP (2 layers): linear -> bn -> relu -> linear
        h = jax.nn.relu(_bn(h @ W1[l] + b1[l], g1[l], be1[l]))
        h = h @ W2[l] + b2[l]
        # outer batch norm + relu
        h = jax.nn.relu(_bn(h, g2[l], be2[l]))
        hidden_rep.append(h)
    return tuple(hidden_rep)

if __name__ == "__main__":
    import jax
    _d = setup_inputs()
    print(jax.jit(kernel)(*tuple(_d.values())))

</pallas_src>

<mosaic_0001>
#map = affine_map<(d0, d1) -> (0, 0)>
#map1 = affine_map<(d0, d1) -> (0, 0, 0)>
module attributes {stable_mosaic.version = 14 : i64} {
  func.func @_sc_agg_body(%arg0: i32, %arg1: i32, %arg2: memref<10000x128xf32, #tpu.memory_space<hbm>>, %arg3: memref<2560x128xi32, #tpu.memory_space<hbm>>, %arg4: memref<2560x128xi32, #tpu.memory_space<hbm>>, %arg5: memref<640x128xf32, #tpu.memory_space<hbm>>, %arg6: memref<2x32xi32, #tpu.memory_space<hbm>>, %arg7: memref<2x10240x128xf32, #tpu.memory_space<hbm>>, %arg8: memref<16x128xi32, #tpu.memory_space<vmem>>, %arg9: memref<16x128xi32, #tpu.memory_space<vmem>>, %arg10: memref<128x128xf32, #tpu.memory_space<vmem>>, %arg11: memref<128x128xf32, #tpu.memory_space<vmem>>, %arg12: memref<32xi32, #tpu.memory_space<vmem>>, %arg13: memref<32x128xf32, #tpu.memory_space<vmem>>, %arg14: memref<10240x128xf32, #tpu.memory_space<vmem_shared>>, %arg15: memref<!tpu.dma_semaphore, #tpu.memory_space<semaphore_mem>>) attributes {dimension_semantics = [#tpu.dimension_semantics<core_parallel>, #tpu.dimension_semantics<subcore_parallel>], iteration_bounds = array<i64: 2, 16>, scalar_prefetch = 0 : i64, scratch_operands = 8 : i64, tpu.core_type = #tpu.core_type<sc_vector_subcore>, window_params = [{transform_indices = #map}, {transform_indices = #map}, {transform_indices = #map}, {transform_indices = #map}, {transform_indices = #map}, {transform_indices = #map1}]} {
    %mul3A = arith.constant 16 : i32
    %mul3A_0 = arith.muli %arg0, %mul3A : i32
    %add3A = arith.addi %mul3A_0, %arg1 : i32
    %mul3A_1 = arith.constant 640 : i32
    %mul3A_2 = arith.muli %arg1, %mul3A_1 : i32
    "tpu.region"() ({
      %run_scoped3A = tpu.sem_alloc : memref<!tpu.dma_semaphore, #tpu.memory_space<semaphore_mem>>
      %dma_start3A = arith.constant 0 : i32
      %dma_start3A_16 = tpu.memref_slice %arg14[%mul3A_2, %dma_start3A] : memref<10240x128xf32, #tpu.memory_space<vmem_shared>> -> memref<640x128xf32, #tpu.memory_space<vmem_shared>>
      tpu.enqueue_dma source(%arg5 : memref<640x128xf32, #tpu.memory_space<hbm>>) target(%dma_start3A_16 : memref<640x128xf32, #tpu.memory_space<vmem_shared>>) target_semaphore(%run_scoped3A : memref<!tpu.dma_semaphore, #tpu.memory_space<semaphore_mem>>)
      %dma_wait3A = arith.constant 0 : i32
      %dma_wait3A_17 = tpu.memref_slice %arg14[%mul3A_2, %dma_wait3A] : memref<10240x128xf32, #tpu.memory_space<vmem_shared>> -> memref<640x128xf32, #tpu.memory_space<vmem_shared>>
      tpu.wait_dma2 semaphore(%run_scoped3A : memref<!tpu.dma_semaphore, #tpu.memory_space<semaphore_mem>>) src(%arg5 : memref<640x128xf32, #tpu.memory_space<hbm>>) dst(%dma_wait3A_17 : memref<640x128xf32, #tpu.memory_space<vmem_shared>>)
      tpu.yield
    }) : () -> ()
    %barrier3A = arith.constant 0 : index
    tpu.barrier barrier_id(%barrier3A)
    %scan3A = arith.constant 0 : i32
    %scan3A_3 = arith.constant 0 : i32
    %scan3A_4 = arith.constant 5 : i32
    %scan3A_5 = arith.addi %scan3A_3, %scan3A_4 : i32
    %scan3A_6 = arith.constant 1 : i32
    scf.for %scan3A_16 = %scan3A_3 to %scan3A_5 step %scan3A_6  : i32 {
      %mul3A_17 = arith.constant 80 : i32
      %mul3A_18 = arith.muli %add3A, %mul3A_17 : i32
      %mul3A_19 = arith.constant 16 : i32
      %mul3A_20 = arith.muli %scan3A_16, %mul3A_19 : i32
      %add3A_21 = arith.addi %mul3A_18, %mul3A_20 : i32
      "tpu.region"() ({
        %run_scoped3A = tpu.sem_alloc : memref<!tpu.dma_semaphore, #tpu.memory_space<semaphore_mem>>
        %dma_start3A_33 = arith.constant 0 : i32
        %dma_start3A_34 = tpu.memref_slice %arg3[%add3A_21, %dma_start3A_33] : memref<2560x128xi32, #tpu.memory_space<hbm>> -> memref<16x128xi32, #tpu.memory_space<hbm>>
        %dma_start3A_35 = arith.constant 0 : i32
        %dma_start3A_36 = tpu.memref_slice %arg3[%add3A_21, %dma_start3A_35] : memref<2560x128xi32, #tpu.memory_space<hbm>> -> memref<16x128xi32, #tpu.memory_space<hbm>>
        tpu.enqueue_dma source(%dma_start3A_36 : memref<16x128xi32, #tpu.memory_space<hbm>>) target(%arg8 : memref<16x128xi32, #tpu.memory_space<vmem>>) target_semaphore(%run_scoped3A : memref<!tpu.dma_semaphore, #tpu.memory_space<semaphore_mem>>)
        %dma_wait3A = arith.constant 0 : i32
        %dma_wait3A_37 = tpu.memref_slice %arg3[%add3A_21, %dma_wait3A] : memref<2560x128xi32, #tpu.memory_space<hbm>> -> memref<16x128xi32, #tpu.memory_space<hbm>>
        %dma_wait3A_38 = arith.constant 0 : i32
        %dma_wait3A_39 = tpu.memref_slice %arg3[%add3A_21, %dma_wait3A_38] : memref<2560x128xi32, #tpu.memory_space<hbm>> -> memref<16x128xi32, #tpu.memory_space<hbm>>
        tpu.wait_dma2 semaphore(%run_scoped3A : memref<!tpu.dma_semaphore, #tpu.memory_space<semaphore_mem>>) src(%dma_wait3A_39 : memref<16x128xi32, #tpu.memory_space<hbm>>) dst(%arg8 : memref<16x128xi32, #tpu.memory_space<vmem>>)
        tpu.yield
      }) : () -> ()
      "tpu.region"() ({
        %run_scoped3A = tpu.sem_alloc : memref<!tpu.dma_semaphore, #tpu.memory_space<semaphore_mem>>
        %dma_start3A_33 = arith.constant 0 : i32
        %dma_start3A_34 = tpu.memref_slice %arg4[%add3A_21, %dma_start3A_33] : memref<2560x128xi32, #tpu.memory_space<hbm>> -> memref<16x128xi32, #tpu.memory_space<hbm>>
        %dma_start3A_35 = arith.constant 0 : i32
        %dma_start3A_36 = tpu.memref_slice %arg4[%add3A_21, %dma_start3A_35] : memref<2560x128xi32, #tpu.memory_space<hbm>> -> memref<16x128xi32, #tpu.memory_space<hbm>>
        tpu.enqueue_dma source(%dma_start3A_36 : memref<16x128xi32, #tpu.memory_space<hbm>>) target(%arg9 : memref<16x128xi32, #tpu.memory_space<vmem>>) target_semaphore(%run_scoped3A : memref<!tpu.dma_semaphore, #tpu.memory_space<semaphore_mem>>)
        %dma_wait3A = arith.constant 0 : i32
        %dma_wait3A_37 = tpu.memref_slice %arg4[%add3A_21, %dma_wait3A] : memref<2560x128xi32, #tpu.memory_space<hbm>> -> memref<16x128xi32, #tpu.memory_space<hbm>>
        %dma_wait3A_38 = arith.constant 0 : i32
        %dma_wait3A_39 = tpu.memref_slice %arg4[%add3A_21, %dma_wait3A_38] : memref<2560x128xi32, #tpu.memory_space<hbm>> -> memref<16x128xi32, #tpu.memory_space<hbm>>
        tpu.wait_dma2 semaphore(%run_scoped3A : memref<!tpu.dma_semaphore, #tpu.memory_space<semaphore_mem>>) src(%dma_wait3A_39 : memref<16x128xi32, #tpu.memory_space<hbm>>) dst(%arg9 : memref<16x128xi32, #tpu.memory_space<vmem>>)
        tpu.yield
      }) : () -> ()
      %dma_start3A = arith.constant 0 : i32
      %dma_start3A_22 = arith.constant 0 : i32
      %dma_start3A_23 = tpu.memref_slice %arg8[%dma_start3A, %dma_start3A_22] : memref<16x128xi32, #tpu.memory_space<vmem>> -> memref<1x128xi32, #tpu.memory_space<vmem>>
      %dma_start3A_24 = tpu.memref_squeeze %dma_start3A_23 : memref<1x128xi32, #tpu.memory_space<vmem>> -> memref<128xi32, #tpu.memory_space<vmem>>
      %dma_start3A_25 = arith.constant 0 : i32
      %dma_start3A_26 = arith.constant 0 : i32
      %dma_start3A_27 = tpu.memref_slice %arg2[%dma_start3A_25, %dma_start3A_26] : memref<10000x128xf32, #tpu.memory_space<hbm>> -> memref<10000x128xf32, #tpu.memory_space<hbm>>
      tpu.enqueue_indirect_dma source(%dma_start3A_27 : memref<10000x128xf32, #tpu.memory_space<hbm>>) target(%arg10 : memref<128x128xf32, #tpu.memory_space<vmem>>) offsets(%dma_start3A_24 : memref<128xi32, #tpu.memory_space<vmem>>) semaphore(%arg15 : memref<!tpu.dma_semaphore, #tpu.memory_space<semaphore_mem>>)
      %scan3A_28 = arith.constant 0 : i32
      %scan3A_29 = arith.constant 8 : i32
      %scan3A_30 = arith.addi %scan3A_28, %scan3A_29 : i32
      %scan3A_31 = arith.constant 1 : i32
      scf.for %scan3A_33 = %scan3A_28 to %scan3A_30 step %scan3A_31  : i32 {
        %mul3A_34 = arith.constant 2 : i32
        %mul3A_35 = arith.muli %mul3A_34, %scan3A_33 : i32
        %add3A_36 = arith.constant 1 : i32
        %add3A_37 = arith.addi %mul3A_35, %add3A_36 : i32
        %dma_start3A_38 = arith.constant 0 : i32
        %dma_start3A_39 = tpu.memref_slice %arg8[%add3A_37, %dma_start3A_38] : memref<16x128xi32, #tpu.memory_space<vmem>> -> memref<1x128xi32, #tpu.memory_space<vmem>>
        %dma_start3A_40 = tpu.memref_squeeze %dma_start3A_39 : memref<1x128xi32, #tpu.memory_space<vmem>> -> memref<128xi32, #tpu.memory_space<vmem>>
        %dma_start3A_41 = arith.constant 0 : i32
        %dma_start3A_42 = arith.constant 0 : i32
        %dma_start3A_43 = tpu.memref_slice %arg2[%dma_start3A_41, %dma_start3A_42] : memref<10000x128xf32, #tpu.memory_space<hbm>> -> memref<10000x128xf32, #tpu.memory_space<hbm>>
        tpu.enqueue_indirect_dma source(%dma_start3A_43 : memref<10000x128xf32, #tpu.memory_space<hbm>>) target(%arg11 : memref<128x128xf32, #tpu.memory_space<vmem>>) offsets(%dma_start3A_40 : memref<128xi32, #tpu.memory_space<vmem>>) semaphore(%arg15 : memref<!tpu.dma_semaphore, #tpu.memory_space<semaphore_mem>>)
        %dma_wait3A = arith.constant 0 : i32
        %dma_wait3A_44 = tpu.memref_slice %arg8[%mul3A_35, %dma_wait3A] : memref<16x128xi32, #tpu.memory_space<vmem>> -> memref<1x128xi32, #tpu.memory_space<vmem>>
        %dma_wait3A_45 = tpu.memref_squeeze %dma_wait3A_44 : memref<1x128xi32, #tpu.memory_space<vmem>> -> memref<128xi32, #tpu.memory_space<vmem>>
        %dma_wait3A_46 = arith.constant 0 : i32
        %dma_wait3A_47 = arith.constant 0 : i32
        %dma_wait3A_48 = tpu.memref_slice %arg2[%dma_wait3A_46, %dma_wait3A_47] : memref<10000x128xf32, #tpu.memory_space<hbm>> -> memref<10000x128xf32, #tpu.memory_space<hbm>>
        tpu.wait_indirect_dma semaphore(%arg15 : memref<!tpu.dma_semaphore, #tpu.memory_space<semaphore_mem>>) src(%dma_wait3A_48 : memref<10000x128xf32, #tpu.memory_space<hbm>>) dst(%arg10 : memref<128x128xf32, #tpu.memory_space<vmem>>)
        "tpu.region"() ({
          %run_scoped3A = tpu.sem_alloc : memref<!tpu.dma_semaphore, #tpu.memory_space<semaphore_mem>>
          %dma_start3A_65 = arith.constant 0 : i32
          %dma_start3A_66 = tpu.memref_slice %arg9[%mul3A_35, %dma_start3A_65] : memref<16x128xi32, #tpu.memory_space<vmem>> -> memref<1x128xi32, #tpu.memory_space<vmem>>
          %dma_start3A_67 = tpu.memref_squeeze %dma_start3A_66 : memref<1x128xi32, #tpu.memory_space<vmem>> -> memref<128xi32, #tpu.memory_space<vmem>>
          %dma_start3A_68 = arith.constant 0 : i32
          %dma_start3A_69 = arith.constant 0 : i32
          %dma_start3A_70 = tpu.memref_slice %arg14[%dma_start3A_68, %dma_start3A_69] : memref<10240x128xf32, #tpu.memory_space<vmem_shared>> -> memref<10240x128xf32, #tpu.memory_space<vmem_shared>>
          tpu.enqueue_indirect_dma source(%arg10 : memref<128x128xf32, #tpu.memory_space<vmem>>) target(%dma_start3A_70 : memref<10240x128xf32, #tpu.memory_space<vmem_shared>>) offsets(%dma_start3A_67 : memref<128xi32, #tpu.memory_space<vmem>>) semaphore(%run_scoped3A : memref<!tpu.dma_semaphore, #tpu.memory_space<semaphore_mem>>) {add = true}
          %dma_wait3A_71 = arith.constant 0 : i32
          %dma_wait3A_72 = tpu.memref_slice %arg9[%mul3A_35, %dma_wait3A_71] : memref<16x128xi32, #tpu.memory_space<vmem>> -> memref<1x128xi32, #tpu.memory_space<vmem>>
          %dma_wait3A_73 = tpu.memref_squeeze %dma_wait3A_72 : memref<1x128xi32, #tpu.memory_space<vmem>> -> memref<128xi32, #tpu.memory_space<vmem>>
          %dma_wait3A_74 = arith.constant 0 : i32
          %dma_wait3A_75 = arith.constant 0 : i32
          %dma_wait3A_76 = tpu.memref_slice %arg14[%dma_wait3A_74, %dma_wait3A_75] : memref<10240x128xf32, #tpu.memory_space<vmem_shared>> -> memref<10240x128xf32, #tpu.memory_space<vmem_shared>>
          tpu.wait_indirect_dma semaphore(%run_scoped3A : memref<!tpu.dma_semaphore, #tpu.memory_space<semaphore_mem>>) src(%arg10 : memref<128x128xf32, #tpu.memory_space<vmem>>) dst(%dma_wait3A_76 : memref<10240x128xf32, #tpu.memory_space<vmem_shared>>)
          tpu.yield
        }) : () -> ()
        %add3A_49 = arith.constant 2 : i32
        %add3A_50 = arith.addi %mul3A_35, %add3A_49 : i32
        %lt3A = arith.constant 16 : i32
        %lt3A_51 = arith.cmpi slt, %add3A_50, %lt3A : i32
        %convert_element_type3A_52 = arith.extui %lt3A_51 : i1 to i32
        %cond3A_53 = arith.constant 0 : i32
        %cond3A_54 = arith.cmpi ne, %convert_element_type3A_52, %cond3A_53 : i32
        scf.if %cond3A_54 {
          %add3A_65 = arith.constant 2 : i32
          %add3A_66 = arith.addi %mul3A_35, %add3A_65 : i32
          %dma_start3A_67 = arith.constant 0 : i32
          %dma_start3A_68 = tpu.memref_slice %arg8[%add3A_66, %dma_start3A_67] : memref<16x128xi32, #tpu.memory_space<vmem>> -> memref<1x128xi32, #tpu.memory_space<vmem>>
          %dma_start3A_69 = tpu.memref_squeeze %dma_start3A_68 : memref<1x128xi32, #tpu.memory_space<vmem>> -> memref<128xi32, #tpu.memory_space<vmem>>
          %dma_start3A_70 = arith.constant 0 : i32
          %dma_start3A_71 = arith.constant 0 : i32
          %dma_start3A_72 = tpu.memref_slice %arg2[%dma_start3A_70, %dma_start3A_71] : memref<10000x128xf32, #tpu.memory_space<hbm>> -> memref<10000x128xf32, #tpu.memory_space<hbm>>
          tpu.enqueue_indirect_dma source(%dma_start3A_72 : memref<10000x128xf32, #tpu.memory_space<hbm>>) target(%arg10 : memref<128x128xf32, #tpu.memory_space<vmem>>) offsets(%dma_start3A_69 : memref<128xi32, #tpu.memory_space<vmem>>) semaphore(%arg15 : memref<!tpu.dma_semaphore, #tpu.memory_space<semaphore_mem>>)
        } else {
        }
        %add3A_55 = arith.constant 1 : i32
        %add3A_56 = arith.addi %mul3A_35, %add3A_55 : i32
        %dma_wait3A_57 = arith.constant 0 : i32
        %dma_wait3A_58 = tpu.memref_slice %arg8[%add3A_56, %dma_wait3A_57] : memref<16x128xi32, #tpu.memory_space<vmem>> -> memref<1x128xi32, #tpu.memory_space<vmem>>
        %dma_wait3A_59 = tpu.memref_squeeze %dma_wait3A_58 : memref<1x128xi32, #tpu.memory_space<vmem>> -> memref<128xi32, #tpu.memory_space<vmem>>
        %dma_wait3A_60 = arith.constant 0 : i32
        %dma_wait3A_61 = arith.constant 0 : i32
        %dma_wait3A_62 = tpu.memref_slice %arg2[%dma_wait3A_60, %dma_wait3A_61] : memref<10000x128xf32, #tpu.memory_space<hbm>> -> memref<10000x128xf32, #tpu.memory_space<hbm>>
        tpu.wait_indirect_dma semaphore(%arg15 : memref<!tpu.dma_semaphore, #tpu.memory_space<semaphore_mem>>) src(%dma_wait3A_62 : memref<10000x128xf32, #tpu.memory_space<hbm>>) dst(%arg11 : memref<128x128xf32, #tpu.memory_space<vmem>>)
        %add3A_63 = arith.constant 1 : i32
        %add3A_64 = arith.addi %mul3A_35, %add3A_63 : i32
        "tpu.region"() ({
          %run_scoped3A = tpu.sem_alloc : memref<!tpu.dma_semaphore, #tpu.memory_space<semaphore_mem>>
          %dma_start3A_65 = arith.constant 0 : i32
          %dma_start3A_66 = tpu.memref_slice %arg9[%add3A_64, %dma_start3A_65] : memref<16x128xi32, #tpu.memory_space<vmem>> -> memref<1x128xi32, #tpu.memory_space<vmem>>
          %dma_start3A_67 = tpu.memref_squeeze %dma_start3A_66 : memref<1x128xi32, #tpu.memory_space<vmem>> -> memref<128xi32, #tpu.memory_space<vmem>>
          %dma_start3A_68 = arith.constant 0 : i32
          %dma_start3A_69 = arith.constant 0 : i32
          %dma_start3A_70 = tpu.memref_slice %arg14[%dma_start3A_68, %dma_start3A_69] : memref<10240x128xf32, #tpu.memory_space<vmem_shared>> -> memref<10240x128xf32, #tpu.memory_space<vmem_shared>>
          tpu.enqueue_indirect_dma source(%arg11 : memref<128x128xf32, #tpu.memory_space<vmem>>) target(%dma_start3A_70 : memref<10240x128xf32, #tpu.memory_space<vmem_shared>>) offsets(%dma_start3A_67 : memref<128xi32, #tpu.memory_space<vmem>>) semaphore(%run_scoped3A : memref<!tpu.dma_semaphore, #tpu.memory_space<semaphore_mem>>) {add = true}
          %dma_wait3A_71 = arith.constant 0 : i32
          %dma_wait3A_72 = tpu.memref_slice %arg9[%add3A_64, %dma_wait3A_71] : memref<16x128xi32, #tpu.memory_space<vmem>> -> memref<1x128xi32, #tpu.memory_space<vmem>>
          %dma_wait3A_73 = tpu.memref_squeeze %dma_wait3A_72 : memref<1x128xi32, #tpu.memory_space<vmem>> -> memref<128xi32, #tpu.memory_space<vmem>>
          %dma_wait3A_74 = arith.constant 0 : i32
          %dma_wait3A_75 = arith.constant 0 : i32
          %dma_wait3A_76 = tpu.memref_slice %arg14[%dma_wait3A_74, %dma_wait3A_75] : memref<10240x128xf32, #tpu.memory_space<vmem_shared>> -> memref<10240x128xf32, #tpu.memory_space<vmem_shared>>
          tpu.wait_indirect_dma semaphore(%run_scoped3A : memref<!tpu.dma_semaphore, #tpu.memory_space<semaphore_mem>>) src(%arg11 : memref<128x128xf32, #tpu.memory_space<vmem>>) dst(%dma_wait3A_76 : memref<10240x128xf32, #tpu.memory_space<vmem_shared>>)
          tpu.yield
        }) : () -> ()
      }
      %scan3A_32 = arith.constant 8 : i32
    }
    %scan3A_7 = arith.constant 5 : i32
    %barrier3A_8 = arith.constant 0 : index
    tpu.barrier barrier_id(%barrier3A_8)
    %eq3A = arith.constant 0 : i32
    %eq3A_9 = arith.cmpi eq, %arg1, %eq3A : i32
    %convert_element_type3A = arith.extui %eq3A_9 : i1 to i32
    %cond3A = arith.constant 0 : i32
    %cond3A_10 = arith.cmpi ne, %convert_element_type3A, %cond3A : i32
    scf.if %cond3A_10 {
      "tpu.region"() ({
        %run_scoped3A = tpu.sem_alloc : memref<!tpu.dma_semaphore, #tpu.memory_space<semaphore_mem>>
        %dma_start3A = arith.constant 0 : i32
        %dma_start3A_16 = tpu.memref_slice %arg6[%arg0, %dma_start3A] : memref<2x32xi32, #tpu.memory_space<hbm>> -> memref<1x32xi32, #tpu.memory_space<hbm>>
        %dma_start3A_17 = tpu.memref_squeeze %dma_start3A_16 : memref<1x32xi32, #tpu.memory_space<hbm>> -> memref<32xi32, #tpu.memory_space<hbm>>
        %dma_start3A_18 = arith.constant 0 : i32
        %dma_start3A_19 = tpu.memref_slice %arg6[%arg0, %dma_start3A_18] : memref<2x32xi32, #tpu.memory_space<hbm>> -> memref<1x32xi32, #tpu.memory_space<hbm>>
        %dma_start3A_20 = tpu.memref_squeeze %dma_start3A_19 : memref<1x32xi32, #tpu.memory_space<hbm>> -> memref<32xi32, #tpu.memory_space<hbm>>
        tpu.enqueue_dma source(%dma_start3A_20 : memref<32xi32, #tpu.memory_space<hbm>>) target(%arg12 : memref<32xi32, #tpu.memory_space<vmem>>) target_semaphore(%run_scoped3A : memref<!tpu.dma_semaphore, #tpu.memory_space<semaphore_mem>>)
        %dma_wait3A = arith.constant 0 : i32
        %dma_wait3A_21 = tpu.memref_slice %arg6[%arg0, %dma_wait3A] : memref<2x32xi32, #tpu.memory_space<hbm>> -> memref<1x32xi32, #tpu.memory_space<hbm>>
        %dma_wait3A_22 = tpu.memref_squeeze %dma_wait3A_21 : memref<1x32xi32, #tpu.memory_space<hbm>> -> memref<32xi32, #tpu.memory_space<hbm>>
        %dma_wait3A_23 = arith.constant 0 : i32
        %dma_wait3A_24 = tpu.memref_slice %arg6[%arg0, %dma_wait3A_23] : memref<2x32xi32, #tpu.memory_space<hbm>> -> memref<1x32xi32, #tpu.memory_space<hbm>>
        %dma_wait3A_25 = tpu.memref_squeeze %dma_wait3A_24 : memref<1x32xi32, #tpu.memory_space<hbm>> -> memref<32xi32, #tpu.memory_space<hbm>>
        tpu.wait_dma2 semaphore(%run_scoped3A : memref<!tpu.dma_semaphore, #tpu.memory_space<semaphore_mem>>) src(%dma_wait3A_25 : memref<32xi32, #tpu.memory_space<hbm>>) dst(%arg12 : memref<32xi32, #tpu.memory_space<vmem>>)
        tpu.yield
      }) : () -> ()
      "tpu.region"() ({
        %run_scoped3A = tpu.sem_alloc : memref<!tpu.dma_semaphore, #tpu.memory_space<semaphore_mem>>
        %dma_start3A = arith.constant 10000 : i32
        %dma_start3A_16 = arith.constant 0 : i32
        %dma_start3A_17 = tpu.memref_slice %arg14[%dma_start3A, %dma_start3A_16] : memref<10240x128xf32, #tpu.memory_space<vmem_shared>> -> memref<32x128xf32, #tpu.memory_space<vmem_shared>>
        %dma_start3A_18 = arith.constant 10000 : i32
        %dma_start3A_19 = arith.constant 0 : i32
        %dma_start3A_20 = tpu.memref_slice %arg14[%dma_start3A_18, %dma_start3A_19] : memref<10240x128xf32, #tpu.memory_space<vmem_shared>> -> memref<32x128xf32, #tpu.memory_space<vmem_shared>>
        tpu.enqueue_dma source(%dma_start3A_20 : memref<32x128xf32, #tpu.memory_space<vmem_shared>>) target(%arg13 : memref<32x128xf32, #tpu.memory_space<vmem>>) target_semaphore(%run_scoped3A : memref<!tpu.dma_semaphore, #tpu.memory_space<semaphore_mem>>)
        %dma_wait3A = arith.constant 10000 : i32
        %dma_wait3A_21 = arith.constant 0 : i32
        %dma_wait3A_22 = tpu.memref_slice %arg14[%dma_wait3A, %dma_wait3A_21] : memref<10240x128xf32, #tpu.memory_space<vmem_shared>> -> memref<32x128xf32, #tpu.memory_space<vmem_shared>>
        %dma_wait3A_23 = arith.constant 10000 : i32
        %dma_wait3A_24 = arith.constant 0 : i32
        %dma_wait3A_25 = tpu.memref_slice %arg14[%dma_wait3A_23, %dma_wait3A_24] : memref<10240x128xf32, #tpu.memory_space<vmem_shared>> -> memref<32x128xf32, #tpu.memory_space<vmem_shared>>
        tpu.wait_dma2 semaphore(%run_scoped3A : memref<!tpu.dma_semaphore, #tpu.memory_space<semaphore_mem>>) src(%dma_wait3A_25 : memref<32x128xf32, #tpu.memory_space<vmem_shared>>) dst(%arg13 : memref<32x128xf32, #tpu.memory_space<vmem>>)
        tpu.yield
      }) : () -> ()
      "tpu.region"() ({
        %run_scoped3A = tpu.sem_alloc : memref<!tpu.dma_semaphore, #tpu.memory_space<semaphore_mem>>
        %dma_start3A = arith.constant 0 : i32
        %dma_start3A_16 = arith.constant 0 : i32
        %dma_start3A_17 = tpu.memref_slice %arg14[%dma_start3A, %dma_start3A_16] : memref<10240x128xf32, #tpu.memory_space<vmem_shared>> -> memref<10240x128xf32, #tpu.memory_space<vmem_shared>>
        tpu.enqueue_indirect_dma source(%arg13 : memref<32x128xf32, #tpu.memory_space<vmem>>) target(%dma_start3A_17 : memref<10240x128xf32, #tpu.memory_space<vmem_shared>>) offsets(%arg12 : memref<32xi32, #tpu.memory_space<vmem>>) semaphore(%run_scoped3A : memref<!tpu.dma_semaphore, #tpu.memory_space<semaphore_mem>>) {add = true}
        %dma_wait3A = arith.constant 0 : i32
        %dma_wait3A_18 = arith.constant 0 : i32
        %dma_wait3A_19 = tpu.memref_slice %arg14[%dma_wait3A, %dma_wait3A_18] : memref<10240x128xf32, #tpu.memory_space<vmem_shared>> -> memref<10240x128xf32, #tpu.memory_space<vmem_shared>>
        tpu.wait_indirect_dma semaphore(%run_scoped3A : memref<!tpu.dma_semaphore, #tpu.memory_space<semaphore_mem>>) src(%arg13 : memref<32x128xf32, #tpu.memory_space<vmem>>) dst(%dma_wait3A_19 : memref<10240x128xf32, #tpu.memory_space<vmem_shared>>)
        tpu.yield
      }) : () -> ()
    } else {
    }
    %barrier3A_11 = arith.constant 0 : index
    tpu.barrier barrier_id(%barrier3A_11)
    %mul3A_12 = arith.constant 640 : i32
    %mul3A_13 = arith.muli %arg1, %mul3A_12 : i32
    %mul3A_14 = arith.constant 640 : i32
    %mul3A_15 = arith.muli %arg1, %mul3A_14 : i32
    "tpu.region"() ({
      %run_scoped3A = tpu.sem_alloc : memref<!tpu.dma_semaphore, #tpu.memory_space<semaphore_mem>>
      %dma_start3A = arith.constant 0 : i32
      %dma_start3A_16 = tpu.memref_slice %arg7[%arg0, %mul3A_15, %dma_start3A] : memref<2x10240x128xf32, #tpu.memory_space<hbm>> -> memref<1x640x128xf32, #tpu.memory_space<hbm>>
      %dma_start3A_17 = tpu.memref_squeeze %dma_start3A_16 : memref<1x640x128xf32, #tpu.memory_space<hbm>> -> memref<640x128xf32, #tpu.memory_space<hbm>>
      %dma_start3A_18 = arith.constant 0 : i32
      %dma_start3A_19 = tpu.memref_slice %arg14[%mul3A_13, %dma_start3A_18] : memref<10240x128xf32, #tpu.memory_space<vmem_shared>> -> memref<640x128xf32, #tpu.memory_space<vmem_shared>>
      tpu.enqueue_dma source(%dma_start3A_19 : memref<640x128xf32, #tpu.memory_space<vmem_shared>>) target(%dma_start3A_17 : memref<640x128xf32, #tpu.memory_space<hbm>>) target_semaphore(%run_scoped3A : memref<!tpu.dma_semaphore, #tpu.memory_space<semaphore_mem>>)
      %dma_wait3A = arith.constant 0 : i32
      %dma_wait3A_20 = tpu.memref_slice %arg7[%arg0, %mul3A_15, %dma_wait3A] : memref<2x10240x128xf32, #tpu.memory_space<hbm>> -> memref<1x640x128xf32, #tpu.memory_space<hbm>>
      %dma_wait3A_21 = tpu.memref_squeeze %dma_wait3A_20 : memref<1x640x128xf32, #tpu.memory_space<hbm>> -> memref<640x128xf32, #tpu.memory_space<hbm>>
      %dma_wait3A_22 = arith.constant 0 : i32
      %dma_wait3A_23 = tpu.memref_slice %arg14[%mul3A_13, %dma_wait3A_22] : memref<10240x128xf32, #tpu.memory_space<vmem_shared>> -> memref<640x128xf32, #tpu.memory_space<vmem_shared>>
      tpu.wait_dma2 semaphore(%run_scoped3A : memref<!tpu.dma_semaphore, #tpu.memory_space<semaphore_mem>>) src(%dma_wait3A_23 : memref<640x128xf32, #tpu.memory_space<vmem_shared>>) dst(%dma_wait3A_21 : memref<640x128xf32, #tpu.memory_space<hbm>>)
      tpu.yield
    }) : () -> ()
    return
  }
}

#map = affine_map<(d0, d1) -> (0, 0)>
#map1 = affine_map<(d0, d1) -> (0, 0, 0)>
module attributes {stable_mosaic.version = 14 : i64} {
  func.func @_sc_agg_body(%arg0: i32, %arg1: i32, %arg2: memref<10000x128xf32, #tpu.memory_space<hbm>>, %arg3: memref<2560x128xi32, #tpu.memory_space<hbm>>, %arg4: memref<2560x128xi32, #tpu.memory_space<hbm>>, %arg5: memref<640x128xf32, #tpu.memory_space<hbm>>, %arg6: memref<2x32xi32, #tpu.memory_space<hbm>>, %arg7: memref<2x10240x128xf32, #tpu.memory_space<hbm>>, %arg8: memref<16x128xi32, #tpu.memory_space<vmem>>, %arg9: memref<16x128xi32, #tpu.memory_space<vmem>>, %arg10: memref<128x128xf32, #tpu.memory_space<vmem>>, %arg11: memref<128x128xf32, #tpu.memory_space<vmem>>, %arg12: memref<32xi32, #tpu.memory_space<vmem>>, %arg13: memref<32x128xf32, #tpu.memory_space<vmem>>, %arg14: memref<10240x128xf32, #tpu.memory_space<vmem_shared>>, %arg15: memref<!tpu.dma_semaphore, #tpu.memory_space<semaphore_mem>>) attributes {dimension_semantics = [#tpu.dimension_semantics<core_parallel>, #tpu.dimension_semantics<subcore_parallel>], iteration_bounds = array<i64: 2, 16>, scalar_prefetch = 0 : i64, scratch_operands = 8 : i64, tpu.core_type = #tpu.core_type<sc_vector_subcore>, window_params = [{transform_indices = #map}, {transform_indices = #map}, {transform_indices = #map}, {transform_indices = #map}, {transform_indices = #map}, {transform_indices = #map1}]} {
    %mul3A = arith.constant 16 : i32
    %mul3A_0 = arith.muli %arg0, %mul3A : i32
    %add3A = arith.addi %mul3A_0, %arg1 : i32
    %mul3A_1 = arith.constant 640 : i32
    %mul3A_2 = arith.muli %arg1, %mul3A_1 : i32
    "tpu.region"() ({
      %run_scoped3A = tpu.sem_alloc : memref<!tpu.dma_semaphore, #tpu.memory_space<semaphore_mem>>
      %dma_start3A = arith.constant 0 : i32
      %dma_start3A_16 = tpu.memref_slice %arg14[%mul3A_2, %dma_start3A] : memref<10240x128xf32, #tpu.memory_space<vmem_shared>> -> memref<640x128xf32, #tpu.memory_space<vmem_shared>>
      tpu.enqueue_dma source(%arg5 : memref<640x128xf32, #tpu.memory_space<hbm>>) target(%dma_start3A_16 : memref<640x128xf32, #tpu.memory_space<vmem_shared>>) target_semaphore(%run_scoped3A : memref<!tpu.dma_semaphore, #tpu.memory_space<semaphore_mem>>)
      %dma_wait3A = arith.constant 0 : i32
      %dma_wait3A_17 = tpu.memref_slice %arg14[%mul3A_2, %dma_wait3A] : memref<10240x128xf32, #tpu.memory_space<vmem_shared>> -> memref<640x128xf32, #tpu.memory_space<vmem_shared>>
      tpu.wait_dma2 semaphore(%run_scoped3A : memref<!tpu.dma_semaphore, #tpu.memory_space<semaphore_mem>>) src(%arg5 : memref<640x128xf32, #tpu.memory_space<hbm>>) dst(%dma_wait3A_17 : memref<640x128xf32, #tpu.memory_space<vmem_shared>>)
      tpu.yield
    }) : () -> ()
    %barrier3A = arith.constant 0 : index
    tpu.barrier barrier_id(%barrier3A)
    %scan3A = arith.constant 0 : i32
    %scan3A_3 = arith.constant 0 : i32
    %scan3A_4 = arith.constant 5 : i32
    %scan3A_5 = arith.addi %scan3A_3, %scan3A_4 : i32
    %scan3A_6 = arith.constant 1 : i32
    scf.for %scan3A_16 = %scan3A_3 to %scan3A_5 step %scan3A_6  : i32 {
      %mul3A_17 = arith.constant 80 : i32
      %mul3A_18 = arith.muli %add3A, %mul3A_17 : i32
      %mul3A_19 = arith.constant 16 : i32
      %mul3A_20 = arith.muli %scan3A_16, %mul3A_19 : i32
      %add3A_21 = arith.addi %mul3A_18, %mul3A_20 : i32
      "tpu.region"() ({
        %run_scoped3A = tpu.sem_alloc : memref<!tpu.dma_semaphore, #tpu.memory_space<semaphore_mem>>
        %dma_start3A_33 = arith.constant 0 : i32
        %dma_start3A_34 = tpu.memref_slice %arg3[%add3A_21, %dma_start3A_33] : memref<2560x128xi32, #tpu.memory_space<hbm>> -> memref<16x128xi32, #tpu.memory_space<hbm>>
        %dma_start3A_35 = arith.constant 0 : i32
        %dma_start3A_36 = tpu.memref_slice %arg3[%add3A_21, %dma_start3A_35] : memref<2560x128xi32, #tpu.memory_space<hbm>> -> memref<16x128xi32, #tpu.memory_space<hbm>>
        tpu.enqueue_dma source(%dma_start3A_36 : memref<16x128xi32, #tpu.memory_space<hbm>>) target(%arg8 : memref<16x128xi32, #tpu.memory_space<vmem>>) target_semaphore(%run_scoped3A : memref<!tpu.dma_semaphore, #tpu.memory_space<semaphore_mem>>)
        %dma_wait3A = arith.constant 0 : i32
        %dma_wait3A_37 = tpu.memref_slice %arg3[%add3A_21, %dma_wait3A] : memref<2560x128xi32, #tpu.memory_space<hbm>> -> memref<16x128xi32, #tpu.memory_space<hbm>>
        %dma_wait3A_38 = arith.constant 0 : i32
        %dma_wait3A_39 = tpu.memref_slice %arg3[%add3A_21, %dma_wait3A_38] : memref<2560x128xi32, #tpu.memory_space<hbm>> -> memref<16x128xi32, #tpu.memory_space<hbm>>
        tpu.wait_dma2 semaphore(%run_scoped3A : memref<!tpu.dma_semaphore, #tpu.memory_space<semaphore_mem>>) src(%dma_wait3A_39 : memref<16x128xi32, #tpu.memory_space<hbm>>) dst(%arg8 : memref<16x128xi32, #tpu.memory_space<vmem>>)
        tpu.yield
      }) : () -> ()
      "tpu.region"() ({
        %run_scoped3A = tpu.sem_alloc : memref<!tpu.dma_semaphore, #tpu.memory_space<semaphore_mem>>
        %dma_start3A_33 = arith.constant 0 : i32
        %dma_start3A_34 = tpu.memref_slice %arg4[%add3A_21, %dma_start3A_33] : memref<2560x128xi32, #tpu.memory_space<hbm>> -> memref<16x128xi32, #tpu.memory_space<hbm>>
        %dma_start3A_35 = arith.constant 0 : i32
        %dma_start3A_36 = tpu.memref_slice %arg4[%add3A_21, %dma_start3A_35] : memref<2560x128xi32, #tpu.memory_space<hbm>> -> memref<16x128xi32, #tpu.memory_space<hbm>>
        tpu.enqueue_dma source(%dma_start3A_36 : memref<16x128xi32, #tpu.memory_space<hbm>>) target(%arg9 : memref<16x128xi32, #tpu.memory_space<vmem>>) target_semaphore(%run_scoped3A : memref<!tpu.dma_semaphore, #tpu.memory_space<semaphore_mem>>)
        %dma_wait3A = arith.constant 0 : i32
        %dma_wait3A_37 = tpu.memref_slice %arg4[%add3A_21, %dma_wait3A] : memref<2560x128xi32, #tpu.memory_space<hbm>> -> memref<16x128xi32, #tpu.memory_space<hbm>>
        %dma_wait3A_38 = arith.constant 0 : i32
        %dma_wait3A_39 = tpu.memref_slice %arg4[%add3A_21, %dma_wait3A_38] : memref<2560x128xi32, #tpu.memory_space<hbm>> -> memref<16x128xi32, #tpu.memory_space<hbm>>
        tpu.wait_dma2 semaphore(%run_scoped3A : memref<!tpu.dma_semaphore, #tpu.memory_space<semaphore_mem>>) src(%dma_wait3A_39 : memref<16x128xi32, #tpu.memory_space<hbm>>) dst(%arg9 : memref<16x128xi32, #tpu.memory_space<vmem>>)
        tpu.yield
      }) : () -> ()
      %dma_start3A = arith.constant 0 : i32
      %dma_start3A_22 = arith.constant 0 : i32
      %dma_start3A_23 = tpu.memref_slice %arg8[%dma_start3A, %dma_start3A_22] : memref<16x128xi32, #tpu.memory_space<vmem>> -> memref<1x128xi32, #tpu.memory_space<vmem>>
      %dma_start3A_24 = tpu.memref_squeeze %dma_start3A_23 : memref<1x128xi32, #tpu.memory_space<vmem>> -> memref<128xi32, #tpu.memory_space<vmem>>
      %dma_start3A_25 = arith.constant 0 : i32
      %dma_start3A_26 = arith.constant 0 : i32
      %dma_start3A_27 = tpu.memref_slice %arg2[%dma_start3A_25, %dma_start3A_26] : memref<10000x128xf32, #tpu.memory_space<hbm>> -> memref<10000x128xf32, #tpu.memory_space<hbm>>
      tpu.enqueue_indirect_dma source(%dma_start3A_27 : memref<10000x128xf32, #tpu.memory_space<hbm>>) target(%arg10 : memref<128x128xf32, #tpu.memory_space<vmem>>) offsets(%dma_start3A_24 : memref<128xi32, #tpu.memory_space<vmem>>) semaphore(%arg15 : memref<!tpu.dma_semaphore, #tpu.memory_space<semaphore_mem>>)
      %scan3A_28 = arith.constant 0 : i32
      %scan3A_29 = arith.constant 8 : i32
      %scan3A_30 = arith.addi %scan3A_28, %scan3A_29 : i32
      %scan3A_31 = arith.constant 1 : i32
      scf.for %scan3A_33 = %scan3A_28 to %scan3A_30 step %scan3A_31  : i32 {
        %mul3A_34 = arith.constant 2 : i32
        %mul3A_35 = arith.muli %mul3A_34, %scan3A_33 : i32
        %add3A_36 = arith.constant 1 : i32
        %add3A_37 = arith.addi %mul3A_35, %add3A_36 : i32
        %dma_start3A_38 = arith.constant 0 : i32
        %dma_start3A_39 = tpu.memref_slice %arg8[%add3A_37, %dma_start3A_38] : memref<16x128xi32, #tpu.memory_space<vmem>> -> memref<1x128xi32, #tpu.memory_space<vmem>>
        %dma_start3A_40 = tpu.memref_squeeze %dma_start3A_39 : memref<1x128xi32, #tpu.memory_space<vmem>> -> memref<128xi32, #tpu.memory_space<vmem>>
        %dma_start3A_41 = arith.constant 0 : i32
        %dma_start3A_42 = arith.constant 0 : i32
        %dma_start3A_43 = tpu.memref_slice %arg2[%dma_start3A_41, %dma_start3A_42] : memref<10000x128xf32, #tpu.memory_space<hbm>> -> memref<10000x128xf32, #tpu.memory_space<hbm>>
        tpu.enqueue_indirect_dma source(%dma_start3A_43 : memref<10000x128xf32, #tpu.memory_space<hbm>>) target(%arg11 : memref<128x128xf32, #tpu.memory_space<vmem>>) offsets(%dma_start3A_40 : memref<128xi32, #tpu.memory_space<vmem>>) semaphore(%arg15 : memref<!tpu.dma_semaphore, #tpu.memory_space<semaphore_mem>>)
        %dma_wait3A = arith.constant 0 : i32
        %dma_wait3A_44 = tpu.memref_slice %arg8[%mul3A_35, %dma_wait3A] : memref<16x128xi32, #tpu.memory_space<vmem>> -> memref<1x128xi32, #tpu.memory_space<vmem>>
        %dma_wait3A_45 = tpu.memref_squeeze %dma_wait3A_44 : memref<1x128xi32, #tpu.memory_space<vmem>> -> memref<128xi32, #tpu.memory_space<vmem>>
        %dma_wait3A_46 = arith.constant 0 : i32
        %dma_wait3A_47 = arith.constant 0 : i32
        %dma_wait3A_48 = tpu.memref_slice %arg2[%dma_wait3A_46, %dma_wait3A_47] : memref<10000x128xf32, #tpu.memory_space<hbm>> -> memref<10000x128xf32, #tpu.memory_space<hbm>>
        tpu.wait_indirect_dma semaphore(%arg15 : memref<!tpu.dma_semaphore, #tpu.memory_space<semaphore_mem>>) src(%dma_wait3A_48 : memref<10000x128xf32, #tpu.memory_space<hbm>>) dst(%arg10 : memref<128x128xf32, #tpu.memory_space<vmem>>)
        "tpu.region"() ({
          %run_scoped3A = tpu.sem_alloc : memref<!tpu.dma_semaphore, #tpu.memory_space<semaphore_mem>>
          %dma_start3A_65 = arith.constant 0 : i32
          %dma_start3A_66 = tpu.memref_slice %arg9[%mul3A_35, %dma_start3A_65] : memref<16x128xi32, #tpu.memory_space<vmem>> -> memref<1x128xi32, #tpu.memory_space<vmem>>
          %dma_start3A_67 = tpu.memref_squeeze %dma_start3A_66 : memref<1x128xi32, #tpu.memory_space<vmem>> -> memref<128xi32, #tpu.memory_space<vmem>>
          %dma_start3A_68 = arith.constant 0 : i32
          %dma_start3A_69 = arith.constant 0 : i32
          %dma_start3A_70 = tpu.memref_slice %arg14[%dma_start3A_68, %dma_start3A_69] : memref<10240x128xf32, #tpu.memory_space<vmem_shared>> -> memref<10240x128xf32, #tpu.memory_space<vmem_shared>>
          tpu.enqueue_indirect_dma source(%arg10 : memref<128x128xf32, #tpu.memory_space<vmem>>) target(%dma_start3A_70 : memref<10240x128xf32, #tpu.memory_space<vmem_shared>>) offsets(%dma_start3A_67 : memref<128xi32, #tpu.memory_space<vmem>>) semaphore(%run_scoped3A : memref<!tpu.dma_semaphore, #tpu.memory_space<semaphore_mem>>) {add = true}
          %dma_wait3A_71 = arith.constant 0 : i32
          %dma_wait3A_72 = tpu.memref_slice %arg9[%mul3A_35, %dma_wait3A_71] : memref<16x128xi32, #tpu.memory_space<vmem>> -> memref<1x128xi32, #tpu.memory_space<vmem>>
          %dma_wait3A_73 = tpu.memref_squeeze %dma_wait3A_72 : memref<1x128xi32, #tpu.memory_space<vmem>> -> memref<128xi32, #tpu.memory_space<vmem>>
          %dma_wait3A_74 = arith.constant 0 : i32
          %dma_wait3A_75 = arith.constant 0 : i32
          %dma_wait3A_76 = tpu.memref_slice %arg14[%dma_wait3A_74, %dma_wait3A_75] : memref<10240x128xf32, #tpu.memory_space<vmem_shared>> -> memref<10240x128xf32, #tpu.memory_space<vmem_shared>>
          tpu.wait_indirect_dma semaphore(%run_scoped3A : memref<!tpu.dma_semaphore, #tpu.memory_space<semaphore_mem>>) src(%arg10 : memref<128x128xf32, #tpu.memory_space<vmem>>) dst(%dma_wait3A_76 : memref<10240x128xf32, #tpu.memory_space<vmem_shared>>)
          tpu.yield
        }) : () -> ()
        %add3A_49 = arith.constant 2 : i32
        %add3A_50 = arith.addi %mul3A_35, %add3A_49 : i32
        %lt3A = arith.constant 16 : i32
        %lt3A_51 = arith.cmpi slt, %add3A_50, %lt3A : i32
        %convert_element_type3A_52 = arith.extui %lt3A_51 : i1 to i32
        %cond3A_53 = arith.constant 0 : i32
        %cond3A_54 = arith.cmpi ne, %convert_element_type3A_52, %cond3A_53 : i32
        scf.if %cond3A_54 {
          %add3A_65 = arith.constant 2 : i32
          %add3A_66 = arith.addi %mul3A_35, %add3A_65 : i32
          %dma_start3A_67 = arith.constant 0 : i32
          %dma_start3A_68 = tpu.memref_slice %arg8[%add3A_66, %dma_start3A_67] : memref<16x128xi32, #tpu.memory_space<vmem>> -> memref<1x128xi32, #tpu.memory_space<vmem>>
          %dma_start3A_69 = tpu.memref_squeeze %dma_start3A_68 : memref<1x128xi32, #tpu.memory_space<vmem>> -> memref<128xi32, #tpu.memory_space<vmem>>
          %dma_start3A_70 = arith.constant 0 : i32
          %dma_start3A_71 = arith.constant 0 : i32
          %dma_start3A_72 = tpu.memref_slice %arg2[%dma_start3A_70, %dma_start3A_71] : memref<10000x128xf32, #tpu.memory_space<hbm>> -> memref<10000x128xf32, #tpu.memory_space<hbm>>
          tpu.enqueue_indirect_dma source(%dma_start3A_72 : memref<10000x128xf32, #tpu.memory_space<hbm>>) target(%arg10 : memref<128x128xf32, #tpu.memory_space<vmem>>) offsets(%dma_start3A_69 : memref<128xi32, #tpu.memory_space<vmem>>) semaphore(%arg15 : memref<!tpu.dma_semaphore, #tpu.memory_space<semaphore_mem>>)
        } else {
        }
        %add3A_55 = arith.constant 1 : i32
        %add3A_56 = arith.addi %mul3A_35, %add3A_55 : i32
        %dma_wait3A_57 = arith.constant 0 : i32
        %dma_wait3A_58 = tpu.memref_slice %arg8[%add3A_56, %dma_wait3A_57] : memref<16x128xi32, #tpu.memory_space<vmem>> -> memref<1x128xi32, #tpu.memory_space<vmem>>
        %dma_wait3A_59 = tpu.memref_squeeze %dma_wait3A_58 : memref<1x128xi32, #tpu.memory_space<vmem>> -> memref<128xi32, #tpu.memory_space<vmem>>
        %dma_wait3A_60 = arith.constant 0 : i32
        %dma_wait3A_61 = arith.constant 0 : i32
        %dma_wait3A_62 = tpu.memref_slice %arg2[%dma_wait3A_60, %dma_wait3A_61] : memref<10000x128xf32, #tpu.memory_space<hbm>> -> memref<10000x128xf32, #tpu.memory_space<hbm>>
        tpu.wait_indirect_dma semaphore(%arg15 : memref<!tpu.dma_semaphore, #tpu.memory_space<semaphore_mem>>) src(%dma_wait3A_62 : memref<10000x128xf32, #tpu.memory_space<hbm>>) dst(%arg11 : memref<128x128xf32, #tpu.memory_space<vmem>>)
        %add3A_63 = arith.constant 1 : i32
        %add3A_64 = arith.addi %mul3A_35, %add3A_63 : i32
        "tpu.region"() ({
          %run_scoped3A = tpu.sem_alloc : memref<!tpu.dma_semaphore, #tpu.memory_space<semaphore_mem>>
          %dma_start3A_65 = arith.constant 0 : i32
          %dma_start3A_66 = tpu.memref_slice %arg9[%add3A_64, %dma_start3A_65] : memref<16x128xi32, #tpu.memory_space<vmem>> -> memref<1x128xi32, #tpu.memory_space<vmem>>
          %dma_start3A_67 = tpu.memref_squeeze %dma_start3A_66 : memref<1x128xi32, #tpu.memory_space<vmem>> -> memref<128xi32, #tpu.memory_space<vmem>>
          %dma_start3A_68 = arith.constant 0 : i32
          %dma_start3A_69 = arith.constant 0 : i32
          %dma_start3A_70 = tpu.memref_slice %arg14[%dma_start3A_68, %dma_start3A_69] : memref<10240x128xf32, #tpu.memory_space<vmem_shared>> -> memref<10240x128xf32, #tpu.memory_space<vmem_shared>>
          tpu.enqueue_indirect_dma source(%arg11 : memref<128x128xf32, #tpu.memory_space<vmem>>) target(%dma_start3A_70 : memref<10240x128xf32, #tpu.memory_space<vmem_shared>>) offsets(%dma_start3A_67 : memref<128xi32, #tpu.memory_space<vmem>>) semaphore(%run_scoped3A : memref<!tpu.dma_semaphore, #tpu.memory_space<semaphore_mem>>) {add = true}
          %dma_wait3A_71 = arith.constant 0 : i32
          %dma_wait3A_72 = tpu.memref_slice %arg9[%add3A_64, %dma_wait3A_71] : memref<16x128xi32, #tpu.memory_space<vmem>> -> memref<1x128xi32, #tpu.memory_space<vmem>>
          %dma_wait3A_73 = tpu.memref_squeeze %dma_wait3A_72 : memref<1x128xi32, #tpu.memory_space<vmem>> -> memref<128xi32, #tpu.memory_space<vmem>>
          %dma_wait3A_74 = arith.constant 0 : i32
          %dma_wait3A_75 = arith.constant 0 : i32
          %dma_wait3A_76 = tpu.memref_slice %arg14[%dma_wait3A_74, %dma_wait3A_75] : memref<10240x128xf32, #tpu.memory_space<vmem_shared>> -> memref<10240x128xf32, #tpu.memory_space<vmem_shared>>
          tpu.wait_indirect_dma semaphore(%run_scoped3A : memref<!tpu.dma_semaphore, #tpu.memory_space<semaphore_mem>>) src(%arg11 : memref<128x128xf32, #tpu.memory_space<vmem>>) dst(%dma_wait3A_76 : memref<10240x128xf32, #tpu.memory_space<vmem_shared>>)
          tpu.yield
        }) : () -> ()
      }
      %scan3A_32 = arith.constant 8 : i32
    }
    %scan3A_7 = arith.constant 5 : i32
    %barrier3A_8 = arith.constant 0 : index
    tpu.barrier barrier_id(%barrier3A_8)
    %eq3A = arith.constant 0 : i32
    %eq3A_9 = arith.cmpi eq, %arg1, %eq3A : i32
    %convert_element_type3A = arith.extui %eq3A_9 : i1 to i32
    %cond3A = arith.constant 0 : i32
    %cond3A_10 = arith.cmpi ne, %convert_element_type3A, %cond3A : i32
    scf.if %cond3A_10 {
      "tpu.region"() ({
        %run_scoped3A = tpu.sem_alloc : memref<!tpu.dma_semaphore, #tpu.memory_space<semaphore_mem>>
        %dma_start3A = arith.constant 0 : i32
        %dma_start3A_16 = tpu.memref_slice %arg6[%arg0, %dma_start3A] : memref<2x32xi32, #tpu.memory_space<hbm>> -> memref<1x32xi32, #tpu.memory_space<hbm>>
        %dma_start3A_17 = tpu.memref_squeeze %dma_start3A_16 : memref<1x32xi32, #tpu.memory_space<hbm>> -> memref<32xi32, #tpu.memory_space<hbm>>
        %dma_start3A_18 = arith.constant 0 : i32
        %dma_start3A_19 = tpu.memref_slice %arg6[%arg0, %dma_start3A_18] : memref<2x32xi32, #tpu.memory_space<hbm>> -> memref<1x32xi32, #tpu.memory_space<hbm>>
        %dma_start3A_20 = tpu.memref_squeeze %dma_start3A_19 : memref<1x32xi32, #tpu.memory_space<hbm>> -> memref<32xi32, #tpu.memory_space<hbm>>
        tpu.enqueue_dma source(%dma_start3A_20 : memref<32xi32, #tpu.memory_space<hbm>>) target(%arg12 : memref<32xi32, #tpu.memory_space<vmem>>) target_semaphore(%run_scoped3A : memref<!tpu.dma_semaphore, #tpu.memory_space<semaphore_mem>>)
        %dma_wait3A = arith.constant 0 : i32
        %dma_wait3A_21 = tpu.memref_slice %arg6[%arg0, %dma_wait3A] : memref<2x32xi32, #tpu.memory_space<hbm>> -> memref<1x32xi32, #tpu.memory_space<hbm>>
        %dma_wait3A_22 = tpu.memref_squeeze %dma_wait3A_21 : memref<1x32xi32, #tpu.memory_space<hbm>> -> memref<32xi32, #tpu.memory_space<hbm>>
        %dma_wait3A_23 = arith.constant 0 : i32
        %dma_wait3A_24 = tpu.memref_slice %arg6[%arg0, %dma_wait3A_23] : memref<2x32xi32, #tpu.memory_space<hbm>> -> memref<1x32xi32, #tpu.memory_space<hbm>>
        %dma_wait3A_25 = tpu.memref_squeeze %dma_wait3A_24 : memref<1x32xi32, #tpu.memory_space<hbm>> -> memref<32xi32, #tpu.memory_space<hbm>>
        tpu.wait_dma2 semaphore(%run_scoped3A : memref<!tpu.dma_semaphore, #tpu.memory_space<semaphore_mem>>) src(%dma_wait3A_25 : memref<32xi32, #tpu.memory_space<hbm>>) dst(%arg12 : memref<32xi32, #tpu.memory_space<vmem>>)
        tpu.yield
      }) : () -> ()
      "tpu.region"() ({
        %run_scoped3A = tpu.sem_alloc : memref<!tpu.dma_semaphore, #tpu.memory_space<semaphore_mem>>
        %dma_start3A = arith.constant 10000 : i32
        %dma_start3A_16 = arith.constant 0 : i32
        %dma_start3A_17 = tpu.memref_slice %arg14[%dma_start3A, %dma_start3A_16] : memref<10240x128xf32, #tpu.memory_space<vmem_shared>> -> memref<32x128xf32, #tpu.memory_space<vmem_shared>>
        %dma_start3A_18 = arith.constant 10000 : i32
        %dma_start3A_19 = arith.constant 0 : i32
        %dma_start3A_20 = tpu.memref_slice %arg14[%dma_start3A_18, %dma_start3A_19] : memref<10240x128xf32, #tpu.memory_space<vmem_shared>> -> memref<32x128xf32, #tpu.memory_space<vmem_shared>>
        tpu.enqueue_dma source(%dma_start3A_20 : memref<32x128xf32, #tpu.memory_space<vmem_shared>>) target(%arg13 : memref<32x128xf32, #tpu.memory_space<vmem>>) target_semaphore(%run_scoped3A : memref<!tpu.dma_semaphore, #tpu.memory_space<semaphore_mem>>)
        %dma_wait3A = arith.constant 10000 : i32
        %dma_wait3A_21 = arith.constant 0 : i32
        %dma_wait3A_22 = tpu.memref_slice %arg14[%dma_wait3A, %dma_wait3A_21] : memref<10240x128xf32, #tpu.memory_space<vmem_shared>> -> memref<32x128xf32, #tpu.memory_space<vmem_shared>>
        %dma_wait3A_23 = arith.constant 10000 : i32
        %dma_wait3A_24 = arith.constant 0 : i32
        %dma_wait3A_25 = tpu.memref_slice %arg14[%dma_wait3A_23, %dma_wait3A_24] : memref<10240x128xf32, #tpu.memory_space<vmem_shared>> -> memref<32x128xf32, #tpu.memory_space<vmem_shared>>
        tpu.wait_dma2 semaphore(%run_scoped3A : memref<!tpu.dma_semaphore, #tpu.memory_space<semaphore_mem>>) src(%dma_wait3A_25 : memref<32x128xf32, #tpu.memory_space<vmem_shared>>) dst(%arg13 : memref<32x128xf32, #tpu.memory_space<vmem>>)
        tpu.yield
      }) : () -> ()
      "tpu.region"() ({
        %run_scoped3A = tpu.sem_alloc : memref<!tpu.dma_semaphore, #tpu.memory_space<semaphore_mem>>
        %dma_start3A = arith.constant 0 : i32
        %dma_start3A_16 = arith.constant 0 : i32
        %dma_start3A_17 = tpu.memref_slice %arg14[%dma_start3A, %dma_start3A_16] : memref<10240x128xf32, #tpu.memory_space<vmem_shared>> -> memref<10240x128xf32, #tpu.memory_space<vmem_shared>>
        tpu.enqueue_indirect_dma source(%arg13 : memref<32x128xf32, #tpu.memory_space<vmem>>) target(%dma_start3A_17 : memref<10240x128xf32, #tpu.memory_space<vmem_shared>>) offsets(%arg12 : memref<32xi32, #tpu.memory_space<vmem>>) semaphore(%run_scoped3A : memref<!tpu.dma_semaphore, #tpu.memory_space<semaphore_mem>>) {add = true}
        %dma_wait3A = arith.constant 0 : i32
        %dma_wait3A_18 = arith.constant 0 : i32
        %dma_wait3A_19 = tpu.memref_slice %arg14[%dma_wait3A, %dma_wait3A_18] : memref<10240x128xf32, #tpu.memory_space<vmem_shared>> -> memref<10240x128xf32, #tpu.memory_space<vmem_shared>>
        tpu.wait_indirect_dma semaphore(%run_scoped3A : memref<!tpu.dma_semaphore, #tpu.memory_space<semaphore_mem>>) src(%arg13 : memref<32x128xf32, #tpu.memory_space<vmem>>) dst(%dma_wait3A_19 : memref<10240x128xf32, #tpu.memory_space<vmem_shared>>)
        tpu.yield
      }) : () -> ()
    } else {
    }
    %barrier3A_11 = arith.constant 0 : index
    tpu.barrier barrier_id(%barrier3A_11)
    %mul3A_12 = arith.constant 640 : i32
    %mul3A_13 = arith.muli %arg1, %mul3A_12 : i32
    %mul3A_14 = arith.constant 640 : i32
    %mul3A_15 = arith.muli %arg1, %mul3A_14 : i32
    "tpu.region"() ({
      %run_scoped3A = tpu.sem_alloc : memref<!tpu.dma_semaphore, #tpu.memory_space<semaphore_mem>>
      %dma_start3A = arith.constant 0 : i32
      %dma_start3A_16 = tpu.memref_slice %arg7[%arg0, %mul3A_15, %dma_start3A] : memref<2x10240x128xf32, #tpu.memory_space<hbm>> -> memref<1x640x128xf32, #tpu.memory_space<hbm>>
      %dma_start3A_17 = tpu.memref_squeeze %dma_start3A_16 : memref<1x640x128xf32, #tpu.memory_space<hbm>> -> memref<640x128xf32, #tpu.memory_space<hbm>>
      %dma_start3A_18 = arith.constant 0 : i32
      %dma_start3A_19 = tpu.memref_slice %arg14[%mul3A_13, %dma_start3A_18] : memref<10240x128xf32, #tpu.memory_space<vmem_shared>> -> memref<640x128xf32, #tpu.memory_space<vmem_shared>>
      tpu.enqueue_dma source(%dma_start3A_19 : memref<640x128xf32, #tpu.memory_space<vmem_shared>>) target(%dma_start3A_17 : memref<640x128xf32, #tpu.memory_space<hbm>>) target_semaphore(%run_scoped3A : memref<!tpu.dma_semaphore, #tpu.memory_space<semaphore_mem>>)
      %dma_wait3A = arith.constant 0 : i32
      %dma_wait3A_20 = tpu.memref_slice %arg7[%arg0, %mul3A_15, %dma_wait3A] : memref<2x10240x128xf32, #tpu.memory_space<hbm>> -> memref<1x640x128xf32, #tpu.memory_space<hbm>>
      %dma_wait3A_21 = tpu.memref_squeeze %dma_wait3A_20 : memref<1x640x128xf32, #tpu.memory_space<hbm>> -> memref<640x128xf32, #tpu.memory_space<hbm>>
      %dma_wait3A_22 = arith.constant 0 : i32
      %dma_wait3A_23 = tpu.memref_slice %arg14[%mul3A_13, %dma_wait3A_22] : memref<10240x128xf32, #tpu.memory_space<vmem_shared>> -> memref<640x128xf32, #tpu.memory_space<vmem_shared>>
      tpu.wait_dma2 semaphore(%run_scoped3A : memref<!tpu.dma_semaphore, #tpu.memory_space<semaphore_mem>>) src(%dma_wait3A_23 : memref<640x128xf32, #tpu.memory_space<vmem_shared>>) dst(%dma_wait3A_21 : memref<640x128xf32, #tpu.memory_space<hbm>>)
      tpu.yield
    }) : () -> ()
    return
  }
}

#map = affine_map<(d0, d1) -> (0, 0)>
#map1 = affine_map<(d0, d1) -> (0, 0, 0)>
module attributes {stable_mosaic.version = 14 : i64} {
  func.func @_sc_agg_body(%arg0: i32, %arg1: i32, %arg2: memref<10000x128xf32, #tpu.memory_space<hbm>>, %arg3: memref<2560x128xi32, #tpu.memory_space<hbm>>, %arg4: memref<2560x128xi32, #tpu.memory_space<hbm>>, %arg5: memref<640x128xf32, #tpu.memory_space<hbm>>, %arg6: memref<2x32xi32, #tpu.memory_space<hbm>>, %arg7: memref<2x10240x128xf32, #tpu.memory_space<hbm>>, %arg8: memref<16x128xi32, #tpu.memory_space<vmem>>, %arg9: memref<16x128xi32, #tpu.memory_space<vmem>>, %arg10: memref<128x128xf32, #tpu.memory_space<vmem>>, %arg11: memref<128x128xf32, #tpu.memory_space<vmem>>, %arg12: memref<32xi32, #tpu.memory_space<vmem>>, %arg13: memref<32x128xf32, #tpu.memory_space<vmem>>, %arg14: memref<10240x128xf32, #tpu.memory_space<vmem_shared>>, %arg15: memref<!tpu.dma_semaphore, #tpu.memory_space<semaphore_mem>>) attributes {dimension_semantics = [#tpu.dimension_semantics<core_parallel>, #tpu.dimension_semantics<subcore_parallel>], iteration_bounds = array<i64: 2, 16>, scalar_prefetch = 0 : i64, scratch_operands = 8 : i64, tpu.core_type = #tpu.core_type<sc_vector_subcore>, window_params = [{transform_indices = #map}, {transform_indices = #map}, {transform_indices = #map}, {transform_indices = #map}, {transform_indices = #map}, {transform_indices = #map1}]} {
    %mul3A = arith.constant 16 : i32
    %mul3A_0 = arith.muli %arg0, %mul3A : i32
    %add3A = arith.addi %mul3A_0, %arg1 : i32
    %mul3A_1 = arith.constant 640 : i32
    %mul3A_2 = arith.muli %arg1, %mul3A_1 : i32
    "tpu.region"() ({
      %run_scoped3A = tpu.sem_alloc : memref<!tpu.dma_semaphore, #tpu.memory_space<semaphore_mem>>
      %dma_start3A = arith.constant 0 : i32
      %dma_start3A_16 = tpu.memref_slice %arg14[%mul3A_2, %dma_start3A] : memref<10240x128xf32, #tpu.memory_space<vmem_shared>> -> memref<640x128xf32, #tpu.memory_space<vmem_shared>>
      tpu.enqueue_dma source(%arg5 : memref<640x128xf32, #tpu.memory_space<hbm>>) target(%dma_start3A_16 : memref<640x128xf32, #tpu.memory_space<vmem_shared>>) target_semaphore(%run_scoped3A : memref<!tpu.dma_semaphore, #tpu.memory_space<semaphore_mem>>)
      %dma_wait3A = arith.constant 0 : i32
      %dma_wait3A_17 = tpu.memref_slice %arg14[%mul3A_2, %dma_wait3A] : memref<10240x128xf32, #tpu.memory_space<vmem_shared>> -> memref<640x128xf32, #tpu.memory_space<vmem_shared>>
      tpu.wait_dma2 semaphore(%run_scoped3A : memref<!tpu.dma_semaphore, #tpu.memory_space<semaphore_mem>>) src(%arg5 : memref<640x128xf32, #tpu.memory_space<hbm>>) dst(%dma_wait3A_17 : memref<640x128xf32, #tpu.memory_space<vmem_shared>>)
      tpu.yield
    }) : () -> ()
    %barrier3A = arith.constant 0 : index
    tpu.barrier barrier_id(%barrier3A)
    %scan3A = arith.constant 0 : i32
    %scan3A_3 = arith.constant 0 : i32
    %scan3A_4 = arith.constant 5 : i32
    %scan3A_5 = arith.addi %scan3A_3, %scan3A_4 : i32
    %scan3A_6 = arith.constant 1 : i32
    scf.for %scan3A_16 = %scan3A_3 to %scan3A_5 step %scan3A_6  : i32 {
      %mul3A_17 = arith.constant 80 : i32
      %mul3A_18 = arith.muli %add3A, %mul3A_17 : i32
      %mul3A_19 = arith.constant 16 : i32
      %mul3A_20 = arith.muli %scan3A_16, %mul3A_19 : i32
      %add3A_21 = arith.addi %mul3A_18, %mul3A_20 : i32
      "tpu.region"() ({
        %run_scoped3A = tpu.sem_alloc : memref<!tpu.dma_semaphore, #tpu.memory_space<semaphore_mem>>
        %dma_start3A_33 = arith.constant 0 : i32
        %dma_start3A_34 = tpu.memref_slice %arg3[%add3A_21, %dma_start3A_33] : memref<2560x128xi32, #tpu.memory_space<hbm>> -> memref<16x128xi32, #tpu.memory_space<hbm>>
        %dma_start3A_35 = arith.constant 0 : i32
        %dma_start3A_36 = tpu.memref_slice %arg3[%add3A_21, %dma_start3A_35] : memref<2560x128xi32, #tpu.memory_space<hbm>> -> memref<16x128xi32, #tpu.memory_space<hbm>>
        tpu.enqueue_dma source(%dma_start3A_36 : memref<16x128xi32, #tpu.memory_space<hbm>>) target(%arg8 : memref<16x128xi32, #tpu.memory_space<vmem>>) target_semaphore(%run_scoped3A : memref<!tpu.dma_semaphore, #tpu.memory_space<semaphore_mem>>)
        %dma_wait3A = arith.constant 0 : i32
        %dma_wait3A_37 = tpu.memref_slice %arg3[%add3A_21, %dma_wait3A] : memref<2560x128xi32, #tpu.memory_space<hbm>> -> memref<16x128xi32, #tpu.memory_space<hbm>>
        %dma_wait3A_38 = arith.constant 0 : i32
        %dma_wait3A_39 = tpu.memref_slice %arg3[%add3A_21, %dma_wait3A_38] : memref<2560x128xi32, #tpu.memory_space<hbm>> -> memref<16x128xi32, #tpu.memory_space<hbm>>
        tpu.wait_dma2 semaphore(%run_scoped3A : memref<!tpu.dma_semaphore, #tpu.memory_space<semaphore_mem>>) src(%dma_wait3A_39 : memref<16x128xi32, #tpu.memory_space<hbm>>) dst(%arg8 : memref<16x128xi32, #tpu.memory_space<vmem>>)
        tpu.yield
      }) : () -> ()
      "tpu.region"() ({
        %run_scoped3A = tpu.sem_alloc : memref<!tpu.dma_semaphore, #tpu.memory_space<semaphore_mem>>
        %dma_start3A_33 = arith.constant 0 : i32
        %dma_start3A_34 = tpu.memref_slice %arg4[%add3A_21, %dma_start3A_33] : memref<2560x128xi32, #tpu.memory_space<hbm>> -> memref<16x128xi32, #tpu.memory_space<hbm>>
        %dma_start3A_35 = arith.constant 0 : i32
        %dma_start3A_36 = tpu.memref_slice %arg4[%add3A_21, %dma_start3A_35] : memref<2560x128xi32, #tpu.memory_space<hbm>> -> memref<16x128xi32, #tpu.memory_space<hbm>>
        tpu.enqueue_dma source(%dma_start3A_36 : memref<16x128xi32, #tpu.memory_space<hbm>>) target(%arg9 : memref<16x128xi32, #tpu.memory_space<vmem>>) target_semaphore(%run_scoped3A : memref<!tpu.dma_semaphore, #tpu.memory_space<semaphore_mem>>)
        %dma_wait3A = arith.constant 0 : i32
        %dma_wait3A_37 = tpu.memref_slice %arg4[%add3A_21, %dma_wait3A] : memref<2560x128xi32, #tpu.memory_space<hbm>> -> memref<16x128xi32, #tpu.memory_space<hbm>>
        %dma_wait3A_38 = arith.constant 0 : i32
        %dma_wait3A_39 = tpu.memref_slice %arg4[%add3A_21, %dma_wait3A_38] : memref<2560x128xi32, #tpu.memory_space<hbm>> -> memref<16x128xi32, #tpu.memory_space<hbm>>
        tpu.wait_dma2 semaphore(%run_scoped3A : memref<!tpu.dma_semaphore, #tpu.memory_space<semaphore_mem>>) src(%dma_wait3A_39 : memref<16x128xi32, #tpu.memory_space<hbm>>) dst(%arg9 : memref<16x128xi32, #tpu.memory_space<vmem>>)
        tpu.yield
      }) : () -> ()
      %dma_start3A = arith.constant 0 : i32
      %dma_start3A_22 = arith.constant 0 : i32
      %dma_start3A_23 = tpu.memref_slice %arg8[%dma_start3A, %dma_start3A_22] : memref<16x128xi32, #tpu.memory_space<vmem>> -> memref<1x128xi32, #tpu.memory_space<vmem>>
      %dma_start3A_24 = tpu.memref_squeeze %dma_start3A_23 : memref<1x128xi32, #tpu.memory_space<vmem>> -> memref<128xi32, #tpu.memory_space<vmem>>
      %dma_start3A_25 = arith.constant 0 : i32
      %dma_start3A_26 = arith.constant 0 : i32
      %dma_start3A_27 = tpu.memref_slice %arg2[%dma_start3A_25, %dma_start3A_26] : memref<10000x128xf32, #tpu.memory_space<hbm>> -> memref<10000x128xf32, #tpu.memory_space<hbm>>
      tpu.enqueue_indirect_dma source(%dma_start3A_27 : memref<10000x128xf32, #tpu.memory_space<hbm>>) target(%arg10 : memref<128x128xf32, #tpu.memory_space<vmem>>) offsets(%dma_start3A_24 : memref<128xi32, #tpu.memory_space<vmem>>) semaphore(%arg15 : memref<!tpu.dma_semaphore, #tpu.memory_space<semaphore_mem>>)
      %scan3A_28 = arith.constant 0 : i32
      %scan3A_29 = arith.constant 8 : i32
      %scan3A_30 = arith.addi %scan3A_28, %scan3A_29 : i32
      %scan3A_31 = arith.constant 1 : i32
      scf.for %scan3A_33 = %scan3A_28 to %scan3A_30 step %scan3A_31  : i32 {
        %mul3A_34 = arith.constant 2 : i32
        %mul3A_35 = arith.muli %mul3A_34, %scan3A_33 : i32
        %add3A_36 = arith.constant 1 : i32
        %add3A_37 = arith.addi %mul3A_35, %add3A_36 : i32
        %dma_start3A_38 = arith.constant 0 : i32
        %dma_start3A_39 = tpu.memref_slice %arg8[%add3A_37, %dma_start3A_38] : memref<16x128xi32, #tpu.memory_space<vmem>> -> memref<1x128xi32, #tpu.memory_space<vmem>>
        %dma_start3A_40 = tpu.memref_squeeze %dma_start3A_39 : memref<1x128xi32, #tpu.memory_space<vmem>> -> memref<128xi32, #tpu.memory_space<vmem>>
        %dma_start3A_41 = arith.constant 0 : i32
        %dma_start3A_42 = arith.constant 0 : i32
        %dma_start3A_43 = tpu.memref_slice %arg2[%dma_start3A_41, %dma_start3A_42] : memref<10000x128xf32, #tpu.memory_space<hbm>> -> memref<10000x128xf32, #tpu.memory_space<hbm>>
        tpu.enqueue_indirect_dma source(%dma_start3A_43 : memref<10000x128xf32, #tpu.memory_space<hbm>>) target(%arg11 : memref<128x128xf32, #tpu.memory_space<vmem>>) offsets(%dma_start3A_40 : memref<128xi32, #tpu.memory_space<vmem>>) semaphore(%arg15 : memref<!tpu.dma_semaphore, #tpu.memory_space<semaphore_mem>>)
        %dma_wait3A = arith.constant 0 : i32
        %dma_wait3A_44 = tpu.memref_slice %arg8[%mul3A_35, %dma_wait3A] : memref<16x128xi32, #tpu.memory_space<vmem>> -> memref<1x128xi32, #tpu.memory_space<vmem>>
        %dma_wait3A_45 = tpu.memref_squeeze %dma_wait3A_44 : memref<1x128xi32, #tpu.memory_space<vmem>> -> memref<128xi32, #tpu.memory_space<vmem>>
        %dma_wait3A_46 = arith.constant 0 : i32
        %dma_wait3A_47 = arith.constant 0 : i32
        %dma_wait3A_48 = tpu.memref_slice %arg2[%dma_wait3A_46, %dma_wait3A_47] : memref<10000x128xf32, #tpu.memory_space<hbm>> -> memref<10000x128xf32, #tpu.memory_space<hbm>>
        tpu.wait_indirect_dma semaphore(%arg15 : memref<!tpu.dma_semaphore, #tpu.memory_space<semaphore_mem>>) src(%dma_wait3A_48 : memref<10000x128xf32, #tpu.memory_space<hbm>>) dst(%arg10 : memref<128x128xf32, #tpu.memory_space<vmem>>)
        "tpu.region"() ({
          %run_scoped3A = tpu.sem_alloc : memref<!tpu.dma_semaphore, #tpu.memory_space<semaphore_mem>>
          %dma_start3A_65 = arith.constant 0 : i32
          %dma_start3A_66 = tpu.memref_slice %arg9[%mul3A_35, %dma_start3A_65] : memref<16x128xi32, #tpu.memory_space<vmem>> -> memref<1x128xi32, #tpu.memory_space<vmem>>
          %dma_start3A_67 = tpu.memref_squeeze %dma_start3A_66 : memref<1x128xi32, #tpu.memory_space<vmem>> -> memref<128xi32, #tpu.memory_space<vmem>>
          %dma_start3A_68 = arith.constant 0 : i32
          %dma_start3A_69 = arith.constant 0 : i32
          %dma_start3A_70 = tpu.memref_slice %arg14[%dma_start3A_68, %dma_start3A_69] : memref<10240x128xf32, #tpu.memory_space<vmem_shared>> -> memref<10240x128xf32, #tpu.memory_space<vmem_shared>>
          tpu.enqueue_indirect_dma source(%arg10 : memref<128x128xf32, #tpu.memory_space<vmem>>) target(%dma_start3A_70 : memref<10240x128xf32, #tpu.memory_space<vmem_shared>>) offsets(%dma_start3A_67 : memref<128xi32, #tpu.memory_space<vmem>>) semaphore(%run_scoped3A : memref<!tpu.dma_semaphore, #tpu.memory_space<semaphore_mem>>) {add = true}
          %dma_wait3A_71 = arith.constant 0 : i32
          %dma_wait3A_72 = tpu.memref_slice %arg9[%mul3A_35, %dma_wait3A_71] : memref<16x128xi32, #tpu.memory_space<vmem>> -> memref<1x128xi32, #tpu.memory_space<vmem>>
          %dma_wait3A_73 = tpu.memref_squeeze %dma_wait3A_72 : memref<1x128xi32, #tpu.memory_space<vmem>> -> memref<128xi32, #tpu.memory_space<vmem>>
          %dma_wait3A_74 = arith.constant 0 : i32
          %dma_wait3A_75 = arith.constant 0 : i32
          %dma_wait3A_76 = tpu.memref_slice %arg14[%dma_wait3A_74, %dma_wait3A_75] : memref<10240x128xf32, #tpu.memory_space<vmem_shared>> -> memref<10240x128xf32, #tpu.memory_space<vmem_shared>>
          tpu.wait_indirect_dma semaphore(%run_scoped3A : memref<!tpu.dma_semaphore, #tpu.memory_space<semaphore_mem>>) src(%arg10 : memref<128x128xf32, #tpu.memory_space<vmem>>) dst(%dma_wait3A_76 : memref<10240x128xf32, #tpu.memory_space<vmem_shared>>)
          tpu.yield
        }) : () -> ()
        %add3A_49 = arith.constant 2 : i32
        %add3A_50 = arith.addi %mul3A_35, %add3A_49 : i32
        %lt3A = arith.constant 16 : i32
        %lt3A_51 = arith.cmpi slt, %add3A_50, %lt3A : i32
        %convert_element_type3A_52 = arith.extui %lt3A_51 : i1 to i32
        %cond3A_53 = arith.constant 0 : i32
        %cond3A_54 = arith.cmpi ne, %convert_element_type3A_52, %cond3A_53 : i32
        scf.if %cond3A_54 {
          %add3A_65 = arith.constant 2 : i32
          %add3A_66 = arith.addi %mul3A_35, %add3A_65 : i32
          %dma_start3A_67 = arith.constant 0 : i32
          %dma_start3A_68 = tpu.memref_slice %arg8[%add3A_66, %dma_start3A_67] : memref<16x128xi32, #tpu.memory_space<vmem>> -> memref<1x128xi32, #tpu.memory_space<vmem>>
          %dma_start3A_69 = tpu.memref_squeeze %dma_start3A_68 : memref<1x128xi32, #tpu.memory_space<vmem>> -> memref<128xi32, #tpu.memory_space<vmem>>
          %dma_start3A_70 = arith.constant 0 : i32
          %dma_start3A_71 = arith.constant 0 : i32
          %dma_start3A_72 = tpu.memref_slice %arg2[%dma_start3A_70, %dma_start3A_71] : memref<10000x128xf32, #tpu.memory_space<hbm>> -> memref<10000x128xf32, #tpu.memory_space<hbm>>
          tpu.enqueue_indirect_dma source(%dma_start3A_72 : memref<10000x128xf32, #tpu.memory_space<hbm>>) target(%arg10 : memref<128x128xf32, #tpu.memory_space<vmem>>) offsets(%dma_start3A_69 : memref<128xi32, #tpu.memory_space<vmem>>) semaphore(%arg15 : memref<!tpu.dma_semaphore, #tpu.memory_space<semaphore_mem>>)
        } else {
        }
        %add3A_55 = arith.constant 1 : i32
        %add3A_56 = arith.addi %mul3A_35, %add3A_55 : i32
        %dma_wait3A_57 = arith.constant 0 : i32
        %dma_wait3A_58 = tpu.memref_slice %arg8[%add3A_56, %dma_wait3A_57] : memref<16x128xi32, #tpu.memory_space<vmem>> -> memref<1x128xi32, #tpu.memory_space<vmem>>
        %dma_wait3A_59 = tpu.memref_squeeze %dma_wait3A_58 : memref<1x128xi32, #tpu.memory_space<vmem>> -> memref<128xi32, #tpu.memory_space<vmem>>
        %dma_wait3A_60 = arith.constant 0 : i32
        %dma_wait3A_61 = arith.constant 0 : i32
        %dma_wait3A_62 = tpu.memref_slice %arg2[%dma_wait3A_60, %dma_wait3A_61] : memref<10000x128xf32, #tpu.memory_space<hbm>> -> memref<10000x128xf32, #tpu.memory_space<hbm>>
        tpu.wait_indirect_dma semaphore(%arg15 : memref<!tpu.dma_semaphore, #tpu.memory_space<semaphore_mem>>) src(%dma_wait3A_62 : memref<10000x128xf32, #tpu.memory_space<hbm>>) dst(%arg11 : memref<128x128xf32, #tpu.memory_space<vmem>>)
        %add3A_63 = arith.constant 1 : i32
        %add3A_64 = arith.addi %mul3A_35, %add3A_63 : i32
        "tpu.region"() ({
          %run_scoped3A = tpu.sem_alloc : memref<!tpu.dma_semaphore, #tpu.memory_space<semaphore_mem>>
          %dma_start3A_65 = arith.constant 0 : i32
          %dma_start3A_66 = tpu.memref_slice %arg9[%add3A_64, %dma_start3A_65] : memref<16x128xi32, #tpu.memory_space<vmem>> -> memref<1x128xi32, #tpu.memory_space<vmem>>
          %dma_start3A_67 = tpu.memref_squeeze %dma_start3A_66 : memref<1x128xi32, #tpu.memory_space<vmem>> -> memref<128xi32, #tpu.memory_space<vmem>>
          %dma_start3A_68 = arith.constant 0 : i32
          %dma_start3A_69 = arith.constant 0 : i32
          %dma_start3A_70 = tpu.memref_slice %arg14[%dma_start3A_68, %dma_start3A_69] : memref<10240x128xf32, #tpu.memory_space<vmem_shared>> -> memref<10240x128xf32, #tpu.memory_space<vmem_shared>>
          tpu.enqueue_indirect_dma source(%arg11 : memref<128x128xf32, #tpu.memory_space<vmem>>) target(%dma_start3A_70 : memref<10240x128xf32, #tpu.memory_space<vmem_shared>>) offsets(%dma_start3A_67 : memref<128xi32, #tpu.memory_space<vmem>>) semaphore(%run_scoped3A : memref<!tpu.dma_semaphore, #tpu.memory_space<semaphore_mem>>) {add = true}
          %dma_wait3A_71 = arith.constant 0 : i32
          %dma_wait3A_72 = tpu.memref_slice %arg9[%add3A_64, %dma_wait3A_71] : memref<16x128xi32, #tpu.memory_space<vmem>> -> memref<1x128xi32, #tpu.memory_space<vmem>>
          %dma_wait3A_73 = tpu.memref_squeeze %dma_wait3A_72 : memref<1x128xi32, #tpu.memory_space<vmem>> -> memref<128xi32, #tpu.memory_space<vmem>>
          %dma_wait3A_74 = arith.constant 0 : i32
          %dma_wait3A_75 = arith.constant 0 : i32
          %dma_wait3A_76 = tpu.memref_slice %arg14[%dma_wait3A_74, %dma_wait3A_75] : memref<10240x128xf32, #tpu.memory_space<vmem_shared>> -> memref<10240x128xf32, #tpu.memory_space<vmem_shared>>
          tpu.wait_indirect_dma semaphore(%run_scoped3A : memref<!tpu.dma_semaphore, #tpu.memory_space<semaphore_mem>>) src(%arg11 : memref<128x128xf32, #tpu.memory_space<vmem>>) dst(%dma_wait3A_76 : memref<10240x128xf32, #tpu.memory_space<vmem_shared>>)
          tpu.yield
        }) : () -> ()
      }
      %scan3A_32 = arith.constant 8 : i32
    }
    %scan3A_7 = arith.constant 5 : i32
    %barrier3A_8 = arith.constant 0 : index
    tpu.barrier barrier_id(%barrier3A_8)
    %eq3A = arith.constant 0 : i32
    %eq3A_9 = arith.cmpi eq, %arg1, %eq3A : i32
    %convert_element_type3A = arith.extui %eq3A_9 : i1 to i32
    %cond3A = arith.constant 0 : i32
    %cond3A_10 = arith.cmpi ne, %convert_element_type3A, %cond3A : i32
    scf.if %cond3A_10 {
      "tpu.region"() ({
        %run_scoped3A = tpu.sem_alloc : memref<!tpu.dma_semaphore, #tpu.memory_space<semaphore_mem>>
        %dma_start3A = arith.constant 0 : i32
        %dma_start3A_16 = tpu.memref_slice %arg6[%arg0, %dma_start3A] : memref<2x32xi32, #tpu.memory_space<hbm>> -> memref<1x32xi32, #tpu.memory_space<hbm>>
        %dma_start3A_17 = tpu.memref_squeeze %dma_start3A_16 : memref<1x32xi32, #tpu.memory_space<hbm>> -> memref<32xi32, #tpu.memory_space<hbm>>
        %dma_start3A_18 = arith.constant 0 : i32
        %dma_start3A_19 = tpu.memref_slice %arg6[%arg0, %dma_start3A_18] : memref<2x32xi32, #tpu.memory_space<hbm>> -> memref<1x32xi32, #tpu.memory_space<hbm>>
        %dma_start3A_20 = tpu.memref_squeeze %dma_start3A_19 : memref<1x32xi32, #tpu.memory_space<hbm>> -> memref<32xi32, #tpu.memory_space<hbm>>
        tpu.enqueue_dma source(%dma_start3A_20 : memref<32xi32, #tpu.memory_space<hbm>>) target(%arg12 : memref<32xi32, #tpu.memory_space<vmem>>) target_semaphore(%run_scoped3A : memref<!tpu.dma_semaphore, #tpu.memory_space<semaphore_mem>>)
        %dma_wait3A = arith.constant 0 : i32
        %dma_wait3A_21 = tpu.memref_slice %arg6[%arg0, %dma_wait3A] : memref<2x32xi32, #tpu.memory_space<hbm>> -> memref<1x32xi32, #tpu.memory_space<hbm>>
        %dma_wait3A_22 = tpu.memref_squeeze %dma_wait3A_21 : memref<1x32xi32, #tpu.memory_space<hbm>> -> memref<32xi32, #tpu.memory_space<hbm>>
        %dma_wait3A_23 = arith.constant 0 : i32
        %dma_wait3A_24 = tpu.memref_slice %arg6[%arg0, %dma_wait3A_23] : memref<2x32xi32, #tpu.memory_space<hbm>> -> memref<1x32xi32, #tpu.memory_space<hbm>>
        %dma_wait3A_25 = tpu.memref_squeeze %dma_wait3A_24 : memref<1x32xi32, #tpu.memory_space<hbm>> -> memref<32xi32, #tpu.memory_space<hbm>>
        tpu.wait_dma2 semaphore(%run_scoped3A : memref<!tpu.dma_semaphore, #tpu.memory_space<semaphore_mem>>) src(%dma_wait3A_25 : memref<32xi32, #tpu.memory_space<hbm>>) dst(%arg12 : memref<32xi32, #tpu.memory_space<vmem>>)
        tpu.yield
      }) : () -> ()
      "tpu.region"() ({
        %run_scoped3A = tpu.sem_alloc : memref<!tpu.dma_semaphore, #tpu.memory_space<semaphore_mem>>
        %dma_start3A = arith.constant 10000 : i32
        %dma_start3A_16 = arith.constant 0 : i32
        %dma_start3A_17 = tpu.memref_slice %arg14[%dma_start3A, %dma_start3A_16] : memref<10240x128xf32, #tpu.memory_space<vmem_shared>> -> memref<32x128xf32, #tpu.memory_space<vmem_shared>>
        %dma_start3A_18 = arith.constant 10000 : i32
        %dma_start3A_19 = arith.constant 0 : i32
        %dma_start3A_20 = tpu.memref_slice %arg14[%dma_start3A_18, %dma_start3A_19] : memref<10240x128xf32, #tpu.memory_space<vmem_shared>> -> memref<32x128xf32, #tpu.memory_space<vmem_shared>>
        tpu.enqueue_dma source(%dma_start3A_20 : memref<32x128xf32, #tpu.memory_space<vmem_shared>>) target(%arg13 : memref<32x128xf32, #tpu.memory_space<vmem>>) target_semaphore(%run_scoped3A : memref<!tpu.dma_semaphore, #tpu.memory_space<semaphore_mem>>)
        %dma_wait3A = arith.constant 10000 : i32
        %dma_wait3A_21 = arith.constant 0 : i32
        %dma_wait3A_22 = tpu.memref_slice %arg14[%dma_wait3A, %dma_wait3A_21] : memref<10240x128xf32, #tpu.memory_space<vmem_shared>> -> memref<32x128xf32, #tpu.memory_space<vmem_shared>>
        %dma_wait3A_23 = arith.constant 10000 : i32
        %dma_wait3A_24 = arith.constant 0 : i32
        %dma_wait3A_25 = tpu.memref_slice %arg14[%dma_wait3A_23, %dma_wait3A_24] : memref<10240x128xf32, #tpu.memory_space<vmem_shared>> -> memref<32x128xf32, #tpu.memory_space<vmem_shared>>
        tpu.wait_dma2 semaphore(%run_scoped3A : memref<!tpu.dma_semaphore, #tpu.memory_space<semaphore_mem>>) src(%dma_wait3A_25 : memref<32x128xf32, #tpu.memory_space<vmem_shared>>) dst(%arg13 : memref<32x128xf32, #tpu.memory_space<vmem>>)
        tpu.yield
      }) : () -> ()
      "tpu.region"() ({
        %run_scoped3A = tpu.sem_alloc : memref<!tpu.dma_semaphore, #tpu.memory_space<semaphore_mem>>
        %dma_start3A = arith.constant 0 : i32
        %dma_start3A_16 = arith.constant 0 : i32
        %dma_start3A_17 = tpu.memref_slice %arg14[%dma_start3A, %dma_start3A_16] : memref<10240x128xf32, #tpu.memory_space<vmem_shared>> -> memref<10240x128xf32, #tpu.memory_space<vmem_shared>>
        tpu.enqueue_indirect_dma source(%arg13 : memref<32x128xf32, #tpu.memory_space<vmem>>) target(%dma_start3A_17 : memref<10240x128xf32, #tpu.memory_space<vmem_shared>>) offsets(%arg12 : memref<32xi32, #tpu.memory_space<vmem>>) semaphore(%run_scoped3A : memref<!tpu.dma_semaphore, #tpu.memory_space<semaphore_mem>>) {add = true}
        %dma_wait3A = arith.constant 0 : i32
        %dma_wait3A_18 = arith.constant 0 : i32
        %dma_wait3A_19 = tpu.memref_slice %arg14[%dma_wait3A, %dma_wait3A_18] : memref<10240x128xf32, #tpu.memory_space<vmem_shared>> -> memref<10240x128xf32, #tpu.memory_space<vmem_shared>>
        tpu.wait_indirect_dma semaphore(%run_scoped3A : memref<!tpu.dma_semaphore, #tpu.memory_space<semaphore_mem>>) src(%arg13 : memref<32x128xf32, #tpu.memory_space<vmem>>) dst(%dma_wait3A_19 : memref<10240x128xf32, #tpu.memory_space<vmem_shared>>)
        tpu.yield
      }) : () -> ()
    } else {
    }
    %barrier3A_11 = arith.constant 0 : index
    tpu.barrier barrier_id(%barrier3A_11)
    %mul3A_12 = arith.constant 640 : i32
    %mul3A_13 = arith.muli %arg1, %mul3A_12 : i32
    %mul3A_14 = arith.constant 640 : i32
    %mul3A_15 = arith.muli %arg1, %mul3A_14 : i32
    "tpu.region"() ({
      %run_scoped3A = tpu.sem_alloc : memref<!tpu.dma_semaphore, #tpu.memory_space<semaphore_mem>>
      %dma_start3A = arith.constant 0 : i32
      %dma_start3A_16 = tpu.memref_slice %arg7[%arg0, %mul3A_15, %dma_start3A] : memref<2x10240x128xf32, #tpu.memory_space<hbm>> -> memref<1x640x128xf32, #tpu.memory_space<hbm>>
      %dma_start3A_17 = tpu.memref_squeeze %dma_start3A_16 : memref<1x640x128xf32, #tpu.memory_space<hbm>> -> memref<640x128xf32, #tpu.memory_space<hbm>>
      %dma_start3A_18 = arith.constant 0 : i32
      %dma_start3A_19 = tpu.memref_slice %arg14[%mul3A_13, %dma_start3A_18] : memref<10240x128xf32, #tpu.memory_space<vmem_shared>> -> memref<640x128xf32, #tpu.memory_space<vmem_shared>>
      tpu.enqueue_dma source(%dma_start3A_19 : memref<640x128xf32, #tpu.memory_space<vmem_shared>>) target(%dma_start3A_17 : memref<640x128xf32, #tpu.memory_space<hbm>>) target_semaphore(%run_scoped3A : memref<!tpu.dma_semaphore, #tpu.memory_space<semaphore_mem>>)
      %dma_wait3A = arith.constant 0 : i32
      %dma_wait3A_20 = tpu.memref_slice %arg7[%arg0, %mul3A_15, %dma_wait3A] : memref<2x10240x128xf32, #tpu.memory_space<hbm>> -> memref<1x640x128xf32, #tpu.memory_space<hbm>>
      %dma_wait3A_21 = tpu.memref_squeeze %dma_wait3A_20 : memref<1x640x128xf32, #tpu.memory_space<hbm>> -> memref<640x128xf32, #tpu.memory_space<hbm>>
      %dma_wait3A_22 = arith.constant 0 : i32
      %dma_wait3A_23 = tpu.memref_slice %arg14[%mul3A_13, %dma_wait3A_22] : memref<10240x128xf32, #tpu.memory_space<vmem_shared>> -> memref<640x128xf32, #tpu.memory_space<vmem_shared>>
      tpu.wait_dma2 semaphore(%run_scoped3A : memref<!tpu.dma_semaphore, #tpu.memory_space<semaphore_mem>>) src(%dma_wait3A_23 : memref<640x128xf32, #tpu.memory_space<vmem_shared>>) dst(%dma_wait3A_21 : memref<640x128xf32, #tpu.memory_space<hbm>>)
      tpu.yield
    }) : () -> ()
    return
  }
}

#map = affine_map<(d0, d1) -> (0, 0)>
#map1 = affine_map<(d0, d1) -> (0, 0, 0)>
module attributes {stable_mosaic.version = 14 : i64} {
  func.func @_sc_agg_body(%arg0: i32, %arg1: i32, %arg2: memref<10000x128xf32, #tpu.memory_space<hbm>>, %arg3: memref<2560x128xi32, #tpu.memory_space<hbm>>, %arg4: memref<2560x128xi32, #tpu.memory_space<hbm>>, %arg5: memref<640x128xf32, #tpu.memory_space<hbm>>, %arg6: memref<2x32xi32, #tpu.memory_space<hbm>>, %arg7: memref<2x10240x128xf32, #tpu.memory_space<hbm>>, %arg8: memref<16x128xi32, #tpu.memory_space<vmem>>, %arg9: memref<16x128xi32, #tpu.memory_space<vmem>>, %arg10: memref<128x128xf32, #tpu.memory_space<vmem>>, %arg11: memref<128x128xf32, #tpu.memory_space<vmem>>, %arg12: memref<32xi32, #tpu.memory_space<vmem>>, %arg13: memref<32x128xf32, #tpu.memory_space<vmem>>, %arg14: memref<10240x128xf32, #tpu.memory_space<vmem_shared>>, %arg15: memref<!tpu.dma_semaphore, #tpu.memory_space<semaphore_mem>>) attributes {dimension_semantics = [#tpu.dimension_semantics<core_parallel>, #tpu.dimension_semantics<subcore_parallel>], iteration_bounds = array<i64: 2, 16>, scalar_prefetch = 0 : i64, scratch_operands = 8 : i64, tpu.core_type = #tpu.core_type<sc_vector_subcore>, window_params = [{transform_indices = #map}, {transform_indices = #map}, {transform_indices = #map}, {transform_indices = #map}, {transform_indices = #map}, {transform_indices = #map1}]} {
    %mul3A = arith.constant 16 : i32
    %mul3A_0 = arith.muli %arg0, %mul3A : i32
    %add3A = arith.addi %mul3A_0, %arg1 : i32
    %mul3A_1 = arith.constant 640 : i32
    %mul3A_2 = arith.muli %arg1, %mul3A_1 : i32
    "tpu.region"() ({
      %run_scoped3A = tpu.sem_alloc : memref<!tpu.dma_semaphore, #tpu.memory_space<semaphore_mem>>
      %dma_start3A = arith.constant 0 : i32
      %dma_start3A_16 = tpu.memref_slice %arg14[%mul3A_2, %dma_start3A] : memref<10240x128xf32, #tpu.memory_space<vmem_shared>> -> memref<640x128xf32, #tpu.memory_space<vmem_shared>>
      tpu.enqueue_dma source(%arg5 : memref<640x128xf32, #tpu.memory_space<hbm>>) target(%dma_start3A_16 : memref<640x128xf32, #tpu.memory_space<vmem_shared>>) target_semaphore(%run_scoped3A : memref<!tpu.dma_semaphore, #tpu.memory_space<semaphore_mem>>)
      %dma_wait3A = arith.constant 0 : i32
      %dma_wait3A_17 = tpu.memref_slice %arg14[%mul3A_2, %dma_wait3A] : memref<10240x128xf32, #tpu.memory_space<vmem_shared>> -> memref<640x128xf32, #tpu.memory_space<vmem_shared>>
      tpu.wait_dma2 semaphore(%run_scoped3A : memref<!tpu.dma_semaphore, #tpu.memory_space<semaphore_mem>>) src(%arg5 : memref<640x128xf32, #tpu.memory_space<hbm>>) dst(%dma_wait3A_17 : memref<640x128xf32, #tpu.memory_space<vmem_shared>>)
      tpu.yield
    }) : () -> ()
    %barrier3A = arith.constant 0 : index
    tpu.barrier barrier_id(%barrier3A)
    %scan3A = arith.constant 0 : i32
    %scan3A_3 = arith.constant 0 : i32
    %scan3A_4 = arith.constant 5 : i32
    %scan3A_5 = arith.addi %scan3A_3, %scan3A_4 : i32
    %scan3A_6 = arith.constant 1 : i32
    scf.for %scan3A_16 = %scan3A_3 to %scan3A_5 step %scan3A_6  : i32 {
      %mul3A_17 = arith.constant 80 : i32
      %mul3A_18 = arith.muli %add3A, %mul3A_17 : i32
      %mul3A_19 = arith.constant 16 : i32
      %mul3A_20 = arith.muli %scan3A_16, %mul3A_19 : i32
      %add3A_21 = arith.addi %mul3A_18, %mul3A_20 : i32
      "tpu.region"() ({
        %run_scoped3A = tpu.sem_alloc : memref<!tpu.dma_semaphore, #tpu.memory_space<semaphore_mem>>
        %dma_start3A_33 = arith.constant 0 : i32
        %dma_start3A_34 = tpu.memref_slice %arg3[%add3A_21, %dma_start3A_33] : memref<2560x128xi32, #tpu.memory_space<hbm>> -> memref<16x128xi32, #tpu.memory_space<hbm>>
        %dma_start3A_35 = arith.constant 0 : i32
        %dma_start3A_36 = tpu.memref_slice %arg3[%add3A_21, %dma_start3A_35] : memref<2560x128xi32, #tpu.memory_space<hbm>> -> memref<16x128xi32, #tpu.memory_space<hbm>>
        tpu.enqueue_dma source(%dma_start3A_36 : memref<16x128xi32, #tpu.memory_space<hbm>>) target(%arg8 : memref<16x128xi32, #tpu.memory_space<vmem>>) target_semaphore(%run_scoped3A : memref<!tpu.dma_semaphore, #tpu.memory_space<semaphore_mem>>)
        %dma_wait3A = arith.constant 0 : i32
        %dma_wait3A_37 = tpu.memref_slice %arg3[%add3A_21, %dma_wait3A] : memref<2560x128xi32, #tpu.memory_space<hbm>> -> memref<16x128xi32, #tpu.memory_space<hbm>>
        %dma_wait3A_38 = arith.constant 0 : i32
        %dma_wait3A_39 = tpu.memref_slice %arg3[%add3A_21, %dma_wait3A_38] : memref<2560x128xi32, #tpu.memory_space<hbm>> -> memref<16x128xi32, #tpu.memory_space<hbm>>
        tpu.wait_dma2 semaphore(%run_scoped3A : memref<!tpu.dma_semaphore, #tpu.memory_space<semaphore_mem>>) src(%dma_wait3A_39 : memref<16x128xi32, #tpu.memory_space<hbm>>) dst(%arg8 : memref<16x128xi32, #tpu.memory_space<vmem>>)
        tpu.yield
      }) : () -> ()
      "tpu.region"() ({
        %run_scoped3A = tpu.sem_alloc : memref<!tpu.dma_semaphore, #tpu.memory_space<semaphore_mem>>
        %dma_start3A_33 = arith.constant 0 : i32
        %dma_start3A_34 = tpu.memref_slice %arg4[%add3A_21, %dma_start3A_33] : memref<2560x128xi32, #tpu.memory_space<hbm>> -> memref<16x128xi32, #tpu.memory_space<hbm>>
        %dma_start3A_35 = arith.constant 0 : i32
        %dma_start3A_36 = tpu.memref_slice %arg4[%add3A_21, %dma_start3A_35] : memref<2560x128xi32, #tpu.memory_space<hbm>> -> memref<16x128xi32, #tpu.memory_space<hbm>>
        tpu.enqueue_dma source(%dma_start3A_36 : memref<16x128xi32, #tpu.memory_space<hbm>>) target(%arg9 : memref<16x128xi32, #tpu.memory_space<vmem>>) target_semaphore(%run_scoped3A : memref<!tpu.dma_semaphore, #tpu.memory_space<semaphore_mem>>)
        %dma_wait3A = arith.constant 0 : i32
        %dma_wait3A_37 = tpu.memref_slice %arg4[%add3A_21, %dma_wait3A] : memref<2560x128xi32, #tpu.memory_space<hbm>> -> memref<16x128xi32, #tpu.memory_space<hbm>>
        %dma_wait3A_38 = arith.constant 0 : i32
        %dma_wait3A_39 = tpu.memref_slice %arg4[%add3A_21, %dma_wait3A_38] : memref<2560x128xi32, #tpu.memory_space<hbm>> -> memref<16x128xi32, #tpu.memory_space<hbm>>
        tpu.wait_dma2 semaphore(%run_scoped3A : memref<!tpu.dma_semaphore, #tpu.memory_space<semaphore_mem>>) src(%dma_wait3A_39 : memref<16x128xi32, #tpu.memory_space<hbm>>) dst(%arg9 : memref<16x128xi32, #tpu.memory_space<vmem>>)
        tpu.yield
      }) : () -> ()
      %dma_start3A = arith.constant 0 : i32
      %dma_start3A_22 = arith.constant 0 : i32
      %dma_start3A_23 = tpu.memref_slice %arg8[%dma_start3A, %dma_start3A_22] : memref<16x128xi32, #tpu.memory_space<vmem>> -> memref<1x128xi32, #tpu.memory_space<vmem>>
      %dma_start3A_24 = tpu.memref_squeeze %dma_start3A_23 : memref<1x128xi32, #tpu.memory_space<vmem>> -> memref<128xi32, #tpu.memory_space<vmem>>
      %dma_start3A_25 = arith.constant 0 : i32
      %dma_start3A_26 = arith.constant 0 : i32
      %dma_start3A_27 = tpu.memref_slice %arg2[%dma_start3A_25, %dma_start3A_26] : memref<10000x128xf32, #tpu.memory_space<hbm>> -> memref<10000x128xf32, #tpu.memory_space<hbm>>
      tpu.enqueue_indirect_dma source(%dma_start3A_27 : memref<10000x128xf32, #tpu.memory_space<hbm>>) target(%arg10 : memref<128x128xf32, #tpu.memory_space<vmem>>) offsets(%dma_start3A_24 : memref<128xi32, #tpu.memory_space<vmem>>) semaphore(%arg15 : memref<!tpu.dma_semaphore, #tpu.memory_space<semaphore_mem>>)
      %scan3A_28 = arith.constant 0 : i32
      %scan3A_29 = arith.constant 8 : i32
      %scan3A_30 = arith.addi %scan3A_28, %scan3A_29 : i32
      %scan3A_31 = arith.constant 1 : i32
      scf.for %scan3A_33 = %scan3A_28 to %scan3A_30 step %scan3A_31  : i32 {
        %mul3A_34 = arith.constant 2 : i32
        %mul3A_35 = arith.muli %mul3A_34, %scan3A_33 : i32
        %add3A_36 = arith.constant 1 : i32
        %add3A_37 = arith.addi %mul3A_35, %add3A_36 : i32
        %dma_start3A_38 = arith.constant 0 : i32
        %dma_start3A_39 = tpu.memref_slice %arg8[%add3A_37, %dma_start3A_38] : memref<16x128xi32, #tpu.memory_space<vmem>> -> memref<1x128xi32, #tpu.memory_space<vmem>>
        %dma_start3A_40 = tpu.memref_squeeze %dma_start3A_39 : memref<1x128xi32, #tpu.memory_space<vmem>> -> memref<128xi32, #tpu.memory_space<vmem>>
        %dma_start3A_41 = arith.constant 0 : i32
        %dma_start3A_42 = arith.constant 0 : i32
        %dma_start3A_43 = tpu.memref_slice %arg2[%dma_start3A_41, %dma_start3A_42] : memref<10000x128xf32, #tpu.memory_space<hbm>> -> memref<10000x128xf32, #tpu.memory_space<hbm>>
        tpu.enqueue_indirect_dma source(%dma_start3A_43 : memref<10000x128xf32, #tpu.memory_space<hbm>>) target(%arg11 : memref<128x128xf32, #tpu.memory_space<vmem>>) offsets(%dma_start3A_40 : memref<128xi32, #tpu.memory_space<vmem>>) semaphore(%arg15 : memref<!tpu.dma_semaphore, #tpu.memory_space<semaphore_mem>>)
        %dma_wait3A = arith.constant 0 : i32
        %dma_wait3A_44 = tpu.memref_slice %arg8[%mul3A_35, %dma_wait3A] : memref<16x128xi32, #tpu.memory_space<vmem>> -> memref<1x128xi32, #tpu.memory_space<vmem>>
        %dma_wait3A_45 = tpu.memref_squeeze %dma_wait3A_44 : memref<1x128xi32, #tpu.memory_space<vmem>> -> memref<128xi32, #tpu.memory_space<vmem>>
        %dma_wait3A_46 = arith.constant 0 : i32
        %dma_wait3A_47 = arith.constant 0 : i32
        %dma_wait3A_48 = tpu.memref_slice %arg2[%dma_wait3A_46, %dma_wait3A_47] : memref<10000x128xf32, #tpu.memory_space<hbm>> -> memref<10000x128xf32, #tpu.memory_space<hbm>>
        tpu.wait_indirect_dma semaphore(%arg15 : memref<!tpu.dma_semaphore, #tpu.memory_space<semaphore_mem>>) src(%dma_wait3A_48 : memref<10000x128xf32, #tpu.memory_space<hbm>>) dst(%arg10 : memref<128x128xf32, #tpu.memory_space<vmem>>)
        "tpu.region"() ({
          %run_scoped3A = tpu.sem_alloc : memref<!tpu.dma_semaphore, #tpu.memory_space<semaphore_mem>>
          %dma_start3A_65 = arith.constant 0 : i32
          %dma_start3A_66 = tpu.memref_slice %arg9[%mul3A_35, %dma_start3A_65] : memref<16x128xi32, #tpu.memory_space<vmem>> -> memref<1x128xi32, #tpu.memory_space<vmem>>
          %dma_start3A_67 = tpu.memref_squeeze %dma_start3A_66 : memref<1x128xi32, #tpu.memory_space<vmem>> -> memref<128xi32, #tpu.memory_space<vmem>>
          %dma_start3A_68 = arith.constant 0 : i32
          %dma_start3A_69 = arith.constant 0 : i32
          %dma_start3A_70 = tpu.memref_slice %arg14[%dma_start3A_68, %dma_start3A_69] : memref<10240x128xf32, #tpu.memory_space<vmem_shared>> -> memref<10240x128xf32, #tpu.memory_space<vmem_shared>>
          tpu.enqueue_indirect_dma source(%arg10 : memref<128x128xf32, #tpu.memory_space<vmem>>) target(%dma_start3A_70 : memref<10240x128xf32, #tpu.memory_space<vmem_shared>>) offsets(%dma_start3A_67 : memref<128xi32, #tpu.memory_space<vmem>>) semaphore(%run_scoped3A : memref<!tpu.dma_semaphore, #tpu.memory_space<semaphore_mem>>) {add = true}
          %dma_wait3A_71 = arith.constant 0 : i32
          %dma_wait3A_72 = tpu.memref_slice %arg9[%mul3A_35, %dma_wait3A_71] : memref<16x128xi32, #tpu.memory_space<vmem>> -> memref<1x128xi32, #tpu.memory_space<vmem>>
          %dma_wait3A_73 = tpu.memref_squeeze %dma_wait3A_72 : memref<1x128xi32, #tpu.memory_space<vmem>> -> memref<128xi32, #tpu.memory_space<vmem>>
          %dma_wait3A_74 = arith.constant 0 : i32
          %dma_wait3A_75 = arith.constant 0 : i32
          %dma_wait3A_76 = tpu.memref_slice %arg14[%dma_wait3A_74, %dma_wait3A_75] : memref<10240x128xf32, #tpu.memory_space<vmem_shared>> -> memref<10240x128xf32, #tpu.memory_space<vmem_shared>>
          tpu.wait_indirect_dma semaphore(%run_scoped3A : memref<!tpu.dma_semaphore, #tpu.memory_space<semaphore_mem>>) src(%arg10 : memref<128x128xf32, #tpu.memory_space<vmem>>) dst(%dma_wait3A_76 : memref<10240x128xf32, #tpu.memory_space<vmem_shared>>)
          tpu.yield
        }) : () -> ()
        %add3A_49 = arith.constant 2 : i32
        %add3A_50 = arith.addi %mul3A_35, %add3A_49 : i32
        %lt3A = arith.constant 16 : i32
        %lt3A_51 = arith.cmpi slt, %add3A_50, %lt3A : i32
        %convert_element_type3A_52 = arith.extui %lt3A_51 : i1 to i32
        %cond3A_53 = arith.constant 0 : i32
        %cond3A_54 = arith.cmpi ne, %convert_element_type3A_52, %cond3A_53 : i32
        scf.if %cond3A_54 {
          %add3A_65 = arith.constant 2 : i32
          %add3A_66 = arith.addi %mul3A_35, %add3A_65 : i32
          %dma_start3A_67 = arith.constant 0 : i32
          %dma_start3A_68 = tpu.memref_slice %arg8[%add3A_66, %dma_start3A_67] : memref<16x128xi32, #tpu.memory_space<vmem>> -> memref<1x128xi32, #tpu.memory_space<vmem>>
          %dma_start3A_69 = tpu.memref_squeeze %dma_start3A_68 : memref<1x128xi32, #tpu.memory_space<vmem>> -> memref<128xi32, #tpu.memory_space<vmem>>
          %dma_start3A_70 = arith.constant 0 : i32
          %dma_start3A_71 = arith.constant 0 : i32
          %dma_start3A_72 = tpu.memref_slice %arg2[%dma_start3A_70, %dma_start3A_71] : memref<10000x128xf32, #tpu.memory_space<hbm>> -> memref<10000x128xf32, #tpu.memory_space<hbm>>
          tpu.enqueue_indirect_dma source(%dma_start3A_72 : memref<10000x128xf32, #tpu.memory_space<hbm>>) target(%arg10 : memref<128x128xf32, #tpu.memory_space<vmem>>) offsets(%dma_start3A_69 : memref<128xi32, #tpu.memory_space<vmem>>) semaphore(%arg15 : memref<!tpu.dma_semaphore, #tpu.memory_space<semaphore_mem>>)
        } else {
        }
        %add3A_55 = arith.constant 1 : i32
        %add3A_56 = arith.addi %mul3A_35, %add3A_55 : i32
        %dma_wait3A_57 = arith.constant 0 : i32
        %dma_wait3A_58 = tpu.memref_slice %arg8[%add3A_56, %dma_wait3A_57] : memref<16x128xi32, #tpu.memory_space<vmem>> -> memref<1x128xi32, #tpu.memory_space<vmem>>
        %dma_wait3A_59 = tpu.memref_squeeze %dma_wait3A_58 : memref<1x128xi32, #tpu.memory_space<vmem>> -> memref<128xi32, #tpu.memory_space<vmem>>
        %dma_wait3A_60 = arith.constant 0 : i32
        %dma_wait3A_61 = arith.constant 0 : i32
        %dma_wait3A_62 = tpu.memref_slice %arg2[%dma_wait3A_60, %dma_wait3A_61] : memref<10000x128xf32, #tpu.memory_space<hbm>> -> memref<10000x128xf32, #tpu.memory_space<hbm>>
        tpu.wait_indirect_dma semaphore(%arg15 : memref<!tpu.dma_semaphore, #tpu.memory_space<semaphore_mem>>) src(%dma_wait3A_62 : memref<10000x128xf32, #tpu.memory_space<hbm>>) dst(%arg11 : memref<128x128xf32, #tpu.memory_space<vmem>>)
        %add3A_63 = arith.constant 1 : i32
        %add3A_64 = arith.addi %mul3A_35, %add3A_63 : i32
        "tpu.region"() ({
          %run_scoped3A = tpu.sem_alloc : memref<!tpu.dma_semaphore, #tpu.memory_space<semaphore_mem>>
          %dma_start3A_65 = arith.constant 0 : i32
          %dma_start3A_66 = tpu.memref_slice %arg9[%add3A_64, %dma_start3A_65] : memref<16x128xi32, #tpu.memory_space<vmem>> -> memref<1x128xi32, #tpu.memory_space<vmem>>
          %dma_start3A_67 = tpu.memref_squeeze %dma_start3A_66 : memref<1x128xi32, #tpu.memory_space<vmem>> -> memref<128xi32, #tpu.memory_space<vmem>>
          %dma_start3A_68 = arith.constant 0 : i32
          %dma_start3A_69 = arith.constant 0 : i32
          %dma_start3A_70 = tpu.memref_slice %arg14[%dma_start3A_68, %dma_start3A_69] : memref<10240x128xf32, #tpu.memory_space<vmem_shared>> -> memref<10240x128xf32, #tpu.memory_space<vmem_shared>>
          tpu.enqueue_indirect_dma source(%arg11 : memref<128x128xf32, #tpu.memory_space<vmem>>) target(%dma_start3A_70 : memref<10240x128xf32, #tpu.memory_space<vmem_shared>>) offsets(%dma_start3A_67 : memref<128xi32, #tpu.memory_space<vmem>>) semaphore(%run_scoped3A : memref<!tpu.dma_semaphore, #tpu.memory_space<semaphore_mem>>) {add = true}
          %dma_wait3A_71 = arith.constant 0 : i32
          %dma_wait3A_72 = tpu.memref_slice %arg9[%add3A_64, %dma_wait3A_71] : memref<16x128xi32, #tpu.memory_space<vmem>> -> memref<1x128xi32, #tpu.memory_space<vmem>>
          %dma_wait3A_73 = tpu.memref_squeeze %dma_wait3A_72 : memref<1x128xi32, #tpu.memory_space<vmem>> -> memref<128xi32, #tpu.memory_space<vmem>>
          %dma_wait3A_74 = arith.constant 0 : i32
          %dma_wait3A_75 = arith.constant 0 : i32
          %dma_wait3A_76 = tpu.memref_slice %arg14[%dma_wait3A_74, %dma_wait3A_75] : memref<10240x128xf32, #tpu.memory_space<vmem_shared>> -> memref<10240x128xf32, #tpu.memory_space<vmem_shared>>
          tpu.wait_indirect_dma semaphore(%run_scoped3A : memref<!tpu.dma_semaphore, #tpu.memory_space<semaphore_mem>>) src(%arg11 : memref<128x128xf32, #tpu.memory_space<vmem>>) dst(%dma_wait3A_76 : memref<10240x128xf32, #tpu.memory_space<vmem_shared>>)
          tpu.yield
        }) : () -> ()
      }
      %scan3A_32 = arith.constant 8 : i32
    }
    %scan3A_7 = arith.constant 5 : i32
    %barrier3A_8 = arith.constant 0 : index
    tpu.barrier barrier_id(%barrier3A_8)
    %eq3A = arith.constant 0 : i32
    %eq3A_9 = arith.cmpi eq, %arg1, %eq3A : i32
    %convert_element_type3A = arith.extui %eq3A_9 : i1 to i32
    %cond3A = arith.constant 0 : i32
    %cond3A_10 = arith.cmpi ne, %convert_element_type3A, %cond3A : i32
    scf.if %cond3A_10 {
      "tpu.region"() ({
        %run_scoped3A = tpu.sem_alloc : memref<!tpu.dma_semaphore, #tpu.memory_space<semaphore_mem>>
        %dma_start3A = arith.constant 0 : i32
        %dma_start3A_16 = tpu.memref_slice %arg6[%arg0, %dma_start3A] : memref<2x32xi32, #tpu.memory_space<hbm>> -> memref<1x32xi32, #tpu.memory_space<hbm>>
        %dma_start3A_17 = tpu.memref_squeeze %dma_start3A_16 : memref<1x32xi32, #tpu.memory_space<hbm>> -> memref<32xi32, #tpu.memory_space<hbm>>
        %dma_start3A_18 = arith.constant 0 : i32
        %dma_start3A_19 = tpu.memref_slice %arg6[%arg0, %dma_start3A_18] : memref<2x32xi32, #tpu.memory_space<hbm>> -> memref<1x32xi32, #tpu.memory_space<hbm>>
        %dma_start3A_20 = tpu.memref_squeeze %dma_start3A_19 : memref<1x32xi32, #tpu.memory_space<hbm>> -> memref<32xi32, #tpu.memory_space<hbm>>
        tpu.enqueue_dma source(%dma_start3A_20 : memref<32xi32, #tpu.memory_space<hbm>>) target(%arg12 : memref<32xi32, #tpu.memory_space<vmem>>) target_semaphore(%run_scoped3A : memref<!tpu.dma_semaphore, #tpu.memory_space<semaphore_mem>>)
        %dma_wait3A = arith.constant 0 : i32
        %dma_wait3A_21 = tpu.memref_slice %arg6[%arg0, %dma_wait3A] : memref<2x32xi32, #tpu.memory_space<hbm>> -> memref<1x32xi32, #tpu.memory_space<hbm>>
        %dma_wait3A_22 = tpu.memref_squeeze %dma_wait3A_21 : memref<1x32xi32, #tpu.memory_space<hbm>> -> memref<32xi32, #tpu.memory_space<hbm>>
        %dma_wait3A_23 = arith.constant 0 : i32
        %dma_wait3A_24 = tpu.memref_slice %arg6[%arg0, %dma_wait3A_23] : memref<2x32xi32, #tpu.memory_space<hbm>> -> memref<1x32xi32, #tpu.memory_space<hbm>>
        %dma_wait3A_25 = tpu.memref_squeeze %dma_wait3A_24 : memref<1x32xi32, #tpu.memory_space<hbm>> -> memref<32xi32, #tpu.memory_space<hbm>>
        tpu.wait_dma2 semaphore(%run_scoped3A : memref<!tpu.dma_semaphore, #tpu.memory_space<semaphore_mem>>) src(%dma_wait3A_25 : memref<32xi32, #tpu.memory_space<hbm>>) dst(%arg12 : memref<32xi32, #tpu.memory_space<vmem>>)
        tpu.yield
      }) : () -> ()
      "tpu.region"() ({
        %run_scoped3A = tpu.sem_alloc : memref<!tpu.dma_semaphore, #tpu.memory_space<semaphore_mem>>
        %dma_start3A = arith.constant 10000 : i32
        %dma_start3A_16 = arith.constant 0 : i32
        %dma_start3A_17 = tpu.memref_slice %arg14[%dma_start3A, %dma_start3A_16] : memref<10240x128xf32, #tpu.memory_space<vmem_shared>> -> memref<32x128xf32, #tpu.memory_space<vmem_shared>>
        %dma_start3A_18 = arith.constant 10000 : i32
        %dma_start3A_19 = arith.constant 0 : i32
        %dma_start3A_20 = tpu.memref_slice %arg14[%dma_start3A_18, %dma_start3A_19] : memref<10240x128xf32, #tpu.memory_space<vmem_shared>> -> memref<32x128xf32, #tpu.memory_space<vmem_shared>>
        tpu.enqueue_dma source(%dma_start3A_20 : memref<32x128xf32, #tpu.memory_space<vmem_shared>>) target(%arg13 : memref<32x128xf32, #tpu.memory_space<vmem>>) target_semaphore(%run_scoped3A : memref<!tpu.dma_semaphore, #tpu.memory_space<semaphore_mem>>)
        %dma_wait3A = arith.constant 10000 : i32
        %dma_wait3A_21 = arith.constant 0 : i32
        %dma_wait3A_22 = tpu.memref_slice %arg14[%dma_wait3A, %dma_wait3A_21] : memref<10240x128xf32, #tpu.memory_space<vmem_shared>> -> memref<32x128xf32, #tpu.memory_space<vmem_shared>>
        %dma_wait3A_23 = arith.constant 10000 : i32
        %dma_wait3A_24 = arith.constant 0 : i32
        %dma_wait3A_25 = tpu.memref_slice %arg14[%dma_wait3A_23, %dma_wait3A_24] : memref<10240x128xf32, #tpu.memory_space<vmem_shared>> -> memref<32x128xf32, #tpu.memory_space<vmem_shared>>
        tpu.wait_dma2 semaphore(%run_scoped3A : memref<!tpu.dma_semaphore, #tpu.memory_space<semaphore_mem>>) src(%dma_wait3A_25 : memref<32x128xf32, #tpu.memory_space<vmem_shared>>) dst(%arg13 : memref<32x128xf32, #tpu.memory_space<vmem>>)
        tpu.yield
      }) : () -> ()
      "tpu.region"() ({
        %run_scoped3A = tpu.sem_alloc : memref<!tpu.dma_semaphore, #tpu.memory_space<semaphore_mem>>
        %dma_start3A = arith.constant 0 : i32
        %dma_start3A_16 = arith.constant 0 : i32
        %dma_start3A_17 = tpu.memref_slice %arg14[%dma_start3A, %dma_start3A_16] : memref<10240x128xf32, #tpu.memory_space<vmem_shared>> -> memref<10240x128xf32, #tpu.memory_space<vmem_shared>>
        tpu.enqueue_indirect_dma source(%arg13 : memref<32x128xf32, #tpu.memory_space<vmem>>) target(%dma_start3A_17 : memref<10240x128xf32, #tpu.memory_space<vmem_shared>>) offsets(%arg12 : memref<32xi32, #tpu.memory_space<vmem>>) semaphore(%run_scoped3A : memref<!tpu.dma_semaphore, #tpu.memory_space<semaphore_mem>>) {add = true}
        %dma_wait3A = arith.constant 0 : i32
        %dma_wait3A_18 = arith.constant 0 : i32
        %dma_wait3A_19 = tpu.memref_slice %arg14[%dma_wait3A, %dma_wait3A_18] : memref<10240x128xf32, #tpu.memory_space<vmem_shared>> -> memref<10240x128xf32, #tpu.memory_space<vmem_shared>>
        tpu.wait_indirect_dma semaphore(%run_scoped3A : memref<!tpu.dma_semaphore, #tpu.memory_space<semaphore_mem>>) src(%arg13 : memref<32x128xf32, #tpu.memory_space<vmem>>) dst(%dma_wait3A_19 : memref<10240x128xf32, #tpu.memory_space<vmem_shared>>)
        tpu.yield
      }) : () -> ()
    } else {
    }
    %barrier3A_11 = arith.constant 0 : index
    tpu.barrier barrier_id(%barrier3A_11)
    %mul3A_12 = arith.constant 640 : i32
    %mul3A_13 = arith.muli %arg1, %mul3A_12 : i32
    %mul3A_14 = arith.constant 640 : i32
    %mul3A_15 = arith.muli %arg1, %mul3A_14 : i32
    "tpu.region"() ({
      %run_scoped3A = tpu.sem_alloc : memref<!tpu.dma_semaphore, #tpu.memory_space<semaphore_mem>>
      %dma_start3A = arith.constant 0 : i32
      %dma_start3A_16 = tpu.memref_slice %arg7[%arg0, %mul3A_15, %dma_start3A] : memref<2x10240x128xf32, #tpu.memory_space<hbm>> -> memref<1x640x128xf32, #tpu.memory_space<hbm>>
      %dma_start3A_17 = tpu.memref_squeeze %dma_start3A_16 : memref<1x640x128xf32, #tpu.memory_space<hbm>> -> memref<640x128xf32, #tpu.memory_space<hbm>>
      %dma_start3A_18 = arith.constant 0 : i32
      %dma_start3A_19 = tpu.memref_slice %arg14[%mul3A_13, %dma_start3A_18] : memref<10240x128xf32, #tpu.memory_space<vmem_shared>> -> memref<640x128xf32, #tpu.memory_space<vmem_shared>>
      tpu.enqueue_dma source(%dma_start3A_19 : memref<640x128xf32, #tpu.memory_space<vmem_shared>>) target(%dma_start3A_17 : memref<640x128xf32, #tpu.memory_space<hbm>>) target_semaphore(%run_scoped3A : memref<!tpu.dma_semaphore, #tpu.memory_space<semaphore_mem>>)
      %dma_wait3A = arith.constant 0 : i32
      %dma_wait3A_20 = tpu.memref_slice %arg7[%arg0, %mul3A_15, %dma_wait3A] : memref<2x10240x128xf32, #tpu.memory_space<hbm>> -> memref<1x640x128xf32, #tpu.memory_space<hbm>>
      %dma_wait3A_21 = tpu.memref_squeeze %dma_wait3A_20 : memref<1x640x128xf32, #tpu.memory_space<hbm>> -> memref<640x128xf32, #tpu.memory_space<hbm>>
      %dma_wait3A_22 = arith.constant 0 : i32
      %dma_wait3A_23 = tpu.memref_slice %arg14[%mul3A_13, %dma_wait3A_22] : memref<10240x128xf32, #tpu.memory_space<vmem_shared>> -> memref<640x128xf32, #tpu.memory_space<vmem_shared>>
      tpu.wait_dma2 semaphore(%run_scoped3A : memref<!tpu.dma_semaphore, #tpu.memory_space<semaphore_mem>>) src(%dma_wait3A_23 : memref<640x128xf32, #tpu.memory_space<vmem_shared>>) dst(%dma_wait3A_21 : memref<640x128xf32, #tpu.memory_space<hbm>>)
      tpu.yield
    }) : () -> ()
    return
  }
}

#map = affine_map<(d0, d1) -> (0, 0)>
#map1 = affine_map<(d0, d1) -> (0, 0, 0)>
module attributes {stable_mosaic.version = 14 : i64} {
  func.func @_sc_agg_body(%arg0: i32, %arg1: i32, %arg2: memref<10000x128xf32, #tpu.memory_space<hbm>>, %arg3: memref<2560x128xi32, #tpu.memory_space<hbm>>, %arg4: memref<2560x128xi32, #tpu.memory_space<hbm>>, %arg5: memref<640x128xf32, #tpu.memory_space<hbm>>, %arg6: memref<2x32xi32, #tpu.memory_space<hbm>>, %arg7: memref<2x10240x128xf32, #tpu.memory_space<hbm>>, %arg8: memref<16x128xi32, #tpu.memory_space<vmem>>, %arg9: memref<16x128xi32, #tpu.memory_space<vmem>>, %arg10: memref<128x128xf32, #tpu.memory_space<vmem>>, %arg11: memref<128x128xf32, #tpu.memory_space<vmem>>, %arg12: memref<32xi32, #tpu.memory_space<vmem>>, %arg13: memref<32x128xf32, #tpu.memory_space<vmem>>, %arg14: memref<10240x128xf32, #tpu.memory_space<vmem_shared>>, %arg15: memref<!tpu.dma_semaphore, #tpu.memory_space<semaphore_mem>>) attributes {dimension_semantics = [#tpu.dimension_semantics<core_parallel>, #tpu.dimension_semantics<subcore_parallel>], iteration_bounds = array<i64: 2, 16>, scalar_prefetch = 0 : i64, scratch_operands = 8 : i64, tpu.core_type = #tpu.core_type<sc_vector_subcore>, window_params = [{transform_indices = #map}, {transform_indices = #map}, {transform_indices = #map}, {transform_indices = #map}, {transform_indices = #map}, {transform_indices = #map1}]} {
    %mul3A = arith.constant 16 : i32
    %mul3A_0 = arith.muli %arg0, %mul3A : i32
    %add3A = arith.addi %mul3A_0, %arg1 : i32
    %mul3A_1 = arith.constant 640 : i32
    %mul3A_2 = arith.muli %arg1, %mul3A_1 : i32
    "tpu.region"() ({
      %run_scoped3A = tpu.sem_alloc : memref<!tpu.dma_semaphore, #tpu.memory_space<semaphore_mem>>
      %dma_start3A = arith.constant 0 : i32
      %dma_start3A_16 = tpu.memref_slice %arg14[%mul3A_2, %dma_start3A] : memref<10240x128xf32, #tpu.memory_space<vmem_shared>> -> memref<640x128xf32, #tpu.memory_space<vmem_shared>>
      tpu.enqueue_dma source(%arg5 : memref<640x128xf32, #tpu.memory_space<hbm>>) target(%dma_start3A_16 : memref<640x128xf32, #tpu.memory_space<vmem_shared>>) target_semaphore(%run_scoped3A : memref<!tpu.dma_semaphore, #tpu.memory_space<semaphore_mem>>)
      %dma_wait3A = arith.constant 0 : i32
      %dma_wait3A_17 = tpu.memref_slice %arg14[%mul3A_2, %dma_wait3A] : memref<10240x128xf32, #tpu.memory_space<vmem_shared>> -> memref<640x128xf32, #tpu.memory_space<vmem_shared>>
      tpu.wait_dma2 semaphore(%run_scoped3A : memref<!tpu.dma_semaphore, #tpu.memory_space<semaphore_mem>>) src(%arg5 : memref<640x128xf32, #tpu.memory_space<hbm>>) dst(%dma_wait3A_17 : memref<640x128xf32, #tpu.memory_space<vmem_shared>>)
      tpu.yield
    }) : () -> ()
    %barrier3A = arith.constant 0 : index
    tpu.barrier barrier_id(%barrier3A)
    %scan3A = arith.constant 0 : i32
    %scan3A_3 = arith.constant 0 : i32
    %scan3A_4 = arith.constant 5 : i32
    %scan3A_5 = arith.addi %scan3A_3, %scan3A_4 : i32
    %scan3A_6 = arith.constant 1 : i32
    scf.for %scan3A_16 = %scan3A_3 to %scan3A_5 step %scan3A_6  : i32 {
      %mul3A_17 = arith.constant 80 : i32
      %mul3A_18 = arith.muli %add3A, %mul3A_17 : i32
      %mul3A_19 = arith.constant 16 : i32
      %mul3A_20 = arith.muli %scan3A_16, %mul3A_19 : i32
      %add3A_21 = arith.addi %mul3A_18, %mul3A_20 : i32
      "tpu.region"() ({
        %run_scoped3A = tpu.sem_alloc : memref<!tpu.dma_semaphore, #tpu.memory_space<semaphore_mem>>
        %dma_start3A_33 = arith.constant 0 : i32
        %dma_start3A_34 = tpu.memref_slice %arg3[%add3A_21, %dma_start3A_33] : memref<2560x128xi32, #tpu.memory_space<hbm>> -> memref<16x128xi32, #tpu.memory_space<hbm>>
        %dma_start3A_35 = arith.constant 0 : i32
        %dma_start3A_36 = tpu.memref_slice %arg3[%add3A_21, %dma_start3A_35] : memref<2560x128xi32, #tpu.memory_space<hbm>> -> memref<16x128xi32, #tpu.memory_space<hbm>>
        tpu.enqueue_dma source(%dma_start3A_36 : memref<16x128xi32, #tpu.memory_space<hbm>>) target(%arg8 : memref<16x128xi32, #tpu.memory_space<vmem>>) target_semaphore(%run_scoped3A : memref<!tpu.dma_semaphore, #tpu.memory_space<semaphore_mem>>)
        %dma_wait3A = arith.constant 0 : i32
        %dma_wait3A_37 = tpu.memref_slice %arg3[%add3A_21, %dma_wait3A] : memref<2560x128xi32, #tpu.memory_space<hbm>> -> memref<16x128xi32, #tpu.memory_space<hbm>>
        %dma_wait3A_38 = arith.constant 0 : i32
        %dma_wait3A_39 = tpu.memref_slice %arg3[%add3A_21, %dma_wait3A_38] : memref<2560x128xi32, #tpu.memory_space<hbm>> -> memref<16x128xi32, #tpu.memory_space<hbm>>
        tpu.wait_dma2 semaphore(%run_scoped3A : memref<!tpu.dma_semaphore, #tpu.memory_space<semaphore_mem>>) src(%dma_wait3A_39 : memref<16x128xi32, #tpu.memory_space<hbm>>) dst(%arg8 : memref<16x128xi32, #tpu.memory_space<vmem>>)
        tpu.yield
      }) : () -> ()
      "tpu.region"() ({
        %run_scoped3A = tpu.sem_alloc : memref<!tpu.dma_semaphore, #tpu.memory_space<semaphore_mem>>
        %dma_start3A_33 = arith.constant 0 : i32
        %dma_start3A_34 = tpu.memref_slice %arg4[%add3A_21, %dma_start3A_33] : memref<2560x128xi32, #tpu.memory_space<hbm>> -> memref<16x128xi32, #tpu.memory_space<hbm>>
        %dma_start3A_35 = arith.constant 0 : i32
        %dma_start3A_36 = tpu.memref_slice %arg4[%add3A_21, %dma_start3A_35] : memref<2560x128xi32, #tpu.memory_space<hbm>> -> memref<16x128xi32, #tpu.memory_space<hbm>>
        tpu.enqueue_dma source(%dma_start3A_36 : memref<16x128xi32, #tpu.memory_space<hbm>>) target(%arg9 : memref<16x128xi32, #tpu.memory_space<vmem>>) target_semaphore(%run_scoped3A : memref<!tpu.dma_semaphore, #tpu.memory_space<semaphore_mem>>)
        %dma_wait3A = arith.constant 0 : i32
        %dma_wait3A_37 = tpu.memref_slice %arg4[%add3A_21, %dma_wait3A] : memref<2560x128xi32, #tpu.memory_space<hbm>> -> memref<16x128xi32, #tpu.memory_space<hbm>>
        %dma_wait3A_38 = arith.constant 0 : i32
        %dma_wait3A_39 = tpu.memref_slice %arg4[%add3A_21, %dma_wait3A_38] : memref<2560x128xi32, #tpu.memory_space<hbm>> -> memref<16x128xi32, #tpu.memory_space<hbm>>
        tpu.wait_dma2 semaphore(%run_scoped3A : memref<!tpu.dma_semaphore, #tpu.memory_space<semaphore_mem>>) src(%dma_wait3A_39 : memref<16x128xi32, #tpu.memory_space<hbm>>) dst(%arg9 : memref<16x128xi32, #tpu.memory_space<vmem>>)
        tpu.yield
      }) : () -> ()
      %dma_start3A = arith.constant 0 : i32
      %dma_start3A_22 = arith.constant 0 : i32
      %dma_start3A_23 = tpu.memref_slice %arg8[%dma_start3A, %dma_start3A_22] : memref<16x128xi32, #tpu.memory_space<vmem>> -> memref<1x128xi32, #tpu.memory_space<vmem>>
      %dma_start3A_24 = tpu.memref_squeeze %dma_start3A_23 : memref<1x128xi32, #tpu.memory_space<vmem>> -> memref<128xi32, #tpu.memory_space<vmem>>
      %dma_start3A_25 = arith.constant 0 : i32
      %dma_start3A_26 = arith.constant 0 : i32
      %dma_start3A_27 = tpu.memref_slice %arg2[%dma_start3A_25, %dma_start3A_26] : memref<10000x128xf32, #tpu.memory_space<hbm>> -> memref<10000x128xf32, #tpu.memory_space<hbm>>
      tpu.enqueue_indirect_dma source(%dma_start3A_27 : memref<10000x128xf32, #tpu.memory_space<hbm>>) target(%arg10 : memref<128x128xf32, #tpu.memory_space<vmem>>) offsets(%dma_start3A_24 : memref<128xi32, #tpu.memory_space<vmem>>) semaphore(%arg15 : memref<!tpu.dma_semaphore, #tpu.memory_space<semaphore_mem>>)
      %scan3A_28 = arith.constant 0 : i32
      %scan3A_29 = arith.constant 8 : i32
      %scan3A_30 = arith.addi %scan3A_28, %scan3A_29 : i32
      %scan3A_31 = arith.constant 1 : i32
      scf.for %scan3A_33 = %scan3A_28 to %scan3A_30 step %scan3A_31  : i32 {
        %mul3A_34 = arith.constant 2 : i32
        %mul3A_35 = arith.muli %mul3A_34, %scan3A_33 : i32
        %add3A_36 = arith.constant 1 : i32
        %add3A_37 = arith.addi %mul3A_35, %add3A_36 : i32
        %dma_start3A_38 = arith.constant 0 : i32
        %dma_start3A_39 = tpu.memref_slice %arg8[%add3A_37, %dma_start3A_38] : memref<16x128xi32, #tpu.memory_space<vmem>> -> memref<1x128xi32, #tpu.memory_space<vmem>>
        %dma_start3A_40 = tpu.memref_squeeze %dma_start3A_39 : memref<1x128xi32, #tpu.memory_space<vmem>> -> memref<128xi32, #tpu.memory_space<vmem>>
        %dma_start3A_41 = arith.constant 0 : i32
        %dma_start3A_42 = arith.constant 0 : i32
        %dma_start3A_43 = tpu.memref_slice %arg2[%dma_start3A_41, %dma_start3A_42] : memref<10000x128xf32, #tpu.memory_space<hbm>> -> memref<10000x128xf32, #tpu.memory_space<hbm>>
        tpu.enqueue_indirect_dma source(%dma_start3A_43 : memref<10000x128xf32, #tpu.memory_space<hbm>>) target(%arg11 : memref<128x128xf32, #tpu.memory_space<vmem>>) offsets(%dma_start3A_40 : memref<128xi32, #tpu.memory_space<vmem>>) semaphore(%arg15 : memref<!tpu.dma_semaphore, #tpu.memory_space<semaphore_mem>>)
        %dma_wait3A = arith.constant 0 : i32
        %dma_wait3A_44 = tpu.memref_slice %arg8[%mul3A_35, %dma_wait3A] : memref<16x128xi32, #tpu.memory_space<vmem>> -> memref<1x128xi32, #tpu.memory_space<vmem>>
        %dma_wait3A_45 = tpu.memref_squeeze %dma_wait3A_44 : memref<1x128xi32, #tpu.memory_space<vmem>> -> memref<128xi32, #tpu.memory_space<vmem>>
        %dma_wait3A_46 = arith.constant 0 : i32
        %dma_wait3A_47 = arith.constant 0 : i32
        %dma_wait3A_48 = tpu.memref_slice %arg2[%dma_wait3A_46, %dma_wait3A_47] : memref<10000x128xf32, #tpu.memory_space<hbm>> -> memref<10000x128xf32, #tpu.memory_space<hbm>>
        tpu.wait_indirect_dma semaphore(%arg15 : memref<!tpu.dma_semaphore, #tpu.memory_space<semaphore_mem>>) src(%dma_wait3A_48 : memref<10000x128xf32, #tpu.memory_space<hbm>>) dst(%arg10 : memref<128x128xf32, #tpu.memory_space<vmem>>)
        "tpu.region"() ({
          %run_scoped3A = tpu.sem_alloc : memref<!tpu.dma_semaphore, #tpu.memory_space<semaphore_mem>>
          %dma_start3A_65 = arith.constant 0 : i32
          %dma_start3A_66 = tpu.memref_slice %arg9[%mul3A_35, %dma_start3A_65] : memref<16x128xi32, #tpu.memory_space<vmem>> -> memref<1x128xi32, #tpu.memory_space<vmem>>
          %dma_start3A_67 = tpu.memref_squeeze %dma_start3A_66 : memref<1x128xi32, #tpu.memory_space<vmem>> -> memref<128xi32, #tpu.memory_space<vmem>>
          %dma_start3A_68 = arith.constant 0 : i32
          %dma_start3A_69 = arith.constant 0 : i32
          %dma_start3A_70 = tpu.memref_slice %arg14[%dma_start3A_68, %dma_start3A_69] : memref<10240x128xf32, #tpu.memory_space<vmem_shared>> -> memref<10240x128xf32, #tpu.memory_space<vmem_shared>>
          tpu.enqueue_indirect_dma source(%arg10 : memref<128x128xf32, #tpu.memory_space<vmem>>) target(%dma_start3A_70 : memref<10240x128xf32, #tpu.memory_space<vmem_shared>>) offsets(%dma_start3A_67 : memref<128xi32, #tpu.memory_space<vmem>>) semaphore(%run_scoped3A : memref<!tpu.dma_semaphore, #tpu.memory_space<semaphore_mem>>) {add = true}
          %dma_wait3A_71 = arith.constant 0 : i32
          %dma_wait3A_72 = tpu.memref_slice %arg9[%mul3A_35, %dma_wait3A_71] : memref<16x128xi32, #tpu.memory_space<vmem>> -> memref<1x128xi32, #tpu.memory_space<vmem>>
          %dma_wait3A_73 = tpu.memref_squeeze %dma_wait3A_72 : memref<1x128xi32, #tpu.memory_space<vmem>> -> memref<128xi32, #tpu.memory_space<vmem>>
          %dma_wait3A_74 = arith.constant 0 : i32
          %dma_wait3A_75 = arith.constant 0 : i32
          %dma_wait3A_76 = tpu.memref_slice %arg14[%dma_wait3A_74, %dma_wait3A_75] : memref<10240x128xf32, #tpu.memory_space<vmem_shared>> -> memref<10240x128xf32, #tpu.memory_space<vmem_shared>>
          tpu.wait_indirect_dma semaphore(%run_scoped3A : memref<!tpu.dma_semaphore, #tpu.memory_space<semaphore_mem>>) src(%arg10 : memref<128x128xf32, #tpu.memory_space<vmem>>) dst(%dma_wait3A_76 : memref<10240x128xf32, #tpu.memory_space<vmem_shared>>)
          tpu.yield
        }) : () -> ()
        %add3A_49 = arith.constant 2 : i32
        %add3A_50 = arith.addi %mul3A_35, %add3A_49 : i32
        %lt3A = arith.constant 16 : i32
        %lt3A_51 = arith.cmpi slt, %add3A_50, %lt3A : i32
        %convert_element_type3A_52 = arith.extui %lt3A_51 : i1 to i32
        %cond3A_53 = arith.constant 0 : i32
        %cond3A_54 = arith.cmpi ne, %convert_element_type3A_52, %cond3A_53 : i32
        scf.if %cond3A_54 {
          %add3A_65 = arith.constant 2 : i32
          %add3A_66 = arith.addi %mul3A_35, %add3A_65 : i32
          %dma_start3A_67 = arith.constant 0 : i32
          %dma_start3A_68 = tpu.memref_slice %arg8[%add3A_66, %dma_start3A_67] : memref<16x128xi32, #tpu.memory_space<vmem>> -> memref<1x128xi32, #tpu.memory_space<vmem>>
          %dma_start3A_69 = tpu.memref_squeeze %dma_start3A_68 : memref<1x128xi32, #tpu.memory_space<vmem>> -> memref<128xi32, #tpu.memory_space<vmem>>
          %dma_start3A_70 = arith.constant 0 : i32
          %dma_start3A_71 = arith.constant 0 : i32
          %dma_start3A_72 = tpu.memref_slice %arg2[%dma_start3A_70, %dma_start3A_71] : memref<10000x128xf32, #tpu.memory_space<hbm>> -> memref<10000x128xf32, #tpu.memory_space<hbm>>
          tpu.enqueue_indirect_dma source(%dma_start3A_72 : memref<10000x128xf32, #tpu.memory_space<hbm>>) target(%arg10 : memref<128x128xf32, #tpu.memory_space<vmem>>) offsets(%dma_start3A_69 : memref<128xi32, #tpu.memory_space<vmem>>) semaphore(%arg15 : memref<!tpu.dma_semaphore, #tpu.memory_space<semaphore_mem>>)
        } else {
        }
        %add3A_55 = arith.constant 1 : i32
        %add3A_56 = arith.addi %mul3A_35, %add3A_55 : i32
        %dma_wait3A_57 = arith.constant 0 : i32
        %dma_wait3A_58 = tpu.memref_slice %arg8[%add3A_56, %dma_wait3A_57] : memref<16x128xi32, #tpu.memory_space<vmem>> -> memref<1x128xi32, #tpu.memory_space<vmem>>
        %dma_wait3A_59 = tpu.memref_squeeze %dma_wait3A_58 : memref<1x128xi32, #tpu.memory_space<vmem>> -> memref<128xi32, #tpu.memory_space<vmem>>
        %dma_wait3A_60 = arith.constant 0 : i32
        %dma_wait3A_61 = arith.constant 0 : i32
        %dma_wait3A_62 = tpu.memref_slice %arg2[%dma_wait3A_60, %dma_wait3A_61] : memref<10000x128xf32, #tpu.memory_space<hbm>> -> memref<10000x128xf32, #tpu.memory_space<hbm>>
        tpu.wait_indirect_dma semaphore(%arg15 : memref<!tpu.dma_semaphore, #tpu.memory_space<semaphore_mem>>) src(%dma_wait3A_62 : memref<10000x128xf32, #tpu.memory_space<hbm>>) dst(%arg11 : memref<128x128xf32, #tpu.memory_space<vmem>>)
        %add3A_63 = arith.constant 1 : i32
        %add3A_64 = arith.addi %mul3A_35, %add3A_63 : i32
        "tpu.region"() ({
          %run_scoped3A = tpu.sem_alloc : memref<!tpu.dma_semaphore, #tpu.memory_space<semaphore_mem>>
          %dma_start3A_65 = arith.constant 0 : i32
          %dma_start3A_66 = tpu.memref_slice %arg9[%add3A_64, %dma_start3A_65] : memref<16x128xi32, #tpu.memory_space<vmem>> -> memref<1x128xi32, #tpu.memory_space<vmem>>
          %dma_start3A_67 = tpu.memref_squeeze %dma_start3A_66 : memref<1x128xi32, #tpu.memory_space<vmem>> -> memref<128xi32, #tpu.memory_space<vmem>>
          %dma_start3A_68 = arith.constant 0 : i32
          %dma_start3A_69 = arith.constant 0 : i32
          %dma_start3A_70 = tpu.memref_slice %arg14[%dma_start3A_68, %dma_start3A_69] : memref<10240x128xf32, #tpu.memory_space<vmem_shared>> -> memref<10240x128xf32, #tpu.memory_space<vmem_shared>>
          tpu.enqueue_indirect_dma source(%arg11 : memref<128x128xf32, #tpu.memory_space<vmem>>) target(%dma_start3A_70 : memref<10240x128xf32, #tpu.memory_space<vmem_shared>>) offsets(%dma_start3A_67 : memref<128xi32, #tpu.memory_space<vmem>>) semaphore(%run_scoped3A : memref<!tpu.dma_semaphore, #tpu.memory_space<semaphore_mem>>) {add = true}
          %dma_wait3A_71 = arith.constant 0 : i32
          %dma_wait3A_72 = tpu.memref_slice %arg9[%add3A_64, %dma_wait3A_71] : memref<16x128xi32, #tpu.memory_space<vmem>> -> memref<1x128xi32, #tpu.memory_space<vmem>>
          %dma_wait3A_73 = tpu.memref_squeeze %dma_wait3A_72 : memref<1x128xi32, #tpu.memory_space<vmem>> -> memref<128xi32, #tpu.memory_space<vmem>>
          %dma_wait3A_74 = arith.constant 0 : i32
          %dma_wait3A_75 = arith.constant 0 : i32
          %dma_wait3A_76 = tpu.memref_slice %arg14[%dma_wait3A_74, %dma_wait3A_75] : memref<10240x128xf32, #tpu.memory_space<vmem_shared>> -> memref<10240x128xf32, #tpu.memory_space<vmem_shared>>
          tpu.wait_indirect_dma semaphore(%run_scoped3A : memref<!tpu.dma_semaphore, #tpu.memory_space<semaphore_mem>>) src(%arg11 : memref<128x128xf32, #tpu.memory_space<vmem>>) dst(%dma_wait3A_76 : memref<10240x128xf32, #tpu.memory_space<vmem_shared>>)
          tpu.yield
        }) : () -> ()
      }
      %scan3A_32 = arith.constant 8 : i32
    }
    %scan3A_7 = arith.constant 5 : i32
    %barrier3A_8 = arith.constant 0 : index
    tpu.barrier barrier_id(%barrier3A_8)
    %eq3A = arith.constant 0 : i32
    %eq3A_9 = arith.cmpi eq, %arg1, %eq3A : i32
    %convert_element_type3A = arith.extui %eq3A_9 : i1 to i32
    %cond3A = arith.constant 0 : i32
    %cond3A_10 = arith.cmpi ne, %convert_element_type3A, %cond3A : i32
    scf.if %cond3A_10 {
      "tpu.region"() ({
        %run_scoped3A = tpu.sem_alloc : memref<!tpu.dma_semaphore, #tpu.memory_space<semaphore_mem>>
        %dma_start3A = arith.constant 0 : i32
        %dma_start3A_16 = tpu.memref_slice %arg6[%arg0, %dma_start3A] : memref<2x32xi32, #tpu.memory_space<hbm>> -> memref<1x32xi32, #tpu.memory_space<hbm>>
        %dma_start3A_17 = tpu.memref_squeeze %dma_start3A_16 : memref<1x32xi32, #tpu.memory_space<hbm>> -> memref<32xi32, #tpu.memory_space<hbm>>
        %dma_start3A_18 = arith.constant 0 : i32
        %dma_start3A_19 = tpu.memref_slice %arg6[%arg0, %dma_start3A_18] : memref<2x32xi32, #tpu.memory_space<hbm>> -> memref<1x32xi32, #tpu.memory_space<hbm>>
        %dma_start3A_20 = tpu.memref_squeeze %dma_start3A_19 : memref<1x32xi32, #tpu.memory_space<hbm>> -> memref<32xi32, #tpu.memory_space<hbm>>
        tpu.enqueue_dma source(%dma_start3A_20 : memref<32xi32, #tpu.memory_space<hbm>>) target(%arg12 : memref<32xi32, #tpu.memory_space<vmem>>) target_semaphore(%run_scoped3A : memref<!tpu.dma_semaphore, #tpu.memory_space<semaphore_mem>>)
        %dma_wait3A = arith.constant 0 : i32
        %dma_wait3A_21 = tpu.memref_slice %arg6[%arg0, %dma_wait3A] : memref<2x32xi32, #tpu.memory_space<hbm>> -> memref<1x32xi32, #tpu.memory_space<hbm>>
        %dma_wait3A_22 = tpu.memref_squeeze %dma_wait3A_21 : memref<1x32xi32, #tpu.memory_space<hbm>> -> memref<32xi32, #tpu.memory_space<hbm>>
        %dma_wait3A_23 = arith.constant 0 : i32
        %dma_wait3A_24 = tpu.memref_slice %arg6[%arg0, %dma_wait3A_23] : memref<2x32xi32, #tpu.memory_space<hbm>> -> memref<1x32xi32, #tpu.memory_space<hbm>>
        %dma_wait3A_25 = tpu.memref_squeeze %dma_wait3A_24 : memref<1x32xi32, #tpu.memory_space<hbm>> -> memref<32xi32, #tpu.memory_space<hbm>>
        tpu.wait_dma2 semaphore(%run_scoped3A : memref<!tpu.dma_semaphore, #tpu.memory_space<semaphore_mem>>) src(%dma_wait3A_25 : memref<32xi32, #tpu.memory_space<hbm>>) dst(%arg12 : memref<32xi32, #tpu.memory_space<vmem>>)
        tpu.yield
      }) : () -> ()
      "tpu.region"() ({
        %run_scoped3A = tpu.sem_alloc : memref<!tpu.dma_semaphore, #tpu.memory_space<semaphore_mem>>
        %dma_start3A = arith.constant 10000 : i32
        %dma_start3A_16 = arith.constant 0 : i32
        %dma_start3A_17 = tpu.memref_slice %arg14[%dma_start3A, %dma_start3A_16] : memref<10240x128xf32, #tpu.memory_space<vmem_shared>> -> memref<32x128xf32, #tpu.memory_space<vmem_shared>>
        %dma_start3A_18 = arith.constant 10000 : i32
        %dma_start3A_19 = arith.constant 0 : i32
        %dma_start3A_20 = tpu.memref_slice %arg14[%dma_start3A_18, %dma_start3A_19] : memref<10240x128xf32, #tpu.memory_space<vmem_shared>> -> memref<32x128xf32, #tpu.memory_space<vmem_shared>>
        tpu.enqueue_dma source(%dma_start3A_20 : memref<32x128xf32, #tpu.memory_space<vmem_shared>>) target(%arg13 : memref<32x128xf32, #tpu.memory_space<vmem>>) target_semaphore(%run_scoped3A : memref<!tpu.dma_semaphore, #tpu.memory_space<semaphore_mem>>)
        %dma_wait3A = arith.constant 10000 : i32
        %dma_wait3A_21 = arith.constant 0 : i32
        %dma_wait3A_22 = tpu.memref_slice %arg14[%dma_wait3A, %dma_wait3A_21] : memref<10240x128xf32, #tpu.memory_space<vmem_shared>> -> memref<32x128xf32, #tpu.memory_space<vmem_shared>>
        %dma_wait3A_23 = arith.constant 10000 : i32
        %dma_wait3A_24 = arith.constant 0 : i32
        %dma_wait3A_25 = tpu.memref_slice %arg14[%dma_wait3A_23, %dma_wait3A_24] : memref<10240x128xf32, #tpu.memory_space<vmem_shared>> -> memref<32x128xf32, #tpu.memory_space<vmem_shared>>
        tpu.wait_dma2 semaphore(%run_scoped3A : memref<!tpu.dma_semaphore, #tpu.memory_space<semaphore_mem>>) src(%dma_wait3A_25 : memref<32x128xf32, #tpu.memory_space<vmem_shared>>) dst(%arg13 : memref<32x128xf32, #tpu.memory_space<vmem>>)
        tpu.yield
      }) : () -> ()
      "tpu.region"() ({
        %run_scoped3A = tpu.sem_alloc : memref<!tpu.dma_semaphore, #tpu.memory_space<semaphore_mem>>
        %dma_start3A = arith.constant 0 : i32
        %dma_start3A_16 = arith.constant 0 : i32
        %dma_start3A_17 = tpu.memref_slice %arg14[%dma_start3A, %dma_start3A_16] : memref<10240x128xf32, #tpu.memory_space<vmem_shared>> -> memref<10240x128xf32, #tpu.memory_space<vmem_shared>>
        tpu.enqueue_indirect_dma source(%arg13 : memref<32x128xf32, #tpu.memory_space<vmem>>) target(%dma_start3A_17 : memref<10240x128xf32, #tpu.memory_space<vmem_shared>>) offsets(%arg12 : memref<32xi32, #tpu.memory_space<vmem>>) semaphore(%run_scoped3A : memref<!tpu.dma_semaphore, #tpu.memory_space<semaphore_mem>>) {add = true}
        %dma_wait3A = arith.constant 0 : i32
        %dma_wait3A_18 = arith.constant 0 : i32
        %dma_wait3A_19 = tpu.memref_slice %arg14[%dma_wait3A, %dma_wait3A_18] : memref<10240x128xf32, #tpu.memory_space<vmem_shared>> -> memref<10240x128xf32, #tpu.memory_space<vmem_shared>>
        tpu.wait_indirect_dma semaphore(%run_scoped3A : memref<!tpu.dma_semaphore, #tpu.memory_space<semaphore_mem>>) src(%arg13 : memref<32x128xf32, #tpu.memory_space<vmem>>) dst(%dma_wait3A_19 : memref<10240x128xf32, #tpu.memory_space<vmem_shared>>)
        tpu.yield
      }) : () -> ()
    } else {
    }
    %barrier3A_11 = arith.constant 0 : index
    tpu.barrier barrier_id(%barrier3A_11)
    %mul3A_12 = arith.constant 640 : i32
    %mul3A_13 = arith.muli %arg1, %mul3A_12 : i32
    %mul3A_14 = arith.constant 640 : i32
    %mul3A_15 = arith.muli %arg1, %mul3A_14 : i32
    "tpu.region"() ({
      %run_scoped3A = tpu.sem_alloc : memref<!tpu.dma_semaphore, #tpu.memory_space<semaphore_mem>>
      %dma_start3A = arith.constant 0 : i32
      %dma_start3A_16 = tpu.memref_slice %arg7[%arg0, %mul3A_15, %dma_start3A] : memref<2x10240x128xf32, #tpu.memory_space<hbm>> -> memref<1x640x128xf32, #tpu.memory_space<hbm>>
      %dma_start3A_17 = tpu.memref_squeeze %dma_start3A_16 : memref<1x640x128xf32, #tpu.memory_space<hbm>> -> memref<640x128xf32, #tpu.memory_space<hbm>>
      %dma_start3A_18 = arith.constant 0 : i32
      %dma_start3A_19 = tpu.memref_slice %arg14[%mul3A_13, %dma_start3A_18] : memref<10240x128xf32, #tpu.memory_space<vmem_shared>> -> memref<640x128xf32, #tpu.memory_space<vmem_shared>>
      tpu.enqueue_dma source(%dma_start3A_19 : memref<640x128xf32, #tpu.memory_space<vmem_shared>>) target(%dma_start3A_17 : memref<640x128xf32, #tpu.memory_space<hbm>>) target_semaphore(%run_scoped3A : memref<!tpu.dma_semaphore, #tpu.memory_space<semaphore_mem>>)
      %dma_wait3A = arith.constant 0 : i32
      %dma_wait3A_20 = tpu.memref_slice %arg7[%arg0, %mul3A_15, %dma_wait3A] : memref<2x10240x128xf32, #tpu.memory_space<hbm>> -> memref<1x640x128xf32, #tpu.memory_space<hbm>>
      %dma_wait3A_21 = tpu.memref_squeeze %dma_wait3A_20 : memref<1x640x128xf32, #tpu.memory_space<hbm>> -> memref<640x128xf32, #tpu.memory_space<hbm>>
      %dma_wait3A_22 = arith.constant 0 : i32
      %dma_wait3A_23 = tpu.memref_slice %arg14[%mul3A_13, %dma_wait3A_22] : memref<10240x128xf32, #tpu.memory_space<vmem_shared>> -> memref<640x128xf32, #tpu.memory_space<vmem_shared>>
      tpu.wait_dma2 semaphore(%run_scoped3A : memref<!tpu.dma_semaphore, #tpu.memory_space<semaphore_mem>>) src(%dma_wait3A_23 : memref<640x128xf32, #tpu.memory_space<vmem_shared>>) dst(%dma_wait3A_21 : memref<640x128xf32, #tpu.memory_space<hbm>>)
      tpu.yield
    }) : () -> ()
    return
  }
}

module attributes {stable_mosaic.version = 14 : i64} {
  func.func @_mlp_body(%arg0: memref<10000x128xf32, #tpu.memory_space<vmem>>, %arg1: memref<2x10240x128xf32, #tpu.memory_space<vmem>>, %arg2: memref<1x1xf32, #tpu.memory_space<vmem>>, %arg3: memref<128x128xf32, #tpu.memory_space<vmem>>, %arg4: memref<1x128xf32, #tpu.memory_space<vmem>>, %arg5: memref<1x128xf32, #tpu.memory_space<vmem>>, %arg6: memref<1x128xf32, #tpu.memory_space<vmem>>, %arg7: memref<128x128xf32, #tpu.memory_space<vmem>>, %arg8: memref<1x128xf32, #tpu.memory_space<vmem>>, %arg9: memref<1x128xf32, #tpu.memory_space<vmem>>, %arg10: memref<1x128xf32, #tpu.memory_space<vmem>>, %arg11: memref<10000x128xf32, #tpu.memory_space<vmem>>, %arg12: memref<10000x128xf32, #tpu.memory_space<vmem>>, %arg13: memref<10000x128xf32, #tpu.memory_space<vmem>>) attributes {dimension_semantics = [], scalar_prefetch = 0 : i64, scratch_operands = 2 : i64, tpu.core_type = #tpu.core_type<tc>} {
    %get3A = arith.constant 0 : index
    %get3A_0 = arith.constant 0 : index
    %get3A_1 = arith.constant 0 : index
    %get3A_2 = vector.load %arg1[%get3A, %get3A_0, %get3A_1] : memref<2x10240x128xf32, #tpu.memory_space<vmem>>, vector<1x10000x128xf32>
    %get3A_3 = vector.shape_cast %get3A_2 : vector<1x10000x128xf32> to vector<10000x128xf32>
    %get3A_4 = arith.constant 1 : index
    %get3A_5 = arith.constant 0 : index
    %get3A_6 = arith.constant 0 : index
    %get3A_7 = vector.load %arg1[%get3A_4, %get3A_5, %get3A_6] : memref<2x10240x128xf32, #tpu.memory_space<vmem>>, vector<1x10000x128xf32>
    %get3A_8 = vector.shape_cast %get3A_7 : vector<1x10000x128xf32> to vector<10000x128xf32>
    %add3A = arith.addf %get3A_3, %get3A_8 : vector<10000x128xf32>
    %get3A_9 = arith.constant 0 : index
    %get3A_10 = arith.constant 0 : index
    %get3A_11 = vector.load %arg0[%get3A_9, %get3A_10] : memref<10000x128xf32, #tpu.memory_space<vmem>>, vector<10000x128xf32>
    %get3A_12 = arith.constant 0 : index
    %get3A_13 = arith.constant 0 : index
    %get3A_14 = vector.load %arg2[%get3A_12, %get3A_13] : memref<1x1xf32, #tpu.memory_space<vmem>>, vector<1x1xf32>
    %mul3A = vector.broadcast %get3A_14 : vector<1x1xf32> to vector<10000x128xf32>
    %mul3A_15 = arith.mulf %get3A_11, %mul3A : vector<10000x128xf32>
    %add3A_16 = arith.addf %mul3A_15, %add3A : vector<10000x128xf32>
    %get3A_17 = arith.constant 0 : index
    %get3A_18 = arith.constant 0 : index
    %get3A_19 = vector.load %arg3[%get3A_17, %get3A_18] : memref<128x128xf32, #tpu.memory_space<vmem>>, vector<128x128xf32>
    %dot_general3A = arith.constant dense<0.000000e+00> : vector<10000x128xf32>
    %dot_general3A_20 = tpu.matmul %add3A_16, %get3A_19, %dot_general3A {dimension_numbers = #tpu.dot_dimension_numbers<[1], [0], [0], [1], [0, 0, 1, 1], [], []>, transpose_lhs_hint = false} : vector<10000x128xf32>, vector<128x128xf32>, vector<10000x128xf32> -> vector<10000x128xf32>
    %get3A_21 = arith.constant 0 : index
    %get3A_22 = arith.constant 0 : index
    %get3A_23 = vector.load %arg4[%get3A_21, %get3A_22] : memref<1x128xf32, #tpu.memory_space<vmem>>, vector<1x128xf32>
    %add3A_24 = vector.broadcast %get3A_23 : vector<1x128xf32> to vector<10000x128xf32>
    %add3A_25 = arith.addf %dot_general3A_20, %add3A_24 : vector<10000x128xf32>
    %swap3A = arith.constant 0 : index
    %swap3A_26 = arith.constant 0 : index
    %swap3A_27 = vector.load %arg12[%swap3A, %swap3A_26] : memref<10000x128xf32, #tpu.memory_space<vmem>>, vector<10000x128xf32>
    tpu.vector_store %arg12[%swap3A, %swap3A_26], %add3A_25 {strides = array<i32>} : memref<10000x128xf32, #tpu.memory_space<vmem>>, vector<10000x128xf32>,
    %broadcast_in_dim3A = arith.constant 0.000000e+00 : f32
    %broadcast_in_dim3A_28 = vector.broadcast %broadcast_in_dim3A : f32 to vector<8x128xf32>
    %scan3A = arith.constant 0 : i32
    %scan3A_29 = arith.constant 1250 : i32
    %scan3A_30 = arith.addi %scan3A, %scan3A_29 : i32
    %scan3A_31 = arith.constant 1 : i32
    %scan3A_32 = scf.for %scan3A_201 = %scan3A to %scan3A_30 step %scan3A_31 iter_args(%scan3A_202 = %broadcast_in_dim3A_28) -> (vector<8x128xf32>)  : i32 {
      %mul3A_203 = arith.constant 8 : i32
      %mul3A_204 = arith.muli %scan3A_201, %mul3A_203 : i32
      %add3A_205 = arith.constant 0 : i32
      %add3A_206 = arith.addi %add3A_205, %mul3A_204 : i32
      %get3A_207 = arith.index_cast %add3A_206 : i32 to index
      %get3A_208 = arith.constant 0 : index
      %get3A_209 = vector.load %arg12[%get3A_207, %get3A_208] : memref<10000x128xf32, #tpu.memory_space<vmem>>, vector<8x128xf32>
      %add3A_210 = arith.addf %scan3A_202, %get3A_209 : vector<8x128xf32>
      scf.yield %add3A_210 : vector<8x128xf32>
    }
    %scan3A_33 = arith.constant 1250 : i32
    %slice3A = vector.extract_strided_slice %scan3A_32 {offsets = [0, 0], sizes = [4, 128], strides = [1, 1]} : vector<8x128xf32> to vector<4x128xf32>
    %slice3A_34 = vector.extract_strided_slice %scan3A_32 {offsets = [4, 0], sizes = [4, 128], strides = [1, 1]} : vector<8x128xf32> to vector<4x128xf32>
    %add3A_35 = arith.addf %slice3A, %slice3A_34 : vector<4x128xf32>
    %slice3A_36 = vector.extract_strided_slice %add3A_35 {offsets = [0, 0], sizes = [2, 128], strides = [1, 1]} : vector<4x128xf32> to vector<2x128xf32>
    %slice3A_37 = vector.extract_strided_slice %add3A_35 {offsets = [2, 0], sizes = [2, 128], strides = [1, 1]} : vector<4x128xf32> to vector<2x128xf32>
    %add3A_38 = arith.addf %slice3A_36, %slice3A_37 : vector<2x128xf32>
    %slice3A_39 = vector.extract_strided_slice %add3A_38 {offsets = [0, 0], sizes = [1, 128], strides = [1, 1]} : vector<2x128xf32> to vector<1x128xf32>
    %slice3A_40 = vector.extract_strided_slice %add3A_38 {offsets = [1, 0], sizes = [1, 128], strides = [1, 1]} : vector<2x128xf32> to vector<1x128xf32>
    %add3A_41 = arith.addf %slice3A_39, %slice3A_40 : vector<1x128xf32>
    %mul3A_42 = arith.constant 9.99999974E-5 : f32
    %mul3A_43 = vector.broadcast %mul3A_42 : f32 to vector<1x128xf32>
    %mul3A_44 = arith.mulf %add3A_41, %mul3A_43 : vector<1x128xf32>
    %broadcast_in_dim3A_45 = arith.constant 0.000000e+00 : f32
    %broadcast_in_dim3A_46 = vector.broadcast %broadcast_in_dim3A_45 : f32 to vector<8x128xf32>
    %scan3A_47 = arith.constant 0 : i32
    %scan3A_48 = arith.constant 625 : i32
    %scan3A_49 = arith.addi %scan3A_47, %scan3A_48 : i32
    %scan3A_50 = arith.constant 1 : i32
    %scan3A_51 = scf.for %scan3A_201 = %scan3A_47 to %scan3A_49 step %scan3A_50 iter_args(%scan3A_202 = %broadcast_in_dim3A_46) -> (vector<8x128xf32>)  : i32 {
      %mul3A_203 = arith.constant 8 : i32
      %mul3A_204 = arith.muli %scan3A_201, %mul3A_203 : i32
      %add3A_205 = arith.constant 0 : i32
      %add3A_206 = arith.addi %add3A_205, %mul3A_204 : i32
      %get3A_207 = arith.index_cast %add3A_206 : i32 to index
      %get3A_208 = arith.constant 0 : index
      %get3A_209 = vector.load %arg12[%get3A_207, %get3A_208] : memref<10000x128xf32, #tpu.memory_space<vmem>>, vector<8x128xf32>
      %sub3A_210 = vector.broadcast %mul3A_44 : vector<1x128xf32> to vector<8x128xf32>
      %sub3A_211 = arith.subf %get3A_209, %sub3A_210 : vector<8x128xf32>
      %mul3A_212 = arith.mulf %sub3A_211, %sub3A_211 : vector<8x128xf32>
      %add3A_213 = arith.addf %scan3A_202, %mul3A_212 : vector<8x128xf32>
      scf.yield %add3A_213 : vector<8x128xf32>
    }
    %scan3A_52 = arith.constant 625 : i32
    %slice3A_53 = vector.extract_strided_slice %scan3A_51 {offsets = [0, 0], sizes = [4, 128], strides = [1, 1]} : vector<8x128xf32> to vector<4x128xf32>
    %slice3A_54 = vector.extract_strided_slice %scan3A_51 {offsets = [4, 0], sizes = [4, 128], strides = [1, 1]} : vector<8x128xf32> to vector<4x128xf32>
    %add3A_55 = arith.addf %slice3A_53, %slice3A_54 : vector<4x128xf32>
    %slice3A_56 = vector.extract_strided_slice %add3A_55 {offsets = [0, 0], sizes = [2, 128], strides = [1, 1]} : vector<4x128xf32> to vector<2x128xf32>
    %slice3A_57 = vector.extract_strided_slice %add3A_55 {offsets = [2, 0], sizes = [2, 128], strides = [1, 1]} : vector<4x128xf32> to vector<2x128xf32>
    %add3A_58 = arith.addf %slice3A_56, %slice3A_57 : vector<2x128xf32>
    %slice3A_59 = vector.extract_strided_slice %add3A_58 {offsets = [0, 0], sizes = [1, 128], strides = [1, 1]} : vector<2x128xf32> to vector<1x128xf32>
    %slice3A_60 = vector.extract_strided_slice %add3A_58 {offsets = [1, 0], sizes = [1, 128], strides = [1, 1]} : vector<2x128xf32> to vector<1x128xf32>
    %add3A_61 = arith.addf %slice3A_59, %slice3A_60 : vector<1x128xf32>
    %broadcast_in_dim3A_62 = arith.constant 0.000000e+00 : f32
    %broadcast_in_dim3A_63 = vector.broadcast %broadcast_in_dim3A_62 : f32 to vector<8x128xf32>
    %scan3A_64 = arith.constant 0 : i32
    %scan3A_65 = arith.constant 625 : i32
    %scan3A_66 = arith.addi %scan3A_64, %scan3A_65 : i32
    %scan3A_67 = arith.constant 1 : i32
    %scan3A_68 = scf.for %scan3A_201 = %scan3A_64 to %scan3A_66 step %scan3A_67 iter_args(%scan3A_202 = %broadcast_in_dim3A_63) -> (vector<8x128xf32>)  : i32 {
      %mul3A_203 = arith.constant 8 : i32
      %mul3A_204 = arith.muli %scan3A_201, %mul3A_203 : i32
      %add3A_205 = arith.constant 5000 : i32
      %add3A_206 = arith.addi %add3A_205, %mul3A_204 : i32
      %get3A_207 = arith.index_cast %add3A_206 : i32 to index
      %get3A_208 = arith.constant 0 : index
      %get3A_209 = vector.load %arg12[%get3A_207, %get3A_208] : memref<10000x128xf32, #tpu.memory_space<vmem>>, vector<8x128xf32>
      %sub3A_210 = vector.broadcast %mul3A_44 : vector<1x128xf32> to vector<8x128xf32>
      %sub3A_211 = arith.subf %get3A_209, %sub3A_210 : vector<8x128xf32>
      %mul3A_212 = arith.mulf %sub3A_211, %sub3A_211 : vector<8x128xf32>
      %add3A_213 = arith.addf %scan3A_202, %mul3A_212 : vector<8x128xf32>
      scf.yield %add3A_213 : vector<8x128xf32>
    }
    %scan3A_69 = arith.constant 625 : i32
    %slice3A_70 = vector.extract_strided_slice %scan3A_68 {offsets = [0, 0], sizes = [4, 128], strides = [1, 1]} : vector<8x128xf32> to vector<4x128xf32>
    %slice3A_71 = vector.extract_strided_slice %scan3A_68 {offsets = [4, 0], sizes = [4, 128], strides = [1, 1]} : vector<8x128xf32> to vector<4x128xf32>
    %add3A_72 = arith.addf %slice3A_70, %slice3A_71 : vector<4x128xf32>
    %slice3A_73 = vector.extract_strided_slice %add3A_72 {offsets = [0, 0], sizes = [2, 128], strides = [1, 1]} : vector<4x128xf32> to vector<2x128xf32>
    %slice3A_74 = vector.extract_strided_slice %add3A_72 {offsets = [2, 0], sizes = [2, 128], strides = [1, 1]} : vector<4x128xf32> to vector<2x128xf32>
    %add3A_75 = arith.addf %slice3A_73, %slice3A_74 : vector<2x128xf32>
    %slice3A_76 = vector.extract_strided_slice %add3A_75 {offsets = [0, 0], sizes = [1, 128], strides = [1, 1]} : vector<2x128xf32> to vector<1x128xf32>
    %slice3A_77 = vector.extract_strided_slice %add3A_75 {offsets = [1, 0], sizes = [1, 128], strides = [1, 1]} : vector<2x128xf32> to vector<1x128xf32>
    %add3A_78 = arith.addf %slice3A_76, %slice3A_77 : vector<1x128xf32>
    %add3A_79 = arith.addf %add3A_61, %add3A_78 : vector<1x128xf32>
    %mul3A_80 = arith.constant 9.99999974E-5 : f32
    %mul3A_81 = vector.broadcast %mul3A_80 : f32 to vector<1x128xf32>
    %mul3A_82 = arith.mulf %add3A_79, %mul3A_81 : vector<1x128xf32>
    %get3A_83 = arith.constant 0 : index
    %get3A_84 = arith.constant 0 : index
    %get3A_85 = vector.load %arg12[%get3A_83, %get3A_84] : memref<10000x128xf32, #tpu.memory_space<vmem>>, vector<10000x128xf32>
    %sub3A = vector.broadcast %mul3A_44 : vector<1x128xf32> to vector<10000x128xf32>
    %sub3A_86 = arith.subf %get3A_85, %sub3A : vector<10000x128xf32>
    %get3A_87 = arith.constant 0 : index
    %get3A_88 = arith.constant 0 : index
    %get3A_89 = vector.load %arg5[%get3A_87, %get3A_88] : memref<1x128xf32, #tpu.memory_space<vmem>>, vector<1x128xf32>
    %add3A_90 = arith.constant 9.99999974E-6 : f32
    %add3A_91 = vector.broadcast %add3A_90 : f32 to vector<1x128xf32>
    %add3A_92 = arith.addf %mul3A_82, %add3A_91 : vector<1x128xf32>
    %sqrt3A = math.sqrt %add3A_92 : vector<1x128xf32>
    %div3A = vector.broadcast %sqrt3A : vector<1x128xf32> to vector<10000x128xf32>
    %div3A_93 = arith.divf %sub3A_86, %div3A : vector<10000x128xf32>
    %mul3A_94 = vector.broadcast %get3A_89 : vector<1x128xf32> to vector<10000x128xf32>
    %mul3A_95 = arith.mulf %mul3A_94, %div3A_93 : vector<10000x128xf32>
    %get3A_96 = arith.constant 0 : index
    %get3A_97 = arith.constant 0 : index
    %get3A_98 = vector.load %arg6[%get3A_96, %get3A_97] : memref<1x128xf32, #tpu.memory_space<vmem>>, vector<1x128xf32>
    %add3A_99 = vector.broadcast %get3A_98 : vector<1x128xf32> to vector<10000x128xf32>
    %add3A_100 = arith.addf %mul3A_95, %add3A_99 : vector<10000x128xf32>
    %max3A = arith.constant 0.000000e+00 : f32
    %max3A_101 = vector.broadcast %max3A : f32 to vector<10000x128xf32>
    %max3A_102 = arith.maximumf %add3A_100, %max3A_101 : vector<10000x128xf32>
    %get3A_103 = arith.constant 0 : index
    %get3A_104 = arith.constant 0 : index
    %get3A_105 = vector.load %arg7[%get3A_103, %get3A_104] : memref<128x128xf32, #tpu.memory_space<vmem>>, vector<128x128xf32>
    %dot_general3A_106 = arith.constant dense<0.000000e+00> : vector<10000x128xf32>
    %dot_general3A_107 = tpu.matmul %max3A_102, %get3A_105, %dot_general3A_106 {dimension_numbers = #tpu.dot_dimension_numbers<[1], [0], [0], [1], [0, 0, 1, 1], [], []>, transpose_lhs_hint = false} : vector<10000x128xf32>, vector<128x128xf32>, vector<10000x128xf32> -> vector<10000x128xf32>
    %get3A_108 = arith.constant 0 : index
    %get3A_109 = arith.constant 0 : index
    %get3A_110 = vector.load %arg8[%get3A_108, %get3A_109] : memref<1x128xf32, #tpu.memory_space<vmem>>, vector<1x128xf32>
    %add3A_111 = vector.broadcast %get3A_110 : vector<1x128xf32> to vector<10000x128xf32>
    %add3A_112 = arith.addf %dot_general3A_107, %add3A_111 : vector<10000x128xf32>
    %swap3A_113 = arith.constant 0 : index
    %swap3A_114 = arith.constant 0 : index
    %swap3A_115 = vector.load %arg13[%swap3A_113, %swap3A_114] : memref<10000x128xf32, #tpu.memory_space<vmem>>, vector<10000x128xf32>
    tpu.vector_store %arg13[%swap3A_113, %swap3A_114], %add3A_112 {strides = array<i32>} : memref<10000x128xf32, #tpu.memory_space<vmem>>, vector<10000x128xf32>,
    %broadcast_in_dim3A_116 = arith.constant 0.000000e+00 : f32
    %broadcast_in_dim3A_117 = vector.broadcast %broadcast_in_dim3A_116 : f32 to vector<8x128xf32>
    %scan3A_118 = arith.constant 0 : i32
    %scan3A_119 = arith.constant 1250 : i32
    %scan3A_120 = arith.addi %scan3A_118, %scan3A_119 : i32
    %scan3A_121 = arith.constant 1 : i32
    %scan3A_122 = scf.for %scan3A_201 = %scan3A_118 to %scan3A_120 step %scan3A_121 iter_args(%scan3A_202 = %broadcast_in_dim3A_117) -> (vector<8x128xf32>)  : i32 {
      %mul3A_203 = arith.constant 8 : i32
      %mul3A_204 = arith.muli %scan3A_201, %mul3A_203 : i32
      %add3A_205 = arith.constant 0 : i32
      %add3A_206 = arith.addi %add3A_205, %mul3A_204 : i32
      %get3A_207 = arith.index_cast %add3A_206 : i32 to index
      %get3A_208 = arith.constant 0 : index
      %get3A_209 = vector.load %arg13[%get3A_207, %get3A_208] : memref<10000x128xf32, #tpu.memory_space<vmem>>, vector<8x128xf32>
      %add3A_210 = arith.addf %scan3A_202, %get3A_209 : vector<8x128xf32>
      scf.yield %add3A_210 : vector<8x128xf32>
    }
    %scan3A_123 = arith.constant 1250 : i32
    %slice3A_124 = vector.extract_strided_slice %scan3A_122 {offsets = [0, 0], sizes = [4, 128], strides = [1, 1]} : vector<8x128xf32> to vector<4x128xf32>
    %slice3A_125 = vector.extract_strided_slice %scan3A_122 {offsets = [4, 0], sizes = [4, 128], strides = [1, 1]} : vector<8x128xf32> to vector<4x128xf32>
    %add3A_126 = arith.addf %slice3A_124, %slice3A_125 : vector<4x128xf32>
    %slice3A_127 = vector.extract_strided_slice %add3A_126 {offsets = [0, 0], sizes = [2, 128], strides = [1, 1]} : vector<4x128xf32> to vector<2x128xf32>
    %slice3A_128 = vector.extract_strided_slice %add3A_126 {offsets = [2, 0], sizes = [2, 128], strides = [1, 1]} : vector<4x128xf32> to vector<2x128xf32>
    %add3A_129 = arith.addf %slice3A_127, %slice3A_128 : vector<2x128xf32>
    %slice3A_130 = vector.extract_strided_slice %add3A_129 {offsets = [0, 0], sizes = [1, 128], strides = [1, 1]} : vector<2x128xf32> to vector<1x128xf32>
    %slice3A_131 = vector.extract_strided_slice %add3A_129 {offsets = [1, 0], sizes = [1, 128], strides = [1, 1]} : vector<2x128xf32> to vector<1x128xf32>
    %add3A_132 = arith.addf %slice3A_130, %slice3A_131 : vector<1x128xf32>
    %mul3A_133 = arith.constant 9.99999974E-5 : f32
    %mul3A_134 = vector.broadcast %mul3A_133 : f32 to vector<1x128xf32>
    %mul3A_135 = arith.mulf %add3A_132, %mul3A_134 : vector<1x128xf32>
    %broadcast_in_dim3A_136 = arith.constant 0.000000e+00 : f32
    %broadcast_in_dim3A_137 = vector.broadcast %broadcast_in_dim3A_136 : f32 to vector<8x128xf32>
    %scan3A_138 = arith.constant 0 : i32
    %scan3A_139 = arith.constant 625 : i32
    %scan3A_140 = arith.addi %scan3A_138, %scan3A_139 : i32
    %scan3A_141 = arith.constant 1 : i32
    %scan3A_142 = scf.for %scan3A_201 = %scan3A_138 to %scan3A_140 step %scan3A_141 iter_args(%scan3A_202 = %broadcast_in_dim3A_137) -> (vector<8x128xf32>)  : i32 {
      %mul3A_203 = arith.constant 8 : i32
      %mul3A_204 = arith.muli %scan3A_201, %mul3A_203 : i32
      %add3A_205 = arith.constant 0 : i32
      %add3A_206 = arith.addi %add3A_205, %mul3A_204 : i32
      %get3A_207 = arith.index_cast %add3A_206 : i32 to index
      %get3A_208 = arith.constant 0 : index
      %get3A_209 = vector.load %arg13[%get3A_207, %get3A_208] : memref<10000x128xf32, #tpu.memory_space<vmem>>, vector<8x128xf32>
      %sub3A_210 = vector.broadcast %mul3A_135 : vector<1x128xf32> to vector<8x128xf32>
      %sub3A_211 = arith.subf %get3A_209, %sub3A_210 : vector<8x128xf32>
      %mul3A_212 = arith.mulf %sub3A_211, %sub3A_211 : vector<8x128xf32>
      %add3A_213 = arith.addf %scan3A_202, %mul3A_212 : vector<8x128xf32>
      scf.yield %add3A_213 : vector<8x128xf32>
    }
    %scan3A_143 = arith.constant 625 : i32
    %slice3A_144 = vector.extract_strided_slice %scan3A_142 {offsets = [0, 0], sizes = [4, 128], strides = [1, 1]} : vector<8x128xf32> to vector<4x128xf32>
    %slice3A_145 = vector.extract_strided_slice %scan3A_142 {offsets = [4, 0], sizes = [4, 128], strides = [1, 1]} : vector<8x128xf32> to vector<4x128xf32>
    %add3A_146 = arith.addf %slice3A_144, %slice3A_145 : vector<4x128xf32>
    %slice3A_147 = vector.extract_strided_slice %add3A_146 {offsets = [0, 0], sizes = [2, 128], strides = [1, 1]} : vector<4x128xf32> to vector<2x128xf32>
    %slice3A_148 = vector.extract_strided_slice %add3A_146 {offsets = [2, 0], sizes = [2, 128], strides = [1, 1]} : vector<4x128xf32> to vector<2x128xf32>
    %add3A_149 = arith.addf %slice3A_147, %slice3A_148 : vector<2x128xf32>
    %slice3A_150 = vector.extract_strided_slice %add3A_149 {offsets = [0, 0], sizes = [1, 128], strides = [1, 1]} : vector<2x128xf32> to vector<1x128xf32>
    %slice3A_151 = vector.extract_strided_slice %add3A_149 {offsets = [1, 0], sizes = [1, 128], strides = [1, 1]} : vector<2x128xf32> to vector<1x128xf32>
    %add3A_152 = arith.addf %slice3A_150, %slice3A_151 : vector<1x128xf32>
    %broadcast_in_dim3A_153 = arith.constant 0.000000e+00 : f32
    %broadcast_in_dim3A_154 = vector.broadcast %broadcast_in_dim3A_153 : f32 to vector<8x128xf32>
    %scan3A_155 = arith.constant 0 : i32
    %scan3A_156 = arith.constant 625 : i32
    %scan3A_157 = arith.addi %scan3A_155, %scan3A_156 : i32
    %scan3A_158 = arith.constant 1 : i32
    %scan3A_159 = scf.for %scan3A_201 = %scan3A_155 to %scan3A_157 step %scan3A_158 iter_args(%scan3A_202 = %broadcast_in_dim3A_154) -> (vector<8x128xf32>)  : i32 {
      %mul3A_203 = arith.constant 8 : i32
      %mul3A_204 = arith.muli %scan3A_201, %mul3A_203 : i32
      %add3A_205 = arith.constant 5000 : i32
      %add3A_206 = arith.addi %add3A_205, %mul3A_204 : i32
      %get3A_207 = arith.index_cast %add3A_206 : i32 to index
      %get3A_208 = arith.constant 0 : index
      %get3A_209 = vector.load %arg13[%get3A_207, %get3A_208] : memref<10000x128xf32, #tpu.memory_space<vmem>>, vector<8x128xf32>
      %sub3A_210 = vector.broadcast %mul3A_135 : vector<1x128xf32> to vector<8x128xf32>
      %sub3A_211 = arith.subf %get3A_209, %sub3A_210 : vector<8x128xf32>
      %mul3A_212 = arith.mulf %sub3A_211, %sub3A_211 : vector<8x128xf32>
      %add3A_213 = arith.addf %scan3A_202, %mul3A_212 : vector<8x128xf32>
      scf.yield %add3A_213 : vector<8x128xf32>
    }
    %scan3A_160 = arith.constant 625 : i32
    %slice3A_161 = vector.extract_strided_slice %scan3A_159 {offsets = [0, 0], sizes = [4, 128], strides = [1, 1]} : vector<8x128xf32> to vector<4x128xf32>
    %slice3A_162 = vector.extract_strided_slice %scan3A_159 {offsets = [4, 0], sizes = [4, 128], strides = [1, 1]} : vector<8x128xf32> to vector<4x128xf32>
    %add3A_163 = arith.addf %slice3A_161, %slice3A_162 : vector<4x128xf32>
    %slice3A_164 = vector.extract_strided_slice %add3A_163 {offsets = [0, 0], sizes = [2, 128], strides = [1, 1]} : vector<4x128xf32> to vector<2x128xf32>
    %slice3A_165 = vector.extract_strided_slice %add3A_163 {offsets = [2, 0], sizes = [2, 128], strides = [1, 1]} : vector<4x128xf32> to vector<2x128xf32>
    %add3A_166 = arith.addf %slice3A_164, %slice3A_165 : vector<2x128xf32>
    %slice3A_167 = vector.extract_strided_slice %add3A_166 {offsets = [0, 0], sizes = [1, 128], strides = [1, 1]} : vector<2x128xf32> to vector<1x128xf32>
    %slice3A_168 = vector.extract_strided_slice %add3A_166 {offsets = [1, 0], sizes = [1, 128], strides = [1, 1]} : vector<2x128xf32> to vector<1x128xf32>
    %add3A_169 = arith.addf %slice3A_167, %slice3A_168 : vector<1x128xf32>
    %add3A_170 = arith.addf %add3A_152, %add3A_169 : vector<1x128xf32>
    %mul3A_171 = arith.constant 9.99999974E-5 : f32
    %mul3A_172 = vector.broadcast %mul3A_171 : f32 to vector<1x128xf32>
    %mul3A_173 = arith.mulf %add3A_170, %mul3A_172 : vector<1x128xf32>
    %get3A_174 = arith.constant 0 : index
    %get3A_175 = arith.constant 0 : index
    %get3A_176 = vector.load %arg13[%get3A_174, %get3A_175] : memref<10000x128xf32, #tpu.memory_space<vmem>>, vector<10000x128xf32>
    %sub3A_177 = vector.broadcast %mul3A_135 : vector<1x128xf32> to vector<10000x128xf32>
    %sub3A_178 = arith.subf %get3A_176, %sub3A_177 : vector<10000x128xf32>
    %get3A_179 = arith.constant 0 : index
    %get3A_180 = arith.constant 0 : index
    %get3A_181 = vector.load %arg9[%get3A_179, %get3A_180] : memref<1x128xf32, #tpu.memory_space<vmem>>, vector<1x128xf32>
    %add3A_182 = arith.constant 9.99999974E-6 : f32
    %add3A_183 = vector.broadcast %add3A_182 : f32 to vector<1x128xf32>
    %add3A_184 = arith.addf %mul3A_173, %add3A_183 : vector<1x128xf32>
    %sqrt3A_185 = math.sqrt %add3A_184 : vector<1x128xf32>
    %div3A_186 = vector.broadcast %sqrt3A_185 : vector<1x128xf32> to vector<10000x128xf32>
    %div3A_187 = arith.divf %sub3A_178, %div3A_186 : vector<10000x128xf32>
    %mul3A_188 = vector.broadcast %get3A_181 : vector<1x128xf32> to vector<10000x128xf32>
    %mul3A_189 = arith.mulf %mul3A_188, %div3A_187 : vector<10000x128xf32>
    %get3A_190 = arith.constant 0 : index
    %get3A_191 = arith.constant 0 : index
    %get3A_192 = vector.load %arg10[%get3A_190, %get3A_191] : memref<1x128xf32, #tpu.memory_space<vmem>>, vector<1x128xf32>
    %add3A_193 = vector.broadcast %get3A_192 : vector<1x128xf32> to vector<10000x128xf32>
    %add3A_194 = arith.addf %mul3A_189, %add3A_193 : vector<10000x128xf32>
    %max3A_195 = arith.constant 0.000000e+00 : f32
    %max3A_196 = vector.broadcast %max3A_195 : f32 to vector<10000x128xf32>
    %max3A_197 = arith.maximumf %add3A_194, %max3A_196 : vector<10000x128xf32>
    %swap3A_198 = arith.constant 0 : index
    %swap3A_199 = arith.constant 0 : index
    %swap3A_200 = vector.load %arg11[%swap3A_198, %swap3A_199] : memref<10000x128xf32, #tpu.memory_space<vmem>>, vector<10000x128xf32>
    tpu.vector_store %arg11[%swap3A_198, %swap3A_199], %max3A_197 {strides = array<i32>} : memref<10000x128xf32, #tpu.memory_space<vmem>>, vector<10000x128xf32>,
    return
  }
}

</mosaic_0001>

<sc_bundles>
// kernel: gather_offload_async_start.1
scs
__scs_entry_jumppad:
0x0: {  	(pc) =	sbr.rel $0x88, $3  }
0x1: {  	(tag) =	ssettag $0x0;
	lr =	simm.s32 $0x1  }
0x2: {  	[smem:$0x3F96] =	sst lr;
	_ =	strace $0xD0000000  }
0x3: {  	_ = 	snop  }
0x4: {  	_ = 	snop  }
0x5: {  	_ = 	snop  }
0x6: {  	_ = 	snop  }
0x7: {  	_ = 	snop  }
__scs_overlays_trampoline_lowered:
0x8: {  	[smem:$0x3FA5] =	sst s0  }
0x9: {  	[smem:$0x3FA6] =	sst s1  }
0xa: {  	[smem:$0x3FA7] =	sst s2  }
0xb: {  	[smem:$0x3FA8] =	sst s3  }
0xc: {  	[smem:$0x3FA9] =	sst s4  }
0xd: {  	[smem:$0x3FAA] =	sst s5  }
0xe: {  	[smem:$0x3FAB] =	sst s6  }
0xf: {  	[smem:$0x3FAC] =	sst s7  }
0x10: {  	[smem:$0x3FAD] =	sst s8  }
0x11: {  	[smem:$0x3FAE] =	sst s9;
	s0 =	simm.s32 @!p0 $0x0  }
0x12: {  	s1 =	sld [smem:$0x3F94];
	s0 =	simm.s32 @p0 $0x1  }
0x13: {  	[smem:$0x3FAF] =	sst s0;
	s0 =	simm.s32 @!p1 $0x0  }
0x14: {  	s2 =	sld [smem:$0x3F93];
	s0 =	simm.s32 @p1 $0x1  }
0x15: {  	[smem:$0x3FB0] =	sst s0;
	s0 =	simm.s32 @!p2 $0x0  }
0x16: {  	s3 =	sld [smem:$0x3FDB];
	s0 =	simm.s32 @p2 $0x1  }
0x17: {  	s4 =	simm.s32 $0x1BF5;
	[smem:$0x3FB2] =	sst s0  }
0x18: {  	s0 =	sld [smem:$0x3F95];
	_ =	swait.ge [sflag:s4], $0x0  }
0x19: {  	s7 =	sld [smem:$0x3F96]  }
0x1a: {  	s8 =	sadd.s32 $0xFFFFE003, lr  }
0x1b: {  	s9 =	sadd.s32 $0xFFFFFEF7, lr;
	s5 =	simm.s32 $0xFFFFFFFF;
	p2 =	slt.u32 s8, $0xFFFFF086  }
0x1c: {  	p1 =	slt.u32 s9, $0xF7A;
	s5 =	simm.s32 @!p2 $0x0  }
0x1d: {  	s5 =	simm.s32 @p1 $0x1;
	p0 =	seq.s32 s7, s2  }
0x1e: {  	s7 =	smul.u32 @!p0 $0xF7A, s2;
	p2 =	seq.s32 @!p0 s5, $0x0  }
0x1f: {  	s9 =	smul.u32 $0xF7A, s1;
	s8 =	simm.s32 @!p0 $0x1BF5;
	p2 =	por !p2, p0  }
0x20: {  	[sflag:s8] =	ssyncset.s32 @!p0 $0xFFFFF086;
	s6 =	sadd.s32 @!p0 s3, s7;
	s7 =	simm.s32 @!p0 $0x108  }
0x21: {  	s3 =	sadd.s32 s3, s9;
	s6 =	sadd.s32 @!p0 $0x88, s6;
	s7 =	simm.s32 @p2 $0x1082  }
0x22: {  	[simem:s7], [sflag:s8] =	dma.local @!p0 [hbm:s6], $0xF7A  }
0x23: {  	s9 =	sor.u32 $0xD0000000, s2;
	s6 =	simm.s32 $0x108;
	_ =	swait.ge @!p0 [sflag:s8], $0x0  }
0x24: {  	s3 =	sadd.s32 $0x88, s3;
	s6 =	simm.s32 @!p1 $0x1082;
	[sflag:s4] =	ssyncset.s32 $0xFFFFF086  }
0x25: {  	[simem:s6], [sflag:s4] =	dma.local [hbm:s3], $0xF7A  }
0x26: {  	[smem:$0x3F96] =	sst s1;
	(tag) =	ssettag s2;
	_ =	strace s9  }
0x27: {  	s1 =	sld [smem:$0x3FA6]  }
0x28: {  	s2 =	sld [smem:$0x3FA7]  }
0x29: {  	s4 =	sld [smem:$0x3FA9]  }
0x2a: {  	p0 =	seq.s32 s5, $0x0;
	s5 =	sld [smem:$0x3FAA]  }
0x2b: {  	s6 =	sld [smem:$0x3FAB]  }
0x2c: {  	s7 =	sld [smem:$0x3FAC]  }
0x2d: {  	s3 =	simm.s32 $0x108;
	s8 =	sld [smem:$0x3FAD]  }
0x2e: {  	s3 =	simm.s32 @!p0 $0x1082;
	s9 =	sld [smem:$0x3FAE]  }
0x2f: {  	lr =	sadd.s32 s0, s3;
	s0 =	sld [smem:$0x3FA5]  }
0x30: {  	s3 =	sld [smem:$0x3FA8]  }
0x31: {  	[smem:$0x3FB1] =	sst s10  }
0x32: {  	s10 =	sld [smem:$0x3FAF];
	_ =	sdelay $0x3  }
0x33: {  	p0 =	seq.s32 s10, $0x1;
	s10 =	sld [smem:$0x3FB1];
	_ =	sdelay $0x3  }
0x34: {  	[smem:$0x3FB1] =	sst s10  }
0x35: {  	s10 =	sld [smem:$0x3FB0];
	_ =	sdelay $0x3  }
0x36: {  	p1 =	seq.s32 s10, $0x1;
	s10 =	sld [smem:$0x3FB1];
	_ =	sdelay $0x3  }
0x37: {  	[smem:$0x3FB1] =	sst s10  }
0x38: {  	s10 =	sld [smem:$0x3FB2]  }
0x39: {  	_ = 	snop;
	(pc) =	sbr.ind lr, $3  }
0x3a: {  	_ = 	snop  }
0x3b: {  	_ = 	snop  }
0x3c: {  	p2 =	seq.s32 s10, $0x1;
	s10 =	sld [smem:$0x3FB1]  }
0x3d: {  	_ =	shalt  }
0x3e: {  	_ =	shalt  }
0x3f: {  	_ =	shalt  }
0x40: {  	_ =	shalt  }
0x41: {  	_ =	shalt  }
0x42: {  	_ =	shalt  }
0x43: {  	_ =	shalt  }
0x44: {  	_ =	shalt  }
0x45: {  	_ =	shalt  }
0x46: {  	_ =	shalt  }
0x47: {  	_ =	shalt  }
0x48: {  	_ =	shalt  }
0x49: {  	_ =	shalt  }
0x4a: {  	_ =	shalt  }
0x4b: {  	_ =	shalt  }
0x4c: {  	_ =	shalt  }
0x4d: {  	_ =	shalt  }
0x4e: {  	_ =	shalt  }
0x4f: {  	_ =	shalt  }
0x50: {  	_ =	shalt  }
0x51: {  	_ =	shalt  }
0x52: {  	_ =	shalt  }
0x53: {  	_ =	shalt  }
0x54: {  	_ =	shalt  }
0x55: {  	_ =	shalt  }
0x56: {  	_ =	shalt  }
0x57: {  	_ =	shalt  }
0x58: {  	_ =	shalt  }
0x59: {  	_ =	shalt  }
0x5a: {  	_ =	shalt  }
0x5b: {  	_ =	shalt  }
0x5c: {  	_ =	shalt  }
0x5d: {  	_ =	shalt  }
0x5e: {  	_ =	shalt  }
0x5f: {  	_ =	shalt  }
0x60: {  	_ =	shalt  }
0x61: {  	_ =	shalt  }
0x62: {  	_ =	shalt  }
0x63: {  	_ =	shalt  }
0x64: {  	_ =	shalt  }
0x65: {  	_ =	shalt  }
0x66: {  	_ =	shalt  }
0x67: {  	_ =	shalt  }
0x68: {  	_ =	shalt  }
0x69: {  	_ =	shalt  }
0x6a: {  	_ =	shalt  }
0x6b: {  	_ =	shalt  }
0x6c: {  	_ =	shalt  }
0x6d: {  	_ =	shalt  }
0x6e: {  	_ =	shalt  }
0x6f: {  	_ =	shalt  }
0x70: {  	_ =	shalt  }
0x71: {  	_ =	shalt  }
0x72: {  	_ =	shalt  }
0x73: {  	_ =	shalt  }
0x74: {  	_ =	shalt  }
0x75: {  	_ =	shalt  }
0x76: {  	_ =	shalt  }
0x77: {  	_ =	shalt  }
0x78: {  	_ =	shalt  }
0x79: {  	_ =	shalt  }
0x7a: {  	_ =	shalt  }
0x7b: {  	_ =	shalt  }
0x7c: {  	_ =	shalt  }
0x7d: {  	_ =	shalt  }
0x7e: {  	_ =	shalt  }
0x7f: {  	_ =	shalt  }
0x80: {  	_ =	shalt  }
0x81: {  	_ =	shalt  }
0x82: {  	_ =	shalt  }
0x83: {  	_ =	shalt  }
0x84: {  	_ =	shalt  }
0x85: {  	_ =	shalt  }
0x86: {  	_ =	shalt  }
0x87: {  	_ =	shalt  }
.Lfunc_end0:
.L_simem_size_0:
called_computation.1_lowered:
.L_overlay_start_0:
0x88: {  	s2 =	sld [smem:$0x3FD9]  }
0x89: {  	s3 =	sld [smem:$0x3FFE];
	_ =	sdelay $0x1  }
0x8a: {  	s1 =	srdreg.scid  }
0x8b: {  	s0 =	sand.u32 $0x1, s1  }
0x8c: {  	s15 =	sshll.u32 s0, $0xA;
	s2 =	sadd.s32 s3, s2  }
0x8d: {  	s2 =	sadd.s32 s2, s15  }
0x8e: {  	[smem:$0x3FBD] =	sst s2  }
0x8f: {  	_ = 	snop  }
0x90: {  	s2 =	sld [smem:$0x3FD0];
	_ =	sdelay $0x2  }
0x91: {  	s16 =	simm.s32 $0xA;
	s4 =	simm.s32 $0x10  }
0x92: {  	[smem:s4], [sflag:s16] =	dma.local [hbm:s2], $0x1  }
0x93: {  	_ =	swait.eq [sflag:s16], $0x1  }
0x94: {  	s17 =	sld [smem:$0x11];
	[sflag:s16] =	ssyncset.done $0x0  }
0x95: {  	s18 =	sld [smem:$0x12];
	[sflag:s16] =	ssyncadd.s32 $0xFFFFFFFF  }
0x96: {  	s19 =	sld [smem:$0x13];
	(tm) =	ssettm $0x1  }
0x97: {  	s5 =	sld [smem:$0x3FFB];
	_ =	sdelay $0x3  }
0x98: {  	_ =	strace s5  }
0x99: {  	s5 =	sld [smem:$0x3FFC];
	_ =	sdelay $0x3  }
0x9a: {  	_ =	strace s5  }
0x9b: {  	s5 =	sld [smem:$0x3FFD];
	_ =	sdelay $0x3  }
0x9c: {  	_ =	strace s5  }
0x9d: {  	_ =	strace $0x8FFFFFFF  }
0x9e: {  	s20 =	sld [smem:$0x3FDB];
	_ =	sdelay $0x1  }
0x9f: {  	s6 =	simm.s32 $_scs_section_size  }
0xa0: {  	s7 =	simm.s32 $_size__tile_overlayer_lowered;
	s8 =	simm.s32 $_tile_overlayer_lowered  }
0xa1: {  	s23 =	simm.s32 $0x1BFF;
	s22 =	sshll.u32 s8, $0x1;
	s5 =	sadd.s32 s6, s20  }
0xa2: {  	s9 =	simm.s32 $0x0;
	s21 =	sshll.u32 s7, $0x1;
	s7 =	sadd.s32 s22, s5  }
0xa3: {  	[timem:s9], [sflag:s23] =	dma.local [hbm:s7], s21  }
0xa4: {  	_ =	swait.ge [sflag:s23], s21  }
0xa5: {  	s6 =	ssub.s32 $0x0, s21;
	[sflag:s23] =	ssyncset.done $0x0  }
0xa6: {  	[sflag:s23] =	ssyncadd.s32 s6;
	_ =	sdelay $0x1  }
0xa7: {  	s24 =	simm.s32 $0x1B8B  }
0xa8: {  	_ =	swait.ge [sflag:s24], $0x1  }
0xa9: {  	[sflag:s24] =	ssyncset.done $0x0  }
0xaa: {  	s25 =	simm.s32 $0x1B8E;
	[sflag:s24] =	ssyncadd.s32 $0xFFFFFFFF  }
0xab: {  	s26 =	simm.s32 $execute0_lowered;
	[smem:$0x3FD2] =	sst s25  }
0xac: {  	s6 =	sshll.u32 s26, $0x1;
	_ =	strace $0x80000046;
	[dreg:$0x1] =	wrdreg $0xFFFFFFFF  }
0xad: {  	s28 =	simm.s32 $_size_execute0_lowered;
	s5 =	sadd.s32 s5, s6;
	[dreg:$0x0] =	wrdreg $0x0  }
0xae: {  	s6 =	sshll.u32 s28, $0x1;
	[dreg:$0x2] =	wrdreg s5  }
0xaf: {  	[dreg:$0x3] =	wrdreg s6  }
0xb0: {  	[dreg:$0x4] =	wrdreg $0xC0  }
0xb1: {  	_ =	task [dreg:s9], $0x5FFFF  }
0xb2: {  	[dreg:$0x1] =	wrdreg $0xFFFFFFFF  }
0xb3: {  	[dreg:$0x0] =	wrdreg $0x60  }
0xb4: {  	[dreg:$0x2] =	wrdreg s18  }
0xb5: {  	[dreg:$0x3] =	wrdreg s19  }
0xb6: {  	[dreg:$0x4] =	wrdreg s17  }
0xb7: {  	[dreg:$0x5] =	wrdreg $0x9  }
0xb8: {  	_ =	task.clear_ibuf [dreg:s9], $0x6FFFF;
	_ =	strace $0x90000046  }
0xb9: {  	s29 =	simm.s32 $0x9;
	_ =	strace $0x80000048  }
0xba: {  	_ =	swait.ge [sflag:s29], $0x1  }
0xbb: {  	[sflag:s29] =	ssyncadd.s32 $0xFFFFFFFF  }
0xbc: {  	_ =	strace $0x90000048  }
0xbd: {  	_ =	sfence  }
0xbe: {  	s30 =	sld [smem:$0x0];
	_ =	sdelay $0x2  }
0xbf: {  	s31 =	sshll.u32 s1, $0xD;
	s1 =	sshrl.u32 s1, $0x2  }
0xc0: {  	s3 =	sand.u32 $0x4000, s31;
	s1 =	sadd.s32 s1, s30  }
0xc1: {  	s0 =	sor.u32 s3, s0;
	s1 =	sshll.u32 s1, $0x11  }
0xc2: {  	s0 =	sor.u32 s1, s0  }
0xc3: {  	s0 =	sadd.s32 $0x8F2B, s0  }
0xc4: {  	[sflag:s0] =	ssyncadd.remote.s32 $0x1  }
0xc5: {  	_ =	sfence.sel $0xFFFF  }
0xc6: {  	[dreg:$0x0] =	wrdreg $0xFFFFFFFF;
	(pc) =	sbr.abs _section_cstart, $3  }
0xc7: {  	[dreg:$0x1] =	wrdreg $0xFFFFFFFF  }
0xc8: {  	_ =	task.clear_ibuf [dreg:s9], $0x2FFFF;
	_ =	strace $0x9FFFFFFF  }
0xc9: {  	(tm) =	ssettm $0x7FFFFFFF  }
tec
execute0_lowered:
.L_overlay_start_1:
0x0: {  	(tag) =	ssettag $0x1  }
0x1: {  	s2 =	rddreg [dreg:$0x0]  }
0x2: {  	s3 =	rddreg [dreg:$0x1]  }
0x3: {  	s4 =	rddreg [dreg:$0x2];
	s1 =	stileid.u32  }
0x4: {  	s5 =	srdreg.scid;
	s0 =	rddreg [dreg:$0x3]  }
0x5: {  	_ =	strace $0x80000047;
	s8 =	simm.s32 $0x1;
	s9 =	simm.s32 $0x1  }
0x6: {  	s10 =	simm.s32 $0x3;
	s6 =	sand.u32 $0x1, s5;
	s7 =	sshll.u32 s1, $0x1  }
0x7: {  	s13 =	simm.s32 $0x0;
	s5 =	simm.s32 $0x1;
	s6 =	sor.u32 s7, s6  }
.Ltmp0:
0x8: {  	[sflag:s5] =	ssyncpa.u1 $0x0;
	p0 =	slt.u32 s6, $0x9;
	(pc) =	sbr.rel .LBB2_1-.Ltmp0, $4  }
0x9: {  	s7 =	simm.s32 $0x2;
	s8 =	simm.s32 @!p0 $0x0;
	p0 =	sne.s32 s6, $0x8  }
0xa: {  	[sflag:s7] =	ssyncpa.u1 $0x0;
	s6 =	smul.u32 $0x1F40, s6;
	s9 =	simm.s32 @!p0 $0x0  }
0xb: {  	s12 =	simm.s32 $0x0;
	[sflag:s10] =	ssyncpa.u1 $0x0;
	s8 =	sadd.s32 s9, s8  }
0xc: {  	vm0 =	vmmov $0xffff;
	s10 =	simm.s32 $0x0;
	s11 =	smov.u32 s6;
	s9 =	sadd.s32 $0x1, s8  }
.LBB2_4:
0xd: {  	v2 =	vnsel vm1, $0x0, v2  }
0xe: {  	vm1 =	vgt.s32 v0, $0x0;
	v2 =	vmin.u32 v2, $0x4E1FF  }
0xf: {  	v0 =	vnsel vm1, $0x0, v0  }
0x10: {  	v0 =	vmin.u32 v0, $0x4E1FF  }
0x11: {  	[tilespmem:s18], [sflag:$0x1] =	stream.indirect_vreg.gather [hbm4b:s2+s10], $0x1, v1, vm0, $0x4038;
	[tilespmem:$0x7D00] =	vst v63  }
0x12: {  	(ifvalue) =	ssetifvalue $0x7FFFFFFF  }
0x13: {  	[tilespmem:s15], [sflag:$0x1] =	stream.indirect_vreg.gather [hbm4b:s2+s10], $0x1, v2, vm0, $0x4038;
	[tilespmem:$0x7D00] =	vst v63  }
0x14: {  	s29 =	sadd.s32 $0x10, s15;
	(ifvalue) =	ssetifvalue $0x7FFFFFFF  }
0x15: {  	[tilespmem:s29], [sflag:$0x1] =	stream.indirect_vreg.gather [hbm4b:s2+s10], $0x1, v0, vm0, $0x4038;
	[tilespmem:$0x7D00] =	vst v63  }
0x16: {  	_ =	swait.ge [sflag:s5], $0x1F40  }
0x17: {  	s30 =	sshrl.u32 s13, $0x3;
	[sflag:s5] =	ssyncset.done $0x0  }
0x18: {  	s31 =	sand.u32 $0x7, s13;
	s15 =	sadd.s32 s4, s30;
	[sflag:s5] =	ssyncadd.s32 $0xFFFFE0C0  }
0x19: {  	[hbm4b:s15+s31] =	stream.linear.scatter [tilespmem:s14], [sflag:$0x3], $0x1F40, $0x38;
	[tilespmem:$0x7D00] =	vst v63  }
.LBB2_5:
0x1a: {  	s15 =	sadd.s32 $0x3E800, s11  }
0x1b: {  	p1 =	sgt.s32 s15, $0x4E1FF  }
0x1c: {  	s15 =	smov.u32 @p1 s6;
	p1 =	sne.s32 s12, s9  }
.Ltmp1:
0x1d: {  	p0 =	slt.u32 s12, $0x2;
	(pc) =	sbr.rel @!p1 .LBB2_6-.Ltmp1, $4  }
0x1e: {  	s14 =	simm.s32 @!p0 $0x3  }
0x1f: {  	_ =	swait.ge @!p0 [sflag:s14], $0x1F40  }
0x20: {  	s16 =	sadd.s32 $0x1, s12;
	s13 =	smov.u32 s11;
	[sflag:s14] =	ssyncset.done @!p0 $0x0  }
0x21: {  	s12 =	smov.u32 s16;
	s11 =	smov.u32 s15;
	[sflag:s14] =	ssyncadd.s32 @!p0 $0xFFFFE0C0  }
.LBB2_1:
0x22: {  	p0 =	sge.u32 s12, s8  }
0x23: {  	s14 =	sxor.u32 @!p0 $0x1, s12  }
0x24: {  	s14 =	smul.u32 @!p0 $0x7D00, s14  }
0x25: {  	s31 =	sadd.s32 $0xFFFFFFFF, s12;
	s15 =	sshrl.u32 @!p0 s11, $0x3  }
0x26: {  	s16 =	sand.u32 @!p0 $0x7, s11;
	s15 =	sadd.s32 @!p0 s3, s15;
	s14 =	sshra.s32 @!p0 s14, $0x2  }
0x27: {  	[tilespmem:s14], [sflag:$0x2] =	stream.linear.gather @!p0 [hbm4b:s15+s16], $0x1F40, $0x38;
	[tilespmem:$0x7D00] =	vst v63  }
0x28: {  	p0 =	sge.u32 s31, s8  }
.Ltmp2:
0x29: {  	_ = 	snop;
	(pc) =	sbr.rel @p0 .LBB2_5-.Ltmp2, $1  }
0x2a: {  	_ =	sdelay $0x3  }
0x2b: {  	s14 =	sand.u32 $0x1, s12  }
0x2c: {  	_ =	swait.ge [sflag:s7], $0x1F40;
	p0 =	seq.s32 s14, $0x1;
	s14 =	simm.s32 $0x1F40  }
0x2d: {  	[sflag:s7] =	ssyncset.done $0x0;
	s14 =	simm.s32 @!p0 $0x0  }
0x2e: {  	[sflag:s7] =	ssyncadd.s32 $0xFFFFE0C0;
	(ifvalue) =	ssetifvalue $0x7FFFFFFF;
	v0 =	vld.msk [tilespmem:s14+$0x0 ss:$0x1], $0xffff;
	_ =	sdelay $0x4  }
0x2f: {  	s15 =	sadd.s32 $0x10, s14;
	vm1 =	vgt.s32 v0, $0x0  }
0x30: {  	v2 =	vld.msk [tilespmem:s15+$0x0 ss:$0x1], $0xffff;
	v1 =	vnsel vm1, $0x0, v0  }
0x31: {  	v1 =	vmin.u32 v1, $0x4E1FF;
	_ =	sdelay $0x2  }
0x32: {  	s17 =	simm.s32 $0x20;
	s14 =	sadd.s32 $0x3E80, s14;
	s16 =	sadd.s32 $0x10, s15  }
0x33: {  	s15 =	sadd.s32 $0x10, s14;
	s18 =	smov.u32 s14;
	v0 =	vld.msk [tilespmem:s16+$0x0 ss:$0x1], $0xffff;
	vm1 =	vgt.s32 v2, $0x0;
	(ifvalue) =	ssetifvalue $0x7FFFFFFF  }
.LBB2_3:
0x34: {  	[tilespmem:s18], [sflag:$0x1] =	stream.indirect_vreg.gather [hbm4b:s2+s10], $0x1, v1, vm0, $0x4038;
	[tilespmem:$0x7D00] =	vst v63  }
0x35: {  	s17 =	sadd.s32 $0x10, s17  }
0x36: {  	v2 =	vnsel vm1, $0x0, v2;
	p0 =	slt.u32 s17, $0x1F30  }
.Ltmp3:
0x37: {  	s18 =	smov.u32 s15;
	v1 =	vmin.u32 v2, $0x4E1FF;
	(pc) =	sbr.rel @p0 .LBB2_3-.Ltmp3, $3  }
0x38: {  	_ =	sdelay $0x1  }
0x39: {  	s16 =	sadd.s32 $0x10, s16  }
0x3a: {  	vm1 =	vgt.s32 v0, $0x0;
	s15 =	sadd.s32 $0x10, s15;
	v2 =	vmov v0;
	(ifvalue) =	ssetifvalue $0x7FFFFFFF;
	v0 =	vld.msk [tilespmem:s16+$0x0 ss:$0x1], $0xffff  }
.Ltmp4:
0x3b: {  	_ = 	snop;
	(pc) =	sbr.rel .LBB2_4-.Ltmp4, $1  }
0x3c: {  	_ =	sdelay $0x3  }
.LBB2_6:
0x3d: {  	_ =	sfence.sel $0x180000  }
0x3e: {  	s2 =	simm.s32 $0x2;
	[bflag:$0x0] =	sbarrier.arrive $0xFFFF  }
0x3f: {  	s30 =	simm.s32 $0x3;
	[sflag:s2] =	ssyncpa.u1 $0x1  }
0x40: {  	s31 =	simm.s32 $0x1;
	[sflag:s30] =	ssyncpa.u1 $0x1  }
0x41: {  	[sflag:s31] =	ssyncpa.u1 $0x1  }
0x42: {  	p0 =	sne.s32 s1, $0x0;
	_ =	strace $0x90000047  }
0x43: {  	s0 =	sadd.s32 @!p0 $0x100000, s0;
	[bflag:$0x2] =	sbarrier.arrive $0xFFFF  }
0x44: {  	[sflag:s0] =	ssyncadd.tile.s32 @!p0 $0x1;
	_ =	shalt  }
.Lfunc_end2:
_tile_overlayer_lowered:
.L_overlay_start_2:
0x45: {  	(tag) =	ssettag $0x2  }
0x46: {  	s0 =	rddreg [dreg:$0x0];
	s2 =	stileid.u32  }
0x47: {  	s1 =	rddreg [dreg:$0x1];
	p0 =	sne.s32 s2, $0x0  }
0x48: {  	s3 =	rddreg [dreg:$0x2];
	[bflag:$0x3] =	sbarrier.arrive $0xFFFF;
	s2 =	simm.s32 @!p0 $0x1C01  }
0x49: {  	[timem:s3], [sflag:s2] =	dma.local @!p0 [hbm:s0], s1  }
0x4a: {  	s0 =	simm.s32 @!p0 $0x1  }
0x4b: {  	_ =	swait.ge @!p0 [sflag:s0], s1  }
0x4c: {  	s1 =	ssub.s32 @!p0 $0x0, s1;
	[sflag:s0] =	ssyncset.done @!p0 $0x0  }
0x4d: {  	[sflag:s0] =	ssyncadd.s32 @!p0 s1  }
0x4e: {  	[bflag:$0x3] =	sbarrier.arrive $0xFFFF  }
0x4f: {  	_ =	shalt  }

// kernel: gather_offload_async_start
scs
__scs_entry_jumppad:
0x0: {  	(pc) =	sbr.rel $0x88, $3  }
0x1: {  	(tag) =	ssettag $0x0;
	lr =	simm.s32 $0x1  }
0x2: {  	[smem:$0x3F96] =	sst lr;
	_ =	strace $0xD0000000  }
0x3: {  	_ = 	snop  }
0x4: {  	_ = 	snop  }
0x5: {  	_ = 	snop  }
0x6: {  	_ = 	snop  }
0x7: {  	_ = 	snop  }
__scs_overlays_trampoline_lowered:
0x8: {  	[smem:$0x3FA5] =	sst s0  }
0x9: {  	[smem:$0x3FA6] =	sst s1  }
0xa: {  	[smem:$0x3FA7] =	sst s2  }
0xb: {  	[smem:$0x3FA8] =	sst s3  }
0xc: {  	[smem:$0x3FA9] =	sst s4  }
0xd: {  	[smem:$0x3FAA] =	sst s5  }
0xe: {  	[smem:$0x3FAB] =	sst s6  }
0xf: {  	[smem:$0x3FAC] =	sst s7  }
0x10: {  	[smem:$0x3FAD] =	sst s8  }
0x11: {  	[smem:$0x3FAE] =	sst s9;
	s0 =	simm.s32 @!p0 $0x0  }
0x12: {  	s1 =	sld [smem:$0x3F94];
	s0 =	simm.s32 @p0 $0x1  }
0x13: {  	[smem:$0x3FAF] =	sst s0;
	s0 =	simm.s32 @!p1 $0x0  }
0x14: {  	s2 =	sld [smem:$0x3F93];
	s0 =	simm.s32 @p1 $0x1  }
0x15: {  	[smem:$0x3FB0] =	sst s0;
	s0 =	simm.s32 @!p2 $0x0  }
0x16: {  	s3 =	sld [smem:$0x3FDB];
	s0 =	simm.s32 @p2 $0x1  }
0x17: {  	s4 =	simm.s32 $0x1BF5;
	[smem:$0x3FB2] =	sst s0  }
0x18: {  	s0 =	sld [smem:$0x3F95];
	_ =	swait.ge [sflag:s4], $0x0  }
0x19: {  	s7 =	sld [smem:$0x3F96]  }
0x1a: {  	s8 =	sadd.s32 $0xFFFFE003, lr  }
0x1b: {  	s9 =	sadd.s32 $0xFFFFFEF7, lr;
	s5 =	simm.s32 $0xFFFFFFFF;
	p2 =	slt.u32 s8, $0xFFFFF086  }
0x1c: {  	p1 =	slt.u32 s9, $0xF7A;
	s5 =	simm.s32 @!p2 $0x0  }
0x1d: {  	s5 =	simm.s32 @p1 $0x1;
	p0 =	seq.s32 s7, s2  }
0x1e: {  	s7 =	smul.u32 @!p0 $0xF7A, s2;
	p2 =	seq.s32 @!p0 s5, $0x0  }
0x1f: {  	s9 =	smul.u32 $0xF7A, s1;
	s8 =	simm.s32 @!p0 $0x1BF5;
	p2 =	por !p2, p0  }
0x20: {  	[sflag:s8] =	ssyncset.s32 @!p0 $0xFFFFF086;
	s6 =	sadd.s32 @!p0 s3, s7;
	s7 =	simm.s32 @!p0 $0x108  }
0x21: {  	s3 =	sadd.s32 s3, s9;
	s6 =	sadd.s32 @!p0 $0x88, s6;
	s7 =	simm.s32 @p2 $0x1082  }
0x22: {  	[simem:s7], [sflag:s8] =	dma.local @!p0 [hbm:s6], $0xF7A  }
0x23: {  	s9 =	sor.u32 $0xD0000000, s2;
	s6 =	simm.s32 $0x108;
	_ =	swait.ge @!p0 [sflag:s8], $0x0  }
0x24: {  	s3 =	sadd.s32 $0x88, s3;
	s6 =	simm.s32 @!p1 $0x1082;
	[sflag:s4] =	ssyncset.s32 $0xFFFFF086  }
0x25: {  	[simem:s6], [sflag:s4] =	dma.local [hbm:s3], $0xF7A  }
0x26: {  	[smem:$0x3F96] =	sst s1;
	(tag) =	ssettag s2;
	_ =	strace s9  }
0x27: {  	s1 =	sld [smem:$0x3FA6]  }
0x28: {  	s2 =	sld [smem:$0x3FA7]  }
0x29: {  	s4 =	sld [smem:$0x3FA9]  }
0x2a: {  	p0 =	seq.s32 s5, $0x0;
	s5 =	sld [smem:$0x3FAA]  }
0x2b: {  	s6 =	sld [smem:$0x3FAB]  }
0x2c: {  	s7 =	sld [smem:$0x3FAC]  }
0x2d: {  	s3 =	simm.s32 $0x108;
	s8 =	sld [smem:$0x3FAD]  }
0x2e: {  	s3 =	simm.s32 @!p0 $0x1082;
	s9 =	sld [smem:$0x3FAE]  }
0x2f: {  	lr =	sadd.s32 s0, s3;
	s0 =	sld [smem:$0x3FA5]  }
0x30: {  	s3 =	sld [smem:$0x3FA8]  }
0x31: {  	[smem:$0x3FB1] =	sst s10  }
0x32: {  	s10 =	sld [smem:$0x3FAF];
	_ =	sdelay $0x3  }
0x33: {  	p0 =	seq.s32 s10, $0x1;
	s10 =	sld [smem:$0x3FB1];
	_ =	sdelay $0x3  }
0x34: {  	[smem:$0x3FB1] =	sst s10  }
0x35: {  	s10 =	sld [smem:$0x3FB0];
	_ =	sdelay $0x3  }
0x36: {  	p1 =	seq.s32 s10, $0x1;
	s10 =	sld [smem:$0x3FB1];
	_ =	sdelay $0x3  }
0x37: {  	[smem:$0x3FB1] =	sst s10  }
0x38: {  	s10 =	sld [smem:$0x3FB2]  }
0x39: {  	_ = 	snop;
	(pc) =	sbr.ind lr, $3  }
0x3a: {  	_ = 	snop  }
0x3b: {  	_ = 	snop  }
0x3c: {  	p2 =	seq.s32 s10, $0x1;
	s10 =	sld [smem:$0x3FB1]  }
0x3d: {  	_ =	shalt  }
0x3e: {  	_ =	shalt  }
0x3f: {  	_ =	shalt  }
0x40: {  	_ =	shalt  }
0x41: {  	_ =	shalt  }
0x42: {  	_ =	shalt  }
0x43: {  	_ =	shalt  }
0x44: {  	_ =	shalt  }
0x45: {  	_ =	shalt  }
0x46: {  	_ =	shalt  }
0x47: {  	_ =	shalt  }
0x48: {  	_ =	shalt  }
0x49: {  	_ =	shalt  }
0x4a: {  	_ =	shalt  }
0x4b: {  	_ =	shalt  }
0x4c: {  	_ =	shalt  }
0x4d: {  	_ =	shalt  }
0x4e: {  	_ =	shalt  }
0x4f: {  	_ =	shalt  }
0x50: {  	_ =	shalt  }
0x51: {  	_ =	shalt  }
0x52: {  	_ =	shalt  }
0x53: {  	_ =	shalt  }
0x54: {  	_ =	shalt  }
0x55: {  	_ =	shalt  }
0x56: {  	_ =	shalt  }
0x57: {  	_ =	shalt  }
0x58: {  	_ =	shalt  }
0x59: {  	_ =	shalt  }
0x5a: {  	_ =	shalt  }
0x5b: {  	_ =	shalt  }
0x5c: {  	_ =	shalt  }
0x5d: {  	_ =	shalt  }
0x5e: {  	_ =	shalt  }
0x5f: {  	_ =	shalt  }
0x60: {  	_ =	shalt  }
0x61: {  	_ =	shalt  }
0x62: {  	_ =	shalt  }
0x63: {  	_ =	shalt  }
0x64: {  	_ =	shalt  }
0x65: {  	_ =	shalt  }
0x66: {  	_ =	shalt  }
0x67: {  	_ =	shalt  }
0x68: {  	_ =	shalt  }
0x69: {  	_ =	shalt  }
0x6a: {  	_ =	shalt  }
0x6b: {  	_ =	shalt  }
0x6c: {  	_ =	shalt  }
0x6d: {  	_ =	shalt  }
0x6e: {  	_ =	shalt  }
0x6f: {  	_ =	shalt  }
0x70: {  	_ =	shalt  }
0x71: {  	_ =	shalt  }
0x72: {  	_ =	shalt  }
0x73: {  	_ =	shalt  }
0x74: {  	_ =	shalt  }
0x75: {  	_ =	shalt  }
0x76: {  	_ =	shalt  }
0x77: {  	_ =	shalt  }
0x78: {  	_ =	shalt  }
0x79: {  	_ =	shalt  }
0x7a: {  	_ =	shalt  }
0x7b: {  	_ =	shalt  }
0x7c: {  	_ =	shalt  }
0x7d: {  	_ =	shalt  }
0x7e: {  	_ =	shalt  }
0x7f: {  	_ =	shalt  }
0x80: {  	_ =	shalt  }
0x81: {  	_ =	shalt  }
0x82: {  	_ =	shalt  }
0x83: {  	_ =	shalt  }
0x84: {  	_ =	shalt  }
0x85: {  	_ =	shalt  }
0x86: {  	_ =	shalt  }
0x87: {  	_ =	shalt  }
.Lfunc_end0:
.L_simem_size_0:
called_computation_lowered:
.L_overlay_start_0:
0x88: {  	s2 =	sld [smem:$0x3FD9]  }
0x89: {  	s3 =	sld [smem:$0x3FFE];
	_ =	sdelay $0x1  }
0x8a: {  	s1 =	srdreg.scid  }
0x8b: {  	s0 =	sand.u32 $0x1, s1  }
0x8c: {  	s15 =	sshll.u32 s0, $0xA;
	s2 =	sadd.s32 s3, s2  }
0x8d: {  	s2 =	sadd.s32 s2, s15  }
0x8e: {  	[smem:$0x3FBD] =	sst s2  }
0x8f: {  	_ = 	snop  }
0x90: {  	s2 =	sld [smem:$0x3FD0];
	_ =	sdelay $0x2  }
0x91: {  	s16 =	simm.s32 $0xA;
	s4 =	simm.s32 $0x10  }
0x92: {  	[smem:s4], [sflag:s16] =	dma.local [hbm:s2], $0x1  }
0x93: {  	_ =	swait.eq [sflag:s16], $0x1  }
0x94: {  	s17 =	sld [smem:$0x12];
	[sflag:s16] =	ssyncset.done $0x0  }
0x95: {  	s18 =	sld [smem:$0x13];
	[sflag:s16] =	ssyncadd.s32 $0xFFFFFFFF  }
0x96: {  	s19 =	sld [smem:$0x14];
	(tm) =	ssettm $0x1  }
0x97: {  	s5 =	sld [smem:$0x3FFB];
	_ =	sdelay $0x3  }
0x98: {  	_ =	strace s5  }
0x99: {  	s5 =	sld [smem:$0x3FFC];
	_ =	sdelay $0x3  }
0x9a: {  	_ =	strace s5  }
0x9b: {  	s5 =	sld [smem:$0x3FFD];
	_ =	sdelay $0x3  }
0x9c: {  	_ =	strace s5  }
0x9d: {  	_ =	strace $0x8FFFFFFF  }
0x9e: {  	s20 =	sld [smem:$0x3FDB];
	_ =	sdelay $0x1  }
0x9f: {  	s6 =	simm.s32 $_scs_section_size  }
0xa0: {  	s7 =	simm.s32 $_size__tile_overlayer_lowered;
	s8 =	simm.s32 $_tile_overlayer_lowered  }
0xa1: {  	s23 =	simm.s32 $0x1BFF;
	s22 =	sshll.u32 s8, $0x1;
	s5 =	sadd.s32 s6, s20  }
0xa2: {  	s9 =	simm.s32 $0x0;
	s21 =	sshll.u32 s7, $0x1;
	s7 =	sadd.s32 s22, s5  }
0xa3: {  	[timem:s9], [sflag:s23] =	dma.local [hbm:s7], s21  }
0xa4: {  	_ =	swait.ge [sflag:s23], s21  }
0xa5: {  	s6 =	ssub.s32 $0x0, s21;
	[sflag:s23] =	ssyncset.done $0x0  }
0xa6: {  	[sflag:s23] =	ssyncadd.s32 s6;
	_ =	sdelay $0x1  }
0xa7: {  	s24 =	simm.s32 $0x1B8B  }
0xa8: {  	_ =	swait.ge [sflag:s24], $0x1  }
0xa9: {  	[sflag:s24] =	ssyncset.done $0x0  }
0xaa: {  	s25 =	simm.s32 $0x1B8E;
	[sflag:s24] =	ssyncadd.s32 $0xFFFFFFFF  }
0xab: {  	s26 =	simm.s32 $execute0_lowered;
	[smem:$0x3FD2] =	sst s25  }
0xac: {  	s6 =	sshll.u32 s26, $0x1;
	_ =	strace $0x80000049;
	[dreg:$0x1] =	wrdreg $0xFFFFFFFF  }
0xad: {  	s28 =	simm.s32 $_size_execute0_lowered;
	s5 =	sadd.s32 s5, s6;
	[dreg:$0x0] =	wrdreg $0x0  }
0xae: {  	s6 =	sshll.u32 s28, $0x1;
	[dreg:$0x2] =	wrdreg s5  }
0xaf: {  	[dreg:$0x3] =	wrdreg s6  }
0xb0: {  	[dreg:$0x4] =	wrdreg $0xC0  }
0xb1: {  	_ =	task [dreg:s9], $0x5FFFF  }
0xb2: {  	[dreg:$0x1] =	wrdreg $0xFFFFFFFF  }
0xb3: {  	[dreg:$0x0] =	wrdreg $0x60  }
0xb4: {  	[dreg:$0x2] =	wrdreg s19  }
0xb5: {  	[dreg:$0x3] =	wrdreg s18  }
0xb6: {  	[dreg:$0x4] =	wrdreg s17  }
0xb7: {  	[dreg:$0x5] =	wrdreg $0x9  }
0xb8: {  	_ =	task.clear_ibuf [dreg:s9], $0x6FFFF;
	_ =	strace $0x90000049  }
0xb9: {  	s29 =	simm.s32 $0x9;
	_ =	strace $0x8000004B  }
0xba: {  	_ =	swait.ge [sflag:s29], $0x1  }
0xbb: {  	[sflag:s29] =	ssyncadd.s32 $0xFFFFFFFF  }
0xbc: {  	_ =	strace $0x9000004B  }
0xbd: {  	_ =	sfence  }
0xbe: {  	s30 =	sld [smem:$0x0];
	_ =	sdelay $0x2  }
0xbf: {  	s31 =	sshll.u32 s1, $0xD;
	s1 =	sshrl.u32 s1, $0x2  }
0xc0: {  	s3 =	sand.u32 $0x4000, s31;
	s1 =	sadd.s32 s1, s30  }
0xc1: {  	s0 =	sor.u32 s3, s0;
	s1 =	sshll.u32 s1, $0x11  }
0xc2: {  	s0 =	sor.u32 s1, s0  }
0xc3: {  	s0 =	sadd.s32 $0x8F2B, s0  }
0xc4: {  	[sflag:s0] =	ssyncadd.remote.s32 $0x1  }
0xc5: {  	_ =	sfence.sel $0xFFFF  }
0xc6: {  	[dreg:$0x0] =	wrdreg $0xFFFFFFFF;
	(pc) =	sbr.abs _section_cstart, $3  }
0xc7: {  	[dreg:$0x1] =	wrdreg $0xFFFFFFFF  }
0xc8: {  	_ =	task.clear_ibuf [dreg:s9], $0x2FFFF;
	_ =	strace $0x9FFFFFFF  }
0xc9: {  	(tm) =	ssettm $0x7FFFFFFF  }
tec
execute0_lowered:
.L_overlay_start_1:
0x0: {  	(tag) =	ssettag $0x1  }
0x1: {  	s2 =	rddreg [dreg:$0x0]  }
0x2: {  	s3 =	rddreg [dreg:$0x1]  }
0x3: {  	s4 =	rddreg [dreg:$0x2];
	s1 =	stileid.u32  }
0x4: {  	s5 =	srdreg.scid;
	s0 =	rddreg [dreg:$0x3]  }
0x5: {  	_ =	strace $0x8000004A;
	s8 =	simm.s32 $0x1;
	s9 =	simm.s32 $0x1  }
0x6: {  	s10 =	simm.s32 $0x3;
	s6 =	sand.u32 $0x1, s5;
	s7 =	sshll.u32 s1, $0x1  }
0x7: {  	s13 =	simm.s32 $0x0;
	s5 =	simm.s32 $0x1;
	s6 =	sor.u32 s7, s6  }
.Ltmp0:
0x8: {  	[sflag:s5] =	ssyncpa.u1 $0x0;
	p0 =	slt.u32 s6, $0x9;
	(pc) =	sbr.rel .LBB2_1-.Ltmp0, $4  }
0x9: {  	s7 =	simm.s32 $0x2;
	s8 =	simm.s32 @!p0 $0x0;
	p0 =	sne.s32 s6, $0x8  }
0xa: {  	[sflag:s7] =	ssyncpa.u1 $0x0;
	s6 =	smul.u32 $0x1F40, s6;
	s9 =	simm.s32 @!p0 $0x0  }
0xb: {  	s12 =	simm.s32 $0x0;
	[sflag:s10] =	ssyncpa.u1 $0x0;
	s8 =	sadd.s32 s9, s8  }
0xc: {  	vm0 =	vmmov $0xffff;
	s10 =	simm.s32 $0x0;
	s11 =	smov.u32 s6;
	s9 =	sadd.s32 $0x1, s8  }
.LBB2_4:
0xd: {  	v2 =	vnsel vm1, $0x0, v2  }
0xe: {  	vm1 =	vgt.s32 v0, $0x0;
	v2 =	vmin.u32 v2, $0x4E1FF  }
0xf: {  	v0 =	vnsel vm1, $0x0, v0  }
0x10: {  	v0 =	vmin.u32 v0, $0x4E1FF  }
0x11: {  	[tilespmem:s18], [sflag:$0x1] =	stream.indirect_vreg.gather [hbm4b:s2+s10], $0x1, v1, vm0, $0x4038;
	[tilespmem:$0x7D00] =	vst v63  }
0x12: {  	(ifvalue) =	ssetifvalue $0x7FFFFFFF  }
0x13: {  	[tilespmem:s15], [sflag:$0x1] =	stream.indirect_vreg.gather [hbm4b:s2+s10], $0x1, v2, vm0, $0x4038;
	[tilespmem:$0x7D00] =	vst v63  }
0x14: {  	s29 =	sadd.s32 $0x10, s15;
	(ifvalue) =	ssetifvalue $0x7FFFFFFF  }
0x15: {  	[tilespmem:s29], [sflag:$0x1] =	stream.indirect_vreg.gather [hbm4b:s2+s10], $0x1, v0, vm0, $0x4038;
	[tilespmem:$0x7D00] =	vst v63  }
0x16: {  	_ =	swait.ge [sflag:s5], $0x1F40  }
0x17: {  	s30 =	sshrl.u32 s13, $0x3;
	[sflag:s5] =	ssyncset.done $0x0  }
0x18: {  	s31 =	sand.u32 $0x7, s13;
	s15 =	sadd.s32 s4, s30;
	[sflag:s5] =	ssyncadd.s32 $0xFFFFE0C0  }
0x19: {  	[hbm4b:s15+s31] =	stream.linear.scatter [tilespmem:s14], [sflag:$0x3], $0x1F40, $0x38;
	[tilespmem:$0x7D00] =	vst v63  }
.LBB2_5:
0x1a: {  	s15 =	sadd.s32 $0x3E800, s11  }
0x1b: {  	p1 =	sgt.s32 s15, $0x4E1FF  }
0x1c: {  	s15 =	smov.u32 @p1 s6;
	p1 =	sne.s32 s12, s9  }
.Ltmp1:
0x1d: {  	p0 =	slt.u32 s12, $0x2;
	(pc) =	sbr.rel @!p1 .LBB2_6-.Ltmp1, $4  }
0x1e: {  	s14 =	simm.s32 @!p0 $0x3  }
0x1f: {  	_ =	swait.ge @!p0 [sflag:s14], $0x1F40  }
0x20: {  	s16 =	sadd.s32 $0x1, s12;
	s13 =	smov.u32 s11;
	[sflag:s14] =	ssyncset.done @!p0 $0x0  }
0x21: {  	s12 =	smov.u32 s16;
	s11 =	smov.u32 s15;
	[sflag:s14] =	ssyncadd.s32 @!p0 $0xFFFFE0C0  }
.LBB2_1:
0x22: {  	p0 =	sge.u32 s12, s8  }
0x23: {  	s14 =	sxor.u32 @!p0 $0x1, s12  }
0x24: {  	s14 =	smul.u32 @!p0 $0x7D00, s14  }
0x25: {  	s31 =	sadd.s32 $0xFFFFFFFF, s12;
	s15 =	sshrl.u32 @!p0 s11, $0x3  }
0x26: {  	s16 =	sand.u32 @!p0 $0x7, s11;
	s15 =	sadd.s32 @!p0 s3, s15;
	s14 =	sshra.s32 @!p0 s14, $0x2  }
0x27: {  	[tilespmem:s14], [sflag:$0x2] =	stream.linear.gather @!p0 [hbm4b:s15+s16], $0x1F40, $0x38;
	[tilespmem:$0x7D00] =	vst v63  }
0x28: {  	p0 =	sge.u32 s31, s8  }
.Ltmp2:
0x29: {  	_ = 	snop;
	(pc) =	sbr.rel @p0 .LBB2_5-.Ltmp2, $1  }
0x2a: {  	_ =	sdelay $0x3  }
0x2b: {  	s14 =	sand.u32 $0x1, s12  }
0x2c: {  	_ =	swait.ge [sflag:s7], $0x1F40;
	p0 =	seq.s32 s14, $0x1;
	s14 =	simm.s32 $0x1F40  }
0x2d: {  	[sflag:s7] =	ssyncset.done $0x0;
	s14 =	simm.s32 @!p0 $0x0  }
0x2e: {  	[sflag:s7] =	ssyncadd.s32 $0xFFFFE0C0;
	(ifvalue) =	ssetifvalue $0x7FFFFFFF;
	v0 =	vld.msk [tilespmem:s14+$0x0 ss:$0x1], $0xffff;
	_ =	sdelay $0x4  }
0x2f: {  	s15 =	sadd.s32 $0x10, s14;
	vm1 =	vgt.s32 v0, $0x0  }
0x30: {  	v2 =	vld.msk [tilespmem:s15+$0x0 ss:$0x1], $0xffff;
	v1 =	vnsel vm1, $0x0, v0  }
0x31: {  	v1 =	vmin.u32 v1, $0x4E1FF;
	_ =	sdelay $0x2  }
0x32: {  	s17 =	simm.s32 $0x20;
	s14 =	sadd.s32 $0x3E80, s14;
	s16 =	sadd.s32 $0x10, s15  }
0x33: {  	s15 =	sadd.s32 $0x10, s14;
	s18 =	smov.u32 s14;
	v0 =	vld.msk [tilespmem:s16+$0x0 ss:$0x1], $0xffff;
	vm1 =	vgt.s32 v2, $0x0;
	(ifvalue) =	ssetifvalue $0x7FFFFFFF  }
.LBB2_3:
0x34: {  	[tilespmem:s18], [sflag:$0x1] =	stream.indirect_vreg.gather [hbm4b:s2+s10], $0x1, v1, vm0, $0x4038;
	[tilespmem:$0x7D00] =	vst v63  }
0x35: {  	s17 =	sadd.s32 $0x10, s17  }
0x36: {  	v2 =	vnsel vm1, $0x0, v2;
	p0 =	slt.u32 s17, $0x1F30  }
.Ltmp3:
0x37: {  	s18 =	smov.u32 s15;
	v1 =	vmin.u32 v2, $0x4E1FF;
	(pc) =	sbr.rel @p0 .LBB2_3-.Ltmp3, $3  }
0x38: {  	_ =	sdelay $0x1  }
0x39: {  	s16 =	sadd.s32 $0x10, s16  }
0x3a: {  	vm1 =	vgt.s32 v0, $0x0;
	s15 =	sadd.s32 $0x10, s15;
	v2 =	vmov v0;
	(ifvalue) =	ssetifvalue $0x7FFFFFFF;
	v0 =	vld.msk [tilespmem:s16+$0x0 ss:$0x1], $0xffff  }
.Ltmp4:
0x3b: {  	_ = 	snop;
	(pc) =	sbr.rel .LBB2_4-.Ltmp4, $1  }
0x3c: {  	_ =	sdelay $0x3  }
.LBB2_6:
0x3d: {  	_ =	sfence.sel $0x180000  }
0x3e: {  	s2 =	simm.s32 $0x2;
	[bflag:$0x0] =	sbarrier.arrive $0xFFFF  }
0x3f: {  	s30 =	simm.s32 $0x3;
	[sflag:s2] =	ssyncpa.u1 $0x1  }
0x40: {  	s31 =	simm.s32 $0x1;
	[sflag:s30] =	ssyncpa.u1 $0x1  }
0x41: {  	[sflag:s31] =	ssyncpa.u1 $0x1  }
0x42: {  	p0 =	sne.s32 s1, $0x0;
	_ =	strace $0x9000004A  }
0x43: {  	s0 =	sadd.s32 @!p0 $0x100000, s0;
	[bflag:$0x2] =	sbarrier.arrive $0xFFFF  }
0x44: {  	[sflag:s0] =	ssyncadd.tile.s32 @!p0 $0x1;
	_ =	shalt  }
.Lfunc_end2:
_tile_overlayer_lowered:
.L_overlay_start_2:
0x45: {  	(tag) =	ssettag $0x2  }
0x46: {  	s0 =	rddreg [dreg:$0x0];
	s2 =	stileid.u32  }
0x47: {  	s1 =	rddreg [dreg:$0x1];
	p0 =	sne.s32 s2, $0x0  }
0x48: {  	s3 =	rddreg [dreg:$0x2];
	[bflag:$0x3] =	sbarrier.arrive $0xFFFF;
	s2 =	simm.s32 @!p0 $0x1C01  }
0x49: {  	[timem:s3], [sflag:s2] =	dma.local @!p0 [hbm:s0], s1  }
0x4a: {  	s0 =	simm.s32 @!p0 $0x1  }
0x4b: {  	_ =	swait.ge @!p0 [sflag:s0], s1  }
0x4c: {  	s1 =	ssub.s32 @!p0 $0x0, s1;
	[sflag:s0] =	ssyncset.done @!p0 $0x0  }
0x4d: {  	[sflag:s0] =	ssyncadd.s32 @!p0 s1  }
0x4e: {  	[bflag:$0x3] =	sbarrier.arrive $0xFFFF  }
0x4f: {  	_ =	shalt  }

// kernel: kernel.12.cloned.1.call-start
scs
__scs_entry_jumppad:
0x0: {  	(pc) =	sbr.rel $0x88, $3  }
0x1: {  	(tag) =	ssettag $0x0;
	lr =	simm.s32 $0x1  }
0x2: {  	[smem:$0x3F96] =	sst lr;
	_ =	strace $0xD0000000  }
0x3: {  	_ = 	snop  }
0x4: {  	_ = 	snop  }
0x5: {  	_ = 	snop  }
0x6: {  	_ = 	snop  }
0x7: {  	_ = 	snop  }
__scs_overlays_trampoline_lowered:
0x8: {  	[smem:$0x3FA5] =	sst s0  }
0x9: {  	[smem:$0x3FA6] =	sst s1  }
0xa: {  	[smem:$0x3FA7] =	sst s2  }
0xb: {  	[smem:$0x3FA8] =	sst s3  }
0xc: {  	[smem:$0x3FA9] =	sst s4  }
0xd: {  	[smem:$0x3FAA] =	sst s5  }
0xe: {  	[smem:$0x3FAB] =	sst s6  }
0xf: {  	[smem:$0x3FAC] =	sst s7  }
0x10: {  	[smem:$0x3FAD] =	sst s8  }
0x11: {  	[smem:$0x3FAE] =	sst s9;
	s0 =	simm.s32 @!p0 $0x0  }
0x12: {  	s1 =	sld [smem:$0x3F94];
	s0 =	simm.s32 @p0 $0x1  }
0x13: {  	[smem:$0x3FAF] =	sst s0;
	s0 =	simm.s32 @!p1 $0x0  }
0x14: {  	s2 =	sld [smem:$0x3F93];
	s0 =	simm.s32 @p1 $0x1  }
0x15: {  	[smem:$0x3FB0] =	sst s0;
	s0 =	simm.s32 @!p2 $0x0  }
0x16: {  	s3 =	sld [smem:$0x3FDB];
	s0 =	simm.s32 @p2 $0x1  }
0x17: {  	s4 =	simm.s32 $0x1BF5;
	[smem:$0x3FB2] =	sst s0  }
0x18: {  	s0 =	sld [smem:$0x3F95];
	_ =	swait.ge [sflag:s4], $0x0  }
0x19: {  	s7 =	sld [smem:$0x3F96]  }
0x1a: {  	s8 =	sadd.s32 $0xFFFFE003, lr  }
0x1b: {  	s9 =	sadd.s32 $0xFFFFFEF7, lr;
	s5 =	simm.s32 $0xFFFFFFFF;
	p2 =	slt.u32 s8, $0xFFFFF086  }
0x1c: {  	p1 =	slt.u32 s9, $0xF7A;
	s5 =	simm.s32 @!p2 $0x0  }
0x1d: {  	s5 =	simm.s32 @p1 $0x1;
	p0 =	seq.s32 s7, s2  }
0x1e: {  	s7 =	smul.u32 @!p0 $0xF7A, s2;
	p2 =	seq.s32 @!p0 s5, $0x0  }
0x1f: {  	s9 =	smul.u32 $0xF7A, s1;
	s8 =	simm.s32 @!p0 $0x1BF5;
	p2 =	por !p2, p0  }
0x20: {  	[sflag:s8] =	ssyncset.s32 @!p0 $0xFFFFF086;
	s6 =	sadd.s32 @!p0 s3, s7;
	s7 =	simm.s32 @!p0 $0x108  }
0x21: {  	s3 =	sadd.s32 s3, s9;
	s6 =	sadd.s32 @!p0 $0x88, s6;
	s7 =	simm.s32 @p2 $0x1082  }
0x22: {  	[simem:s7], [sflag:s8] =	dma.local @!p0 [hbm:s6], $0xF7A  }
0x23: {  	s9 =	sor.u32 $0xD0000000, s2;
	s6 =	simm.s32 $0x108;
	_ =	swait.ge @!p0 [sflag:s8], $0x0  }
0x24: {  	s3 =	sadd.s32 $0x88, s3;
	s6 =	simm.s32 @!p1 $0x1082;
	[sflag:s4] =	ssyncset.s32 $0xFFFFF086  }
0x25: {  	[simem:s6], [sflag:s4] =	dma.local [hbm:s3], $0xF7A  }
0x26: {  	[smem:$0x3F96] =	sst s1;
	(tag) =	ssettag s2;
	_ =	strace s9  }
0x27: {  	s1 =	sld [smem:$0x3FA6]  }
0x28: {  	s2 =	sld [smem:$0x3FA7]  }
0x29: {  	s4 =	sld [smem:$0x3FA9]  }
0x2a: {  	p0 =	seq.s32 s5, $0x0;
	s5 =	sld [smem:$0x3FAA]  }
0x2b: {  	s6 =	sld [smem:$0x3FAB]  }
0x2c: {  	s7 =	sld [smem:$0x3FAC]  }
0x2d: {  	s3 =	simm.s32 $0x108;
	s8 =	sld [smem:$0x3FAD]  }
0x2e: {  	s3 =	simm.s32 @!p0 $0x1082;
	s9 =	sld [smem:$0x3FAE]  }
0x2f: {  	lr =	sadd.s32 s0, s3;
	s0 =	sld [smem:$0x3FA5]  }
0x30: {  	s3 =	sld [smem:$0x3FA8]  }
0x31: {  	[smem:$0x3FB1] =	sst s10  }
0x32: {  	s10 =	sld [smem:$0x3FAF];
	_ =	sdelay $0x3  }
0x33: {  	p0 =	seq.s32 s10, $0x1;
	s10 =	sld [smem:$0x3FB1];
	_ =	sdelay $0x3  }
0x34: {  	[smem:$0x3FB1] =	sst s10  }
0x35: {  	s10 =	sld [smem:$0x3FB0];
	_ =	sdelay $0x3  }
0x36: {  	p1 =	seq.s32 s10, $0x1;
	s10 =	sld [smem:$0x3FB1];
	_ =	sdelay $0x3  }
0x37: {  	[smem:$0x3FB1] =	sst s10  }
0x38: {  	s10 =	sld [smem:$0x3FB2]  }
0x39: {  	_ = 	snop;
	(pc) =	sbr.ind lr, $3  }
0x3a: {  	_ = 	snop  }
0x3b: {  	_ = 	snop  }
0x3c: {  	p2 =	seq.s32 s10, $0x1;
	s10 =	sld [smem:$0x3FB1]  }
0x3d: {  	_ =	shalt  }
0x3e: {  	_ =	shalt  }
0x3f: {  	_ =	shalt  }
0x40: {  	_ =	shalt  }
0x41: {  	_ =	shalt  }
0x42: {  	_ =	shalt  }
0x43: {  	_ =	shalt  }
0x44: {  	_ =	shalt  }
0x45: {  	_ =	shalt  }
0x46: {  	_ =	shalt  }
0x47: {  	_ =	shalt  }
0x48: {  	_ =	shalt  }
0x49: {  	_ =	shalt  }
0x4a: {  	_ =	shalt  }
0x4b: {  	_ =	shalt  }
0x4c: {  	_ =	shalt  }
0x4d: {  	_ =	shalt  }
0x4e: {  	_ =	shalt  }
0x4f: {  	_ =	shalt  }
0x50: {  	_ =	shalt  }
0x51: {  	_ =	shalt  }
0x52: {  	_ =	shalt  }
0x53: {  	_ =	shalt  }
0x54: {  	_ =	shalt  }
0x55: {  	_ =	shalt  }
0x56: {  	_ =	shalt  }
0x57: {  	_ =	shalt  }
0x58: {  	_ =	shalt  }
0x59: {  	_ =	shalt  }
0x5a: {  	_ =	shalt  }
0x5b: {  	_ =	shalt  }
0x5c: {  	_ =	shalt  }
0x5d: {  	_ =	shalt  }
0x5e: {  	_ =	shalt  }
0x5f: {  	_ =	shalt  }
0x60: {  	_ =	shalt  }
0x61: {  	_ =	shalt  }
0x62: {  	_ =	shalt  }
0x63: {  	_ =	shalt  }
0x64: {  	_ =	shalt  }
0x65: {  	_ =	shalt  }
0x66: {  	_ =	shalt  }
0x67: {  	_ =	shalt  }
0x68: {  	_ =	shalt  }
0x69: {  	_ =	shalt  }
0x6a: {  	_ =	shalt  }
0x6b: {  	_ =	shalt  }
0x6c: {  	_ =	shalt  }
0x6d: {  	_ =	shalt  }
0x6e: {  	_ =	shalt  }
0x6f: {  	_ =	shalt  }
0x70: {  	_ =	shalt  }
0x71: {  	_ =	shalt  }
0x72: {  	_ =	shalt  }
0x73: {  	_ =	shalt  }
0x74: {  	_ =	shalt  }
0x75: {  	_ =	shalt  }
0x76: {  	_ =	shalt  }
0x77: {  	_ =	shalt  }
0x78: {  	_ =	shalt  }
0x79: {  	_ =	shalt  }
0x7a: {  	_ =	shalt  }
0x7b: {  	_ =	shalt  }
0x7c: {  	_ =	shalt  }
0x7d: {  	_ =	shalt  }
0x7e: {  	_ =	shalt  }
0x7f: {  	_ =	shalt  }
0x80: {  	_ =	shalt  }
0x81: {  	_ =	shalt  }
0x82: {  	_ =	shalt  }
0x83: {  	_ =	shalt  }
0x84: {  	_ =	shalt  }
0x85: {  	_ =	shalt  }
0x86: {  	_ =	shalt  }
0x87: {  	_ =	shalt  }
.Lfunc_end0:
.L_simem_size_0:
called_computation.2_lowered:
.L_overlay_start_0:
0x88: {  	s2 =	sld [smem:$0x3FD9]  }
0x89: {  	s3 =	sld [smem:$0x3FFE];
	_ =	sdelay $0x1  }
0x8a: {  	s1 =	srdreg.scid  }
0x8b: {  	s0 =	sand.u32 $0x1, s1  }
0x8c: {  	s14 =	sshll.u32 s0, $0xA;
	s2 =	sadd.s32 s3, s2  }
0x8d: {  	s2 =	sadd.s32 s2, s14  }
0x8e: {  	[smem:$0x3FBD] =	sst s2  }
0x8f: {  	_ = 	snop  }
0x90: {  	s2 =	sld [smem:$0x3FD0];
	_ =	sdelay $0x2  }
0x91: {  	s4 =	simm.s32 $0xA;
	s5 =	simm.s32 $0x10;
	s15 =	sld [smem:$0x3FC9]  }
0x92: {  	[smem:s5], [sflag:s4] =	dma.local [hbm:s2], $0x1  }
0x93: {  	_ =	swait.eq [sflag:s4], $0x1  }
0x94: {  	[sflag:s4] =	ssyncset.done $0x0  }
0x95: {  	[sflag:s4] =	ssyncadd.s32 $0xFFFFFFFF  }
0x96: {  	s16 =	sld [smem:$0x14];
	(tm) =	ssettm $0x1  }
0x97: {  	s17 =	sld [smem:$0x3FFB];
	_ =	sdelay $0x3  }
0x98: {  	_ =	strace s17  }
0x99: {  	s4 =	sld [smem:$0x3FFC];
	_ =	sdelay $0x3  }
0x9a: {  	_ =	strace s4  }
0x9b: {  	s4 =	sld [smem:$0x3FFD];
	_ =	sdelay $0x3  }
0x9c: {  	_ =	strace s4  }
0x9d: {  	_ =	strace $0x8FFFFFFF  }
0x9e: {  	s18 =	sld [smem:$0x3FDB];
	_ =	sdelay $0x1  }
0x9f: {  	s19 =	simm.s32 $_scs_section_size  }
0xa0: {  	s6 =	simm.s32 $_size__tile_overlayer_lowered;
	s7 =	simm.s32 $_tile_overlayer_lowered  }
0xa1: {  	s22 =	simm.s32 $0x1BFF;
	s21 =	sshll.u32 s7, $0x1;
	s4 =	sadd.s32 s19, s18  }
0xa2: {  	s8 =	simm.s32 $0x0;
	s20 =	sshll.u32 s6, $0x1;
	s6 =	sadd.s32 s21, s4  }
0xa3: {  	[timem:s8], [sflag:s22] =	dma.local [hbm:s6], s20  }
0xa4: {  	_ =	swait.ge [sflag:s22], s20  }
0xa5: {  	s5 =	ssub.s32 $0x0, s20;
	[sflag:s22] =	ssyncset.done $0x0  }
0xa6: {  	[sflag:s22] =	ssyncadd.s32 s5;
	_ =	sdelay $0x1  }
0xa7: {  	s23 =	simm.s32 $0x1B8B  }
0xa8: {  	_ =	swait.ge [sflag:s23], $0x1  }
0xa9: {  	[sflag:s23] =	ssyncset.done $0x0  }
0xaa: {  	s25 =	simm.s32 $0x1B8E;
	s24 =	sld [smem:$0x3FFE];
	[sflag:s23] =	ssyncadd.s32 $0xFFFFFFFF  }
0xab: {  	s26 =	simm.s32 $execute0_lowered;
	[smem:$0x3FD2] =	sst s25  }
0xac: {  	s6 =	sshll.u32 s26, $0x1;
	_ =	strace $0x8000004C;
	[dreg:$0x1] =	wrdreg $0xFFFFFFFF  }
0xad: {  	s28 =	simm.s32 $_size_execute0_lowered;
	s4 =	sadd.s32 s4, s6;
	[dreg:$0x0] =	wrdreg $0x0  }
0xae: {  	s6 =	sshll.u32 s28, $0x1;
	[dreg:$0x2] =	wrdreg s4  }
0xaf: {  	[dreg:$0x3] =	wrdreg s6  }
0xb0: {  	[dreg:$0x4] =	wrdreg $0xC0  }
0xb1: {  	_ =	task [dreg:s8], $0x5FFFF  }
0xb2: {  	[dreg:$0x1] =	wrdreg $0xFFFFFFFF  }
0xb3: {  	[dreg:$0x0] =	wrdreg $0x60  }
0xb4: {  	[dreg:$0x2] =	wrdreg s15  }
0xb5: {  	[dreg:$0x3] =	wrdreg s16  }
0xb6: {  	[dreg:$0x4] =	wrdreg s24  }
0xb7: {  	[dreg:$0x5] =	wrdreg $0xA0800  }
0xb8: {  	[dreg:$0x6] =	wrdreg $0x9  }
0xb9: {  	_ =	task.clear_ibuf [dreg:s8], $0x7FFFF;
	_ =	strace $0x9000004C  }
0xba: {  	s29 =	simm.s32 $0x9;
	_ =	strace $0x8000004E  }
0xbb: {  	_ =	swait.ge [sflag:s29], $0x1  }
0xbc: {  	[sflag:s29] =	ssyncadd.s32 $0xFFFFFFFF  }
0xbd: {  	_ =	strace $0x9000004E  }
0xbe: {  	_ =	sfence  }
0xbf: {  	s30 =	sld [smem:$0x0];
	_ =	sdelay $0x2  }
0xc0: {  	s31 =	sshll.u32 s1, $0xD;
	s1 =	sshrl.u32 s1, $0x2  }
0xc1: {  	s3 =	sand.u32 $0x4000, s31;
	s1 =	sadd.s32 s1, s30  }
0xc2: {  	s0 =	sor.u32 s3, s0;
	s1 =	sshll.u32 s1, $0x11  }
0xc3: {  	s0 =	sor.u32 s1, s0  }
0xc4: {  	s0 =	sadd.s32 $0x8F2B, s0  }
0xc5: {  	[sflag:s0] =	ssyncadd.remote.s32 $0x1  }
0xc6: {  	_ =	sfence.sel $0xFFFF  }
0xc7: {  	[dreg:$0x0] =	wrdreg $0xFFFFFFFF;
	(pc) =	sbr.abs _section_cstart, $3  }
0xc8: {  	[dreg:$0x1] =	wrdreg $0xFFFFFFFF  }
0xc9: {  	_ =	task.clear_ibuf [dreg:s8], $0x2FFFF;
	_ =	strace $0x9FFFFFFF  }
0xca: {  	(tm) =	ssettm $0x7FFFFFFF  }
0xcb: {  	_ =	shalt  }
tec
execute0_lowered:
.L_overlay_start_1:
0x0: {  	(tag) =	ssettag $0x1  }
0x1: {  	s0 =	rddreg [dreg:$0x0]  }
0x2: {  	s4 =	rddreg [dreg:$0x1]  }
0x3: {  	s5 =	rddreg [dreg:$0x2]  }
0x4: {  	s1 =	srdreg.scid;
	s2 =	rddreg [dreg:$0x3]  }
0x5: {  	s3 =	simm.s32 $0x0;
	s14 =	simm.s32 $0x100;
	s16 =	simm.s32 $0x880  }
0x6: {  	s17 =	simm.s32 $0x180;
	s19 =	simm.s32 $0x900;
	s20 =	simm.s32 $0x200  }
0x7: {  	s21 =	simm.s32 $0x980;
	[smem:$0x7FF] =	sst s3;
	s11 =	sadd.s32 $0x8400, s5  }
0x8: {  	s15 =	sadd.s32 $0x138800, s2;
	_ =	strace $0x8000004D;
	[dreg:$0x12] =	wrdreg s11  }
0x9: {  	s22 =	simm.s32 $0x280;
	s23 =	simm.s32 $0xA00;
	[dreg:$0x15] =	wrdreg s15  }
0xa: {  	s6 =	sand.u32 $0x1, s1;
	s1 =	stileid.u32;
	[dreg:$0x7] =	wrdreg s14  }
0xb: {  	s28 =	simm.s32 $0xD80;
	s7 =	smul.u32 $0x28000, s6;
	[dreg:$0x8] =	wrdreg s16  }
0xc: {  	s29 =	simm.s32 $0x680;
	s8 =	smul.u32 $0x2800, s1;
	[dreg:$0x9] =	wrdreg s17  }
0xd: {  	s30 =	simm.s32 $0xE00;
	s24 =	smul.u32 $0x140000, s6;
	[dreg:$0xa] =	wrdreg s19  }
0xe: {  	s31 =	simm.s32 $0x700;
	s9 =	smul.u32 $0x14000, s1;
	[dreg:$0xb] =	wrdreg s20  }
0xf: {  	s25 =	sshll.u32 s6, $0x4;
	s6 =	ssub.s32 $0x2, s6;
	[dreg:$0xc] =	wrdreg s21  }
0x10: {  	s26 =	smul.u32 $0x50000, s1;
	[dreg:$0xd] =	wrdreg s22;
	s14 =	simm.s32 $0x1000  }
0x11: {  	[dreg:$0xe] =	wrdreg s23;
	s15 =	simm.s32 $0x5000;
	s16 =	simm.s32 $0x1  }
0x12: {  	s17 =	simm.s32 $0xB00;
	s19 =	simm.s32 $0xB80;
	s20 =	simm.s32 $0x480  }
0x13: {  	s21 =	simm.s32 $0xC00;
	s22 =	simm.s32 $0x500;
	s23 =	simm.s32 $0xC80  }
0x14: {  	p0 =	sne.s32 s1, $0x0;
	s11 =	sadd.s32 s25, s5;
	s12 =	sshrl.u32 s6, $0x1  }
0x15: {  	s25 =	simm.s32 $0xA80;
	s7 =	sadd.s32 s8, s7;
	s8 =	sadd.s32 s9, s24  }
0x16: {  	s6 =	ssub.s32 s6, s12;
	s9 =	sshrl.u32 s26, $0x2;
	s12 =	sshll.u32 s1, $0x6  }
0x17: {  	s13 =	sadd.s32 $0x10200, s11;
	s11 =	simm.s32 $0x2;
	s24 =	simm.s32 $0x300  }
0x18: {  	[dreg:$0x10] =	wrdreg s25;
	s26 =	simm.s32 $0x380;
	s25 =	simm.s32 $0xD00  }
0x19: {  	s1 =	simm.s32 $0xE80;
	s7 =	sshrl.u32 s7, $0x3;
	[dreg:$0x14] =	wrdreg s13  }
0x1a: {  	s8 =	sshrl.u32 s8, $0x3;
	s18 =	smax.u32 s6, $0x1;
	[dreg:$0xf] =	wrdreg s24  }
0x1b: {  	s13 =	simm.s32 $0x80;
	[dreg:$0x11] =	wrdreg s26;
	s24 =	simm.s32 $0x580  }
0x1c: {  	s26 =	simm.s32 $0x600;
	s6 =	simm.s32 $0xF00;
	s10 =	sadd.s32 s7, s5  }
0x1d: {  	s5 =	sadd.s32 s8, s5;
	s4 =	sadd.s32 s7, s4;
	[dreg:$0x17] =	wrdreg s18  }
0x1e: {  	s8 =	sadd.s32 s9, s2;
	s9 =	sor.u32 $0x1C02, s12;
	[dreg:$0x6] =	wrdreg s4  }
0x1f: {  	s12 =	simm.s32 $0x800;
	s10 =	sadd.s32 $0x10400, s10;
	[dreg:$0x13] =	wrdreg s9  }
0x20: {  	s18 =	simm.s32 $0x400;
	s5 =	sadd.s32 $0x1A400, s5;
	[dreg:$0x5] =	wrdreg s10  }
0x21: {  	s7 =	simm.s32 $0xF80;
	s8 =	sshrl.u32 s8, $0x3;
	[dreg:$0x16] =	wrdreg s5  }
0x22: {  	s4 =	simm.s32 $0x780;
	s10 =	simm.s32 $0x0;
	[dreg:$0x18] =	wrdreg s8  }
.LBB2_1:
0x23: {  	[dreg:$0x19] =	wrdreg s10  }
0x24: {  	s5 =	rddreg [dreg:$0x12]  }
0x25: {  	[spmem:s8], [sflag:s9] =	dma.local [hbm:s5], $0x2800  }
0x26: {  	_ =	swait.ge [sflag:s11], $0x2800  }
0x27: {  	[sflag:s11] =	ssyncset.done $0x0  }
0x28: {  	[sflag:s11] =	ssyncadd.s32 $0xFFFFD800  }
0x29: {  	[bflag:$0x0] =	sbarrier.arrive $0xFFFF  }
0x2a: {  	s10 =	rddreg [dreg:$0x6]  }
0x2b: {  	s5 =	sadd.s32 $0x0, s10  }
0x2c: {  	[tilespmem:s3], [sflag:$0x2] =	stream.linear.gather [hbm4b:s5+s3], $0x800, $0x38;
	[tilespmem:$0x1E080] =	vst v63  }
0x2d: {  	_ =	swait.ge [sflag:s11], $0x800  }
0x2e: {  	s8 =	rddreg [dreg:$0x5];
	[sflag:s11] =	ssyncset.done $0x0  }
0x2f: {  	[sflag:s11] =	ssyncadd.s32 $0xFFFFF800;
	s5 =	sadd.s32 $0x0, s8  }
0x30: {  	[tilespmem:s12], [sflag:$0x2] =	stream.linear.gather [hbm4b:s5+s3], $0x800, $0x38;
	[tilespmem:$0x1E080] =	vst v63  }
0x31: {  	_ =	swait.ge [sflag:s11], $0x800  }
0x32: {  	[sflag:s11] =	ssyncset.done $0x0  }
0x33: {  	[sflag:s11] =	ssyncadd.s32 $0xFFFFF800  }
0x34: {  	[tilespmem:s14], [sflag:$0x1] =	stream.indirect.gather [hbm4b:s0+s13], $0x80, s3, s13, $0xb8;
	[tilespmem:$0x1E080] =	vst v63  }
0x35: {  	_ = 	snop  }
0x36: {  	[tilespmem:s15], [sflag:$0x1] =	stream.indirect.gather [hbm4b:s0+s13], $0x80, s13, s13, $0xb8;
	[tilespmem:$0x1E080] =	vst v63  }
0x37: {  	_ =	swait.ge [sflag:s16], $0x4000  }
0x38: {  	[sflag:s16] =	ssyncset.done $0x0  }
0x39: {  	[sflag:s16] =	ssyncadd.s32 $0xFFFFC000  }
0x3a: {  	[spmem:s2] =	stream.indirect.scatter.add.f32 [tilespmem:s14], [sflag:$0x2], $0x80, s12, s13, $0xb8;
	[tilespmem:$0x1E080] =	vst v63  }
0x3b: {  	_ =	swait.ge [sflag:s11], $0x4000  }
0x3c: {  	[sflag:s11] =	ssyncset.done $0x0  }
0x3d: {  	s9 =	rddreg [dreg:$0x7];
	[sflag:s11] =	ssyncadd.s32 $0xFFFFC000  }
0x3e: {  	[tilespmem:s14], [sflag:$0x1] =	stream.indirect.gather [hbm4b:s0+s13], $0x80, s9, s13, $0xb8;
	[tilespmem:$0x1E080] =	vst v63  }
0x3f: {  	_ =	swait.ge [sflag:s16], $0x4000  }
0x40: {  	[sflag:s16] =	ssyncset.done $0x0  }
0x41: {  	s10 =	rddreg [dreg:$0x8];
	[sflag:s16] =	ssyncadd.s32 $0xFFFFC000  }
0x42: {  	[spmem:s2] =	stream.indirect.scatter.add.f32 [tilespmem:s15], [sflag:$0x2], $0x80, s10, s13, $0xb8;
	[tilespmem:$0x1E080] =	vst v63  }
0x43: {  	_ =	swait.ge [sflag:s11], $0x4000  }
0x44: {  	[sflag:s11] =	ssyncset.done $0x0  }
0x45: {  	s8 =	rddreg [dreg:$0x9];
	[sflag:s11] =	ssyncadd.s32 $0xFFFFC000  }
0x46: {  	[tilespmem:s15], [sflag:$0x1] =	stream.indirect.gather [hbm4b:s0+s13], $0x80, s8, s13, $0xb8;
	[tilespmem:$0x1E080] =	vst v63  }
0x47: {  	_ =	swait.ge [sflag:s16], $0x4000  }
0x48: {  	[sflag:s16] =	ssyncset.done $0x0  }
0x49: {  	s9 =	rddreg [dreg:$0xa];
	[sflag:s16] =	ssyncadd.s32 $0xFFFFC000  }
0x4a: {  	[spmem:s2] =	stream.indirect.scatter.add.f32 [tilespmem:s14], [sflag:$0x2], $0x80, s9, s13, $0xb8;
	[tilespmem:$0x1E080] =	vst v63  }
0x4b: {  	_ =	swait.ge [sflag:s11], $0x4000  }
0x4c: {  	[sflag:s11] =	ssyncset.done $0x0  }
0x4d: {  	s10 =	rddreg [dreg:$0xb];
	[sflag:s11] =	ssyncadd.s32 $0xFFFFC000  }
0x4e: {  	[tilespmem:s14], [sflag:$0x1] =	stream.indirect.gather [hbm4b:s0+s13], $0x80, s10, s13, $0xb8;
	[tilespmem:$0x1E080] =	vst v63  }
0x4f: {  	_ =	swait.ge [sflag:s16], $0x4000  }
0x50: {  	[sflag:s16] =	ssyncset.done $0x0  }
0x51: {  	s8 =	rddreg [dreg:$0xc];
	[sflag:s16] =	ssyncadd.s32 $0xFFFFC000  }
0x52: {  	[spmem:s2] =	stream.indirect.scatter.add.f32 [tilespmem:s15], [sflag:$0x2], $0x80, s8, s13, $0xb8;
	[tilespmem:$0x1E080] =	vst v63  }
0x53: {  	_ =	swait.ge [sflag:s11], $0x4000  }
0x54: {  	[sflag:s11] =	ssyncset.done $0x0  }
0x55: {  	s9 =	rddreg [dreg:$0xd];
	[sflag:s11] =	ssyncadd.s32 $0xFFFFC000  }
0x56: {  	[tilespmem:s15], [sflag:$0x1] =	stream.indirect.gather [hbm4b:s0+s13], $0x80, s9, s13, $0xb8;
	[tilespmem:$0x1E080] =	vst v63  }
0x57: {  	_ =	swait.ge [sflag:s16], $0x4000  }
0x58: {  	[sflag:s16] =	ssyncset.done $0x0  }
0x59: {  	s10 =	rddreg [dreg:$0xe];
	[sflag:s16] =	ssyncadd.s32 $0xFFFFC000  }
0x5a: {  	[spmem:s2] =	stream.indirect.scatter.add.f32 [tilespmem:s14], [sflag:$0x2], $0x80, s10, s13, $0xb8;
	[tilespmem:$0x1E080] =	vst v63  }
0x5b: {  	_ =	swait.ge [sflag:s11], $0x4000  }
0x5c: {  	[sflag:s11] =	ssyncset.done $0x0  }
0x5d: {  	s8 =	rddreg [dreg:$0xf];
	[sflag:s11] =	ssyncadd.s32 $0xFFFFC000  }
0x5e: {  	[tilespmem:s14], [sflag:$0x1] =	stream.indirect.gather [hbm4b:s0+s13], $0x80, s8, s13, $0xb8;
	[tilespmem:$0x1E080] =	vst v63  }
0x5f: {  	_ =	swait.ge [sflag:s16], $0x4000  }
0x60: {  	[sflag:s16] =	ssyncset.done $0x0  }
0x61: {  	s9 =	rddreg [dreg:$0x10];
	[sflag:s16] =	ssyncadd.s32 $0xFFFFC000  }
0x62: {  	[spmem:s2] =	stream.indirect.scatter.add.f32 [tilespmem:s15], [sflag:$0x2], $0x80, s9, s13, $0xb8;
	[tilespmem:$0x1E080] =	vst v63  }
0x63: {  	_ =	swait.ge [sflag:s11], $0x4000  }
0x64: {  	[sflag:s11] =	ssyncset.done $0x0  }
0x65: {  	s10 =	rddreg [dreg:$0x11];
	[sflag:s11] =	ssyncadd.s32 $0xFFFFC000  }
0x66: {  	[tilespmem:s15], [sflag:$0x1] =	stream.indirect.gather [hbm4b:s0+s13], $0x80, s10, s13, $0xb8;
	[tilespmem:$0x1E080] =	vst v63  }
0x67: {  	_ =	swait.ge [sflag:s16], $0x4000  }
0x68: {  	[sflag:s16] =	ssyncset.done $0x0  }
0x69: {  	[sflag:s16] =	ssyncadd.s32 $0xFFFFC000  }
0x6a: {  	[spmem:s2] =	stream.indirect.scatter.add.f32 [tilespmem:s14], [sflag:$0x2], $0x80, s17, s13, $0xb8;
	[tilespmem:$0x1E080] =	vst v63  }
0x6b: {  	_ =	swait.ge [sflag:s11], $0x4000  }
0x6c: {  	[sflag:s11] =	ssyncset.done $0x0  }
0x6d: {  	[sflag:s11] =	ssyncadd.s32 $0xFFFFC000  }
0x6e: {  	[tilespmem:s14], [sflag:$0x1] =	stream.indirect.gather [hbm4b:s0+s13], $0x80, s18, s13, $0xb8;
	[tilespmem:$0x1E080] =	vst v63  }
0x6f: {  	_ =	swait.ge [sflag:s16], $0x4000  }
0x70: {  	[sflag:s16] =	ssyncset.done $0x0  }
0x71: {  	[sflag:s16] =	ssyncadd.s32 $0xFFFFC000  }
0x72: {  	[spmem:s2] =	stream.indirect.scatter.add.f32 [tilespmem:s15], [sflag:$0x2], $0x80, s19, s13, $0xb8;
	[tilespmem:$0x1E080] =	vst v63  }
0x73: {  	_ =	swait.ge [sflag:s11], $0x4000  }
0x74: {  	[sflag:s11] =	ssyncset.done $0x0  }
0x75: {  	[sflag:s11] =	ssyncadd.s32 $0xFFFFC000  }
0x76: {  	[tilespmem:s15], [sflag:$0x1] =	stream.indirect.gather [hbm4b:s0+s13], $0x80, s20, s13, $0xb8;
	[tilespmem:$0x1E080] =	vst v63  }
0x77: {  	_ =	swait.ge [sflag:s16], $0x4000  }
0x78: {  	[sflag:s16] =	ssyncset.done $0x0  }
0x79: {  	[sflag:s16] =	ssyncadd.s32 $0xFFFFC000  }
0x7a: {  	[spmem:s2] =	stream.indirect.scatter.add.f32 [tilespmem:s14], [sflag:$0x2], $0x80, s21, s13, $0xb8;
	[tilespmem:$0x1E080] =	vst v63  }
0x7b: {  	_ =	swait.ge [sflag:s11], $0x4000  }
0x7c: {  	[sflag:s11] =	ssyncset.done $0x0  }
0x7d: {  	[sflag:s11] =	ssyncadd.s32 $0xFFFFC000  }
0x7e: {  	[tilespmem:s14], [sflag:$0x1] =	stream.indirect.gather [hbm4b:s0+s13], $0x80, s22, s13, $0xb8;
	[tilespmem:$0x1E080] =	vst v63  }
0x7f: {  	_ =	swait.ge [sflag:s16], $0x4000  }
0x80: {  	[sflag:s16] =	ssyncset.done $0x0  }
0x81: {  	[sflag:s16] =	ssyncadd.s32 $0xFFFFC000  }
0x82: {  	[spmem:s2] =	stream.indirect.scatter.add.f32 [tilespmem:s15], [sflag:$0x2], $0x80, s23, s13, $0xb8;
	[tilespmem:$0x1E080] =	vst v63  }
0x83: {  	_ =	swait.ge [sflag:s11], $0x4000  }
0x84: {  	[sflag:s11] =	ssyncset.done $0x0  }
0x85: {  	[sflag:s11] =	ssyncadd.s32 $0xFFFFC000  }
0x86: {  	[tilespmem:s15], [sflag:$0x1] =	stream.indirect.gather [hbm4b:s0+s13], $0x80, s24, s13, $0xb8;
	[tilespmem:$0x1E080] =	vst v63  }
0x87: {  	_ =	swait.ge [sflag:s16], $0x4000  }
0x88: {  	[sflag:s16] =	ssyncset.done $0x0  }
0x89: {  	[sflag:s16] =	ssyncadd.s32 $0xFFFFC000  }
0x8a: {  	[spmem:s2] =	stream.indirect.scatter.add.f32 [tilespmem:s14], [sflag:$0x2], $0x80, s25, s13, $0xb8;
	[tilespmem:$0x1E080] =	vst v63  }
0x8b: {  	_ =	swait.ge [sflag:s11], $0x4000  }
0x8c: {  	[sflag:s11] =	ssyncset.done $0x0  }
0x8d: {  	[sflag:s11] =	ssyncadd.s32 $0xFFFFC000  }
0x8e: {  	[tilespmem:s14], [sflag:$0x1] =	stream.indirect.gather [hbm4b:s0+s13], $0x80, s26, s13, $0xb8;
	[tilespmem:$0x1E080] =	vst v63  }
0x8f: {  	_ =	swait.ge [sflag:s16], $0x4000  }
0x90: {  	[sflag:s16] =	ssyncset.done $0x0  }
0x91: {  	[sflag:s16] =	ssyncadd.s32 $0xFFFFC000  }
0x92: {  	[spmem:s2] =	stream.indirect.scatter.add.f32 [tilespmem:s15], [sflag:$0x2], $0x80, s28, s13, $0xb8;
	[tilespmem:$0x1E080] =	vst v63  }
0x93: {  	_ =	swait.ge [sflag:s11], $0x4000  }
0x94: {  	[sflag:s11] =	ssyncset.done $0x0  }
0x95: {  	[sflag:s11] =	ssyncadd.s32 $0xFFFFC000  }
0x96: {  	[tilespmem:s15], [sflag:$0x1] =	stream.indirect.gather [hbm4b:s0+s13], $0x80, s29, s13, $0xb8;
	[tilespmem:$0x1E080] =	vst v63  }
0x97: {  	_ =	swait.ge [sflag:s16], $0x4000  }
0x98: {  	[sflag:s16] =	ssyncset.done $0x0  }
0x99: {  	[sflag:s16] =	ssyncadd.s32 $0xFFFFC000  }
0x9a: {  	[spmem:s2] =	stream.indirect.scatter.add.f32 [tilespmem:s14], [sflag:$0x2], $0x80, s30, s13, $0xb8;
	[tilespmem:$0x1E080] =	vst v63  }
0x9b: {  	_ =	swait.ge [sflag:s11], $0x4000  }
0x9c: {  	[sflag:s11] =	ssyncset.done $0x0  }
0x9d: {  	[sflag:s11] =	ssyncadd.s32 $0xFFFFC000  }
0x9e: {  	[tilespmem:s14], [sflag:$0x1] =	stream.indirect.gather [hbm4b:s0+s13], $0x80, s31, s13, $0xb8;
	[tilespmem:$0x1E080] =	vst v63  }
0x9f: {  	_ =	swait.ge [sflag:s16], $0x4000  }
0xa0: {  	[sflag:s16] =	ssyncset.done $0x0  }
0xa1: {  	[sflag:s16] =	ssyncadd.s32 $0xFFFFC000  }
0xa2: {  	[spmem:s2] =	stream.indirect.scatter.add.f32 [tilespmem:s15], [sflag:$0x2], $0x80, s1, s13, $0xb8;
	[tilespmem:$0x1E080] =	vst v63  }
0xa3: {  	_ =	swait.ge [sflag:s11], $0x4000  }
0xa4: {  	[sflag:s11] =	ssyncset.done $0x0  }
0xa5: {  	[sflag:s11] =	ssyncadd.s32 $0xFFFFC000  }
0xa6: {  	[tilespmem:s15], [sflag:$0x1] =	stream.indirect.gather [hbm4b:s0+s13], $0x80, s4, s13, $0xb8;
	[tilespmem:$0x1E080] =	vst v63  }
0xa7: {  	_ =	swait.ge [sflag:s16], $0x4000  }
0xa8: {  	[sflag:s16] =	ssyncset.done $0x0  }
0xa9: {  	[sflag:s16] =	ssyncadd.s32 $0xFFFFC000  }
0xaa: {  	[spmem:s2] =	stream.indirect.scatter.add.f32 [tilespmem:s14], [sflag:$0x2], $0x80, s6, s13, $0xb8;
	[tilespmem:$0x1E080] =	vst v63  }
0xab: {  	_ =	swait.ge [sflag:s11], $0x4000  }
0xac: {  	[sflag:s11] =	ssyncset.done $0x0  }
0xad: {  	[sflag:s11] =	ssyncadd.s32 $0xFFFFC000  }
0xae: {  	_ =	swait.ge [sflag:s16], $0x4000  }
0xaf: {  	[sflag:s16] =	ssyncset.done $0x0  }
0xb0: {  	[sflag:s16] =	ssyncadd.s32 $0xFFFFC000  }
0xb1: {  	[spmem:s2] =	stream.indirect.scatter.add.f32 [tilespmem:s15], [sflag:$0x2], $0x80, s7, s13, $0xb8;
	[tilespmem:$0x1E080] =	vst v63  }
0xb2: {  	s5 =	simm.s32 $0x200;
	_ =	swait.ge [sflag:s11], $0x4000  }
0xb3: {  	s9 =	simm.s32 $0x100;
	s10 =	rddreg [dreg:$0x6];
	[sflag:s11] =	ssyncset.done $0x0  }
.LBB2_2:
0xb4: {  	[sflag:s11] =	ssyncadd.s32 $0xFFFFC000;
	s10 =	sadd.s32 s9, s10  }
0xb5: {  	[tilespmem:s3], [sflag:$0x2] =	stream.linear.gather [hbm4b:s10+s3], $0x800, $0x38;
	[tilespmem:$0x1E080] =	vst v63  }
0xb6: {  	_ =	swait.ge [sflag:s11], $0x800  }
0xb7: {  	s10 =	rddreg [dreg:$0x5];
	[sflag:s11] =	ssyncset.done $0x0  }
0xb8: {  	[sflag:s11] =	ssyncadd.s32 $0xFFFFF800;
	s10 =	sadd.s32 s9, s10  }
0xb9: {  	[tilespmem:s12], [sflag:$0x2] =	stream.linear.gather [hbm4b:s10+s3], $0x800, $0x38;
	[tilespmem:$0x1E080] =	vst v63  }
0xba: {  	_ =	swait.ge [sflag:s11], $0x800  }
0xbb: {  	[sflag:s11] =	ssyncset.done $0x0  }
0xbc: {  	[sflag:s11] =	ssyncadd.s32 $0xFFFFF800  }
0xbd: {  	[tilespmem:s14], [sflag:$0x1] =	stream.indirect.gather [hbm4b:s0+s13], $0x80, s3, s13, $0xb8;
	[tilespmem:$0x1E080] =	vst v63  }
0xbe: {  	_ = 	snop  }
0xbf: {  	[tilespmem:s15], [sflag:$0x1] =	stream.indirect.gather [hbm4b:s0+s13], $0x80, s13, s13, $0xb8;
	[tilespmem:$0x1E080] =	vst v63  }
0xc0: {  	_ =	swait.ge [sflag:s16], $0x4000  }
0xc1: {  	[sflag:s16] =	ssyncset.done $0x0  }
0xc2: {  	[sflag:s16] =	ssyncadd.s32 $0xFFFFC000  }
0xc3: {  	[spmem:s2] =	stream.indirect.scatter.add.f32 [tilespmem:s14], [sflag:$0x2], $0x80, s12, s13, $0xb8;
	[tilespmem:$0x1E080] =	vst v63  }
0xc4: {  	_ =	swait.ge [sflag:s11], $0x4000  }
0xc5: {  	[sflag:s11] =	ssyncset.done $0x0  }
0xc6: {  	s10 =	rddreg [dreg:$0x7];
	[sflag:s11] =	ssyncadd.s32 $0xFFFFC000  }
0xc7: {  	[tilespmem:s14], [sflag:$0x1] =	stream.indirect.gather [hbm4b:s0+s13], $0x80, s10, s13, $0xb8;
	[tilespmem:$0x1E080] =	vst v63  }
0xc8: {  	_ =	swait.ge [sflag:s16], $0x4000  }
0xc9: {  	[sflag:s16] =	ssyncset.done $0x0  }
0xca: {  	s10 =	rddreg [dreg:$0x8];
	[sflag:s16] =	ssyncadd.s32 $0xFFFFC000  }
0xcb: {  	[spmem:s2] =	stream.indirect.scatter.add.f32 [tilespmem:s15], [sflag:$0x2], $0x80, s10, s13, $0xb8;
	[tilespmem:$0x1E080] =	vst v63  }
0xcc: {  	_ =	swait.ge [sflag:s11], $0x4000  }
0xcd: {  	[sflag:s11] =	ssyncset.done $0x0  }
0xce: {  	s10 =	rddreg [dreg:$0x9];
	[sflag:s11] =	ssyncadd.s32 $0xFFFFC000  }
0xcf: {  	[tilespmem:s15], [sflag:$0x1] =	stream.indirect.gather [hbm4b:s0+s13], $0x80, s10, s13, $0xb8;
	[tilespmem:$0x1E080] =	vst v63  }
0xd0: {  	_ =	swait.ge [sflag:s16], $0x4000  }
0xd1: {  	[sflag:s16] =	ssyncset.done $0x0  }
0xd2: {  	s10 =	rddreg [dreg:$0xa];
	[sflag:s16] =	ssyncadd.s32 $0xFFFFC000  }
0xd3: {  	[spmem:s2] =	stream.indirect.scatter.add.f32 [tilespmem:s14], [sflag:$0x2], $0x80, s10, s13, $0xb8;
	[tilespmem:$0x1E080] =	vst v63  }
0xd4: {  	_ =	swait.ge [sflag:s11], $0x4000  }
0xd5: {  	[sflag:s11] =	ssyncset.done $0x0  }
0xd6: {  	s10 =	rddreg [dreg:$0xb];
	[sflag:s11] =	ssyncadd.s32 $0xFFFFC000  }
0xd7: {  	[tilespmem:s14], [sflag:$0x1] =	stream.indirect.gather [hbm4b:s0+s13], $0x80, s10, s13, $0xb8;
	[tilespmem:$0x1E080] =	vst v63  }
0xd8: {  	_ =	swait.ge [sflag:s16], $0x4000  }
0xd9: {  	[sflag:s16] =	ssyncset.done $0x0  }
0xda: {  	s10 =	rddreg [dreg:$0xc];
	[sflag:s16] =	ssyncadd.s32 $0xFFFFC000  }
0xdb: {  	[spmem:s2] =	stream.indirect.scatter.add.f32 [tilespmem:s15], [sflag:$0x2], $0x80, s10, s13, $0xb8;
	[tilespmem:$0x1E080] =	vst v63  }
0xdc: {  	_ =	swait.ge [sflag:s11], $0x4000  }
0xdd: {  	[sflag:s11] =	ssyncset.done $0x0  }
0xde: {  	s10 =	rddreg [dreg:$0xd];
	[sflag:s11] =	ssyncadd.s32 $0xFFFFC000  }
0xdf: {  	[tilespmem:s15], [sflag:$0x1] =	stream.indirect.gather [hbm4b:s0+s13], $0x80, s10, s13, $0xb8;
	[tilespmem:$0x1E080] =	vst v63  }
0xe0: {  	_ =	swait.ge [sflag:s16], $0x4000  }
0xe1: {  	[sflag:s16] =	ssyncset.done $0x0  }
0xe2: {  	s10 =	rddreg [dreg:$0xe];
	[sflag:s16] =	ssyncadd.s32 $0xFFFFC000  }
0xe3: {  	[spmem:s2] =	stream.indirect.scatter.add.f32 [tilespmem:s14], [sflag:$0x2], $0x80, s10, s13, $0xb8;
	[tilespmem:$0x1E080] =	vst v63  }
0xe4: {  	_ =	swait.ge [sflag:s11], $0x4000  }
0xe5: {  	[sflag:s11] =	ssyncset.done $0x0  }
0xe6: {  	s10 =	rddreg [dreg:$0xf];
	[sflag:s11] =	ssyncadd.s32 $0xFFFFC000  }
0xe7: {  	[tilespmem:s14], [sflag:$0x1] =	stream.indirect.gather [hbm4b:s0+s13], $0x80, s10, s13, $0xb8;
	[tilespmem:$0x1E080] =	vst v63  }
0xe8: {  	_ =	swait.ge [sflag:s16], $0x4000  }
0xe9: {  	[sflag:s16] =	ssyncset.done $0x0  }
0xea: {  	s10 =	rddreg [dreg:$0x10];
	[sflag:s16] =	ssyncadd.s32 $0xFFFFC000  }
0xeb: {  	[spmem:s2] =	stream.indirect.scatter.add.f32 [tilespmem:s15], [sflag:$0x2], $0x80, s10, s13, $0xb8;
	[tilespmem:$0x1E080] =	vst v63  }
0xec: {  	_ =	swait.ge [sflag:s11], $0x4000  }
0xed: {  	[sflag:s11] =	ssyncset.done $0x0  }
0xee: {  	s10 =	rddreg [dreg:$0x11];
	[sflag:s11] =	ssyncadd.s32 $0xFFFFC000  }
0xef: {  	[tilespmem:s15], [sflag:$0x1] =	stream.indirect.gather [hbm4b:s0+s13], $0x80, s10, s13, $0xb8;
	[tilespmem:$0x1E080] =	vst v63  }
0xf0: {  	_ =	swait.ge [sflag:s16], $0x4000  }
0xf1: {  	[sflag:s16] =	ssyncset.done $0x0  }
0xf2: {  	[sflag:s16] =	ssyncadd.s32 $0xFFFFC000  }
0xf3: {  	[spmem:s2] =	stream.indirect.scatter.add.f32 [tilespmem:s14], [sflag:$0x2], $0x80, s17, s13, $0xb8;
	[tilespmem:$0x1E080] =	vst v63  }
0xf4: {  	_ =	swait.ge [sflag:s11], $0x4000  }
0xf5: {  	[sflag:s11] =	ssyncset.done $0x0  }
0xf6: {  	[sflag:s11] =	ssyncadd.s32 $0xFFFFC000  }
0xf7: {  	[tilespmem:s14], [sflag:$0x1] =	stream.indirect.gather [hbm4b:s0+s13], $0x80, s18, s13, $0xb8;
	[tilespmem:$0x1E080] =	vst v63  }
0xf8: {  	_ =	swait.ge [sflag:s16], $0x4000  }
0xf9: {  	[sflag:s16] =	ssyncset.done $0x0  }
0xfa: {  	[sflag:s16] =	ssyncadd.s32 $0xFFFFC000  }
0xfb: {  	[spmem:s2] =	stream.indirect.scatter.add.f32 [tilespmem:s15], [sflag:$0x2], $0x80, s19, s13, $0xb8;
	[tilespmem:$0x1E080] =	vst v63  }
0xfc: {  	_ =	swait.ge [sflag:s11], $0x4000  }
0xfd: {  	[sflag:s11] =	ssyncset.done $0x0  }
0xfe: {  	[sflag:s11] =	ssyncadd.s32 $0xFFFFC000  }
0xff: {  	[tilespmem:s15], [sflag:$0x1] =	stream.indirect.gather [hbm4b:s0+s13], $0x80, s20, s13, $0xb8;
	[tilespmem:$0x1E080] =	vst v63  }
0x100: {  	_ =	swait.ge [sflag:s16], $0x4000  }
0x101: {  	[sflag:s16] =	ssyncset.done $0x0  }
0x102: {  	[sflag:s16] =	ssyncadd.s32 $0xFFFFC000  }
0x103: {  	[spmem:s2] =	stream.indirect.scatter.add.f32 [tilespmem:s14], [sflag:$0x2], $0x80, s21, s13, $0xb8;
	[tilespmem:$0x1E080] =	vst v63  }
0x104: {  	_ =	swait.ge [sflag:s11], $0x4000  }
0x105: {  	[sflag:s11] =	ssyncset.done $0x0  }
0x106: {  	[sflag:s11] =	ssyncadd.s32 $0xFFFFC000  }
0x107: {  	[tilespmem:s14], [sflag:$0x1] =	stream.indirect.gather [hbm4b:s0+s13], $0x80, s22, s13, $0xb8;
	[tilespmem:$0x1E080] =	vst v63  }
0x108: {  	_ =	swait.ge [sflag:s16], $0x4000  }
0x109: {  	[sflag:s16] =	ssyncset.done $0x0  }
0x10a: {  	[sflag:s16] =	ssyncadd.s32 $0xFFFFC000  }
0x10b: {  	[spmem:s2] =	stream.indirect.scatter.add.f32 [tilespmem:s15], [sflag:$0x2], $0x80, s23, s13, $0xb8;
	[tilespmem:$0x1E080] =	vst v63  }
0x10c: {  	_ =	swait.ge [sflag:s11], $0x4000  }
0x10d: {  	[sflag:s11] =	ssyncset.done $0x0  }
0x10e: {  	[sflag:s11] =	ssyncadd.s32 $0xFFFFC000  }
0x10f: {  	[tilespmem:s15], [sflag:$0x1] =	stream.indirect.gather [hbm4b:s0+s13], $0x80, s24, s13, $0xb8;
	[tilespmem:$0x1E080] =	vst v63  }
0x110: {  	_ =	swait.ge [sflag:s16], $0x4000  }
0x111: {  	[sflag:s16] =	ssyncset.done $0x0  }
0x112: {  	[sflag:s16] =	ssyncadd.s32 $0xFFFFC000  }
0x113: {  	[spmem:s2] =	stream.indirect.scatter.add.f32 [tilespmem:s14], [sflag:$0x2], $0x80, s25, s13, $0xb8;
	[tilespmem:$0x1E080] =	vst v63  }
0x114: {  	_ =	swait.ge [sflag:s11], $0x4000  }
0x115: {  	[sflag:s11] =	ssyncset.done $0x0  }
0x116: {  	[sflag:s11] =	ssyncadd.s32 $0xFFFFC000  }
0x117: {  	[tilespmem:s14], [sflag:$0x1] =	stream.indirect.gather [hbm4b:s0+s13], $0x80, s26, s13, $0xb8;
	[tilespmem:$0x1E080] =	vst v63  }
0x118: {  	_ =	swait.ge [sflag:s16], $0x4000  }
0x119: {  	[sflag:s16] =	ssyncset.done $0x0  }
0x11a: {  	[sflag:s16] =	ssyncadd.s32 $0xFFFFC000  }
0x11b: {  	[spmem:s2] =	stream.indirect.scatter.add.f32 [tilespmem:s15], [sflag:$0x2], $0x80, s28, s13, $0xb8;
	[tilespmem:$0x1E080] =	vst v63  }
0x11c: {  	_ =	swait.ge [sflag:s11], $0x4000  }
0x11d: {  	[sflag:s11] =	ssyncset.done $0x0  }
0x11e: {  	[sflag:s11] =	ssyncadd.s32 $0xFFFFC000  }
0x11f: {  	[tilespmem:s15], [sflag:$0x1] =	stream.indirect.gather [hbm4b:s0+s13], $0x80, s29, s13, $0xb8;
	[tilespmem:$0x1E080] =	vst v63  }
0x120: {  	_ =	swait.ge [sflag:s16], $0x4000  }
0x121: {  	[sflag:s16] =	ssyncset.done $0x0  }
0x122: {  	[sflag:s16] =	ssyncadd.s32 $0xFFFFC000  }
0x123: {  	[spmem:s2] =	stream.indirect.scatter.add.f32 [tilespmem:s14], [sflag:$0x2], $0x80, s30, s13, $0xb8;
	[tilespmem:$0x1E080] =	vst v63  }
0x124: {  	_ =	swait.ge [sflag:s11], $0x4000  }
0x125: {  	[sflag:s11] =	ssyncset.done $0x0  }
0x126: {  	[sflag:s11] =	ssyncadd.s32 $0xFFFFC000  }
0x127: {  	[tilespmem:s14], [sflag:$0x1] =	stream.indirect.gather [hbm4b:s0+s13], $0x80, s31, s13, $0xb8;
	[tilespmem:$0x1E080] =	vst v63  }
0x128: {  	_ =	swait.ge [sflag:s16], $0x4000  }
0x129: {  	[sflag:s16] =	ssyncset.done $0x0  }
0x12a: {  	[sflag:s16] =	ssyncadd.s32 $0xFFFFC000  }
0x12b: {  	[spmem:s2] =	stream.indirect.scatter.add.f32 [tilespmem:s15], [sflag:$0x2], $0x80, s1, s13, $0xb8;
	[tilespmem:$0x1E080] =	vst v63  }
0x12c: {  	_ =	swait.ge [sflag:s11], $0x4000  }
0x12d: {  	[sflag:s11] =	ssyncset.done $0x0  }
0x12e: {  	[sflag:s11] =	ssyncadd.s32 $0xFFFFC000  }
0x12f: {  	[tilespmem:s15], [sflag:$0x1] =	stream.indirect.gather [hbm4b:s0+s13], $0x80, s4, s13, $0xb8;
	[tilespmem:$0x1E080] =	vst v63  }
0x130: {  	_ =	swait.ge [sflag:s16], $0x4000  }
0x131: {  	[sflag:s16] =	ssyncset.done $0x0  }
0x132: {  	[sflag:s16] =	ssyncadd.s32 $0xFFFFC000  }
0x133: {  	[spmem:s2] =	stream.indirect.scatter.add.f32 [tilespmem:s14], [sflag:$0x2], $0x80, s6, s13, $0xb8;
	[tilespmem:$0x1E080] =	vst v63  }
0x134: {  	_ =	swait.ge [sflag:s11], $0x4000  }
0x135: {  	[sflag:s11] =	ssyncset.done $0x0  }
0x136: {  	[sflag:s11] =	ssyncadd.s32 $0xFFFFC000  }
0x137: {  	p1 =	sne.s32 s5, $0x400;
	_ =	swait.ge [sflag:s16], $0x4000  }
.Ltmp0:
0x138: {  	[sflag:s16] =	ssyncset.done $0x0;
	(pc) =	sbr.rel @p1 .LBB2_2-.Ltmp0, $4  }
0x139: {  	[sflag:s16] =	ssyncadd.s32 $0xFFFFC000  }
0x13a: {  	[spmem:s2] =	stream.indirect.scatter.add.f32 [tilespmem:s15], [sflag:$0x2], $0x80, s7, s13, $0xb8;
	[tilespmem:$0x1E080] =	vst v63  }
0x13b: {  	s8 =	smov.u32 s5;
	s5 =	sadd.s32 $0x100, s5;
	_ =	swait.ge [sflag:s11], $0x4000  }
0x13c: {  	s9 =	smov.u32 s8;
	s10 =	rddreg [dreg:$0x6];
	[sflag:s11] =	ssyncset.done $0x0  }
0x13d: {  	[sflag:s11] =	ssyncadd.s32 $0xFFFFC000;
	s5 =	sadd.s32 s9, s10  }
0x13e: {  	[tilespmem:s3], [sflag:$0x2] =	stream.linear.gather [hbm4b:s5+s3], $0x800, $0x38;
	[tilespmem:$0x1E080] =	vst v63  }
0x13f: {  	_ =	swait.ge [sflag:s11], $0x800  }
0x140: {  	s10 =	rddreg [dreg:$0x5];
	[sflag:s11] =	ssyncset.done $0x0  }
0x141: {  	[sflag:s11] =	ssyncadd.s32 $0xFFFFF800;
	s5 =	sadd.s32 s9, s10  }
0x142: {  	[tilespmem:s12], [sflag:$0x2] =	stream.linear.gather [hbm4b:s5+s3], $0x800, $0x38;
	[tilespmem:$0x1E080] =	vst v63  }
0x143: {  	_ =	swait.ge [sflag:s11], $0x800  }
0x144: {  	[sflag:s11] =	ssyncset.done $0x0  }
0x145: {  	[sflag:s11] =	ssyncadd.s32 $0xFFFFF800  }
0x146: {  	[tilespmem:s14], [sflag:$0x1] =	stream.indirect.gather [hbm4b:s0+s13], $0x80, s3, s13, $0xb8;
	[tilespmem:$0x1E080] =	vst v63  }
0x147: {  	_ = 	snop  }
0x148: {  	[tilespmem:s15], [sflag:$0x1] =	stream.indirect.gather [hbm4b:s0+s13], $0x80, s13, s13, $0xb8;
	[tilespmem:$0x1E080] =	vst v63  }
0x149: {  	_ =	swait.ge [sflag:s16], $0x4000  }
0x14a: {  	[sflag:s16] =	ssyncset.done $0x0  }
0x14b: {  	[sflag:s16] =	ssyncadd.s32 $0xFFFFC000  }
0x14c: {  	[spmem:s2] =	stream.indirect.scatter.add.f32 [tilespmem:s14], [sflag:$0x2], $0x80, s12, s13, $0xb8;
	[tilespmem:$0x1E080] =	vst v63  }
0x14d: {  	_ =	swait.ge [sflag:s11], $0x4000  }
0x14e: {  	[sflag:s11] =	ssyncset.done $0x0  }
0x14f: {  	s8 =	rddreg [dreg:$0x7];
	[sflag:s11] =	ssyncadd.s32 $0xFFFFC000  }
0x150: {  	[tilespmem:s14], [sflag:$0x1] =	stream.indirect.gather [hbm4b:s0+s13], $0x80, s8, s13, $0xb8;
	[tilespmem:$0x1E080] =	vst v63  }
0x151: {  	_ =	swait.ge [sflag:s16], $0x4000  }
0x152: {  	[sflag:s16] =	ssyncset.done $0x0  }
0x153: {  	s9 =	rddreg [dreg:$0x8];
	[sflag:s16] =	ssyncadd.s32 $0xFFFFC000  }
0x154: {  	[spmem:s2] =	stream.indirect.scatter.add.f32 [tilespmem:s15], [sflag:$0x2], $0x80, s9, s13, $0xb8;
	[tilespmem:$0x1E080] =	vst v63  }
0x155: {  	_ =	swait.ge [sflag:s11], $0x4000  }
0x156: {  	[sflag:s11] =	ssyncset.done $0x0  }
0x157: {  	s10 =	rddreg [dreg:$0x9];
	[sflag:s11] =	ssyncadd.s32 $0xFFFFC000  }
0x158: {  	[tilespmem:s15], [sflag:$0x1] =	stream.indirect.gather [hbm4b:s0+s13], $0x80, s10, s13, $0xb8;
	[tilespmem:$0x1E080] =	vst v63  }
0x159: {  	_ =	swait.ge [sflag:s16], $0x4000  }
0x15a: {  	[sflag:s16] =	ssyncset.done $0x0  }
0x15b: {  	s8 =	rddreg [dreg:$0xa];
	[sflag:s16] =	ssyncadd.s32 $0xFFFFC000  }
0x15c: {  	[spmem:s2] =	stream.indirect.scatter.add.f32 [tilespmem:s14], [sflag:$0x2], $0x80, s8, s13, $0xb8;
	[tilespmem:$0x1E080] =	vst v63  }
0x15d: {  	_ =	swait.ge [sflag:s11], $0x4000  }
0x15e: {  	[sflag:s11] =	ssyncset.done $0x0  }
0x15f: {  	s9 =	rddreg [dreg:$0xb];
	[sflag:s11] =	ssyncadd.s32 $0xFFFFC000  }
0x160: {  	[tilespmem:s14], [sflag:$0x1] =	stream.indirect.gather [hbm4b:s0+s13], $0x80, s9, s13, $0xb8;
	[tilespmem:$0x1E080] =	vst v63  }
0x161: {  	_ =	swait.ge [sflag:s16], $0x4000  }
0x162: {  	[sflag:s16] =	ssyncset.done $0x0  }
0x163: {  	s10 =	rddreg [dreg:$0xc];
	[sflag:s16] =	ssyncadd.s32 $0xFFFFC000  }
0x164: {  	[spmem:s2] =	stream.indirect.scatter.add.f32 [tilespmem:s15], [sflag:$0x2], $0x80, s10, s13, $0xb8;
	[tilespmem:$0x1E080] =	vst v63  }
0x165: {  	_ =	swait.ge [sflag:s11], $0x4000  }
0x166: {  	[sflag:s11] =	ssyncset.done $0x0  }
0x167: {  	s8 =	rddreg [dreg:$0xd];
	[sflag:s11] =	ssyncadd.s32 $0xFFFFC000  }
0x168: {  	[tilespmem:s15], [sflag:$0x1] =	stream.indirect.gather [hbm4b:s0+s13], $0x80, s8, s13, $0xb8;
	[tilespmem:$0x1E080] =	vst v63  }
0x169: {  	_ =	swait.ge [sflag:s16], $0x4000  }
0x16a: {  	[sflag:s16] =	ssyncset.done $0x0  }
0x16b: {  	s9 =	rddreg [dreg:$0xe];
	[sflag:s16] =	ssyncadd.s32 $0xFFFFC000  }
0x16c: {  	[spmem:s2] =	stream.indirect.scatter.add.f32 [tilespmem:s14], [sflag:$0x2], $0x80, s9, s13, $0xb8;
	[tilespmem:$0x1E080] =	vst v63  }
0x16d: {  	_ =	swait.ge [sflag:s11], $0x4000  }
0x16e: {  	[sflag:s11] =	ssyncset.done $0x0  }
0x16f: {  	s10 =	rddreg [dreg:$0xf];
	[sflag:s11] =	ssyncadd.s32 $0xFFFFC000  }
0x170: {  	[tilespmem:s14], [sflag:$0x1] =	stream.indirect.gather [hbm4b:s0+s13], $0x80, s10, s13, $0xb8;
	[tilespmem:$0x1E080] =	vst v63  }
0x171: {  	_ =	swait.ge [sflag:s16], $0x4000  }
0x172: {  	[sflag:s16] =	ssyncset.done $0x0  }
0x173: {  	s8 =	rddreg [dreg:$0x10];
	[sflag:s16] =	ssyncadd.s32 $0xFFFFC000  }
0x174: {  	[spmem:s2] =	stream.indirect.scatter.add.f32 [tilespmem:s15], [sflag:$0x2], $0x80, s8, s13, $0xb8;
	[tilespmem:$0x1E080] =	vst v63  }
0x175: {  	_ =	swait.ge [sflag:s11], $0x4000  }
0x176: {  	[sflag:s11] =	ssyncset.done $0x0  }
0x177: {  	s9 =	rddreg [dreg:$0x11];
	[sflag:s11] =	ssyncadd.s32 $0xFFFFC000  }
0x178: {  	[tilespmem:s15], [sflag:$0x1] =	stream.indirect.gather [hbm4b:s0+s13], $0x80, s9, s13, $0xb8;
	[tilespmem:$0x1E080] =	vst v63  }
0x179: {  	_ =	swait.ge [sflag:s16], $0x4000  }
0x17a: {  	[sflag:s16] =	ssyncset.done $0x0  }
0x17b: {  	[sflag:s16] =	ssyncadd.s32 $0xFFFFC000  }
0x17c: {  	[spmem:s2] =	stream.indirect.scatter.add.f32 [tilespmem:s14], [sflag:$0x2], $0x80, s17, s13, $0xb8;
	[tilespmem:$0x1E080] =	vst v63  }
0x17d: {  	_ =	swait.ge [sflag:s11], $0x4000  }
0x17e: {  	[sflag:s11] =	ssyncset.done $0x0  }
0x17f: {  	[sflag:s11] =	ssyncadd.s32 $0xFFFFC000  }
0x180: {  	[tilespmem:s14], [sflag:$0x1] =	stream.indirect.gather [hbm4b:s0+s13], $0x80, s18, s13, $0xb8;
	[tilespmem:$0x1E080] =	vst v63  }
0x181: {  	_ =	swait.ge [sflag:s16], $0x4000  }
0x182: {  	[sflag:s16] =	ssyncset.done $0x0  }
0x183: {  	[sflag:s16] =	ssyncadd.s32 $0xFFFFC000  }
0x184: {  	[spmem:s2] =	stream.indirect.scatter.add.f32 [tilespmem:s15], [sflag:$0x2], $0x80, s19, s13, $0xb8;
	[tilespmem:$0x1E080] =	vst v63  }
0x185: {  	_ =	swait.ge [sflag:s11], $0x4000  }
0x186: {  	[sflag:s11] =	ssyncset.done $0x0  }
0x187: {  	[sflag:s11] =	ssyncadd.s32 $0xFFFFC000  }
0x188: {  	[tilespmem:s15], [sflag:$0x1] =	stream.indirect.gather [hbm4b:s0+s13], $0x80, s20, s13, $0xb8;
	[tilespmem:$0x1E080] =	vst v63  }
0x189: {  	_ =	swait.ge [sflag:s16], $0x4000  }
0x18a: {  	[sflag:s16] =	ssyncset.done $0x0  }
0x18b: {  	[sflag:s16] =	ssyncadd.s32 $0xFFFFC000  }
0x18c: {  	[spmem:s2] =	stream.indirect.scatter.add.f32 [tilespmem:s14], [sflag:$0x2], $0x80, s21, s13, $0xb8;
	[tilespmem:$0x1E080] =	vst v63  }
0x18d: {  	_ =	swait.ge [sflag:s11], $0x4000  }
0x18e: {  	[sflag:s11] =	ssyncset.done $0x0  }
0x18f: {  	[sflag:s11] =	ssyncadd.s32 $0xFFFFC000  }
0x190: {  	[tilespmem:s14], [sflag:$0x1] =	stream.indirect.gather [hbm4b:s0+s13], $0x80, s22, s13, $0xb8;
	[tilespmem:$0x1E080] =	vst v63  }
0x191: {  	_ =	swait.ge [sflag:s16], $0x4000  }
0x192: {  	[sflag:s16] =	ssyncset.done $0x0  }
0x193: {  	[sflag:s16] =	ssyncadd.s32 $0xFFFFC000  }
0x194: {  	[spmem:s2] =	stream.indirect.scatter.add.f32 [tilespmem:s15], [sflag:$0x2], $0x80, s23, s13, $0xb8;
	[tilespmem:$0x1E080] =	vst v63  }
0x195: {  	_ =	swait.ge [sflag:s11], $0x4000  }
0x196: {  	[sflag:s11] =	ssyncset.done $0x0  }
0x197: {  	[sflag:s11] =	ssyncadd.s32 $0xFFFFC000  }
0x198: {  	[tilespmem:s15], [sflag:$0x1] =	stream.indirect.gather [hbm4b:s0+s13], $0x80, s24, s13, $0xb8;
	[tilespmem:$0x1E080] =	vst v63  }
0x199: {  	_ =	swait.ge [sflag:s16], $0x4000  }
0x19a: {  	[sflag:s16] =	ssyncset.done $0x0  }
0x19b: {  	[sflag:s16] =	ssyncadd.s32 $0xFFFFC000  }
0x19c: {  	[spmem:s2] =	stream.indirect.scatter.add.f32 [tilespmem:s14], [sflag:$0x2], $0x80, s25, s13, $0xb8;
	[tilespmem:$0x1E080] =	vst v63  }
0x19d: {  	_ =	swait.ge [sflag:s11], $0x4000  }
0x19e: {  	[sflag:s11] =	ssyncset.done $0x0  }
0x19f: {  	[sflag:s11] =	ssyncadd.s32 $0xFFFFC000  }
0x1a0: {  	[tilespmem:s14], [sflag:$0x1] =	stream.indirect.gather [hbm4b:s0+s13], $0x80, s26, s13, $0xb8;
	[tilespmem:$0x1E080] =	vst v63  }
0x1a1: {  	_ =	swait.ge [sflag:s16], $0x4000  }
0x1a2: {  	[sflag:s16] =	ssyncset.done $0x0  }
0x1a3: {  	[sflag:s16] =	ssyncadd.s32 $0xFFFFC000  }
0x1a4: {  	[spmem:s2] =	stream.indirect.scatter.add.f32 [tilespmem:s15], [sflag:$0x2], $0x80, s28, s13, $0xb8;
	[tilespmem:$0x1E080] =	vst v63  }
0x1a5: {  	_ =	swait.ge [sflag:s11], $0x4000  }
0x1a6: {  	[sflag:s11] =	ssyncset.done $0x0  }
0x1a7: {  	[sflag:s11] =	ssyncadd.s32 $0xFFFFC000  }
0x1a8: {  	[tilespmem:s15], [sflag:$0x1] =	stream.indirect.gather [hbm4b:s0+s13], $0x80, s29, s13, $0xb8;
	[tilespmem:$0x1E080] =	vst v63  }
0x1a9: {  	_ =	swait.ge [sflag:s16], $0x4000  }
0x1aa: {  	[sflag:s16] =	ssyncset.done $0x0  }
0x1ab: {  	[sflag:s16] =	ssyncadd.s32 $0xFFFFC000  }
0x1ac: {  	[spmem:s2] =	stream.indirect.scatter.add.f32 [tilespmem:s14], [sflag:$0x2], $0x80, s30, s13, $0xb8;
	[tilespmem:$0x1E080] =	vst v63  }
0x1ad: {  	_ =	swait.ge [sflag:s11], $0x4000  }
0x1ae: {  	[sflag:s11] =	ssyncset.done $0x0  }
0x1af: {  	[sflag:s11] =	ssyncadd.s32 $0xFFFFC000  }
0x1b0: {  	[tilespmem:s14], [sflag:$0x1] =	stream.indirect.gather [hbm4b:s0+s13], $0x80, s31, s13, $0xb8;
	[tilespmem:$0x1E080] =	vst v63  }
0x1b1: {  	_ =	swait.ge [sflag:s16], $0x4000  }
0x1b2: {  	[sflag:s16] =	ssyncset.done $0x0  }
0x1b3: {  	[sflag:s16] =	ssyncadd.s32 $0xFFFFC000  }
0x1b4: {  	[spmem:s2] =	stream.indirect.scatter.add.f32 [tilespmem:s15], [sflag:$0x2], $0x80, s1, s13, $0xb8;
	[tilespmem:$0x1E080] =	vst v63  }
0x1b5: {  	_ =	swait.ge [sflag:s11], $0x4000  }
0x1b6: {  	[sflag:s11] =	ssyncset.done $0x0  }
0x1b7: {  	[sflag:s11] =	ssyncadd.s32 $0xFFFFC000  }
0x1b8: {  	[tilespmem:s15], [sflag:$0x1] =	stream.indirect.gather [hbm4b:s0+s13], $0x80, s4, s13, $0xb8;
	[tilespmem:$0x1E080] =	vst v63  }
0x1b9: {  	_ =	swait.ge [sflag:s16], $0x4000  }
0x1ba: {  	[sflag:s16] =	ssyncset.done $0x0  }
0x1bb: {  	[sflag:s16] =	ssyncadd.s32 $0xFFFFC000  }
0x1bc: {  	[spmem:s2] =	stream.indirect.scatter.add.f32 [tilespmem:s14], [sflag:$0x2], $0x80, s6, s13, $0xb8;
	[tilespmem:$0x1E080] =	vst v63  }
0x1bd: {  	_ =	swait.ge [sflag:s11], $0x4000  }
0x1be: {  	[sflag:s11] =	ssyncset.done $0x0  }
0x1bf: {  	[sflag:s11] =	ssyncadd.s32 $0xFFFFC000  }
0x1c0: {  	_ =	swait.ge [sflag:s16], $0x4000  }
0x1c1: {  	[sflag:s16] =	ssyncset.done $0x0  }
0x1c2: {  	[sflag:s16] =	ssyncadd.s32 $0xFFFFC000  }
0x1c3: {  	[spmem:s2] =	stream.indirect.scatter.add.f32 [tilespmem:s15], [sflag:$0x2], $0x80, s7, s13, $0xb8;
	[tilespmem:$0x1E080] =	vst v63  }
0x1c4: {  	_ =	swait.ge [sflag:s11], $0x4000  }
0x1c5: {  	[sflag:s11] =	ssyncset.done $0x0  }
0x1c6: {  	[sflag:s11] =	ssyncadd.s32 $0xFFFFC000  }
0x1c7: {  	[bflag:$0x0] =	sbarrier.arrive $0xFFFF  }
0x1c8: {  	s5 =	simm.s32 @!p0 $0x0;
	s8 =	simm.s32 @!p0 $0x9000;
	s9 =	rddreg [dreg:$0x14]  }
0x1c9: {  	[tilespmem:s8], [sflag:$0x2] =	stream.linear.gather @!p0 [hbm4b:s9+s5], $0x80, $0x38;
	[tilespmem:$0x1E080] =	vst v63  }
0x1ca: {  	s5 =	simm.s32 @!p0 $0x2  }
0x1cb: {  	_ =	swait.ge @!p0 [sflag:s5], $0x80  }
0x1cc: {  	[sflag:s5] =	ssyncset.done @!p0 $0x0  }
0x1cd: {  	s9 =	simm.s32 @!p0 $0x9080;
	s10 =	rddreg [dreg:$0x15];
	[sflag:s5] =	ssyncadd.s32 @!p0 $0xFFFFFF80  }
0x1ce: {  	[tilespmem:s9], [sflag:$0x2] =	stream.linear.gather @!p0 [spmem:s10], $0x1000, $0x38;
	[tilespmem:$0x1E080] =	vst v63  }
0x1cf: {  	_ =	swait.ge @!p0 [sflag:s5], $0x1000  }
0x1d0: {  	[sflag:s5] =	ssyncset.done @!p0 $0x0  }
0x1d1: {  	s10 =	simm.s32 @!p0 $0x20;
	[sflag:s5] =	ssyncadd.s32 @!p0 $0xFFFFF000  }
0x1d2: {  	[spmem:s2] =	stream.indirect.scatter.add.f32 @!p0 [tilespmem:s9], [sflag:$0x2], $0x80, s8, s10, $0xb8;
	[tilespmem:$0x1E080] =	vst v63  }
0x1d3: {  	_ =	swait.ge @!p0 [sflag:s5], $0x1000  }
0x1d4: {  	[sflag:s5] =	ssyncset.done @!p0 $0x0  }
0x1d5: {  	[sflag:s5] =	ssyncadd.s32 @!p0 $0xFFFFF000  }
0x1d6: {  	[bflag:$0x0] =	sbarrier.arrive $0xFFFF  }
0x1d7: {  	s9 =	rddreg [dreg:$0x13]  }
0x1d8: {  	s10 =	rddreg [dreg:$0x16]  }
0x1d9: {  	s8 =	rddreg [dreg:$0x18]  }
0x1da: {  	[hbm:s10], [sflag:s9] =	dma.local [spmem:s8], $0x2800  }
0x1db: {  	_ =	swait.ge [sflag:s11], $0x2800  }
0x1dc: {  	s5 =	rddreg [dreg:$0x19]  }
0x1dd: {  	s10 =	sadd.s32 $0x1, s5;
	s5 =	rddreg [dreg:$0x17]  }
0x1de: {  	p1 =	sne.s32 s10, s5  }
.Ltmp1:
0x1df: {  	_ = 	snop;
	(pc) =	sbr.rel @p1 .LBB2_1-.Ltmp1, $3  }
0x1e0: {  	_ =	sdelay $0x1  }
0x1e1: {  	[sflag:s11] =	ssyncset.done $0x0  }
0x1e2: {  	[sflag:s11] =	ssyncadd.s32 $0xFFFFD800  }
0x1e3: {  	_ =	sfence.sel $0x180000  }
0x1e4: {  	[bflag:$0x0] =	sbarrier.arrive $0xFFFF  }
0x1e5: {  	_ =	strace $0x9000004D  }
0x1e6: {  	[bflag:$0x2] =	sbarrier.arrive $0xFFFF  }
0x1e7: {  	s0 =	rddreg [dreg:$0x4]  }
0x1e8: {  	s0 =	sadd.s32 @!p0 $0x100000, s0  }
0x1e9: {  	[sflag:s0] =	ssyncadd.tile.s32 @!p0 $0x1;
	_ =	shalt  }
.Lfunc_end2:
_tile_overlayer_lowered:
.L_overlay_start_2:
0x1ea: {  	(tag) =	ssettag $0x2  }
0x1eb: {  	s0 =	rddreg [dreg:$0x0];
	s2 =	stileid.u32  }
0x1ec: {  	s1 =	rddreg [dreg:$0x1];
	p0 =	sne.s32 s2, $0x0  }
0x1ed: {  	s3 =	rddreg [dreg:$0x2];
	[bflag:$0x3] =	sbarrier.arrive $0xFFFF;
	s2 =	simm.s32 @!p0 $0x1C02  }
0x1ee: {  	[timem:s3], [sflag:s2] =	dma.local @!p0 [hbm:s0], s1  }
0x1ef: {  	s0 =	simm.s32 @!p0 $0x2  }
0x1f0: {  	_ =	swait.ge @!p0 [sflag:s0], s1  }
0x1f1: {  	s1 =	ssub.s32 @!p0 $0x0, s1;
	[sflag:s0] =	ssyncset.done @!p0 $0x0  }
0x1f2: {  	[sflag:s0] =	ssyncadd.s32 @!p0 s1  }
0x1f3: {  	[bflag:$0x3] =	sbarrier.arrive $0xFFFF  }
0x1f4: {  	_ =	shalt  }

// kernel: kernel.15.cloned.1.call-start
scs
__scs_entry_jumppad:
0x0: {  	(pc) =	sbr.rel $0x88, $3  }
0x1: {  	(tag) =	ssettag $0x0;
	lr =	simm.s32 $0x1  }
0x2: {  	[smem:$0x3F96] =	sst lr;
	_ =	strace $0xD0000000  }
0x3: {  	_ = 	snop  }
0x4: {  	_ = 	snop  }
0x5: {  	_ = 	snop  }
0x6: {  	_ = 	snop  }
0x7: {  	_ = 	snop  }
__scs_overlays_trampoline_lowered:
0x8: {  	[smem:$0x3FA5] =	sst s0  }
0x9: {  	[smem:$0x3FA6] =	sst s1  }
0xa: {  	[smem:$0x3FA7] =	sst s2  }
0xb: {  	[smem:$0x3FA8] =	sst s3  }
0xc: {  	[smem:$0x3FA9] =	sst s4  }
0xd: {  	[smem:$0x3FAA] =	sst s5  }
0xe: {  	[smem:$0x3FAB] =	sst s6  }
0xf: {  	[smem:$0x3FAC] =	sst s7  }
0x10: {  	[smem:$0x3FAD] =	sst s8  }
0x11: {  	[smem:$0x3FAE] =	sst s9;
	s0 =	simm.s32 @!p0 $0x0  }
0x12: {  	s1 =	sld [smem:$0x3F94];
	s0 =	simm.s32 @p0 $0x1  }
0x13: {  	[smem:$0x3FAF] =	sst s0;
	s0 =	simm.s32 @!p1 $0x0  }
0x14: {  	s2 =	sld [smem:$0x3F93];
	s0 =	simm.s32 @p1 $0x1  }
0x15: {  	[smem:$0x3FB0] =	sst s0;
	s0 =	simm.s32 @!p2 $0x0  }
0x16: {  	s3 =	sld [smem:$0x3FDB];
	s0 =	simm.s32 @p2 $0x1  }
0x17: {  	s4 =	simm.s32 $0x1BF5;
	[smem:$0x3FB2] =	sst s0  }
0x18: {  	s0 =	sld [smem:$0x3F95];
	_ =	swait.ge [sflag:s4], $0x0  }
0x19: {  	s7 =	sld [smem:$0x3F96]  }
0x1a: {  	s8 =	sadd.s32 $0xFFFFE003, lr  }
0x1b: {  	s9 =	sadd.s32 $0xFFFFFEF7, lr;
	s5 =	simm.s32 $0xFFFFFFFF;
	p2 =	slt.u32 s8, $0xFFFFF086  }
0x1c: {  	p1 =	slt.u32 s9, $0xF7A;
	s5 =	simm.s32 @!p2 $0x0  }
0x1d: {  	s5 =	simm.s32 @p1 $0x1;
	p0 =	seq.s32 s7, s2  }
0x1e: {  	s7 =	smul.u32 @!p0 $0xF7A, s2;
	p2 =	seq.s32 @!p0 s5, $0x0  }
0x1f: {  	s9 =	smul.u32 $0xF7A, s1;
	s8 =	simm.s32 @!p0 $0x1BF5;
	p2 =	por !p2, p0  }
0x20: {  	[sflag:s8] =	ssyncset.s32 @!p0 $0xFFFFF086;
	s6 =	sadd.s32 @!p0 s3, s7;
	s7 =	simm.s32 @!p0 $0x108  }
0x21: {  	s3 =	sadd.s32 s3, s9;
	s6 =	sadd.s32 @!p0 $0x88, s6;
	s7 =	simm.s32 @p2 $0x1082  }
0x22: {  	[simem:s7], [sflag:s8] =	dma.local @!p0 [hbm:s6], $0xF7A  }
0x23: {  	s9 =	sor.u32 $0xD0000000, s2;
	s6 =	simm.s32 $0x108;
	_ =	swait.ge @!p0 [sflag:s8], $0x0  }
0x24: {  	s3 =	sadd.s32 $0x88, s3;
	s6 =	simm.s32 @!p1 $0x1082;
	[sflag:s4] =	ssyncset.s32 $0xFFFFF086  }
0x25: {  	[simem:s6], [sflag:s4] =	dma.local [hbm:s3], $0xF7A  }
0x26: {  	[smem:$0x3F96] =	sst s1;
	(tag) =	ssettag s2;
	_ =	strace s9  }
0x27: {  	s1 =	sld [smem:$0x3FA6]  }
0x28: {  	s2 =	sld [smem:$0x3FA7]  }
0x29: {  	s4 =	sld [smem:$0x3FA9]  }
0x2a: {  	p0 =	seq.s32 s5, $0x0;
	s5 =	sld [smem:$0x3FAA]  }
0x2b: {  	s6 =	sld [smem:$0x3FAB]  }
0x2c: {  	s7 =	sld [smem:$0x3FAC]  }
0x2d: {  	s3 =	simm.s32 $0x108;
	s8 =	sld [smem:$0x3FAD]  }
0x2e: {  	s3 =	simm.s32 @!p0 $0x1082;
	s9 =	sld [smem:$0x3FAE]  }
0x2f: {  	lr =	sadd.s32 s0, s3;
	s0 =	sld [smem:$0x3FA5]  }
0x30: {  	s3 =	sld [smem:$0x3FA8]  }
0x31: {  	[smem:$0x3FB1] =	sst s10  }
0x32: {  	s10 =	sld [smem:$0x3FAF];
	_ =	sdelay $0x3  }
0x33: {  	p0 =	seq.s32 s10, $0x1;
	s10 =	sld [smem:$0x3FB1];
	_ =	sdelay $0x3  }
0x34: {  	[smem:$0x3FB1] =	sst s10  }
0x35: {  	s10 =	sld [smem:$0x3FB0];
	_ =	sdelay $0x3  }
0x36: {  	p1 =	seq.s32 s10, $0x1;
	s10 =	sld [smem:$0x3FB1];
	_ =	sdelay $0x3  }
0x37: {  	[smem:$0x3FB1] =	sst s10  }
0x38: {  	s10 =	sld [smem:$0x3FB2]  }
0x39: {  	_ = 	snop;
	(pc) =	sbr.ind lr, $3  }
0x3a: {  	_ = 	snop  }
0x3b: {  	_ = 	snop  }
0x3c: {  	p2 =	seq.s32 s10, $0x1;
	s10 =	sld [smem:$0x3FB1]  }
0x3d: {  	_ =	shalt  }
0x3e: {  	_ =	shalt  }
0x3f: {  	_ =	shalt  }
0x40: {  	_ =	shalt  }
0x41: {  	_ =	shalt  }
0x42: {  	_ =	shalt  }
0x43: {  	_ =	shalt  }
0x44: {  	_ =	shalt  }
0x45: {  	_ =	shalt  }
0x46: {  	_ =	shalt  }
0x47: {  	_ =	shalt  }
0x48: {  	_ =	shalt  }
0x49: {  	_ =	shalt  }
0x4a: {  	_ =	shalt  }
0x4b: {  	_ =	shalt  }
0x4c: {  	_ =	shalt  }
0x4d: {  	_ =	shalt  }
0x4e: {  	_ =	shalt  }
0x4f: {  	_ =	shalt  }
0x50: {  	_ =	shalt  }
0x51: {  	_ =	shalt  }
0x52: {  	_ =	shalt  }
0x53: {  	_ =	shalt  }
0x54: {  	_ =	shalt  }
0x55: {  	_ =	shalt  }
0x56: {  	_ =	shalt  }
0x57: {  	_ =	shalt  }
0x58: {  	_ =	shalt  }
0x59: {  	_ =	shalt  }
0x5a: {  	_ =	shalt  }
0x5b: {  	_ =	shalt  }
0x5c: {  	_ =	shalt  }
0x5d: {  	_ =	shalt  }
0x5e: {  	_ =	shalt  }
0x5f: {  	_ =	shalt  }
0x60: {  	_ =	shalt  }
0x61: {  	_ =	shalt  }
0x62: {  	_ =	shalt  }
0x63: {  	_ =	shalt  }
0x64: {  	_ =	shalt  }
0x65: {  	_ =	shalt  }
0x66: {  	_ =	shalt  }
0x67: {  	_ =	shalt  }
0x68: {  	_ =	shalt  }
0x69: {  	_ =	shalt  }
0x6a: {  	_ =	shalt  }
0x6b: {  	_ =	shalt  }
0x6c: {  	_ =	shalt  }
0x6d: {  	_ =	shalt  }
0x6e: {  	_ =	shalt  }
0x6f: {  	_ =	shalt  }
0x70: {  	_ =	shalt  }
0x71: {  	_ =	shalt  }
0x72: {  	_ =	shalt  }
0x73: {  	_ =	shalt  }
0x74: {  	_ =	shalt  }
0x75: {  	_ =	shalt  }
0x76: {  	_ =	shalt  }
0x77: {  	_ =	shalt  }
0x78: {  	_ =	shalt  }
0x79: {  	_ =	shalt  }
0x7a: {  	_ =	shalt  }
0x7b: {  	_ =	shalt  }
0x7c: {  	_ =	shalt  }
0x7d: {  	_ =	shalt  }
0x7e: {  	_ =	shalt  }
0x7f: {  	_ =	shalt  }
0x80: {  	_ =	shalt  }
0x81: {  	_ =	shalt  }
0x82: {  	_ =	shalt  }
0x83: {  	_ =	shalt  }
0x84: {  	_ =	shalt  }
0x85: {  	_ =	shalt  }
0x86: {  	_ =	shalt  }
0x87: {  	_ =	shalt  }
.Lfunc_end0:
.L_simem_size_0:
called_computation.3_lowered:
.L_overlay_start_0:
0x88: {  	s2 =	sld [smem:$0x3FD9]  }
0x89: {  	s3 =	sld [smem:$0x3FFE];
	_ =	sdelay $0x1  }
0x8a: {  	s1 =	srdreg.scid  }
0x8b: {  	s0 =	sand.u32 $0x1, s1  }
0x8c: {  	s14 =	sshll.u32 s0, $0xA;
	s2 =	sadd.s32 s3, s2  }
0x8d: {  	s2 =	sadd.s32 s2, s14  }
0x8e: {  	[smem:$0x3FBD] =	sst s2  }
0x8f: {  	_ = 	snop  }
0x90: {  	s2 =	sld [smem:$0x3FD0];
	_ =	sdelay $0x2  }
0x91: {  	s15 =	simm.s32 $0xA;
	s4 =	simm.s32 $0x10  }
0x92: {  	[smem:s4], [sflag:s15] =	dma.local [hbm:s2], $0x1  }
0x93: {  	_ =	swait.eq [sflag:s15], $0x1  }
0x94: {  	[sflag:s15] =	ssyncset.done $0x0  }
0x95: {  	s16 =	sld [smem:$0x10];
	[sflag:s15] =	ssyncadd.s32 $0xFFFFFFFF  }
0x96: {  	s17 =	sld [smem:$0x14];
	(tm) =	ssettm $0x1  }
0x97: {  	s18 =	sld [smem:$0x3FFB];
	_ =	sdelay $0x3  }
0x98: {  	_ =	strace s18  }
0x99: {  	s4 =	sld [smem:$0x3FFC];
	_ =	sdelay $0x3  }
0x9a: {  	_ =	strace s4  }
0x9b: {  	s4 =	sld [smem:$0x3FFD];
	_ =	sdelay $0x3  }
0x9c: {  	_ =	strace s4  }
0x9d: {  	_ =	strace $0x8FFFFFFF  }
0x9e: {  	s19 =	sld [smem:$0x3FDB];
	_ =	sdelay $0x1  }
0x9f: {  	s5 =	simm.s32 $_scs_section_size  }
0xa0: {  	s6 =	simm.s32 $_size__tile_overlayer_lowered;
	s7 =	simm.s32 $_tile_overlayer_lowered  }
0xa1: {  	s22 =	simm.s32 $0x1BFF;
	s21 =	sshll.u32 s7, $0x1;
	s4 =	sadd.s32 s5, s19  }
0xa2: {  	s8 =	simm.s32 $0x0;
	s20 =	sshll.u32 s6, $0x1;
	s6 =	sadd.s32 s21, s4  }
0xa3: {  	[timem:s8], [sflag:s22] =	dma.local [hbm:s6], s20  }
0xa4: {  	_ =	swait.ge [sflag:s22], s20  }
0xa5: {  	s5 =	ssub.s32 $0x0, s20;
	[sflag:s22] =	ssyncset.done $0x0  }
0xa6: {  	[sflag:s22] =	ssyncadd.s32 s5;
	_ =	sdelay $0x1  }
0xa7: {  	s23 =	simm.s32 $0x1B8B  }
0xa8: {  	_ =	swait.ge [sflag:s23], $0x1  }
0xa9: {  	[sflag:s23] =	ssyncset.done $0x0  }
0xaa: {  	s25 =	simm.s32 $0x1B8E;
	s24 =	sld [smem:$0x3FFE];
	[sflag:s23] =	ssyncadd.s32 $0xFFFFFFFF  }
0xab: {  	s26 =	simm.s32 $execute0_lowered;
	[smem:$0x3FD2] =	sst s25  }
0xac: {  	s6 =	sshll.u32 s26, $0x1;
	_ =	strace $0x8000004F;
	[dreg:$0x1] =	wrdreg $0xFFFFFFFF  }
0xad: {  	s28 =	simm.s32 $_size_execute0_lowered;
	s4 =	sadd.s32 s4, s6;
	[dreg:$0x0] =	wrdreg $0x0  }
0xae: {  	s6 =	sshll.u32 s28, $0x1;
	[dreg:$0x2] =	wrdreg s4  }
0xaf: {  	[dreg:$0x3] =	wrdreg s6  }
0xb0: {  	[dreg:$0x4] =	wrdreg $0xC0  }
0xb1: {  	_ =	task [dreg:s8], $0x5FFFF  }
0xb2: {  	[dreg:$0x1] =	wrdreg $0xFFFFFFFF  }
0xb3: {  	[dreg:$0x0] =	wrdreg $0x60  }
0xb4: {  	[dreg:$0x2] =	wrdreg s16  }
0xb5: {  	[dreg:$0x3] =	wrdreg s17  }
0xb6: {  	[dreg:$0x4] =	wrdreg s24  }
0xb7: {  	[dreg:$0x5] =	wrdreg $0xA0800  }
0xb8: {  	[dreg:$0x6] =	wrdreg $0x9  }
0xb9: {  	_ =	task.clear_ibuf [dreg:s8], $0x7FFFF;
	_ =	strace $0x9000004F  }
0xba: {  	s29 =	simm.s32 $0x9;
	_ =	strace $0x80000051  }
0xbb: {  	_ =	swait.ge [sflag:s29], $0x1  }
0xbc: {  	[sflag:s29] =	ssyncadd.s32 $0xFFFFFFFF  }
0xbd: {  	_ =	strace $0x90000051  }
0xbe: {  	_ =	sfence  }
0xbf: {  	s30 =	sld [smem:$0x0];
	_ =	sdelay $0x2  }
0xc0: {  	s31 =	sshll.u32 s1, $0xD;
	s1 =	sshrl.u32 s1, $0x2  }
0xc1: {  	s3 =	sand.u32 $0x4000, s31;
	s1 =	sadd.s32 s1, s30  }
0xc2: {  	s0 =	sor.u32 s3, s0;
	s1 =	sshll.u32 s1, $0x11  }
0xc3: {  	s0 =	sor.u32 s1, s0  }
0xc4: {  	s0 =	sadd.s32 $0x8F2B, s0  }
0xc5: {  	[sflag:s0] =	ssyncadd.remote.s32 $0x1  }
0xc6: {  	_ =	sfence.sel $0xFFFF  }
0xc7: {  	[dreg:$0x0] =	wrdreg $0xFFFFFFFF;
	(pc) =	sbr.abs _section_cstart, $3  }
0xc8: {  	[dreg:$0x1] =	wrdreg $0xFFFFFFFF  }
0xc9: {  	_ =	task.clear_ibuf [dreg:s8], $0x2FFFF;
	_ =	strace $0x9FFFFFFF  }
0xca: {  	(tm) =	ssettm $0x7FFFFFFF  }
0xcb: {  	_ =	shalt  }
tec
execute0_lowered:
.L_overlay_start_1:
0x0: {  	(tag) =	ssettag $0x1  }
0x1: {  	s0 =	rddreg [dreg:$0x0]  }
0x2: {  	s4 =	rddreg [dreg:$0x1]  }
0x3: {  	s5 =	rddreg [dreg:$0x2]  }
0x4: {  	s1 =	srdreg.scid;
	s2 =	rddreg [dreg:$0x3]  }
0x5: {  	s3 =	simm.s32 $0x0;
	s14 =	simm.s32 $0x100;
	s16 =	simm.s32 $0x880  }
0x6: {  	s17 =	simm.s32 $0x180;
	s19 =	simm.s32 $0x900;
	s20 =	simm.s32 $0x200  }
0x7: {  	s21 =	simm.s32 $0x980;
	[smem:$0x7FF] =	sst s3;
	s11 =	sadd.s32 $0x8400, s5  }
0x8: {  	s15 =	sadd.s32 $0x138800, s2;
	_ =	strace $0x80000050;
	[dreg:$0x12] =	wrdreg s11  }
0x9: {  	s22 =	simm.s32 $0x280;
	s23 =	simm.s32 $0xA00;
	[dreg:$0x15] =	wrdreg s15  }
0xa: {  	s6 =	sand.u32 $0x1, s1;
	s1 =	stileid.u32;
	[dreg:$0x7] =	wrdreg s14  }
0xb: {  	s28 =	simm.s32 $0xD80;
	s7 =	smul.u32 $0x28000, s6;
	[dreg:$0x8] =	wrdreg s16  }
0xc: {  	s29 =	simm.s32 $0x680;
	s8 =	smul.u32 $0x2800, s1;
	[dreg:$0x9] =	wrdreg s17  }
0xd: {  	s30 =	simm.s32 $0xE00;
	s24 =	smul.u32 $0x140000, s6;
	[dreg:$0xa] =	wrdreg s19  }
0xe: {  	s31 =	simm.s32 $0x700;
	s9 =	smul.u32 $0x14000, s1;
	[dreg:$0xb] =	wrdreg s20  }
0xf: {  	s25 =	sshll.u32 s6, $0x4;
	s6 =	ssub.s32 $0x2, s6;
	[dreg:$0xc] =	wrdreg s21  }
0x10: {  	s26 =	smul.u32 $0x50000, s1;
	[dreg:$0xd] =	wrdreg s22;
	s14 =	simm.s32 $0x1000  }
0x11: {  	[dreg:$0xe] =	wrdreg s23;
	s15 =	simm.s32 $0x5000;
	s16 =	simm.s32 $0x1  }
0x12: {  	s17 =	simm.s32 $0xB00;
	s19 =	simm.s32 $0xB80;
	s20 =	simm.s32 $0x480  }
0x13: {  	s21 =	simm.s32 $0xC00;
	s22 =	simm.s32 $0x500;
	s23 =	simm.s32 $0xC80  }
0x14: {  	p0 =	sne.s32 s1, $0x0;
	s11 =	sadd.s32 s25, s5;
	s12 =	sshrl.u32 s6, $0x1  }
0x15: {  	s25 =	simm.s32 $0xA80;
	s7 =	sadd.s32 s8, s7;
	s8 =	sadd.s32 s9, s24  }
0x16: {  	s6 =	ssub.s32 s6, s12;
	s9 =	sshrl.u32 s26, $0x2;
	s12 =	sshll.u32 s1, $0x6  }
0x17: {  	s13 =	sadd.s32 $0x10200, s11;
	s11 =	simm.s32 $0x2;
	s24 =	simm.s32 $0x300  }
0x18: {  	[dreg:$0x10] =	wrdreg s25;
	s26 =	simm.s32 $0x380;
	s25 =	simm.s32 $0xD00  }
0x19: {  	s1 =	simm.s32 $0xE80;
	s7 =	sshrl.u32 s7, $0x3;
	[dreg:$0x14] =	wrdreg s13  }
0x1a: {  	s8 =	sshrl.u32 s8, $0x3;
	s18 =	smax.u32 s6, $0x1;
	[dreg:$0xf] =	wrdreg s24  }
0x1b: {  	s13 =	simm.s32 $0x80;
	[dreg:$0x11] =	wrdreg s26;
	s24 =	simm.s32 $0x580  }
0x1c: {  	s26 =	simm.s32 $0x600;
	s6 =	simm.s32 $0xF00;
	s10 =	sadd.s32 s7, s5  }
0x1d: {  	s5 =	sadd.s32 s8, s5;
	s4 =	sadd.s32 s7, s4;
	[dreg:$0x17] =	wrdreg s18  }
0x1e: {  	s8 =	sadd.s32 s9, s2;
	s9 =	sor.u32 $0x1C02, s12;
	[dreg:$0x6] =	wrdreg s4  }
0x1f: {  	s12 =	simm.s32 $0x800;
	s10 =	sadd.s32 $0x10400, s10;
	[dreg:$0x13] =	wrdreg s9  }
0x20: {  	s18 =	simm.s32 $0x400;
	s5 =	sadd.s32 $0x1A400, s5;
	[dreg:$0x5] =	wrdreg s10  }
0x21: {  	s7 =	simm.s32 $0xF80;
	s8 =	sshrl.u32 s8, $0x3;
	[dreg:$0x16] =	wrdreg s5  }
0x22: {  	s4 =	simm.s32 $0x780;
	s10 =	simm.s32 $0x0;
	[dreg:$0x18] =	wrdreg s8  }
.LBB2_1:
0x23: {  	[dreg:$0x19] =	wrdreg s10  }
0x24: {  	s5 =	rddreg [dreg:$0x12]  }
0x25: {  	[spmem:s8], [sflag:s9] =	dma.local [hbm:s5], $0x2800  }
0x26: {  	_ =	swait.ge [sflag:s11], $0x2800  }
0x27: {  	[sflag:s11] =	ssyncset.done $0x0  }
0x28: {  	[sflag:s11] =	ssyncadd.s32 $0xFFFFD800  }
0x29: {  	[bflag:$0x0] =	sbarrier.arrive $0xFFFF  }
0x2a: {  	s10 =	rddreg [dreg:$0x6]  }
0x2b: {  	s5 =	sadd.s32 $0x0, s10  }
0x2c: {  	[tilespmem:s3], [sflag:$0x2] =	stream.linear.gather [hbm4b:s5+s3], $0x800, $0x38;
	[tilespmem:$0x1E080] =	vst v63  }
0x2d: {  	_ =	swait.ge [sflag:s11], $0x800  }
0x2e: {  	s8 =	rddreg [dreg:$0x5];
	[sflag:s11] =	ssyncset.done $0x0  }
0x2f: {  	[sflag:s11] =	ssyncadd.s32 $0xFFFFF800;
	s5 =	sadd.s32 $0x0, s8  }
0x30: {  	[tilespmem:s12], [sflag:$0x2] =	stream.linear.gather [hbm4b:s5+s3], $0x800, $0x38;
	[tilespmem:$0x1E080] =	vst v63  }
0x31: {  	_ =	swait.ge [sflag:s11], $0x800  }
0x32: {  	[sflag:s11] =	ssyncset.done $0x0  }
0x33: {  	[sflag:s11] =	ssyncadd.s32 $0xFFFFF800  }
0x34: {  	[tilespmem:s14], [sflag:$0x1] =	stream.indirect.gather [hbm4b:s0+s13], $0x80, s3, s13, $0xb8;
	[tilespmem:$0x1E080] =	vst v63  }
0x35: {  	_ = 	snop  }
0x36: {  	[tilespmem:s15], [sflag:$0x1] =	stream.indirect.gather [hbm4b:s0+s13], $0x80, s13, s13, $0xb8;
	[tilespmem:$0x1E080] =	vst v63  }
0x37: {  	_ =	swait.ge [sflag:s16], $0x4000  }
0x38: {  	[sflag:s16] =	ssyncset.done $0x0  }
0x39: {  	[sflag:s16] =	ssyncadd.s32 $0xFFFFC000  }
0x3a: {  	[spmem:s2] =	stream.indirect.scatter.add.f32 [tilespmem:s14], [sflag:$0x2], $0x80, s12, s13, $0xb8;
	[tilespmem:$0x1E080] =	vst v63  }
0x3b: {  	_ =	swait.ge [sflag:s11], $0x4000  }
0x3c: {  	[sflag:s11] =	ssyncset.done $0x0  }
0x3d: {  	s9 =	rddreg [dreg:$0x7];
	[sflag:s11] =	ssyncadd.s32 $0xFFFFC000  }
0x3e: {  	[tilespmem:s14], [sflag:$0x1] =	stream.indirect.gather [hbm4b:s0+s13], $0x80, s9, s13, $0xb8;
	[tilespmem:$0x1E080] =	vst v63  }
0x3f: {  	_ =	swait.ge [sflag:s16], $0x4000  }
0x40: {  	[sflag:s16] =	ssyncset.done $0x0  }
0x41: {  	s10 =	rddreg [dreg:$0x8];
	[sflag:s16] =	ssyncadd.s32 $0xFFFFC000  }
0x42: {  	[spmem:s2] =	stream.indirect.scatter.add.f32 [tilespmem:s15], [sflag:$0x2], $0x80, s10, s13, $0xb8;
	[tilespmem:$0x1E080] =	vst v63  }
0x43: {  	_ =	swait.ge [sflag:s11], $0x4000  }
0x44: {  	[sflag:s11] =	ssyncset.done $0x0  }
0x45: {  	s8 =	rddreg [dreg:$0x9];
	[sflag:s11] =	ssyncadd.s32 $0xFFFFC000  }
0x46: {  	[tilespmem:s15], [sflag:$0x1] =	stream.indirect.gather [hbm4b:s0+s13], $0x80, s8, s13, $0xb8;
	[tilespmem:$0x1E080] =	vst v63  }
0x47: {  	_ =	swait.ge [sflag:s16], $0x4000  }
0x48: {  	[sflag:s16] =	ssyncset.done $0x0  }
0x49: {  	s9 =	rddreg [dreg:$0xa];
	[sflag:s16] =	ssyncadd.s32 $0xFFFFC000  }
0x4a: {  	[spmem:s2] =	stream.indirect.scatter.add.f32 [tilespmem:s14], [sflag:$0x2], $0x80, s9, s13, $0xb8;
	[tilespmem:$0x1E080] =	vst v63  }
0x4b: {  	_ =	swait.ge [sflag:s11], $0x4000  }
0x4c: {  	[sflag:s11] =	ssyncset.done $0x0  }
0x4d: {  	s10 =	rddreg [dreg:$0xb];
	[sflag:s11] =	ssyncadd.s32 $0xFFFFC000  }
0x4e: {  	[tilespmem:s14], [sflag:$0x1] =	stream.indirect.gather [hbm4b:s0+s13], $0x80, s10, s13, $0xb8;
	[tilespmem:$0x1E080] =	vst v63  }
0x4f: {  	_ =	swait.ge [sflag:s16], $0x4000  }
0x50: {  	[sflag:s16] =	ssyncset.done $0x0  }
0x51: {  	s8 =	rddreg [dreg:$0xc];
	[sflag:s16] =	ssyncadd.s32 $0xFFFFC000  }
0x52: {  	[spmem:s2] =	stream.indirect.scatter.add.f32 [tilespmem:s15], [sflag:$0x2], $0x80, s8, s13, $0xb8;
	[tilespmem:$0x1E080] =	vst v63  }
0x53: {  	_ =	swait.ge [sflag:s11], $0x4000  }
0x54: {  	[sflag:s11] =	ssyncset.done $0x0  }
0x55: {  	s9 =	rddreg [dreg:$0xd];
	[sflag:s11] =	ssyncadd.s32 $0xFFFFC000  }
0x56: {  	[tilespmem:s15], [sflag:$0x1] =	stream.indirect.gather [hbm4b:s0+s13], $0x80, s9, s13, $0xb8;
	[tilespmem:$0x1E080] =	vst v63  }
0x57: {  	_ =	swait.ge [sflag:s16], $0x4000  }
0x58: {  	[sflag:s16] =	ssyncset.done $0x0  }
0x59: {  	s10 =	rddreg [dreg:$0xe];
	[sflag:s16] =	ssyncadd.s32 $0xFFFFC000  }
0x5a: {  	[spmem:s2] =	stream.indirect.scatter.add.f32 [tilespmem:s14], [sflag:$0x2], $0x80, s10, s13, $0xb8;
	[tilespmem:$0x1E080] =	vst v63  }
0x5b: {  	_ =	swait.ge [sflag:s11], $0x4000  }
0x5c: {  	[sflag:s11] =	ssyncset.done $0x0  }
0x5d: {  	s8 =	rddreg [dreg:$0xf];
	[sflag:s11] =	ssyncadd.s32 $0xFFFFC000  }
0x5e: {  	[tilespmem:s14], [sflag:$0x1] =	stream.indirect.gather [hbm4b:s0+s13], $0x80, s8, s13, $0xb8;
	[tilespmem:$0x1E080] =	vst v63  }
0x5f: {  	_ =	swait.ge [sflag:s16], $0x4000  }
0x60: {  	[sflag:s16] =	ssyncset.done $0x0  }
0x61: {  	s9 =	rddreg [dreg:$0x10];
	[sflag:s16] =	ssyncadd.s32 $0xFFFFC000  }
0x62: {  	[spmem:s2] =	stream.indirect.scatter.add.f32 [tilespmem:s15], [sflag:$0x2], $0x80, s9, s13, $0xb8;
	[tilespmem:$0x1E080] =	vst v63  }
0x63: {  	_ =	swait.ge [sflag:s11], $0x4000  }
0x64: {  	[sflag:s11] =	ssyncset.done $0x0  }
0x65: {  	s10 =	rddreg [dreg:$0x11];
	[sflag:s11] =	ssyncadd.s32 $0xFFFFC000  }
0x66: {  	[tilespmem:s15], [sflag:$0x1] =	stream.indirect.gather [hbm4b:s0+s13], $0x80, s10, s13, $0xb8;
	[tilespmem:$0x1E080] =	vst v63  }
0x67: {  	_ =	swait.ge [sflag:s16], $0x4000  }
0x68: {  	[sflag:s16] =	ssyncset.done $0x0  }
0x69: {  	[sflag:s16] =	ssyncadd.s32 $0xFFFFC000  }
0x6a: {  	[spmem:s2] =	stream.indirect.scatter.add.f32 [tilespmem:s14], [sflag:$0x2], $0x80, s17, s13, $0xb8;
	[tilespmem:$0x1E080] =	vst v63  }
0x6b: {  	_ =	swait.ge [sflag:s11], $0x4000  }
0x6c: {  	[sflag:s11] =	ssyncset.done $0x0  }
0x6d: {  	[sflag:s11] =	ssyncadd.s32 $0xFFFFC000  }
0x6e: {  	[tilespmem:s14], [sflag:$0x1] =	stream.indirect.gather [hbm4b:s0+s13], $0x80, s18, s13, $0xb8;
	[tilespmem:$0x1E080] =	vst v63  }
0x6f: {  	_ =	swait.ge [sflag:s16], $0x4000  }
0x70: {  	[sflag:s16] =	ssyncset.done $0x0  }
0x71: {  	[sflag:s16] =	ssyncadd.s32 $0xFFFFC000  }
0x72: {  	[spmem:s2] =	stream.indirect.scatter.add.f32 [tilespmem:s15], [sflag:$0x2], $0x80, s19, s13, $0xb8;
	[tilespmem:$0x1E080] =	vst v63  }
0x73: {  	_ =	swait.ge [sflag:s11], $0x4000  }
0x74: {  	[sflag:s11] =	ssyncset.done $0x0  }
0x75: {  	[sflag:s11] =	ssyncadd.s32 $0xFFFFC000  }
0x76: {  	[tilespmem:s15], [sflag:$0x1] =	stream.indirect.gather [hbm4b:s0+s13], $0x80, s20, s13, $0xb8;
	[tilespmem:$0x1E080] =	vst v63  }
0x77: {  	_ =	swait.ge [sflag:s16], $0x4000  }
0x78: {  	[sflag:s16] =	ssyncset.done $0x0  }
0x79: {  	[sflag:s16] =	ssyncadd.s32 $0xFFFFC000  }
0x7a: {  	[spmem:s2] =	stream.indirect.scatter.add.f32 [tilespmem:s14], [sflag:$0x2], $0x80, s21, s13, $0xb8;
	[tilespmem:$0x1E080] =	vst v63  }
0x7b: {  	_ =	swait.ge [sflag:s11], $0x4000  }
0x7c: {  	[sflag:s11] =	ssyncset.done $0x0  }
0x7d: {  	[sflag:s11] =	ssyncadd.s32 $0xFFFFC000  }
0x7e: {  	[tilespmem:s14], [sflag:$0x1] =	stream.indirect.gather [hbm4b:s0+s13], $0x80, s22, s13, $0xb8;
	[tilespmem:$0x1E080] =	vst v63  }
0x7f: {  	_ =	swait.ge [sflag:s16], $0x4000  }
0x80: {  	[sflag:s16] =	ssyncset.done $0x0  }
0x81: {  	[sflag:s16] =	ssyncadd.s32 $0xFFFFC000  }
0x82: {  	[spmem:s2] =	stream.indirect.scatter.add.f32 [tilespmem:s15], [sflag:$0x2], $0x80, s23, s13, $0xb8;
	[tilespmem:$0x1E080] =	vst v63  }
0x83: {  	_ =	swait.ge [sflag:s11], $0x4000  }
0x84: {  	[sflag:s11] =	ssyncset.done $0x0  }
0x85: {  	[sflag:s11] =	ssyncadd.s32 $0xFFFFC000  }
0x86: {  	[tilespmem:s15], [sflag:$0x1] =	stream.indirect.gather [hbm4b:s0+s13], $0x80, s24, s13, $0xb8;
	[tilespmem:$0x1E080] =	vst v63  }
0x87: {  	_ =	swait.ge [sflag:s16], $0x4000  }
0x88: {  	[sflag:s16] =	ssyncset.done $0x0  }
0x89: {  	[sflag:s16] =	ssyncadd.s32 $0xFFFFC000  }
0x8a: {  	[spmem:s2] =	stream.indirect.scatter.add.f32 [tilespmem:s14], [sflag:$0x2], $0x80, s25, s13, $0xb8;
	[tilespmem:$0x1E080] =	vst v63  }
0x8b: {  	_ =	swait.ge [sflag:s11], $0x4000  }
0x8c: {  	[sflag:s11] =	ssyncset.done $0x0  }
0x8d: {  	[sflag:s11] =	ssyncadd.s32 $0xFFFFC000  }
0x8e: {  	[tilespmem:s14], [sflag:$0x1] =	stream.indirect.gather [hbm4b:s0+s13], $0x80, s26, s13, $0xb8;
	[tilespmem:$0x1E080] =	vst v63  }
0x8f: {  	_ =	swait.ge [sflag:s16], $0x4000  }
0x90: {  	[sflag:s16] =	ssyncset.done $0x0  }
0x91: {  	[sflag:s16] =	ssyncadd.s32 $0xFFFFC000  }
0x92: {  	[spmem:s2] =	stream.indirect.scatter.add.f32 [tilespmem:s15], [sflag:$0x2], $0x80, s28, s13, $0xb8;
	[tilespmem:$0x1E080] =	vst v63  }
0x93: {  	_ =	swait.ge [sflag:s11], $0x4000  }
0x94: {  	[sflag:s11] =	ssyncset.done $0x0  }
0x95: {  	[sflag:s11] =	ssyncadd.s32 $0xFFFFC000  }
0x96: {  	[tilespmem:s15], [sflag:$0x1] =	stream.indirect.gather [hbm4b:s0+s13], $0x80, s29, s13, $0xb8;
	[tilespmem:$0x1E080] =	vst v63  }
0x97: {  	_ =	swait.ge [sflag:s16], $0x4000  }
0x98: {  	[sflag:s16] =	ssyncset.done $0x0  }
0x99: {  	[sflag:s16] =	ssyncadd.s32 $0xFFFFC000  }
0x9a: {  	[spmem:s2] =	stream.indirect.scatter.add.f32 [tilespmem:s14], [sflag:$0x2], $0x80, s30, s13, $0xb8;
	[tilespmem:$0x1E080] =	vst v63  }
0x9b: {  	_ =	swait.ge [sflag:s11], $0x4000  }
0x9c: {  	[sflag:s11] =	ssyncset.done $0x0  }
0x9d: {  	[sflag:s11] =	ssyncadd.s32 $0xFFFFC000  }
0x9e: {  	[tilespmem:s14], [sflag:$0x1] =	stream.indirect.gather [hbm4b:s0+s13], $0x80, s31, s13, $0xb8;
	[tilespmem:$0x1E080] =	vst v63  }
0x9f: {  	_ =	swait.ge [sflag:s16], $0x4000  }
0xa0: {  	[sflag:s16] =	ssyncset.done $0x0  }
0xa1: {  	[sflag:s16] =	ssyncadd.s32 $0xFFFFC000  }
0xa2: {  	[spmem:s2] =	stream.indirect.scatter.add.f32 [tilespmem:s15], [sflag:$0x2], $0x80, s1, s13, $0xb8;
	[tilespmem:$0x1E080] =	vst v63  }
0xa3: {  	_ =	swait.ge [sflag:s11], $0x4000  }
0xa4: {  	[sflag:s11] =	ssyncset.done $0x0  }
0xa5: {  	[sflag:s11] =	ssyncadd.s32 $0xFFFFC000  }
0xa6: {  	[tilespmem:s15], [sflag:$0x1] =	stream.indirect.gather [hbm4b:s0+s13], $0x80, s4, s13, $0xb8;
	[tilespmem:$0x1E080] =	vst v63  }
0xa7: {  	_ =	swait.ge [sflag:s16], $0x4000  }
0xa8: {  	[sflag:s16] =	ssyncset.done $0x0  }
0xa9: {  	[sflag:s16] =	ssyncadd.s32 $0xFFFFC000  }
0xaa: {  	[spmem:s2] =	stream.indirect.scatter.add.f32 [tilespmem:s14], [sflag:$0x2], $0x80, s6, s13, $0xb8;
	[tilespmem:$0x1E080] =	vst v63  }
0xab: {  	_ =	swait.ge [sflag:s11], $0x4000  }
0xac: {  	[sflag:s11] =	ssyncset.done $0x0  }
0xad: {  	[sflag:s11] =	ssyncadd.s32 $0xFFFFC000  }
0xae: {  	_ =	swait.ge [sflag:s16], $0x4000  }
0xaf: {  	[sflag:s16] =	ssyncset.done $0x0  }
0xb0: {  	[sflag:s16] =	ssyncadd.s32 $0xFFFFC000  }
0xb1: {  	[spmem:s2] =	stream.indirect.scatter.add.f32 [tilespmem:s15], [sflag:$0x2], $0x80, s7, s13, $0xb8;
	[tilespmem:$0x1E080] =	vst v63  }
0xb2: {  	s5 =	simm.s32 $0x200;
	_ =	swait.ge [sflag:s11], $0x4000  }
0xb3: {  	s9 =	simm.s32 $0x100;
	s10 =	rddreg [dreg:$0x6];
	[sflag:s11] =	ssyncset.done $0x0  }
.LBB2_2:
0xb4: {  	[sflag:s11] =	ssyncadd.s32 $0xFFFFC000;
	s10 =	sadd.s32 s9, s10  }
0xb5: {  	[tilespmem:s3], [sflag:$0x2] =	stream.linear.gather [hbm4b:s10+s3], $0x800, $0x38;
	[tilespmem:$0x1E080] =	vst v63  }
0xb6: {  	_ =	swait.ge [sflag:s11], $0x800  }
0xb7: {  	s10 =	rddreg [dreg:$0x5];
	[sflag:s11] =	ssyncset.done $0x0  }
0xb8: {  	[sflag:s11] =	ssyncadd.s32 $0xFFFFF800;
	s10 =	sadd.s32 s9, s10  }
0xb9: {  	[tilespmem:s12], [sflag:$0x2] =	stream.linear.gather [hbm4b:s10+s3], $0x800, $0x38;
	[tilespmem:$0x1E080] =	vst v63  }
0xba: {  	_ =	swait.ge [sflag:s11], $0x800  }
0xbb: {  	[sflag:s11] =	ssyncset.done $0x0  }
0xbc: {  	[sflag:s11] =	ssyncadd.s32 $0xFFFFF800  }
0xbd: {  	[tilespmem:s14], [sflag:$0x1] =	stream.indirect.gather [hbm4b:s0+s13], $0x80, s3, s13, $0xb8;
	[tilespmem:$0x1E080] =	vst v63  }
0xbe: {  	_ = 	snop  }
0xbf: {  	[tilespmem:s15], [sflag:$0x1] =	stream.indirect.gather [hbm4b:s0+s13], $0x80, s13, s13, $0xb8;
	[tilespmem:$0x1E080] =	vst v63  }
0xc0: {  	_ =	swait.ge [sflag:s16], $0x4000  }
0xc1: {  	[sflag:s16] =	ssyncset.done $0x0  }
0xc2: {  	[sflag:s16] =	ssyncadd.s32 $0xFFFFC000  }
0xc3: {  	[spmem:s2] =	stream.indirect.scatter.add.f32 [tilespmem:s14], [sflag:$0x2], $0x80, s12, s13, $0xb8;
	[tilespmem:$0x1E080] =	vst v63  }
0xc4: {  	_ =	swait.ge [sflag:s11], $0x4000  }
0xc5: {  	[sflag:s11] =	ssyncset.done $0x0  }
0xc6: {  	s10 =	rddreg [dreg:$0x7];
	[sflag:s11] =	ssyncadd.s32 $0xFFFFC000  }
0xc7: {  	[tilespmem:s14], [sflag:$0x1] =	stream.indirect.gather [hbm4b:s0+s13], $0x80, s10, s13, $0xb8;
	[tilespmem:$0x1E080] =	vst v63  }
0xc8: {  	_ =	swait.ge [sflag:s16], $0x4000  }
0xc9: {  	[sflag:s16] =	ssyncset.done $0x0  }
0xca: {  	s10 =	rddreg [dreg:$0x8];
	[sflag:s16] =	ssyncadd.s32 $0xFFFFC000  }
0xcb: {  	[spmem:s2] =	stream.indirect.scatter.add.f32 [tilespmem:s15], [sflag:$0x2], $0x80, s10, s13, $0xb8;
	[tilespmem:$0x1E080] =	vst v63  }
0xcc: {  	_ =	swait.ge [sflag:s11], $0x4000  }
0xcd: {  	[sflag:s11] =	ssyncset.done $0x0  }
0xce: {  	s10 =	rddreg [dreg:$0x9];
	[sflag:s11] =	ssyncadd.s32 $0xFFFFC000  }
0xcf: {  	[tilespmem:s15], [sflag:$0x1] =	stream.indirect.gather [hbm4b:s0+s13], $0x80, s10, s13, $0xb8;
	[tilespmem:$0x1E080] =	vst v63  }
0xd0: {  	_ =	swait.ge [sflag:s16], $0x4000  }
0xd1: {  	[sflag:s16] =	ssyncset.done $0x0  }
0xd2: {  	s10 =	rddreg [dreg:$0xa];
	[sflag:s16] =	ssyncadd.s32 $0xFFFFC000  }
0xd3: {  	[spmem:s2] =	stream.indirect.scatter.add.f32 [tilespmem:s14], [sflag:$0x2], $0x80, s10, s13, $0xb8;
	[tilespmem:$0x1E080] =	vst v63  }
0xd4: {  	_ =	swait.ge [sflag:s11], $0x4000  }
0xd5: {  	[sflag:s11] =	ssyncset.done $0x0  }
0xd6: {  	s10 =	rddreg [dreg:$0xb];
	[sflag:s11] =	ssyncadd.s32 $0xFFFFC000  }
0xd7: {  	[tilespmem:s14], [sflag:$0x1] =	stream.indirect.gather [hbm4b:s0+s13], $0x80, s10, s13, $0xb8;
	[tilespmem:$0x1E080] =	vst v63  }
0xd8: {  	_ =	swait.ge [sflag:s16], $0x4000  }
0xd9: {  	[sflag:s16] =	ssyncset.done $0x0  }
0xda: {  	s10 =	rddreg [dreg:$0xc];
	[sflag:s16] =	ssyncadd.s32 $0xFFFFC000  }
0xdb: {  	[spmem:s2] =	stream.indirect.scatter.add.f32 [tilespmem:s15], [sflag:$0x2], $0x80, s10, s13, $0xb8;
	[tilespmem:$0x1E080] =	vst v63  }
0xdc: {  	_ =	swait.ge [sflag:s11], $0x4000  }
0xdd: {  	[sflag:s11] =	ssyncset.done $0x0  }
0xde: {  	s10 =	rddreg [dreg:$0xd];
	[sflag:s11] =	ssyncadd.s32 $0xFFFFC000  }
0xdf: {  	[tilespmem:s15], [sflag:$0x1] =	stream.indirect.gather [hbm4b:s0+s13], $0x80, s10, s13, $0xb8;
	[tilespmem:$0x1E080] =	vst v63  }
0xe0: {  	_ =	swait.ge [sflag:s16], $0x4000  }
0xe1: {  	[sflag:s16] =	ssyncset.done $0x0  }
0xe2: {  	s10 =	rddreg [dreg:$0xe];
	[sflag:s16] =	ssyncadd.s32 $0xFFFFC000  }
0xe3: {  	[spmem:s2] =	stream.indirect.scatter.add.f32 [tilespmem:s14], [sflag:$0x2], $0x80, s10, s13, $0xb8;
	[tilespmem:$0x1E080] =	vst v63  }
0xe4: {  	_ =	swait.ge [sflag:s11], $0x4000  }
0xe5: {  	[sflag:s11] =	ssyncset.done $0x0  }
0xe6: {  	s10 =	rddreg [dreg:$0xf];
	[sflag:s11] =	ssyncadd.s32 $0xFFFFC000  }
0xe7: {  	[tilespmem:s14], [sflag:$0x1] =	stream.indirect.gather [hbm4b:s0+s13], $0x80, s10, s13, $0xb8;
	[tilespmem:$0x1E080] =	vst v63  }
0xe8: {  	_ =	swait.ge [sflag:s16], $0x4000  }
0xe9: {  	[sflag:s16] =	ssyncset.done $0x0  }
0xea: {  	s10 =	rddreg [dreg:$0x10];
	[sflag:s16] =	ssyncadd.s32 $0xFFFFC000  }
0xeb: {  	[spmem:s2] =	stream.indirect.scatter.add.f32 [tilespmem:s15], [sflag:$0x2], $0x80, s10, s13, $0xb8;
	[tilespmem:$0x1E080] =	vst v63  }
0xec: {  	_ =	swait.ge [sflag:s11], $0x4000  }
0xed: {  	[sflag:s11] =	ssyncset.done $0x0  }
0xee: {  	s10 =	rddreg [dreg:$0x11];
	[sflag:s11] =	ssyncadd.s32 $0xFFFFC000  }
0xef: {  	[tilespmem:s15], [sflag:$0x1] =	stream.indirect.gather [hbm4b:s0+s13], $0x80, s10, s13, $0xb8;
	[tilespmem:$0x1E080] =	vst v63  }
0xf0: {  	_ =	swait.ge [sflag:s16], $0x4000  }
0xf1: {  	[sflag:s16] =	ssyncset.done $0x0  }
0xf2: {  	[sflag:s16] =	ssyncadd.s32 $0xFFFFC000  }
0xf3: {  	[spmem:s2] =	stream.indirect.scatter.add.f32 [tilespmem:s14], [sflag:$0x2], $0x80, s17, s13, $0xb8;
	[tilespmem:$0x1E080] =	vst v63  }
0xf4: {  	_ =	swait.ge [sflag:s11], $0x4000  }
0xf5: {  	[sflag:s11] =	ssyncset.done $0x0  }
0xf6: {  	[sflag:s11] =	ssyncadd.s32 $0xFFFFC000  }
0xf7: {  	[tilespmem:s14], [sflag:$0x1] =	stream.indirect.gather [hbm4b:s0+s13], $0x80, s18, s13, $0xb8;
	[tilespmem:$0x1E080] =	vst v63  }
0xf8: {  	_ =	swait.ge [sflag:s16], $0x4000  }
0xf9: {  	[sflag:s16] =	ssyncset.done $0x0  }
0xfa: {  	[sflag:s16] =	ssyncadd.s32 $0xFFFFC000  }
0xfb: {  	[spmem:s2] =	stream.indirect.scatter.add.f32 [tilespmem:s15], [sflag:$0x2], $0x80, s19, s13, $0xb8;
	[tilespmem:$0x1E080] =	vst v63  }
0xfc: {  	_ =	swait.ge [sflag:s11], $0x4000  }
0xfd: {  	[sflag:s11] =	ssyncset.done $0x0  }
0xfe: {  	[sflag:s11] =	ssyncadd.s32 $0xFFFFC000  }
0xff: {  	[tilespmem:s15], [sflag:$0x1] =	stream.indirect.gather [hbm4b:s0+s13], $0x80, s20, s13, $0xb8;
	[tilespmem:$0x1E080] =	vst v63  }
0x100: {  	_ =	swait.ge [sflag:s16], $0x4000  }
0x101: {  	[sflag:s16] =	ssyncset.done $0x0  }
0x102: {  	[sflag:s16] =	ssyncadd.s32 $0xFFFFC000  }
0x103: {  	[spmem:s2] =	stream.indirect.scatter.add.f32 [tilespmem:s14], [sflag:$0x2], $0x80, s21, s13, $0xb8;
	[tilespmem:$0x1E080] =	vst v63  }
0x104: {  	_ =	swait.ge [sflag:s11], $0x4000  }
0x105: {  	[sflag:s11] =	ssyncset.done $0x0  }
0x106: {  	[sflag:s11] =	ssyncadd.s32 $0xFFFFC000  }
0x107: {  	[tilespmem:s14], [sflag:$0x1] =	stream.indirect.gather [hbm4b:s0+s13], $0x80, s22, s13, $0xb8;
	[tilespmem:$0x1E080] =	vst v63  }
0x108: {  	_ =	swait.ge [sflag:s16], $0x4000  }
0x109: {  	[sflag:s16] =	ssyncset.done $0x0  }
0x10a: {  	[sflag:s16] =	ssyncadd.s32 $0xFFFFC000  }
0x10b: {  	[spmem:s2] =	stream.indirect.scatter.add.f32 [tilespmem:s15], [sflag:$0x2], $0x80, s23, s13, $0xb8;
	[tilespmem:$0x1E080] =	vst v63  }
0x10c: {  	_ =	swait.ge [sflag:s11], $0x4000  }
0x10d: {  	[sflag:s11] =	ssyncset.done $0x0  }
0x10e: {  	[sflag:s11] =	ssyncadd.s32 $0xFFFFC000  }
0x10f: {  	[tilespmem:s15], [sflag:$0x1] =	stream.indirect.gather [hbm4b:s0+s13], $0x80, s24, s13, $0xb8;
	[tilespmem:$0x1E080] =	vst v63  }
0x110: {  	_ =	swait.ge [sflag:s16], $0x4000  }
0x111: {  	[sflag:s16] =	ssyncset.done $0x0  }
0x112: {  	[sflag:s16] =	ssyncadd.s32 $0xFFFFC000  }
0x113: {  	[spmem:s2] =	stream.indirect.scatter.add.f32 [tilespmem:s14], [sflag:$0x2], $0x80, s25, s13, $0xb8;
	[tilespmem:$0x1E080] =	vst v63  }
0x114: {  	_ =	swait.ge [sflag:s11], $0x4000  }
0x115: {  	[sflag:s11] =	ssyncset.done $0x0  }
0x116: {  	[sflag:s11] =	ssyncadd.s32 $0xFFFFC000  }
0x117: {  	[tilespmem:s14], [sflag:$0x1] =	stream.indirect.gather [hbm4b:s0+s13], $0x80, s26, s13, $0xb8;
	[tilespmem:$0x1E080] =	vst v63  }
0x118: {  	_ =	swait.ge [sflag:s16], $0x4000  }
0x119: {  	[sflag:s16] =	ssyncset.done $0x0  }
0x11a: {  	[sflag:s16] =	ssyncadd.s32 $0xFFFFC000  }
0x11b: {  	[spmem:s2] =	stream.indirect.scatter.add.f32 [tilespmem:s15], [sflag:$0x2], $0x80, s28, s13, $0xb8;
	[tilespmem:$0x1E080] =	vst v63  }
0x11c: {  	_ =	swait.ge [sflag:s11], $0x4000  }
0x11d: {  	[sflag:s11] =	ssyncset.done $0x0  }
0x11e: {  	[sflag:s11] =	ssyncadd.s32 $0xFFFFC000  }
0x11f: {  	[tilespmem:s15], [sflag:$0x1] =	stream.indirect.gather [hbm4b:s0+s13], $0x80, s29, s13, $0xb8;
	[tilespmem:$0x1E080] =	vst v63  }
0x120: {  	_ =	swait.ge [sflag:s16], $0x4000  }
0x121: {  	[sflag:s16] =	ssyncset.done $0x0  }
0x122: {  	[sflag:s16] =	ssyncadd.s32 $0xFFFFC000  }
0x123: {  	[spmem:s2] =	stream.indirect.scatter.add.f32 [tilespmem:s14], [sflag:$0x2], $0x80, s30, s13, $0xb8;
	[tilespmem:$0x1E080] =	vst v63  }
0x124: {  	_ =	swait.ge [sflag:s11], $0x4000  }
0x125: {  	[sflag:s11] =	ssyncset.done $0x0  }
0x126: {  	[sflag:s11] =	ssyncadd.s32 $0xFFFFC000  }
0x127: {  	[tilespmem:s14], [sflag:$0x1] =	stream.indirect.gather [hbm4b:s0+s13], $0x80, s31, s13, $0xb8;
	[tilespmem:$0x1E080] =	vst v63  }
0x128: {  	_ =	swait.ge [sflag:s16], $0x4000  }
0x129: {  	[sflag:s16] =	ssyncset.done $0x0  }
0x12a: {  	[sflag:s16] =	ssyncadd.s32 $0xFFFFC000  }
0x12b: {  	[spmem:s2] =	stream.indirect.scatter.add.f32 [tilespmem:s15], [sflag:$0x2], $0x80, s1, s13, $0xb8;
	[tilespmem:$0x1E080] =	vst v63  }
0x12c: {  	_ =	swait.ge [sflag:s11], $0x4000  }
0x12d: {  	[sflag:s11] =	ssyncset.done $0x0  }
0x12e: {  	[sflag:s11] =	ssyncadd.s32 $0xFFFFC000  }
0x12f: {  	[tilespmem:s15], [sflag:$0x1] =	stream.indirect.gather [hbm4b:s0+s13], $0x80, s4, s13, $0xb8;
	[tilespmem:$0x1E080] =	vst v63  }
0x130: {  	_ =	swait.ge [sflag:s16], $0x4000  }
0x131: {  	[sflag:s16] =	ssyncset.done $0x0  }
0x132: {  	[sflag:s16] =	ssyncadd.s32 $0xFFFFC000  }
0x133: {  	[spmem:s2] =	stream.indirect.scatter.add.f32 [tilespmem:s14], [sflag:$0x2], $0x80, s6, s13, $0xb8;
	[tilespmem:$0x1E080] =	vst v63  }
0x134: {  	_ =	swait.ge [sflag:s11], $0x4000  }
0x135: {  	[sflag:s11] =	ssyncset.done $0x0  }
0x136: {  	[sflag:s11] =	ssyncadd.s32 $0xFFFFC000  }
0x137: {  	p1 =	sne.s32 s5, $0x400;
	_ =	swait.ge [sflag:s16], $0x4000  }
.Ltmp0:
0x138: {  	[sflag:s16] =	ssyncset.done $0x0;
	(pc) =	sbr.rel @p1 .LBB2_2-.Ltmp0, $4  }
0x139: {  	[sflag:s16] =	ssyncadd.s32 $0xFFFFC000  }
0x13a: {  	[spmem:s2] =	stream.indirect.scatter.add.f32 [tilespmem:s15], [sflag:$0x2], $0x80, s7, s13, $0xb8;
	[tilespmem:$0x1E080] =	vst v63  }
0x13b: {  	s8 =	smov.u32 s5;
	s5 =	sadd.s32 $0x100, s5;
	_ =	swait.ge [sflag:s11], $0x4000  }
0x13c: {  	s9 =	smov.u32 s8;
	s10 =	rddreg [dreg:$0x6];
	[sflag:s11] =	ssyncset.done $0x0  }
0x13d: {  	[sflag:s11] =	ssyncadd.s32 $0xFFFFC000;
	s5 =	sadd.s32 s9, s10  }
0x13e: {  	[tilespmem:s3], [sflag:$0x2] =	stream.linear.gather [hbm4b:s5+s3], $0x800, $0x38;
	[tilespmem:$0x1E080] =	vst v63  }
0x13f: {  	_ =	swait.ge [sflag:s11], $0x800  }
0x140: {  	s10 =	rddreg [dreg:$0x5];
	[sflag:s11] =	ssyncset.done $0x0  }
0x141: {  	[sflag:s11] =	ssyncadd.s32 $0xFFFFF800;
	s5 =	sadd.s32 s9, s10  }
0x142: {  	[tilespmem:s12], [sflag:$0x2] =	stream.linear.gather [hbm4b:s5+s3], $0x800, $0x38;
	[tilespmem:$0x1E080] =	vst v63  }
0x143: {  	_ =	swait.ge [sflag:s11], $0x800  }
0x144: {  	[sflag:s11] =	ssyncset.done $0x0  }
0x145: {  	[sflag:s11] =	ssyncadd.s32 $0xFFFFF800  }
0x146: {  	[tilespmem:s14], [sflag:$0x1] =	stream.indirect.gather [hbm4b:s0+s13], $0x80, s3, s13, $0xb8;
	[tilespmem:$0x1E080] =	vst v63  }
0x147: {  	_ = 	snop  }
0x148: {  	[tilespmem:s15], [sflag:$0x1] =	stream.indirect.gather [hbm4b:s0+s13], $0x80, s13, s13, $0xb8;
	[tilespmem:$0x1E080] =	vst v63  }
0x149: {  	_ =	swait.ge [sflag:s16], $0x4000  }
0x14a: {  	[sflag:s16] =	ssyncset.done $0x0  }
0x14b: {  	[sflag:s16] =	ssyncadd.s32 $0xFFFFC000  }
0x14c: {  	[spmem:s2] =	stream.indirect.scatter.add.f32 [tilespmem:s14], [sflag:$0x2], $0x80, s12, s13, $0xb8;
	[tilespmem:$0x1E080] =	vst v63  }
0x14d: {  	_ =	swait.ge [sflag:s11], $0x4000  }
0x14e: {  	[sflag:s11] =	ssyncset.done $0x0  }
0x14f: {  	s8 =	rddreg [dreg:$0x7];
	[sflag:s11] =	ssyncadd.s32 $0xFFFFC000  }
0x150: {  	[tilespmem:s14], [sflag:$0x1] =	stream.indirect.gather [hbm4b:s0+s13], $0x80, s8, s13, $0xb8;
	[tilespmem:$0x1E080] =	vst v63  }
0x151: {  	_ =	swait.ge [sflag:s16], $0x4000  }
0x152: {  	[sflag:s16] =	ssyncset.done $0x0  }
0x153: {  	s9 =	rddreg [dreg:$0x8];
	[sflag:s16] =	ssyncadd.s32 $0xFFFFC000  }
0x154: {  	[spmem:s2] =	stream.indirect.scatter.add.f32 [tilespmem:s15], [sflag:$0x2], $0x80, s9, s13, $0xb8;
	[tilespmem:$0x1E080] =	vst v63  }
0x155: {  	_ =	swait.ge [sflag:s11], $0x4000  }
0x156: {  	[sflag:s11] =	ssyncset.done $0x0  }
0x157: {  	s10 =	rddreg [dreg:$0x9];
	[sflag:s11] =	ssyncadd.s32 $0xFFFFC000  }
0x158: {  	[tilespmem:s15], [sflag:$0x1] =	stream.indirect.gather [hbm4b:s0+s13], $0x80, s10, s13, $0xb8;
	[tilespmem:$0x1E080] =	vst v63  }
0x159: {  	_ =	swait.ge [sflag:s16], $0x4000  }
0x15a: {  	[sflag:s16] =	ssyncset.done $0x0  }
0x15b: {  	s8 =	rddreg [dreg:$0xa];
	[sflag:s16] =	ssyncadd.s32 $0xFFFFC000  }
0x15c: {  	[spmem:s2] =	stream.indirect.scatter.add.f32 [tilespmem:s14], [sflag:$0x2], $0x80, s8, s13, $0xb8;
	[tilespmem:$0x1E080] =	vst v63  }
0x15d: {  	_ =	swait.ge [sflag:s11], $0x4000  }
0x15e: {  	[sflag:s11] =	ssyncset.done $0x0  }
0x15f: {  	s9 =	rddreg [dreg:$0xb];
	[sflag:s11] =	ssyncadd.s32 $0xFFFFC000  }
0x160: {  	[tilespmem:s14], [sflag:$0x1] =	stream.indirect.gather [hbm4b:s0+s13], $0x80, s9, s13, $0xb8;
	[tilespmem:$0x1E080] =	vst v63  }
0x161: {  	_ =	swait.ge [sflag:s16], $0x4000  }
0x162: {  	[sflag:s16] =	ssyncset.done $0x0  }
0x163: {  	s10 =	rddreg [dreg:$0xc];
	[sflag:s16] =	ssyncadd.s32 $0xFFFFC000  }
0x164: {  	[spmem:s2] =	stream.indirect.scatter.add.f32 [tilespmem:s15], [sflag:$0x2], $0x80, s10, s13, $0xb8;
	[tilespmem:$0x1E080] =	vst v63  }
0x165: {  	_ =	swait.ge [sflag:s11], $0x4000  }
0x166: {  	[sflag:s11] =	ssyncset.done $0x0  }
0x167: {  	s8 =	rddreg [dreg:$0xd];
	[sflag:s11] =	ssyncadd.s32 $0xFFFFC000  }
0x168: {  	[tilespmem:s15], [sflag:$0x1] =	stream.indirect.gather [hbm4b:s0+s13], $0x80, s8, s13, $0xb8;
	[tilespmem:$0x1E080] =	vst v63  }
0x169: {  	_ =	swait.ge [sflag:s16], $0x4000  }
0x16a: {  	[sflag:s16] =	ssyncset.done $0x0  }
0x16b: {  	s9 =	rddreg [dreg:$0xe];
	[sflag:s16] =	ssyncadd.s32 $0xFFFFC000  }
0x16c: {  	[spmem:s2] =	stream.indirect.scatter.add.f32 [tilespmem:s14], [sflag:$0x2], $0x80, s9, s13, $0xb8;
	[tilespmem:$0x1E080] =	vst v63  }
0x16d: {  	_ =	swait.ge [sflag:s11], $0x4000  }
0x16e: {  	[sflag:s11] =	ssyncset.done $0x0  }
0x16f: {  	s10 =	rddreg [dreg:$0xf];
	[sflag:s11] =	ssyncadd.s32 $0xFFFFC000  }
0x170: {  	[tilespmem:s14], [sflag:$0x1] =	stream.indirect.gather [hbm4b:s0+s13], $0x80, s10, s13, $0xb8;
	[tilespmem:$0x1E080] =	vst v63  }
0x171: {  	_ =	swait.ge [sflag:s16], $0x4000  }
0x172: {  	[sflag:s16] =	ssyncset.done $0x0  }
0x173: {  	s8 =	rddreg [dreg:$0x10];
	[sflag:s16] =	ssyncadd.s32 $0xFFFFC000  }
0x174: {  	[spmem:s2] =	stream.indirect.scatter.add.f32 [tilespmem:s15], [sflag:$0x2], $0x80, s8, s13, $0xb8;
	[tilespmem:$0x1E080] =	vst v63  }
0x175: {  	_ =	swait.ge [sflag:s11], $0x4000  }
0x176: {  	[sflag:s11] =	ssyncset.done $0x0  }
0x177: {  	s9 =	rddreg [dreg:$0x11];
	[sflag:s11] =	ssyncadd.s32 $0xFFFFC000  }
0x178: {  	[tilespmem:s15], [sflag:$0x1] =	stream.indirect.gather [hbm4b:s0+s13], $0x80, s9, s13, $0xb8;
	[tilespmem:$0x1E080] =	vst v63  }
0x179: {  	_ =	swait.ge [sflag:s16], $0x4000  }
0x17a: {  	[sflag:s16] =	ssyncset.done $0x0  }
0x17b: {  	[sflag:s16] =	ssyncadd.s32 $0xFFFFC000  }
0x17c: {  	[spmem:s2] =	stream.indirect.scatter.add.f32 [tilespmem:s14], [sflag:$0x2], $0x80, s17, s13, $0xb8;
	[tilespmem:$0x1E080] =	vst v63  }
0x17d: {  	_ =	swait.ge [sflag:s11], $0x4000  }
0x17e: {  	[sflag:s11] =	ssyncset.done $0x0  }
0x17f: {  	[sflag:s11] =	ssyncadd.s32 $0xFFFFC000  }
0x180: {  	[tilespmem:s14], [sflag:$0x1] =	stream.indirect.gather [hbm4b:s0+s13], $0x80, s18, s13, $0xb8;
	[tilespmem:$0x1E080] =	vst v63  }
0x181: {  	_ =	swait.ge [sflag:s16], $0x4000  }
0x182: {  	[sflag:s16] =	ssyncset.done $0x0  }
0x183: {  	[sflag:s16] =	ssyncadd.s32 $0xFFFFC000  }
0x184: {  	[spmem:s2] =	stream.indirect.scatter.add.f32 [tilespmem:s15], [sflag:$0x2], $0x80, s19, s13, $0xb8;
	[tilespmem:$0x1E080] =	vst v63  }
0x185: {  	_ =	swait.ge [sflag:s11], $0x4000  }
0x186: {  	[sflag:s11] =	ssyncset.done $0x0  }
0x187: {  	[sflag:s11] =	ssyncadd.s32 $0xFFFFC000  }
0x188: {  	[tilespmem:s15], [sflag:$0x1] =	stream.indirect.gather [hbm4b:s0+s13], $0x80, s20, s13, $0xb8;
	[tilespmem:$0x1E080] =	vst v63  }
0x189: {  	_ =	swait.ge [sflag:s16], $0x4000  }
0x18a: {  	[sflag:s16] =	ssyncset.done $0x0  }
0x18b: {  	[sflag:s16] =	ssyncadd.s32 $0xFFFFC000  }
0x18c: {  	[spmem:s2] =	stream.indirect.scatter.add.f32 [tilespmem:s14], [sflag:$0x2], $0x80, s21, s13, $0xb8;
	[tilespmem:$0x1E080] =	vst v63  }
0x18d: {  	_ =	swait.ge [sflag:s11], $0x4000  }
0x18e: {  	[sflag:s11] =	ssyncset.done $0x0  }
0x18f: {  	[sflag:s11] =	ssyncadd.s32 $0xFFFFC000  }
0x190: {  	[tilespmem:s14], [sflag:$0x1] =	stream.indirect.gather [hbm4b:s0+s13], $0x80, s22, s13, $0xb8;
	[tilespmem:$0x1E080] =	vst v63  }
0x191: {  	_ =	swait.ge [sflag:s16], $0x4000  }
0x192: {  	[sflag:s16] =	ssyncset.done $0x0  }
0x193: {  	[sflag:s16] =	ssyncadd.s32 $0xFFFFC000  }
0x194: {  	[spmem:s2] =	stream.indirect.scatter.add.f32 [tilespmem:s15], [sflag:$0x2], $0x80, s23, s13, $0xb8;
	[tilespmem:$0x1E080] =	vst v63  }
0x195: {  	_ =	swait.ge [sflag:s11], $0x4000  }
0x196: {  	[sflag:s11] =	ssyncset.done $0x0  }
0x197: {  	[sflag:s11] =	ssyncadd.s32 $0xFFFFC000  }
0x198: {  	[tilespmem:s15], [sflag:$0x1] =	stream.indirect.gather [hbm4b:s0+s13], $0x80, s24, s13, $0xb8;
	[tilespmem:$0x1E080] =	vst v63  }
0x199: {  	_ =	swait.ge [sflag:s16], $0x4000  }
0x19a: {  	[sflag:s16] =	ssyncset.done $0x0  }
0x19b: {  	[sflag:s16] =	ssyncadd.s32 $0xFFFFC000  }
0x19c: {  	[spmem:s2] =	stream.indirect.scatter.add.f32 [tilespmem:s14], [sflag:$0x2], $0x80, s25, s13, $0xb8;
	[tilespmem:$0x1E080] =	vst v63  }
0x19d: {  	_ =	swait.ge [sflag:s11], $0x4000  }
0x19e: {  	[sflag:s11] =	ssyncset.done $0x0  }
0x19f: {  	[sflag:s11] =	ssyncadd.s32 $0xFFFFC000  }
0x1a0: {  	[tilespmem:s14], [sflag:$0x1] =	stream.indirect.gather [hbm4b:s0+s13], $0x80, s26, s13, $0xb8;
	[tilespmem:$0x1E080] =	vst v63  }
0x1a1: {  	_ =	swait.ge [sflag:s16], $0x4000  }
0x1a2: {  	[sflag:s16] =	ssyncset.done $0x0  }
0x1a3: {  	[sflag:s16] =	ssyncadd.s32 $0xFFFFC000  }
0x1a4: {  	[spmem:s2] =	stream.indirect.scatter.add.f32 [tilespmem:s15], [sflag:$0x2], $0x80, s28, s13, $0xb8;
	[tilespmem:$0x1E080] =	vst v63  }
0x1a5: {  	_ =	swait.ge [sflag:s11], $0x4000  }
0x1a6: {  	[sflag:s11] =	ssyncset.done $0x0  }
0x1a7: {  	[sflag:s11] =	ssyncadd.s32 $0xFFFFC000  }
0x1a8: {  	[tilespmem:s15], [sflag:$0x1] =	stream.indirect.gather [hbm4b:s0+s13], $0x80, s29, s13, $0xb8;
	[tilespmem:$0x1E080] =	vst v63  }
0x1a9: {  	_ =	swait.ge [sflag:s16], $0x4000  }
0x1aa: {  	[sflag:s16] =	ssyncset.done $0x0  }
0x1ab: {  	[sflag:s16] =	ssyncadd.s32 $0xFFFFC000  }
0x1ac: {  	[spmem:s2] =	stream.indirect.scatter.add.f32 [tilespmem:s14], [sflag:$0x2], $0x80, s30, s13, $0xb8;
	[tilespmem:$0x1E080] =	vst v63  }
0x1ad: {  	_ =	swait.ge [sflag:s11], $0x4000  }
0x1ae: {  	[sflag:s11] =	ssyncset.done $0x0  }
0x1af: {  	[sflag:s11] =	ssyncadd.s32 $0xFFFFC000  }
0x1b0: {  	[tilespmem:s14], [sflag:$0x1] =	stream.indirect.gather [hbm4b:s0+s13], $0x80, s31, s13, $0xb8;
	[tilespmem:$0x1E080] =	vst v63  }
0x1b1: {  	_ =	swait.ge [sflag:s16], $0x4000  }
0x1b2: {  	[sflag:s16] =	ssyncset.done $0x0  }
0x1b3: {  	[sflag:s16] =	ssyncadd.s32 $0xFFFFC000  }
0x1b4: {  	[spmem:s2] =	stream.indirect.scatter.add.f32 [tilespmem:s15], [sflag:$0x2], $0x80, s1, s13, $0xb8;
	[tilespmem:$0x1E080] =	vst v63  }
0x1b5: {  	_ =	swait.ge [sflag:s11], $0x4000  }
0x1b6: {  	[sflag:s11] =	ssyncset.done $0x0  }
0x1b7: {  	[sflag:s11] =	ssyncadd.s32 $0xFFFFC000  }
0x1b8: {  	[tilespmem:s15], [sflag:$0x1] =	stream.indirect.gather [hbm4b:s0+s13], $0x80, s4, s13, $0xb8;
	[tilespmem:$0x1E080] =	vst v63  }
0x1b9: {  	_ =	swait.ge [sflag:s16], $0x4000  }
0x1ba: {  	[sflag:s16] =	ssyncset.done $0x0  }
0x1bb: {  	[sflag:s16] =	ssyncadd.s32 $0xFFFFC000  }
0x1bc: {  	[spmem:s2] =	stream.indirect.scatter.add.f32 [tilespmem:s14], [sflag:$0x2], $0x80, s6, s13, $0xb8;
	[tilespmem:$0x1E080] =	vst v63  }
0x1bd: {  	_ =	swait.ge [sflag:s11], $0x4000  }
0x1be: {  	[sflag:s11] =	ssyncset.done $0x0  }
0x1bf: {  	[sflag:s11] =	ssyncadd.s32 $0xFFFFC000  }
0x1c0: {  	_ =	swait.ge [sflag:s16], $0x4000  }
0x1c1: {  	[sflag:s16] =	ssyncset.done $0x0  }
0x1c2: {  	[sflag:s16] =	ssyncadd.s32 $0xFFFFC000  }
0x1c3: {  	[spmem:s2] =	stream.indirect.scatter.add.f32 [tilespmem:s15], [sflag:$0x2], $0x80, s7, s13, $0xb8;
	[tilespmem:$0x1E080] =	vst v63  }
0x1c4: {  	_ =	swait.ge [sflag:s11], $0x4000  }
0x1c5: {  	[sflag:s11] =	ssyncset.done $0x0  }
0x1c6: {  	[sflag:s11] =	ssyncadd.s32 $0xFFFFC000  }
0x1c7: {  	[bflag:$0x0] =	sbarrier.arrive $0xFFFF  }
0x1c8: {  	s5 =	simm.s32 @!p0 $0x0;
	s8 =	simm.s32 @!p0 $0x9000;
	s9 =	rddreg [dreg:$0x14]  }
0x1c9: {  	[tilespmem:s8], [sflag:$0x2] =	stream.linear.gather @!p0 [hbm4b:s9+s5], $0x80, $0x38;
	[tilespmem:$0x1E080] =	vst v63  }
0x1ca: {  	s5 =	simm.s32 @!p0 $0x2  }
0x1cb: {  	_ =	swait.ge @!p0 [sflag:s5], $0x80  }
0x1cc: {  	[sflag:s5] =	ssyncset.done @!p0 $0x0  }
0x1cd: {  	s9 =	simm.s32 @!p0 $0x9080;
	s10 =	rddreg [dreg:$0x15];
	[sflag:s5] =	ssyncadd.s32 @!p0 $0xFFFFFF80  }
0x1ce: {  	[tilespmem:s9], [sflag:$0x2] =	stream.linear.gather @!p0 [spmem:s10], $0x1000, $0x38;
	[tilespmem:$0x1E080] =	vst v63  }
0x1cf: {  	_ =	swait.ge @!p0 [sflag:s5], $0x1000  }
0x1d0: {  	[sflag:s5] =	ssyncset.done @!p0 $0x0  }
0x1d1: {  	s10 =	simm.s32 @!p0 $0x20;
	[sflag:s5] =	ssyncadd.s32 @!p0 $0xFFFFF000  }
0x1d2: {  	[spmem:s2] =	stream.indirect.scatter.add.f32 @!p0 [tilespmem:s9], [sflag:$0x2], $0x80, s8, s10, $0xb8;
	[tilespmem:$0x1E080] =	vst v63  }
0x1d3: {  	_ =	swait.ge @!p0 [sflag:s5], $0x1000  }
0x1d4: {  	[sflag:s5] =	ssyncset.done @!p0 $0x0  }
0x1d5: {  	[sflag:s5] =	ssyncadd.s32 @!p0 $0xFFFFF000  }
0x1d6: {  	[bflag:$0x0] =	sbarrier.arrive $0xFFFF  }
0x1d7: {  	s9 =	rddreg [dreg:$0x13]  }
0x1d8: {  	s10 =	rddreg [dreg:$0x16]  }
0x1d9: {  	s8 =	rddreg [dreg:$0x18]  }
0x1da: {  	[hbm:s10], [sflag:s9] =	dma.local [spmem:s8], $0x2800  }
0x1db: {  	_ =	swait.ge [sflag:s11], $0x2800  }
0x1dc: {  	s5 =	rddreg [dreg:$0x19]  }
0x1dd: {  	s10 =	sadd.s32 $0x1, s5;
	s5 =	rddreg [dreg:$0x17]  }
0x1de: {  	p1 =	sne.s32 s10, s5  }
.Ltmp1:
0x1df: {  	_ = 	snop;
	(pc) =	sbr.rel @p1 .LBB2_1-.Ltmp1, $3  }
0x1e0: {  	_ =	sdelay $0x1  }
0x1e1: {  	[sflag:s11] =	ssyncset.done $0x0  }
0x1e2: {  	[sflag:s11] =	ssyncadd.s32 $0xFFFFD800  }
0x1e3: {  	_ =	sfence.sel $0x180000  }
0x1e4: {  	[bflag:$0x0] =	sbarrier.arrive $0xFFFF  }
0x1e5: {  	_ =	strace $0x90000050  }
0x1e6: {  	[bflag:$0x2] =	sbarrier.arrive $0xFFFF  }
0x1e7: {  	s0 =	rddreg [dreg:$0x4]  }
0x1e8: {  	s0 =	sadd.s32 @!p0 $0x100000, s0  }
0x1e9: {  	[sflag:s0] =	ssyncadd.tile.s32 @!p0 $0x1;
	_ =	shalt  }
.Lfunc_end2:
_tile_overlayer_lowered:
.L_overlay_start_2:
0x1ea: {  	(tag) =	ssettag $0x2  }
0x1eb: {  	s0 =	rddreg [dreg:$0x0];
	s2 =	stileid.u32  }
0x1ec: {  	s1 =	rddreg [dreg:$0x1];
	p0 =	sne.s32 s2, $0x0  }
0x1ed: {  	s3 =	rddreg [dreg:$0x2];
	[bflag:$0x3] =	sbarrier.arrive $0xFFFF;
	s2 =	simm.s32 @!p0 $0x1C02  }
0x1ee: {  	[timem:s3], [sflag:s2] =	dma.local @!p0 [hbm:s0], s1  }
0x1ef: {  	s0 =	simm.s32 @!p0 $0x2  }
0x1f0: {  	_ =	swait.ge @!p0 [sflag:s0], s1  }
0x1f1: {  	s1 =	ssub.s32 @!p0 $0x0, s1;
	[sflag:s0] =	ssyncset.done @!p0 $0x0  }
0x1f2: {  	[sflag:s0] =	ssyncadd.s32 @!p0 s1  }
0x1f3: {  	[bflag:$0x3] =	sbarrier.arrive $0xFFFF  }
0x1f4: {  	_ =	shalt  }

// kernel: kernel.18.cloned.1.call-start
scs
__scs_entry_jumppad:
0x0: {  	(pc) =	sbr.rel $0x88, $3  }
0x1: {  	(tag) =	ssettag $0x0;
	lr =	simm.s32 $0x1  }
0x2: {  	[smem:$0x3F96] =	sst lr;
	_ =	strace $0xD0000000  }
0x3: {  	_ = 	snop  }
0x4: {  	_ = 	snop  }
0x5: {  	_ = 	snop  }
0x6: {  	_ = 	snop  }
0x7: {  	_ = 	snop  }
__scs_overlays_trampoline_lowered:
0x8: {  	[smem:$0x3FA5] =	sst s0  }
0x9: {  	[smem:$0x3FA6] =	sst s1  }
0xa: {  	[smem:$0x3FA7] =	sst s2  }
0xb: {  	[smem:$0x3FA8] =	sst s3  }
0xc: {  	[smem:$0x3FA9] =	sst s4  }
0xd: {  	[smem:$0x3FAA] =	sst s5  }
0xe: {  	[smem:$0x3FAB] =	sst s6  }
0xf: {  	[smem:$0x3FAC] =	sst s7  }
0x10: {  	[smem:$0x3FAD] =	sst s8  }
0x11: {  	[smem:$0x3FAE] =	sst s9;
	s0 =	simm.s32 @!p0 $0x0  }
0x12: {  	s1 =	sld [smem:$0x3F94];
	s0 =	simm.s32 @p0 $0x1  }
0x13: {  	[smem:$0x3FAF] =	sst s0;
	s0 =	simm.s32 @!p1 $0x0  }
0x14: {  	s2 =	sld [smem:$0x3F93];
	s0 =	simm.s32 @p1 $0x1  }
0x15: {  	[smem:$0x3FB0] =	sst s0;
	s0 =	simm.s32 @!p2 $0x0  }
0x16: {  	s3 =	sld [smem:$0x3FDB];
	s0 =	simm.s32 @p2 $0x1  }
0x17: {  	s4 =	simm.s32 $0x1BF5;
	[smem:$0x3FB2] =	sst s0  }
0x18: {  	s0 =	sld [smem:$0x3F95];
	_ =	swait.ge [sflag:s4], $0x0  }
0x19: {  	s7 =	sld [smem:$0x3F96]  }
0x1a: {  	s8 =	sadd.s32 $0xFFFFE003, lr  }
0x1b: {  	s9 =	sadd.s32 $0xFFFFFEF7, lr;
	s5 =	simm.s32 $0xFFFFFFFF;
	p2 =	slt.u32 s8, $0xFFFFF086  }
0x1c: {  	p1 =	slt.u32 s9, $0xF7A;
	s5 =	simm.s32 @!p2 $0x0  }
0x1d: {  	s5 =	simm.s32 @p1 $0x1;
	p0 =	seq.s32 s7, s2  }
0x1e: {  	s7 =	smul.u32 @!p0 $0xF7A, s2;
	p2 =	seq.s32 @!p0 s5, $0x0  }
0x1f: {  	s9 =	smul.u32 $0xF7A, s1;
	s8 =	simm.s32 @!p0 $0x1BF5;
	p2 =	por !p2, p0  }
0x20: {  	[sflag:s8] =	ssyncset.s32 @!p0 $0xFFFFF086;
	s6 =	sadd.s32 @!p0 s3, s7;
	s7 =	simm.s32 @!p0 $0x108  }
0x21: {  	s3 =	sadd.s32 s3, s9;
	s6 =	sadd.s32 @!p0 $0x88, s6;
	s7 =	simm.s32 @p2 $0x1082  }
0x22: {  	[simem:s7], [sflag:s8] =	dma.local @!p0 [hbm:s6], $0xF7A  }
0x23: {  	s9 =	sor.u32 $0xD0000000, s2;
	s6 =	simm.s32 $0x108;
	_ =	swait.ge @!p0 [sflag:s8], $0x0  }
0x24: {  	s3 =	sadd.s32 $0x88, s3;
	s6 =	simm.s32 @!p1 $0x1082;
	[sflag:s4] =	ssyncset.s32 $0xFFFFF086  }
0x25: {  	[simem:s6], [sflag:s4] =	dma.local [hbm:s3], $0xF7A  }
0x26: {  	[smem:$0x3F96] =	sst s1;
	(tag) =	ssettag s2;
	_ =	strace s9  }
0x27: {  	s1 =	sld [smem:$0x3FA6]  }
0x28: {  	s2 =	sld [smem:$0x3FA7]  }
0x29: {  	s4 =	sld [smem:$0x3FA9]  }
0x2a: {  	p0 =	seq.s32 s5, $0x0;
	s5 =	sld [smem:$0x3FAA]  }
0x2b: {  	s6 =	sld [smem:$0x3FAB]  }
0x2c: {  	s7 =	sld [smem:$0x3FAC]  }
0x2d: {  	s3 =	simm.s32 $0x108;
	s8 =	sld [smem:$0x3FAD]  }
0x2e: {  	s3 =	simm.s32 @!p0 $0x1082;
	s9 =	sld [smem:$0x3FAE]  }
0x2f: {  	lr =	sadd.s32 s0, s3;
	s0 =	sld [smem:$0x3FA5]  }
0x30: {  	s3 =	sld [smem:$0x3FA8]  }
0x31: {  	[smem:$0x3FB1] =	sst s10  }
0x32: {  	s10 =	sld [smem:$0x3FAF];
	_ =	sdelay $0x3  }
0x33: {  	p0 =	seq.s32 s10, $0x1;
	s10 =	sld [smem:$0x3FB1];
	_ =	sdelay $0x3  }
0x34: {  	[smem:$0x3FB1] =	sst s10  }
0x35: {  	s10 =	sld [smem:$0x3FB0];
	_ =	sdelay $0x3  }
0x36: {  	p1 =	seq.s32 s10, $0x1;
	s10 =	sld [smem:$0x3FB1];
	_ =	sdelay $0x3  }
0x37: {  	[smem:$0x3FB1] =	sst s10  }
0x38: {  	s10 =	sld [smem:$0x3FB2]  }
0x39: {  	_ = 	snop;
	(pc) =	sbr.ind lr, $3  }
0x3a: {  	_ = 	snop  }
0x3b: {  	_ = 	snop  }
0x3c: {  	p2 =	seq.s32 s10, $0x1;
	s10 =	sld [smem:$0x3FB1]  }
0x3d: {  	_ =	shalt  }
0x3e: {  	_ =	shalt  }
0x3f: {  	_ =	shalt  }
0x40: {  	_ =	shalt  }
0x41: {  	_ =	shalt  }
0x42: {  	_ =	shalt  }
0x43: {  	_ =	shalt  }
0x44: {  	_ =	shalt  }
0x45: {  	_ =	shalt  }
0x46: {  	_ =	shalt  }
0x47: {  	_ =	shalt  }
0x48: {  	_ =	shalt  }
0x49: {  	_ =	shalt  }
0x4a: {  	_ =	shalt  }
0x4b: {  	_ =	shalt  }
0x4c: {  	_ =	shalt  }
0x4d: {  	_ =	shalt  }
0x4e: {  	_ =	shalt  }
0x4f: {  	_ =	shalt  }
0x50: {  	_ =	shalt  }
0x51: {  	_ =	shalt  }
0x52: {  	_ =	shalt  }
0x53: {  	_ =	shalt  }
0x54: {  	_ =	shalt  }
0x55: {  	_ =	shalt  }
0x56: {  	_ =	shalt  }
0x57: {  	_ =	shalt  }
0x58: {  	_ =	shalt  }
0x59: {  	_ =	shalt  }
0x5a: {  	_ =	shalt  }
0x5b: {  	_ =	shalt  }
0x5c: {  	_ =	shalt  }
0x5d: {  	_ =	shalt  }
0x5e: {  	_ =	shalt  }
0x5f: {  	_ =	shalt  }
0x60: {  	_ =	shalt  }
0x61: {  	_ =	shalt  }
0x62: {  	_ =	shalt  }
0x63: {  	_ =	shalt  }
0x64: {  	_ =	shalt  }
0x65: {  	_ =	shalt  }
0x66: {  	_ =	shalt  }
0x67: {  	_ =	shalt  }
0x68: {  	_ =	shalt  }
0x69: {  	_ =	shalt  }
0x6a: {  	_ =	shalt  }
0x6b: {  	_ =	shalt  }
0x6c: {  	_ =	shalt  }
0x6d: {  	_ =	shalt  }
0x6e: {  	_ =	shalt  }
0x6f: {  	_ =	shalt  }
0x70: {  	_ =	shalt  }
0x71: {  	_ =	shalt  }
0x72: {  	_ =	shalt  }
0x73: {  	_ =	shalt  }
0x74: {  	_ =	shalt  }
0x75: {  	_ =	shalt  }
0x76: {  	_ =	shalt  }
0x77: {  	_ =	shalt  }
0x78: {  	_ =	shalt  }
0x79: {  	_ =	shalt  }
0x7a: {  	_ =	shalt  }
0x7b: {  	_ =	shalt  }
0x7c: {  	_ =	shalt  }
0x7d: {  	_ =	shalt  }
0x7e: {  	_ =	shalt  }
0x7f: {  	_ =	shalt  }
0x80: {  	_ =	shalt  }
0x81: {  	_ =	shalt  }
0x82: {  	_ =	shalt  }
0x83: {  	_ =	shalt  }
0x84: {  	_ =	shalt  }
0x85: {  	_ =	shalt  }
0x86: {  	_ =	shalt  }
0x87: {  	_ =	shalt  }
.Lfunc_end0:
.L_simem_size_0:
called_computation.4_lowered:
.L_overlay_start_0:
0x88: {  	s2 =	sld [smem:$0x3FD9]  }
0x89: {  	s3 =	sld [smem:$0x3FFE];
	_ =	sdelay $0x1  }
0x8a: {  	s1 =	srdreg.scid  }
0x8b: {  	s0 =	sand.u32 $0x1, s1  }
0x8c: {  	s14 =	sshll.u32 s0, $0xA;
	s2 =	sadd.s32 s3, s2  }
0x8d: {  	s2 =	sadd.s32 s2, s14  }
0x8e: {  	[smem:$0x3FBD] =	sst s2  }
0x8f: {  	_ = 	snop  }
0x90: {  	s2 =	sld [smem:$0x3FD0];
	_ =	sdelay $0x2  }
0x91: {  	s15 =	simm.s32 $0xA;
	s4 =	simm.s32 $0x10  }
0x92: {  	[smem:s4], [sflag:s15] =	dma.local [hbm:s2], $0x1  }
0x93: {  	_ =	swait.eq [sflag:s15], $0x1  }
0x94: {  	[sflag:s15] =	ssyncset.done $0x0  }
0x95: {  	s16 =	sld [smem:$0x11];
	[sflag:s15] =	ssyncadd.s32 $0xFFFFFFFF  }
0x96: {  	s17 =	sld [smem:$0x14];
	(tm) =	ssettm $0x1  }
0x97: {  	s18 =	sld [smem:$0x3FFB];
	_ =	sdelay $0x3  }
0x98: {  	_ =	strace s18  }
0x99: {  	s4 =	sld [smem:$0x3FFC];
	_ =	sdelay $0x3  }
0x9a: {  	_ =	strace s4  }
0x9b: {  	s4 =	sld [smem:$0x3FFD];
	_ =	sdelay $0x3  }
0x9c: {  	_ =	strace s4  }
0x9d: {  	_ =	strace $0x8FFFFFFF  }
0x9e: {  	s19 =	sld [smem:$0x3FDB];
	_ =	sdelay $0x1  }
0x9f: {  	s5 =	simm.s32 $_scs_section_size  }
0xa0: {  	s6 =	simm.s32 $_size__tile_overlayer_lowered;
	s7 =	simm.s32 $_tile_overlayer_lowered  }
0xa1: {  	s22 =	simm.s32 $0x1BFF;
	s21 =	sshll.u32 s7, $0x1;
	s4 =	sadd.s32 s5, s19  }
0xa2: {  	s8 =	simm.s32 $0x0;
	s20 =	sshll.u32 s6, $0x1;
	s6 =	sadd.s32 s21, s4  }
0xa3: {  	[timem:s8], [sflag:s22] =	dma.local [hbm:s6], s20  }
0xa4: {  	_ =	swait.ge [sflag:s22], s20  }
0xa5: {  	s5 =	ssub.s32 $0x0, s20;
	[sflag:s22] =	ssyncset.done $0x0  }
0xa6: {  	[sflag:s22] =	ssyncadd.s32 s5;
	_ =	sdelay $0x1  }
0xa7: {  	s23 =	simm.s32 $0x1B8B  }
0xa8: {  	_ =	swait.ge [sflag:s23], $0x1  }
0xa9: {  	[sflag:s23] =	ssyncset.done $0x0  }
0xaa: {  	s25 =	simm.s32 $0x1B8E;
	s24 =	sld [smem:$0x3FFE];
	[sflag:s23] =	ssyncadd.s32 $0xFFFFFFFF  }
0xab: {  	s26 =	simm.s32 $execute0_lowered;
	[smem:$0x3FD2] =	sst s25  }
0xac: {  	s6 =	sshll.u32 s26, $0x1;
	_ =	strace $0x80000052;
	[dreg:$0x1] =	wrdreg $0xFFFFFFFF  }
0xad: {  	s28 =	simm.s32 $_size_execute0_lowered;
	s4 =	sadd.s32 s4, s6;
	[dreg:$0x0] =	wrdreg $0x0  }
0xae: {  	s6 =	sshll.u32 s28, $0x1;
	[dreg:$0x2] =	wrdreg s4  }
0xaf: {  	[dreg:$0x3] =	wrdreg s6  }
0xb0: {  	[dreg:$0x4] =	wrdreg $0xC0  }
0xb1: {  	_ =	task [dreg:s8], $0x5FFFF  }
0xb2: {  	[dreg:$0x1] =	wrdreg $0xFFFFFFFF  }
0xb3: {  	[dreg:$0x0] =	wrdreg $0x60  }
0xb4: {  	[dreg:$0x2] =	wrdreg s16  }
0xb5: {  	[dreg:$0x3] =	wrdreg s17  }
0xb6: {  	[dreg:$0x4] =	wrdreg s24  }
0xb7: {  	[dreg:$0x5] =	wrdreg $0xA0800  }
0xb8: {  	[dreg:$0x6] =	wrdreg $0x9  }
0xb9: {  	_ =	task.clear_ibuf [dreg:s8], $0x7FFFF;
	_ =	strace $0x90000052  }
0xba: {  	s29 =	simm.s32 $0x9;
	_ =	strace $0x80000054  }
0xbb: {  	_ =	swait.ge [sflag:s29], $0x1  }
0xbc: {  	[sflag:s29] =	ssyncadd.s32 $0xFFFFFFFF  }
0xbd: {  	_ =	strace $0x90000054  }
0xbe: {  	_ =	sfence  }
0xbf: {  	s30 =	sld [smem:$0x0];
	_ =	sdelay $0x2  }
0xc0: {  	s31 =	sshll.u32 s1, $0xD;
	s1 =	sshrl.u32 s1, $0x2  }
0xc1: {  	s3 =	sand.u32 $0x4000, s31;
	s1 =	sadd.s32 s1, s30  }
0xc2: {  	s0 =	sor.u32 s3, s0;
	s1 =	sshll.u32 s1, $0x11  }
0xc3: {  	s0 =	sor.u32 s1, s0  }
0xc4: {  	s0 =	sadd.s32 $0x8F2B, s0  }
0xc5: {  	[sflag:s0] =	ssyncadd.remote.s32 $0x1  }
0xc6: {  	_ =	sfence.sel $0xFFFF  }
0xc7: {  	[dreg:$0x0] =	wrdreg $0xFFFFFFFF;
	(pc) =	sbr.abs _section_cstart, $3  }
0xc8: {  	[dreg:$0x1] =	wrdreg $0xFFFFFFFF  }
0xc9: {  	_ =	task.clear_ibuf [dreg:s8], $0x2FFFF;
	_ =	strace $0x9FFFFFFF  }
0xca: {  	(tm) =	ssettm $0x7FFFFFFF  }
0xcb: {  	_ =	shalt  }
tec
execute0_lowered:
.L_overlay_start_1:
0x0: {  	(tag) =	ssettag $0x1  }
0x1: {  	s0 =	rddreg [dreg:$0x0]  }
0x2: {  	s4 =	rddreg [dreg:$0x1]  }
0x3: {  	s5 =	rddreg [dreg:$0x2]  }
0x4: {  	s1 =	srdreg.scid;
	s2 =	rddreg [dreg:$0x3]  }
0x5: {  	s3 =	simm.s32 $0x0;
	s14 =	simm.s32 $0x100;
	s16 =	simm.s32 $0x880  }
0x6: {  	s17 =	simm.s32 $0x180;
	s19 =	simm.s32 $0x900;
	s20 =	simm.s32 $0x200  }
0x7: {  	s21 =	simm.s32 $0x980;
	[smem:$0x7FF] =	sst s3;
	s11 =	sadd.s32 $0x8400, s5  }
0x8: {  	s15 =	sadd.s32 $0x138800, s2;
	_ =	strace $0x80000053;
	[dreg:$0x12] =	wrdreg s11  }
0x9: {  	s22 =	simm.s32 $0x280;
	s23 =	simm.s32 $0xA00;
	[dreg:$0x15] =	wrdreg s15  }
0xa: {  	s6 =	sand.u32 $0x1, s1;
	s1 =	stileid.u32;
	[dreg:$0x7] =	wrdreg s14  }
0xb: {  	s28 =	simm.s32 $0xD80;
	s7 =	smul.u32 $0x28000, s6;
	[dreg:$0x8] =	wrdreg s16  }
0xc: {  	s29 =	simm.s32 $0x680;
	s8 =	smul.u32 $0x2800, s1;
	[dreg:$0x9] =	wrdreg s17  }
0xd: {  	s30 =	simm.s32 $0xE00;
	s24 =	smul.u32 $0x140000, s6;
	[dreg:$0xa] =	wrdreg s19  }
0xe: {  	s31 =	simm.s32 $0x700;
	s9 =	smul.u32 $0x14000, s1;
	[dreg:$0xb] =	wrdreg s20  }
0xf: {  	s25 =	sshll.u32 s6, $0x4;
	s6 =	ssub.s32 $0x2, s6;
	[dreg:$0xc] =	wrdreg s21  }
0x10: {  	s26 =	smul.u32 $0x50000, s1;
	[dreg:$0xd] =	wrdreg s22;
	s14 =	simm.s32 $0x1000  }
0x11: {  	[dreg:$0xe] =	wrdreg s23;
	s15 =	simm.s32 $0x5000;
	s16 =	simm.s32 $0x1  }
0x12: {  	s17 =	simm.s32 $0xB00;
	s19 =	simm.s32 $0xB80;
	s20 =	simm.s32 $0x480  }
0x13: {  	s21 =	simm.s32 $0xC00;
	s22 =	simm.s32 $0x500;
	s23 =	simm.s32 $0xC80  }
0x14: {  	p0 =	sne.s32 s1, $0x0;
	s11 =	sadd.s32 s25, s5;
	s12 =	sshrl.u32 s6, $0x1  }
0x15: {  	s25 =	simm.s32 $0xA80;
	s7 =	sadd.s32 s8, s7;
	s8 =	sadd.s32 s9, s24  }
0x16: {  	s6 =	ssub.s32 s6, s12;
	s9 =	sshrl.u32 s26, $0x2;
	s12 =	sshll.u32 s1, $0x6  }
0x17: {  	s13 =	sadd.s32 $0x10200, s11;
	s11 =	simm.s32 $0x2;
	s24 =	simm.s32 $0x300  }
0x18: {  	[dreg:$0x10] =	wrdreg s25;
	s26 =	simm.s32 $0x380;
	s25 =	simm.s32 $0xD00  }
0x19: {  	s1 =	simm.s32 $0xE80;
	s7 =	sshrl.u32 s7, $0x3;
	[dreg:$0x14] =	wrdreg s13  }
0x1a: {  	s8 =	sshrl.u32 s8, $0x3;
	s18 =	smax.u32 s6, $0x1;
	[dreg:$0xf] =	wrdreg s24  }
0x1b: {  	s13 =	simm.s32 $0x80;
	[dreg:$0x11] =	wrdreg s26;
	s24 =	simm.s32 $0x580  }
0x1c: {  	s26 =	simm.s32 $0x600;
	s6 =	simm.s32 $0xF00;
	s10 =	sadd.s32 s7, s5  }
0x1d: {  	s5 =	sadd.s32 s8, s5;
	s4 =	sadd.s32 s7, s4;
	[dreg:$0x17] =	wrdreg s18  }
0x1e: {  	s8 =	sadd.s32 s9, s2;
	s9 =	sor.u32 $0x1C02, s12;
	[dreg:$0x6] =	wrdreg s4  }
0x1f: {  	s12 =	simm.s32 $0x800;
	s10 =	sadd.s32 $0x10400, s10;
	[dreg:$0x13] =	wrdreg s9  }
0x20: {  	s18 =	simm.s32 $0x400;
	s5 =	sadd.s32 $0x1A400, s5;
	[dreg:$0x5] =	wrdreg s10  }
0x21: {  	s7 =	simm.s32 $0xF80;
	s8 =	sshrl.u32 s8, $0x3;
	[dreg:$0x16] =	wrdreg s5  }
0x22: {  	s4 =	simm.s32 $0x780;
	s10 =	simm.s32 $0x0;
	[dreg:$0x18] =	wrdreg s8  }
.LBB2_1:
0x23: {  	[dreg:$0x19] =	wrdreg s10  }
0x24: {  	s5 =	rddreg [dreg:$0x12]  }
0x25: {  	[spmem:s8], [sflag:s9] =	dma.local [hbm:s5], $0x2800  }
0x26: {  	_ =	swait.ge [sflag:s11], $0x2800  }
0x27: {  	[sflag:s11] =	ssyncset.done $0x0  }
0x28: {  	[sflag:s11] =	ssyncadd.s32 $0xFFFFD800  }
0x29: {  	[bflag:$0x0] =	sbarrier.arrive $0xFFFF  }
0x2a: {  	s10 =	rddreg [dreg:$0x6]  }
0x2b: {  	s5 =	sadd.s32 $0x0, s10  }
0x2c: {  	[tilespmem:s3], [sflag:$0x2] =	stream.linear.gather [hbm4b:s5+s3], $0x800, $0x38;
	[tilespmem:$0x1E080] =	vst v63  }
0x2d: {  	_ =	swait.ge [sflag:s11], $0x800  }
0x2e: {  	s8 =	rddreg [dreg:$0x5];
	[sflag:s11] =	ssyncset.done $0x0  }
0x2f: {  	[sflag:s11] =	ssyncadd.s32 $0xFFFFF800;
	s5 =	sadd.s32 $0x0, s8  }
0x30: {  	[tilespmem:s12], [sflag:$0x2] =	stream.linear.gather [hbm4b:s5+s3], $0x800, $0x38;
	[tilespmem:$0x1E080] =	vst v63  }
0x31: {  	_ =	swait.ge [sflag:s11], $0x800  }
0x32: {  	[sflag:s11] =	ssyncset.done $0x0  }
0x33: {  	[sflag:s11] =	ssyncadd.s32 $0xFFFFF800  }
0x34: {  	[tilespmem:s14], [sflag:$0x1] =	stream.indirect.gather [hbm4b:s0+s13], $0x80, s3, s13, $0xb8;
	[tilespmem:$0x1E080] =	vst v63  }
0x35: {  	_ = 	snop  }
0x36: {  	[tilespmem:s15], [sflag:$0x1] =	stream.indirect.gather [hbm4b:s0+s13], $0x80, s13, s13, $0xb8;
	[tilespmem:$0x1E080] =	vst v63  }
0x37: {  	_ =	swait.ge [sflag:s16], $0x4000  }
0x38: {  	[sflag:s16] =	ssyncset.done $0x0  }
0x39: {  	[sflag:s16] =	ssyncadd.s32 $0xFFFFC000  }
0x3a: {  	[spmem:s2] =	stream.indirect.scatter.add.f32 [tilespmem:s14], [sflag:$0x2], $0x80, s12, s13, $0xb8;
	[tilespmem:$0x1E080] =	vst v63  }
0x3b: {  	_ =	swait.ge [sflag:s11], $0x4000  }
0x3c: {  	[sflag:s11] =	ssyncset.done $0x0  }
0x3d: {  	s9 =	rddreg [dreg:$0x7];
	[sflag:s11] =	ssyncadd.s32 $0xFFFFC000  }
0x3e: {  	[tilespmem:s14], [sflag:$0x1] =	stream.indirect.gather [hbm4b:s0+s13], $0x80, s9, s13, $0xb8;
	[tilespmem:$0x1E080] =	vst v63  }
0x3f: {  	_ =	swait.ge [sflag:s16], $0x4000  }
0x40: {  	[sflag:s16] =	ssyncset.done $0x0  }
0x41: {  	s10 =	rddreg [dreg:$0x8];
	[sflag:s16] =	ssyncadd.s32 $0xFFFFC000  }
0x42: {  	[spmem:s2] =	stream.indirect.scatter.add.f32 [tilespmem:s15], [sflag:$0x2], $0x80, s10, s13, $0xb8;
	[tilespmem:$0x1E080] =	vst v63  }
0x43: {  	_ =	swait.ge [sflag:s11], $0x4000  }
0x44: {  	[sflag:s11] =	ssyncset.done $0x0  }
0x45: {  	s8 =	rddreg [dreg:$0x9];
	[sflag:s11] =	ssyncadd.s32 $0xFFFFC000  }
0x46: {  	[tilespmem:s15], [sflag:$0x1] =	stream.indirect.gather [hbm4b:s0+s13], $0x80, s8, s13, $0xb8;
	[tilespmem:$0x1E080] =	vst v63  }
0x47: {  	_ =	swait.ge [sflag:s16], $0x4000  }
0x48: {  	[sflag:s16] =	ssyncset.done $0x0  }
0x49: {  	s9 =	rddreg [dreg:$0xa];
	[sflag:s16] =	ssyncadd.s32 $0xFFFFC000  }
0x4a: {  	[spmem:s2] =	stream.indirect.scatter.add.f32 [tilespmem:s14], [sflag:$0x2], $0x80, s9, s13, $0xb8;
	[tilespmem:$0x1E080] =	vst v63  }
0x4b: {  	_ =	swait.ge [sflag:s11], $0x4000  }
0x4c: {  	[sflag:s11] =	ssyncset.done $0x0  }
0x4d: {  	s10 =	rddreg [dreg:$0xb];
	[sflag:s11] =	ssyncadd.s32 $0xFFFFC000  }
0x4e: {  	[tilespmem:s14], [sflag:$0x1] =	stream.indirect.gather [hbm4b:s0+s13], $0x80, s10, s13, $0xb8;
	[tilespmem:$0x1E080] =	vst v63  }
0x4f: {  	_ =	swait.ge [sflag:s16], $0x4000  }
0x50: {  	[sflag:s16] =	ssyncset.done $0x0  }
0x51: {  	s8 =	rddreg [dreg:$0xc];
	[sflag:s16] =	ssyncadd.s32 $0xFFFFC000  }
0x52: {  	[spmem:s2] =	stream.indirect.scatter.add.f32 [tilespmem:s15], [sflag:$0x2], $0x80, s8, s13, $0xb8;
	[tilespmem:$0x1E080] =	vst v63  }
0x53: {  	_ =	swait.ge [sflag:s11], $0x4000  }
0x54: {  	[sflag:s11] =	ssyncset.done $0x0  }
0x55: {  	s9 =	rddreg [dreg:$0xd];
	[sflag:s11] =	ssyncadd.s32 $0xFFFFC000  }
0x56: {  	[tilespmem:s15], [sflag:$0x1] =	stream.indirect.gather [hbm4b:s0+s13], $0x80, s9, s13, $0xb8;
	[tilespmem:$0x1E080] =	vst v63  }
0x57: {  	_ =	swait.ge [sflag:s16], $0x4000  }
0x58: {  	[sflag:s16] =	ssyncset.done $0x0  }
0x59: {  	s10 =	rddreg [dreg:$0xe];
	[sflag:s16] =	ssyncadd.s32 $0xFFFFC000  }
0x5a: {  	[spmem:s2] =	stream.indirect.scatter.add.f32 [tilespmem:s14], [sflag:$0x2], $0x80, s10, s13, $0xb8;
	[tilespmem:$0x1E080] =	vst v63  }
0x5b: {  	_ =	swait.ge [sflag:s11], $0x4000  }
0x5c: {  	[sflag:s11] =	ssyncset.done $0x0  }
0x5d: {  	s8 =	rddreg [dreg:$0xf];
	[sflag:s11] =	ssyncadd.s32 $0xFFFFC000  }
0x5e: {  	[tilespmem:s14], [sflag:$0x1] =	stream.indirect.gather [hbm4b:s0+s13], $0x80, s8, s13, $0xb8;
	[tilespmem:$0x1E080] =	vst v63  }
0x5f: {  	_ =	swait.ge [sflag:s16], $0x4000  }
0x60: {  	[sflag:s16] =	ssyncset.done $0x0  }
0x61: {  	s9 =	rddreg [dreg:$0x10];
	[sflag:s16] =	ssyncadd.s32 $0xFFFFC000  }
0x62: {  	[spmem:s2] =	stream.indirect.scatter.add.f32 [tilespmem:s15], [sflag:$0x2], $0x80, s9, s13, $0xb8;
	[tilespmem:$0x1E080] =	vst v63  }
0x63: {  	_ =	swait.ge [sflag:s11], $0x4000  }
0x64: {  	[sflag:s11] =	ssyncset.done $0x0  }
0x65: {  	s10 =	rddreg [dreg:$0x11];
	[sflag:s11] =	ssyncadd.s32 $0xFFFFC000  }
0x66: {  	[tilespmem:s15], [sflag:$0x1] =	stream.indirect.gather [hbm4b:s0+s13], $0x80, s10, s13, $0xb8;
	[tilespmem:$0x1E080] =	vst v63  }
0x67: {  	_ =	swait.ge [sflag:s16], $0x4000  }
0x68: {  	[sflag:s16] =	ssyncset.done $0x0  }
0x69: {  	[sflag:s16] =	ssyncadd.s32 $0xFFFFC000  }
0x6a: {  	[spmem:s2] =	stream.indirect.scatter.add.f32 [tilespmem:s14], [sflag:$0x2], $0x80, s17, s13, $0xb8;
	[tilespmem:$0x1E080] =	vst v63  }
0x6b: {  	_ =	swait.ge [sflag:s11], $0x4000  }
0x6c: {  	[sflag:s11] =	ssyncset.done $0x0  }
0x6d: {  	[sflag:s11] =	ssyncadd.s32 $0xFFFFC000  }
0x6e: {  	[tilespmem:s14], [sflag:$0x1] =	stream.indirect.gather [hbm4b:s0+s13], $0x80, s18, s13, $0xb8;
	[tilespmem:$0x1E080] =	vst v63  }
0x6f: {  	_ =	swait.ge [sflag:s16], $0x4000  }
0x70: {  	[sflag:s16] =	ssyncset.done $0x0  }
0x71: {  	[sflag:s16] =	ssyncadd.s32 $0xFFFFC000  }
0x72: {  	[spmem:s2] =	stream.indirect.scatter.add.f32 [tilespmem:s15], [sflag:$0x2], $0x80, s19, s13, $0xb8;
	[tilespmem:$0x1E080] =	vst v63  }
0x73: {  	_ =	swait.ge [sflag:s11], $0x4000  }
0x74: {  	[sflag:s11] =	ssyncset.done $0x0  }
0x75: {  	[sflag:s11] =	ssyncadd.s32 $0xFFFFC000  }
0x76: {  	[tilespmem:s15], [sflag:$0x1] =	stream.indirect.gather [hbm4b:s0+s13], $0x80, s20, s13, $0xb8;
	[tilespmem:$0x1E080] =	vst v63  }
0x77: {  	_ =	swait.ge [sflag:s16], $0x4000  }
0x78: {  	[sflag:s16] =	ssyncset.done $0x0  }
0x79: {  	[sflag:s16] =	ssyncadd.s32 $0xFFFFC000  }
0x7a: {  	[spmem:s2] =	stream.indirect.scatter.add.f32 [tilespmem:s14], [sflag:$0x2], $0x80, s21, s13, $0xb8;
	[tilespmem:$0x1E080] =	vst v63  }
0x7b: {  	_ =	swait.ge [sflag:s11], $0x4000  }
0x7c: {  	[sflag:s11] =	ssyncset.done $0x0  }
0x7d: {  	[sflag:s11] =	ssyncadd.s32 $0xFFFFC000  }
0x7e: {  	[tilespmem:s14], [sflag:$0x1] =	stream.indirect.gather [hbm4b:s0+s13], $0x80, s22, s13, $0xb8;
	[tilespmem:$0x1E080] =	vst v63  }
0x7f: {  	_ =	swait.ge [sflag:s16], $0x4000  }
0x80: {  	[sflag:s16] =	ssyncset.done $0x0  }
0x81: {  	[sflag:s16] =	ssyncadd.s32 $0xFFFFC000  }
0x82: {  	[spmem:s2] =	stream.indirect.scatter.add.f32 [tilespmem:s15], [sflag:$0x2], $0x80, s23, s13, $0xb8;
	[tilespmem:$0x1E080] =	vst v63  }
0x83: {  	_ =	swait.ge [sflag:s11], $0x4000  }
0x84: {  	[sflag:s11] =	ssyncset.done $0x0  }
0x85: {  	[sflag:s11] =	ssyncadd.s32 $0xFFFFC000  }
0x86: {  	[tilespmem:s15], [sflag:$0x1] =	stream.indirect.gather [hbm4b:s0+s13], $0x80, s24, s13, $0xb8;
	[tilespmem:$0x1E080] =	vst v63  }
0x87: {  	_ =	swait.ge [sflag:s16], $0x4000  }
0x88: {  	[sflag:s16] =	ssyncset.done $0x0  }
0x89: {  	[sflag:s16] =	ssyncadd.s32 $0xFFFFC000  }
0x8a: {  	[spmem:s2] =	stream.indirect.scatter.add.f32 [tilespmem:s14], [sflag:$0x2], $0x80, s25, s13, $0xb8;
	[tilespmem:$0x1E080] =	vst v63  }
0x8b: {  	_ =	swait.ge [sflag:s11], $0x4000  }
0x8c: {  	[sflag:s11] =	ssyncset.done $0x0  }
0x8d: {  	[sflag:s11] =	ssyncadd.s32 $0xFFFFC000  }
0x8e: {  	[tilespmem:s14], [sflag:$0x1] =	stream.indirect.gather [hbm4b:s0+s13], $0x80, s26, s13, $0xb8;
	[tilespmem:$0x1E080] =	vst v63  }
0x8f: {  	_ =	swait.ge [sflag:s16], $0x4000  }
0x90: {  	[sflag:s16] =	ssyncset.done $0x0  }
0x91: {  	[sflag:s16] =	ssyncadd.s32 $0xFFFFC000  }
0x92: {  	[spmem:s2] =	stream.indirect.scatter.add.f32 [tilespmem:s15], [sflag:$0x2], $0x80, s28, s13, $0xb8;
	[tilespmem:$0x1E080] =	vst v63  }
0x93: {  	_ =	swait.ge [sflag:s11], $0x4000  }
0x94: {  	[sflag:s11] =	ssyncset.done $0x0  }
0x95: {  	[sflag:s11] =	ssyncadd.s32 $0xFFFFC000  }
0x96: {  	[tilespmem:s15], [sflag:$0x1] =	stream.indirect.gather [hbm4b:s0+s13], $0x80, s29, s13, $0xb8;
	[tilespmem:$0x1E080] =	vst v63  }
0x97: {  	_ =	swait.ge [sflag:s16], $0x4000  }
0x98: {  	[sflag:s16] =	ssyncset.done $0x0  }
0x99: {  	[sflag:s16] =	ssyncadd.s32 $0xFFFFC000  }
0x9a: {  	[spmem:s2] =	stream.indirect.scatter.add.f32 [tilespmem:s14], [sflag:$0x2], $0x80, s30, s13, $0xb8;
	[tilespmem:$0x1E080] =	vst v63  }
0x9b: {  	_ =	swait.ge [sflag:s11], $0x4000  }
0x9c: {  	[sflag:s11] =	ssyncset.done $0x0  }
0x9d: {  	[sflag:s11] =	ssyncadd.s32 $0xFFFFC000  }
0x9e: {  	[tilespmem:s14], [sflag:$0x1] =	stream.indirect.gather [hbm4b:s0+s13], $0x80, s31, s13, $0xb8;
	[tilespmem:$0x1E080] =	vst v63  }
0x9f: {  	_ =	swait.ge [sflag:s16], $0x4000  }
0xa0: {  	[sflag:s16] =	ssyncset.done $0x0  }
0xa1: {  	[sflag:s16] =	ssyncadd.s32 $0xFFFFC000  }
0xa2: {  	[spmem:s2] =	stream.indirect.scatter.add.f32 [tilespmem:s15], [sflag:$0x2], $0x80, s1, s13, $0xb8;
	[tilespmem:$0x1E080] =	vst v63  }
0xa3: {  	_ =	swait.ge [sflag:s11], $0x4000  }
0xa4: {  	[sflag:s11] =	ssyncset.done $0x0  }
0xa5: {  	[sflag:s11] =	ssyncadd.s32 $0xFFFFC000  }
0xa6: {  	[tilespmem:s15], [sflag:$0x1] =	stream.indirect.gather [hbm4b:s0+s13], $0x80, s4, s13, $0xb8;
	[tilespmem:$0x1E080] =	vst v63  }
0xa7: {  	_ =	swait.ge [sflag:s16], $0x4000  }
0xa8: {  	[sflag:s16] =	ssyncset.done $0x0  }
0xa9: {  	[sflag:s16] =	ssyncadd.s32 $0xFFFFC000  }
0xaa: {  	[spmem:s2] =	stream.indirect.scatter.add.f32 [tilespmem:s14], [sflag:$0x2], $0x80, s6, s13, $0xb8;
	[tilespmem:$0x1E080] =	vst v63  }
0xab: {  	_ =	swait.ge [sflag:s11], $0x4000  }
0xac: {  	[sflag:s11] =	ssyncset.done $0x0  }
0xad: {  	[sflag:s11] =	ssyncadd.s32 $0xFFFFC000  }
0xae: {  	_ =	swait.ge [sflag:s16], $0x4000  }
0xaf: {  	[sflag:s16] =	ssyncset.done $0x0  }
0xb0: {  	[sflag:s16] =	ssyncadd.s32 $0xFFFFC000  }
0xb1: {  	[spmem:s2] =	stream.indirect.scatter.add.f32 [tilespmem:s15], [sflag:$0x2], $0x80, s7, s13, $0xb8;
	[tilespmem:$0x1E080] =	vst v63  }
0xb2: {  	s5 =	simm.s32 $0x200;
	_ =	swait.ge [sflag:s11], $0x4000  }
0xb3: {  	s9 =	simm.s32 $0x100;
	s10 =	rddreg [dreg:$0x6];
	[sflag:s11] =	ssyncset.done $0x0  }
.LBB2_2:
0xb4: {  	[sflag:s11] =	ssyncadd.s32 $0xFFFFC000;
	s10 =	sadd.s32 s9, s10  }
0xb5: {  	[tilespmem:s3], [sflag:$0x2] =	stream.linear.gather [hbm4b:s10+s3], $0x800, $0x38;
	[tilespmem:$0x1E080] =	vst v63  }
0xb6: {  	_ =	swait.ge [sflag:s11], $0x800  }
0xb7: {  	s10 =	rddreg [dreg:$0x5];
	[sflag:s11] =	ssyncset.done $0x0  }
0xb8: {  	[sflag:s11] =	ssyncadd.s32 $0xFFFFF800;
	s10 =	sadd.s32 s9, s10  }
0xb9: {  	[tilespmem:s12], [sflag:$0x2] =	stream.linear.gather [hbm4b:s10+s3], $0x800, $0x38;
	[tilespmem:$0x1E080] =	vst v63  }
0xba: {  	_ =	swait.ge [sflag:s11], $0x800  }
0xbb: {  	[sflag:s11] =	ssyncset.done $0x0  }
0xbc: {  	[sflag:s11] =	ssyncadd.s32 $0xFFFFF800  }
0xbd: {  	[tilespmem:s14], [sflag:$0x1] =	stream.indirect.gather [hbm4b:s0+s13], $0x80, s3, s13, $0xb8;
	[tilespmem:$0x1E080] =	vst v63  }
0xbe: {  	_ = 	snop  }
0xbf: {  	[tilespmem:s15], [sflag:$0x1] =	stream.indirect.gather [hbm4b:s0+s13], $0x80, s13, s13, $0xb8;
	[tilespmem:$0x1E080] =	vst v63  }
0xc0: {  	_ =	swait.ge [sflag:s16], $0x4000  }
0xc1: {  	[sflag:s16] =	ssyncset.done $0x0  }
0xc2: {  	[sflag:s16] =	ssyncadd.s32 $0xFFFFC000  }
0xc3: {  	[spmem:s2] =	stream.indirect.scatter.add.f32 [tilespmem:s14], [sflag:$0x2], $0x80, s12, s13, $0xb8;
	[tilespmem:$0x1E080] =	vst v63  }
0xc4: {  	_ =	swait.ge [sflag:s11], $0x4000  }
0xc5: {  	[sflag:s11] =	ssyncset.done $0x0  }
0xc6: {  	s10 =	rddreg [dreg:$0x7];
	[sflag:s11] =	ssyncadd.s32 $0xFFFFC000  }
0xc7: {  	[tilespmem:s14], [sflag:$0x1] =	stream.indirect.gather [hbm4b:s0+s13], $0x80, s10, s13, $0xb8;
	[tilespmem:$0x1E080] =	vst v63  }
0xc8: {  	_ =	swait.ge [sflag:s16], $0x4000  }
0xc9: {  	[sflag:s16] =	ssyncset.done $0x0  }
0xca: {  	s10 =	rddreg [dreg:$0x8];
	[sflag:s16] =	ssyncadd.s32 $0xFFFFC000  }
0xcb: {  	[spmem:s2] =	stream.indirect.scatter.add.f32 [tilespmem:s15], [sflag:$0x2], $0x80, s10, s13, $0xb8;
	[tilespmem:$0x1E080] =	vst v63  }
0xcc: {  	_ =	swait.ge [sflag:s11], $0x4000  }
0xcd: {  	[sflag:s11] =	ssyncset.done $0x0  }
0xce: {  	s10 =	rddreg [dreg:$0x9];
	[sflag:s11] =	ssyncadd.s32 $0xFFFFC000  }
0xcf: {  	[tilespmem:s15], [sflag:$0x1] =	stream.indirect.gather [hbm4b:s0+s13], $0x80, s10, s13, $0xb8;
	[tilespmem:$0x1E080] =	vst v63  }
0xd0: {  	_ =	swait.ge [sflag:s16], $0x4000  }
0xd1: {  	[sflag:s16] =	ssyncset.done $0x0  }
0xd2: {  	s10 =	rddreg [dreg:$0xa];
	[sflag:s16] =	ssyncadd.s32 $0xFFFFC000  }
0xd3: {  	[spmem:s2] =	stream.indirect.scatter.add.f32 [tilespmem:s14], [sflag:$0x2], $0x80, s10, s13, $0xb8;
	[tilespmem:$0x1E080] =	vst v63  }
0xd4: {  	_ =	swait.ge [sflag:s11], $0x4000  }
0xd5: {  	[sflag:s11] =	ssyncset.done $0x0  }
0xd6: {  	s10 =	rddreg [dreg:$0xb];
	[sflag:s11] =	ssyncadd.s32 $0xFFFFC000  }
0xd7: {  	[tilespmem:s14], [sflag:$0x1] =	stream.indirect.gather [hbm4b:s0+s13], $0x80, s10, s13, $0xb8;
	[tilespmem:$0x1E080] =	vst v63  }
0xd8: {  	_ =	swait.ge [sflag:s16], $0x4000  }
0xd9: {  	[sflag:s16] =	ssyncset.done $0x0  }
0xda: {  	s10 =	rddreg [dreg:$0xc];
	[sflag:s16] =	ssyncadd.s32 $0xFFFFC000  }
0xdb: {  	[spmem:s2] =	stream.indirect.scatter.add.f32 [tilespmem:s15], [sflag:$0x2], $0x80, s10, s13, $0xb8;
	[tilespmem:$0x1E080] =	vst v63  }
0xdc: {  	_ =	swait.ge [sflag:s11], $0x4000  }
0xdd: {  	[sflag:s11] =	ssyncset.done $0x0  }
0xde: {  	s10 =	rddreg [dreg:$0xd];
	[sflag:s11] =	ssyncadd.s32 $0xFFFFC000  }
0xdf: {  	[tilespmem:s15], [sflag:$0x1] =	stream.indirect.gather [hbm4b:s0+s13], $0x80, s10, s13, $0xb8;
	[tilespmem:$0x1E080] =	vst v63  }
0xe0: {  	_ =	swait.ge [sflag:s16], $0x4000  }
0xe1: {  	[sflag:s16] =	ssyncset.done $0x0  }
0xe2: {  	s10 =	rddreg [dreg:$0xe];
	[sflag:s16] =	ssyncadd.s32 $0xFFFFC000  }
0xe3: {  	[spmem:s2] =	stream.indirect.scatter.add.f32 [tilespmem:s14], [sflag:$0x2], $0x80, s10, s13, $0xb8;
	[tilespmem:$0x1E080] =	vst v63  }
0xe4: {  	_ =	swait.ge [sflag:s11], $0x4000  }
0xe5: {  	[sflag:s11] =	ssyncset.done $0x0  }
0xe6: {  	s10 =	rddreg [dreg:$0xf];
	[sflag:s11] =	ssyncadd.s32 $0xFFFFC000  }
0xe7: {  	[tilespmem:s14], [sflag:$0x1] =	stream.indirect.gather [hbm4b:s0+s13], $0x80, s10, s13, $0xb8;
	[tilespmem:$0x1E080] =	vst v63  }
0xe8: {  	_ =	swait.ge [sflag:s16], $0x4000  }
0xe9: {  	[sflag:s16] =	ssyncset.done $0x0  }
0xea: {  	s10 =	rddreg [dreg:$0x10];
	[sflag:s16] =	ssyncadd.s32 $0xFFFFC000  }
0xeb: {  	[spmem:s2] =	stream.indirect.scatter.add.f32 [tilespmem:s15], [sflag:$0x2], $0x80, s10, s13, $0xb8;
	[tilespmem:$0x1E080] =	vst v63  }
0xec: {  	_ =	swait.ge [sflag:s11], $0x4000  }
0xed: {  	[sflag:s11] =	ssyncset.done $0x0  }
0xee: {  	s10 =	rddreg [dreg:$0x11];
	[sflag:s11] =	ssyncadd.s32 $0xFFFFC000  }
0xef: {  	[tilespmem:s15], [sflag:$0x1] =	stream.indirect.gather [hbm4b:s0+s13], $0x80, s10, s13, $0xb8;
	[tilespmem:$0x1E080] =	vst v63  }
0xf0: {  	_ =	swait.ge [sflag:s16], $0x4000  }
0xf1: {  	[sflag:s16] =	ssyncset.done $0x0  }
0xf2: {  	[sflag:s16] =	ssyncadd.s32 $0xFFFFC000  }
0xf3: {  	[spmem:s2] =	stream.indirect.scatter.add.f32 [tilespmem:s14], [sflag:$0x2], $0x80, s17, s13, $0xb8;
	[tilespmem:$0x1E080] =	vst v63  }
0xf4: {  	_ =	swait.ge [sflag:s11], $0x4000  }
0xf5: {  	[sflag:s11] =	ssyncset.done $0x0  }
0xf6: {  	[sflag:s11] =	ssyncadd.s32 $0xFFFFC000  }
0xf7: {  	[tilespmem:s14], [sflag:$0x1] =	stream.indirect.gather [hbm4b:s0+s13], $0x80, s18, s13, $0xb8;
	[tilespmem:$0x1E080] =	vst v63  }
0xf8: {  	_ =	swait.ge [sflag:s16], $0x4000  }
0xf9: {  	[sflag:s16] =	ssyncset.done $0x0  }
0xfa: {  	[sflag:s16] =	ssyncadd.s32 $0xFFFFC000  }
0xfb: {  	[spmem:s2] =	stream.indirect.scatter.add.f32 [tilespmem:s15], [sflag:$0x2], $0x80, s19, s13, $0xb8;
	[tilespmem:$0x1E080] =	vst v63  }
0xfc: {  	_ =	swait.ge [sflag:s11], $0x4000  }
0xfd: {  	[sflag:s11] =	ssyncset.done $0x0  }
0xfe: {  	[sflag:s11] =	ssyncadd.s32 $0xFFFFC000  }
0xff: {  	[tilespmem:s15], [sflag:$0x1] =	stream.indirect.gather [hbm4b:s0+s13], $0x80, s20, s13, $0xb8;
	[tilespmem:$0x1E080] =	vst v63  }
0x100: {  	_ =	swait.ge [sflag:s16], $0x4000  }
0x101: {  	[sflag:s16] =	ssyncset.done $0x0  }
0x102: {  	[sflag:s16] =	ssyncadd.s32 $0xFFFFC000  }
0x103: {  	[spmem:s2] =	stream.indirect.scatter.add.f32 [tilespmem:s14], [sflag:$0x2], $0x80, s21, s13, $0xb8;
	[tilespmem:$0x1E080] =	vst v63  }
0x104: {  	_ =	swait.ge [sflag:s11], $0x4000  }
0x105: {  	[sflag:s11] =	ssyncset.done $0x0  }
0x106: {  	[sflag:s11] =	ssyncadd.s32 $0xFFFFC000  }
0x107: {  	[tilespmem:s14], [sflag:$0x1] =	stream.indirect.gather [hbm4b:s0+s13], $0x80, s22, s13, $0xb8;
	[tilespmem:$0x1E080] =	vst v63  }
0x108: {  	_ =	swait.ge [sflag:s16], $0x4000  }
0x109: {  	[sflag:s16] =	ssyncset.done $0x0  }
0x10a: {  	[sflag:s16] =	ssyncadd.s32 $0xFFFFC000  }
0x10b: {  	[spmem:s2] =	stream.indirect.scatter.add.f32 [tilespmem:s15], [sflag:$0x2], $0x80, s23, s13, $0xb8;
	[tilespmem:$0x1E080] =	vst v63  }
0x10c: {  	_ =	swait.ge [sflag:s11], $0x4000  }
0x10d: {  	[sflag:s11] =	ssyncset.done $0x0  }
0x10e: {  	[sflag:s11] =	ssyncadd.s32 $0xFFFFC000  }
0x10f: {  	[tilespmem:s15], [sflag:$0x1] =	stream.indirect.gather [hbm4b:s0+s13], $0x80, s24, s13, $0xb8;
	[tilespmem:$0x1E080] =	vst v63  }
0x110: {  	_ =	swait.ge [sflag:s16], $0x4000  }
0x111: {  	[sflag:s16] =	ssyncset.done $0x0  }
0x112: {  	[sflag:s16] =	ssyncadd.s32 $0xFFFFC000  }
0x113: {  	[spmem:s2] =	stream.indirect.scatter.add.f32 [tilespmem:s14], [sflag:$0x2], $0x80, s25, s13, $0xb8;
	[tilespmem:$0x1E080] =	vst v63  }
0x114: {  	_ =	swait.ge [sflag:s11], $0x4000  }
0x115: {  	[sflag:s11] =	ssyncset.done $0x0  }
0x116: {  	[sflag:s11] =	ssyncadd.s32 $0xFFFFC000  }
0x117: {  	[tilespmem:s14], [sflag:$0x1] =	stream.indirect.gather [hbm4b:s0+s13], $0x80, s26, s13, $0xb8;
	[tilespmem:$0x1E080] =	vst v63  }
0x118: {  	_ =	swait.ge [sflag:s16], $0x4000  }
0x119: {  	[sflag:s16] =	ssyncset.done $0x0  }
0x11a: {  	[sflag:s16] =	ssyncadd.s32 $0xFFFFC000  }
0x11b: {  	[spmem:s2] =	stream.indirect.scatter.add.f32 [tilespmem:s15], [sflag:$0x2], $0x80, s28, s13, $0xb8;
	[tilespmem:$0x1E080] =	vst v63  }
0x11c: {  	_ =	swait.ge [sflag:s11], $0x4000  }
0x11d: {  	[sflag:s11] =	ssyncset.done $0x0  }
0x11e: {  	[sflag:s11] =	ssyncadd.s32 $0xFFFFC000  }
0x11f: {  	[tilespmem:s15], [sflag:$0x1] =	stream.indirect.gather [hbm4b:s0+s13], $0x80, s29, s13, $0xb8;
	[tilespmem:$0x1E080] =	vst v63  }
0x120: {  	_ =	swait.ge [sflag:s16], $0x4000  }
0x121: {  	[sflag:s16] =	ssyncset.done $0x0  }
0x122: {  	[sflag:s16] =	ssyncadd.s32 $0xFFFFC000  }
0x123: {  	[spmem:s2] =	stream.indirect.scatter.add.f32 [tilespmem:s14], [sflag:$0x2], $0x80, s30, s13, $0xb8;
	[tilespmem:$0x1E080] =	vst v63  }
0x124: {  	_ =	swait.ge [sflag:s11], $0x4000  }
0x125: {  	[sflag:s11] =	ssyncset.done $0x0  }
0x126: {  	[sflag:s11] =	ssyncadd.s32 $0xFFFFC000  }
0x127: {  	[tilespmem:s14], [sflag:$0x1] =	stream.indirect.gather [hbm4b:s0+s13], $0x80, s31, s13, $0xb8;
	[tilespmem:$0x1E080] =	vst v63  }
0x128: {  	_ =	swait.ge [sflag:s16], $0x4000  }
0x129: {  	[sflag:s16] =	ssyncset.done $0x0  }
0x12a: {  	[sflag:s16] =	ssyncadd.s32 $0xFFFFC000  }
0x12b: {  	[spmem:s2] =	stream.indirect.scatter.add.f32 [tilespmem:s15], [sflag:$0x2], $0x80, s1, s13, $0xb8;
	[tilespmem:$0x1E080] =	vst v63  }
0x12c: {  	_ =	swait.ge [sflag:s11], $0x4000  }
0x12d: {  	[sflag:s11] =	ssyncset.done $0x0  }
0x12e: {  	[sflag:s11] =	ssyncadd.s32 $0xFFFFC000  }
0x12f: {  	[tilespmem:s15], [sflag:$0x1] =	stream.indirect.gather [hbm4b:s0+s13], $0x80, s4, s13, $0xb8;
	[tilespmem:$0x1E080] =	vst v63  }
0x130: {  	_ =	swait.ge [sflag:s16], $0x4000  }
0x131: {  	[sflag:s16] =	ssyncset.done $0x0  }
0x132: {  	[sflag:s16] =	ssyncadd.s32 $0xFFFFC000  }
0x133: {  	[spmem:s2] =	stream.indirect.scatter.add.f32 [tilespmem:s14], [sflag:$0x2], $0x80, s6, s13, $0xb8;
	[tilespmem:$0x1E080] =	vst v63  }
0x134: {  	_ =	swait.ge [sflag:s11], $0x4000  }
0x135: {  	[sflag:s11] =	ssyncset.done $0x0  }
0x136: {  	[sflag:s11] =	ssyncadd.s32 $0xFFFFC000  }
0x137: {  	p1 =	sne.s32 s5, $0x400;
	_ =	swait.ge [sflag:s16], $0x4000  }
.Ltmp0:
0x138: {  	[sflag:s16] =	ssyncset.done $0x0;
	(pc) =	sbr.rel @p1 .LBB2_2-.Ltmp0, $4  }
0x139: {  	[sflag:s16] =	ssyncadd.s32 $0xFFFFC000  }
0x13a: {  	[spmem:s2] =	stream.indirect.scatter.add.f32 [tilespmem:s15], [sflag:$0x2], $0x80, s7, s13, $0xb8;
	[tilespmem:$0x1E080] =	vst v63  }
0x13b: {  	s8 =	smov.u32 s5;
	s5 =	sadd.s32 $0x100, s5;
	_ =	swait.ge [sflag:s11], $0x4000  }
0x13c: {  	s9 =	smov.u32 s8;
	s10 =	rddreg [dreg:$0x6];
	[sflag:s11] =	ssyncset.done $0x0  }
0x13d: {  	[sflag:s11] =	ssyncadd.s32 $0xFFFFC000;
	s5 =	sadd.s32 s9, s10  }
0x13e: {  	[tilespmem:s3], [sflag:$0x2] =	stream.linear.gather [hbm4b:s5+s3], $0x800, $0x38;
	[tilespmem:$0x1E080] =	vst v63  }
0x13f: {  	_ =	swait.ge [sflag:s11], $0x800  }
0x140: {  	s10 =	rddreg [dreg:$0x5];
	[sflag:s11] =	ssyncset.done $0x0  }
0x141: {  	[sflag:s11] =	ssyncadd.s32 $0xFFFFF800;
	s5 =	sadd.s32 s9, s10  }
0x142: {  	[tilespmem:s12], [sflag:$0x2] =	stream.linear.gather [hbm4b:s5+s3], $0x800, $0x38;
	[tilespmem:$0x1E080] =	vst v63  }
0x143: {  	_ =	swait.ge [sflag:s11], $0x800  }
0x144: {  	[sflag:s11] =	ssyncset.done $0x0  }
0x145: {  	[sflag:s11] =	ssyncadd.s32 $0xFFFFF800  }
0x146: {  	[tilespmem:s14], [sflag:$0x1] =	stream.indirect.gather [hbm4b:s0+s13], $0x80, s3, s13, $0xb8;
	[tilespmem:$0x1E080] =	vst v63  }
0x147: {  	_ = 	snop  }
0x148: {  	[tilespmem:s15], [sflag:$0x1] =	stream.indirect.gather [hbm4b:s0+s13], $0x80, s13, s13, $0xb8;
	[tilespmem:$0x1E080] =	vst v63  }
0x149: {  	_ =	swait.ge [sflag:s16], $0x4000  }
0x14a: {  	[sflag:s16] =	ssyncset.done $0x0  }
0x14b: {  	[sflag:s16] =	ssyncadd.s32 $0xFFFFC000  }
0x14c: {  	[spmem:s2] =	stream.indirect.scatter.add.f32 [tilespmem:s14], [sflag:$0x2], $0x80, s12, s13, $0xb8;
	[tilespmem:$0x1E080] =	vst v63  }
0x14d: {  	_ =	swait.ge [sflag:s11], $0x4000  }
0x14e: {  	[sflag:s11] =	ssyncset.done $0x0  }
0x14f: {  	s8 =	rddreg [dreg:$0x7];
	[sflag:s11] =	ssyncadd.s32 $0xFFFFC000  }
0x150: {  	[tilespmem:s14], [sflag:$0x1] =	stream.indirect.gather [hbm4b:s0+s13], $0x80, s8, s13, $0xb8;
	[tilespmem:$0x1E080] =	vst v63  }
0x151: {  	_ =	swait.ge [sflag:s16], $0x4000  }
0x152: {  	[sflag:s16] =	ssyncset.done $0x0  }
0x153: {  	s9 =	rddreg [dreg:$0x8];
	[sflag:s16] =	ssyncadd.s32 $0xFFFFC000  }
0x154: {  	[spmem:s2] =	stream.indirect.scatter.add.f32 [tilespmem:s15], [sflag:$0x2], $0x80, s9, s13, $0xb8;
	[tilespmem:$0x1E080] =	vst v63  }
0x155: {  	_ =	swait.ge [sflag:s11], $0x4000  }
0x156: {  	[sflag:s11] =	ssyncset.done $0x0  }
0x157: {  	s10 =	rddreg [dreg:$0x9];
	[sflag:s11] =	ssyncadd.s32 $0xFFFFC000  }
0x158: {  	[tilespmem:s15], [sflag:$0x1] =	stream.indirect.gather [hbm4b:s0+s13], $0x80, s10, s13, $0xb8;
	[tilespmem:$0x1E080] =	vst v63  }
0x159: {  	_ =	swait.ge [sflag:s16], $0x4000  }
0x15a: {  	[sflag:s16] =	ssyncset.done $0x0  }
0x15b: {  	s8 =	rddreg [dreg:$0xa];
	[sflag:s16] =	ssyncadd.s32 $0xFFFFC000  }
0x15c: {  	[spmem:s2] =	stream.indirect.scatter.add.f32 [tilespmem:s14], [sflag:$0x2], $0x80, s8, s13, $0xb8;
	[tilespmem:$0x1E080] =	vst v63  }
0x15d: {  	_ =	swait.ge [sflag:s11], $0x4000  }
0x15e: {  	[sflag:s11] =	ssyncset.done $0x0  }
0x15f: {  	s9 =	rddreg [dreg:$0xb];
	[sflag:s11] =	ssyncadd.s32 $0xFFFFC000  }
0x160: {  	[tilespmem:s14], [sflag:$0x1] =	stream.indirect.gather [hbm4b:s0+s13], $0x80, s9, s13, $0xb8;
	[tilespmem:$0x1E080] =	vst v63  }
0x161: {  	_ =	swait.ge [sflag:s16], $0x4000  }
0x162: {  	[sflag:s16] =	ssyncset.done $0x0  }
0x163: {  	s10 =	rddreg [dreg:$0xc];
	[sflag:s16] =	ssyncadd.s32 $0xFFFFC000  }
0x164: {  	[spmem:s2] =	stream.indirect.scatter.add.f32 [tilespmem:s15], [sflag:$0x2], $0x80, s10, s13, $0xb8;
	[tilespmem:$0x1E080] =	vst v63  }
0x165: {  	_ =	swait.ge [sflag:s11], $0x4000  }
0x166: {  	[sflag:s11] =	ssyncset.done $0x0  }
0x167: {  	s8 =	rddreg [dreg:$0xd];
	[sflag:s11] =	ssyncadd.s32 $0xFFFFC000  }
0x168: {  	[tilespmem:s15], [sflag:$0x1] =	stream.indirect.gather [hbm4b:s0+s13], $0x80, s8, s13, $0xb8;
	[tilespmem:$0x1E080] =	vst v63  }
0x169: {  	_ =	swait.ge [sflag:s16], $0x4000  }
0x16a: {  	[sflag:s16] =	ssyncset.done $0x0  }
0x16b: {  	s9 =	rddreg [dreg:$0xe];
	[sflag:s16] =	ssyncadd.s32 $0xFFFFC000  }
0x16c: {  	[spmem:s2] =	stream.indirect.scatter.add.f32 [tilespmem:s14], [sflag:$0x2], $0x80, s9, s13, $0xb8;
	[tilespmem:$0x1E080] =	vst v63  }
0x16d: {  	_ =	swait.ge [sflag:s11], $0x4000  }
0x16e: {  	[sflag:s11] =	ssyncset.done $0x0  }
0x16f: {  	s10 =	rddreg [dreg:$0xf];
	[sflag:s11] =	ssyncadd.s32 $0xFFFFC000  }
0x170: {  	[tilespmem:s14], [sflag:$0x1] =	stream.indirect.gather [hbm4b:s0+s13], $0x80, s10, s13, $0xb8;
	[tilespmem:$0x1E080] =	vst v63  }
0x171: {  	_ =	swait.ge [sflag:s16], $0x4000  }
0x172: {  	[sflag:s16] =	ssyncset.done $0x0  }
0x173: {  	s8 =	rddreg [dreg:$0x10];
	[sflag:s16] =	ssyncadd.s32 $0xFFFFC000  }
0x174: {  	[spmem:s2] =	stream.indirect.scatter.add.f32 [tilespmem:s15], [sflag:$0x2], $0x80, s8, s13, $0xb8;
	[tilespmem:$0x1E080] =	vst v63  }
0x175: {  	_ =	swait.ge [sflag:s11], $0x4000  }
0x176: {  	[sflag:s11] =	ssyncset.done $0x0  }
0x177: {  	s9 =	rddreg [dreg:$0x11];
	[sflag:s11] =	ssyncadd.s32 $0xFFFFC000  }
0x178: {  	[tilespmem:s15], [sflag:$0x1] =	stream.indirect.gather [hbm4b:s0+s13], $0x80, s9, s13, $0xb8;
	[tilespmem:$0x1E080] =	vst v63  }
0x179: {  	_ =	swait.ge [sflag:s16], $0x4000  }
0x17a: {  	[sflag:s16] =	ssyncset.done $0x0  }
0x17b: {  	[sflag:s16] =	ssyncadd.s32 $0xFFFFC000  }
0x17c: {  	[spmem:s2] =	stream.indirect.scatter.add.f32 [tilespmem:s14], [sflag:$0x2], $0x80, s17, s13, $0xb8;
	[tilespmem:$0x1E080] =	vst v63  }
0x17d: {  	_ =	swait.ge [sflag:s11], $0x4000  }
0x17e: {  	[sflag:s11] =	ssyncset.done $0x0  }
0x17f: {  	[sflag:s11] =	ssyncadd.s32 $0xFFFFC000  }
0x180: {  	[tilespmem:s14], [sflag:$0x1] =	stream.indirect.gather [hbm4b:s0+s13], $0x80, s18, s13, $0xb8;
	[tilespmem:$0x1E080] =	vst v63  }
0x181: {  	_ =	swait.ge [sflag:s16], $0x4000  }
0x182: {  	[sflag:s16] =	ssyncset.done $0x0  }
0x183: {  	[sflag:s16] =	ssyncadd.s32 $0xFFFFC000  }
0x184: {  	[spmem:s2] =	stream.indirect.scatter.add.f32 [tilespmem:s15], [sflag:$0x2], $0x80, s19, s13, $0xb8;
	[tilespmem:$0x1E080] =	vst v63  }
0x185: {  	_ =	swait.ge [sflag:s11], $0x4000  }
0x186: {  	[sflag:s11] =	ssyncset.done $0x0  }
0x187: {  	[sflag:s11] =	ssyncadd.s32 $0xFFFFC000  }
0x188: {  	[tilespmem:s15], [sflag:$0x1] =	stream.indirect.gather [hbm4b:s0+s13], $0x80, s20, s13, $0xb8;
	[tilespmem:$0x1E080] =	vst v63  }
0x189: {  	_ =	swait.ge [sflag:s16], $0x4000  }
0x18a: {  	[sflag:s16] =	ssyncset.done $0x0  }
0x18b: {  	[sflag:s16] =	ssyncadd.s32 $0xFFFFC000  }
0x18c: {  	[spmem:s2] =	stream.indirect.scatter.add.f32 [tilespmem:s14], [sflag:$0x2], $0x80, s21, s13, $0xb8;
	[tilespmem:$0x1E080] =	vst v63  }
0x18d: {  	_ =	swait.ge [sflag:s11], $0x4000  }
0x18e: {  	[sflag:s11] =	ssyncset.done $0x0  }
0x18f: {  	[sflag:s11] =	ssyncadd.s32 $0xFFFFC000  }
0x190: {  	[tilespmem:s14], [sflag:$0x1] =	stream.indirect.gather [hbm4b:s0+s13], $0x80, s22, s13, $0xb8;
	[tilespmem:$0x1E080] =	vst v63  }
0x191: {  	_ =	swait.ge [sflag:s16], $0x4000  }
0x192: {  	[sflag:s16] =	ssyncset.done $0x0  }
0x193: {  	[sflag:s16] =	ssyncadd.s32 $0xFFFFC000  }
0x194: {  	[spmem:s2] =	stream.indirect.scatter.add.f32 [tilespmem:s15], [sflag:$0x2], $0x80, s23, s13, $0xb8;
	[tilespmem:$0x1E080] =	vst v63  }
0x195: {  	_ =	swait.ge [sflag:s11], $0x4000  }
0x196: {  	[sflag:s11] =	ssyncset.done $0x0  }
0x197: {  	[sflag:s11] =	ssyncadd.s32 $0xFFFFC000  }
0x198: {  	[tilespmem:s15], [sflag:$0x1] =	stream.indirect.gather [hbm4b:s0+s13], $0x80, s24, s13, $0xb8;
	[tilespmem:$0x1E080] =	vst v63  }
0x199: {  	_ =	swait.ge [sflag:s16], $0x4000  }
0x19a: {  	[sflag:s16] =	ssyncset.done $0x0  }
0x19b: {  	[sflag:s16] =	ssyncadd.s32 $0xFFFFC000  }
0x19c: {  	[spmem:s2] =	stream.indirect.scatter.add.f32 [tilespmem:s14], [sflag:$0x2], $0x80, s25, s13, $0xb8;
	[tilespmem:$0x1E080] =	vst v63  }
0x19d: {  	_ =	swait.ge [sflag:s11], $0x4000  }
0x19e: {  	[sflag:s11] =	ssyncset.done $0x0  }
0x19f: {  	[sflag:s11] =	ssyncadd.s32 $0xFFFFC000  }
0x1a0: {  	[tilespmem:s14], [sflag:$0x1] =	stream.indirect.gather [hbm4b:s0+s13], $0x80, s26, s13, $0xb8;
	[tilespmem:$0x1E080] =	vst v63  }
0x1a1: {  	_ =	swait.ge [sflag:s16], $0x4000  }
0x1a2: {  	[sflag:s16] =	ssyncset.done $0x0  }
0x1a3: {  	[sflag:s16] =	ssyncadd.s32 $0xFFFFC000  }
0x1a4: {  	[spmem:s2] =	stream.indirect.scatter.add.f32 [tilespmem:s15], [sflag:$0x2], $0x80, s28, s13, $0xb8;
	[tilespmem:$0x1E080] =	vst v63  }
0x1a5: {  	_ =	swait.ge [sflag:s11], $0x4000  }
0x1a6: {  	[sflag:s11] =	ssyncset.done $0x0  }
0x1a7: {  	[sflag:s11] =	ssyncadd.s32 $0xFFFFC000  }
0x1a8: {  	[tilespmem:s15], [sflag:$0x1] =	stream.indirect.gather [hbm4b:s0+s13], $0x80, s29, s13, $0xb8;
	[tilespmem:$0x1E080] =	vst v63  }
0x1a9: {  	_ =	swait.ge [sflag:s16], $0x4000  }
0x1aa: {  	[sflag:s16] =	ssyncset.done $0x0  }
0x1ab: {  	[sflag:s16] =	ssyncadd.s32 $0xFFFFC000  }
0x1ac: {  	[spmem:s2] =	stream.indirect.scatter.add.f32 [tilespmem:s14], [sflag:$0x2], $0x80, s30, s13, $0xb8;
	[tilespmem:$0x1E080] =	vst v63  }
0x1ad: {  	_ =	swait.ge [sflag:s11], $0x4000  }
0x1ae: {  	[sflag:s11] =	ssyncset.done $0x0  }
0x1af: {  	[sflag:s11] =	ssyncadd.s32 $0xFFFFC000  }
0x1b0: {  	[tilespmem:s14], [sflag:$0x1] =	stream.indirect.gather [hbm4b:s0+s13], $0x80, s31, s13, $0xb8;
	[tilespmem:$0x1E080] =	vst v63  }
0x1b1: {  	_ =	swait.ge [sflag:s16], $0x4000  }
0x1b2: {  	[sflag:s16] =	ssyncset.done $0x0  }
0x1b3: {  	[sflag:s16] =	ssyncadd.s32 $0xFFFFC000  }
0x1b4: {  	[spmem:s2] =	stream.indirect.scatter.add.f32 [tilespmem:s15], [sflag:$0x2], $0x80, s1, s13, $0xb8;
	[tilespmem:$0x1E080] =	vst v63  }
0x1b5: {  	_ =	swait.ge [sflag:s11], $0x4000  }
0x1b6: {  	[sflag:s11] =	ssyncset.done $0x0  }
0x1b7: {  	[sflag:s11] =	ssyncadd.s32 $0xFFFFC000  }
0x1b8: {  	[tilespmem:s15], [sflag:$0x1] =	stream.indirect.gather [hbm4b:s0+s13], $0x80, s4, s13, $0xb8;
	[tilespmem:$0x1E080] =	vst v63  }
0x1b9: {  	_ =	swait.ge [sflag:s16], $0x4000  }
0x1ba: {  	[sflag:s16] =	ssyncset.done $0x0  }
0x1bb: {  	[sflag:s16] =	ssyncadd.s32 $0xFFFFC000  }
0x1bc: {  	[spmem:s2] =	stream.indirect.scatter.add.f32 [tilespmem:s14], [sflag:$0x2], $0x80, s6, s13, $0xb8;
	[tilespmem:$0x1E080] =	vst v63  }
0x1bd: {  	_ =	swait.ge [sflag:s11], $0x4000  }
0x1be: {  	[sflag:s11] =	ssyncset.done $0x0  }
0x1bf: {  	[sflag:s11] =	ssyncadd.s32 $0xFFFFC000  }
0x1c0: {  	_ =	swait.ge [sflag:s16], $0x4000  }
0x1c1: {  	[sflag:s16] =	ssyncset.done $0x0  }
0x1c2: {  	[sflag:s16] =	ssyncadd.s32 $0xFFFFC000  }
0x1c3: {  	[spmem:s2] =	stream.indirect.scatter.add.f32 [tilespmem:s15], [sflag:$0x2], $0x80, s7, s13, $0xb8;
	[tilespmem:$0x1E080] =	vst v63  }
0x1c4: {  	_ =	swait.ge [sflag:s11], $0x4000  }
0x1c5: {  	[sflag:s11] =	ssyncset.done $0x0  }
0x1c6: {  	[sflag:s11] =	ssyncadd.s32 $0xFFFFC000  }
0x1c7: {  	[bflag:$0x0] =	sbarrier.arrive $0xFFFF  }
0x1c8: {  	s5 =	simm.s32 @!p0 $0x0;
	s8 =	simm.s32 @!p0 $0x9000;
	s9 =	rddreg [dreg:$0x14]  }
0x1c9: {  	[tilespmem:s8], [sflag:$0x2] =	stream.linear.gather @!p0 [hbm4b:s9+s5], $0x80, $0x38;
	[tilespmem:$0x1E080] =	vst v63  }
0x1ca: {  	s5 =	simm.s32 @!p0 $0x2  }
0x1cb: {  	_ =	swait.ge @!p0 [sflag:s5], $0x80  }
0x1cc: {  	[sflag:s5] =	ssyncset.done @!p0 $0x0  }
0x1cd: {  	s9 =	simm.s32 @!p0 $0x9080;
	s10 =	rddreg [dreg:$0x15];
	[sflag:s5] =	ssyncadd.s32 @!p0 $0xFFFFFF80  }
0x1ce: {  	[tilespmem:s9], [sflag:$0x2] =	stream.linear.gather @!p0 [spmem:s10], $0x1000, $0x38;
	[tilespmem:$0x1E080] =	vst v63  }
0x1cf: {  	_ =	swait.ge @!p0 [sflag:s5], $0x1000  }
0x1d0: {  	[sflag:s5] =	ssyncset.done @!p0 $0x0  }
0x1d1: {  	s10 =	simm.s32 @!p0 $0x20;
	[sflag:s5] =	ssyncadd.s32 @!p0 $0xFFFFF000  }
0x1d2: {  	[spmem:s2] =	stream.indirect.scatter.add.f32 @!p0 [tilespmem:s9], [sflag:$0x2], $0x80, s8, s10, $0xb8;
	[tilespmem:$0x1E080] =	vst v63  }
0x1d3: {  	_ =	swait.ge @!p0 [sflag:s5], $0x1000  }
0x1d4: {  	[sflag:s5] =	ssyncset.done @!p0 $0x0  }
0x1d5: {  	[sflag:s5] =	ssyncadd.s32 @!p0 $0xFFFFF000  }
0x1d6: {  	[bflag:$0x0] =	sbarrier.arrive $0xFFFF  }
0x1d7: {  	s9 =	rddreg [dreg:$0x13]  }
0x1d8: {  	s10 =	rddreg [dreg:$0x16]  }
0x1d9: {  	s8 =	rddreg [dreg:$0x18]  }
0x1da: {  	[hbm:s10], [sflag:s9] =	dma.local [spmem:s8], $0x2800  }
0x1db: {  	_ =	swait.ge [sflag:s11], $0x2800  }
0x1dc: {  	s5 =	rddreg [dreg:$0x19]  }
0x1dd: {  	s10 =	sadd.s32 $0x1, s5;
	s5 =	rddreg [dreg:$0x17]  }
0x1de: {  	p1 =	sne.s32 s10, s5  }
.Ltmp1:
0x1df: {  	_ = 	snop;
	(pc) =	sbr.rel @p1 .LBB2_1-.Ltmp1, $3  }
0x1e0: {  	_ =	sdelay $0x1  }
0x1e1: {  	[sflag:s11] =	ssyncset.done $0x0  }
0x1e2: {  	[sflag:s11] =	ssyncadd.s32 $0xFFFFD800  }
0x1e3: {  	_ =	sfence.sel $0x180000  }
0x1e4: {  	[bflag:$0x0] =	sbarrier.arrive $0xFFFF  }
0x1e5: {  	_ =	strace $0x90000053  }
0x1e6: {  	[bflag:$0x2] =	sbarrier.arrive $0xFFFF  }
0x1e7: {  	s0 =	rddreg [dreg:$0x4]  }
0x1e8: {  	s0 =	sadd.s32 @!p0 $0x100000, s0  }
0x1e9: {  	[sflag:s0] =	ssyncadd.tile.s32 @!p0 $0x1;
	_ =	shalt  }
.Lfunc_end2:
_tile_overlayer_lowered:
.L_overlay_start_2:
0x1ea: {  	(tag) =	ssettag $0x2  }
0x1eb: {  	s0 =	rddreg [dreg:$0x0];
	s2 =	stileid.u32  }
0x1ec: {  	s1 =	rddreg [dreg:$0x1];
	p0 =	sne.s32 s2, $0x0  }
0x1ed: {  	s3 =	rddreg [dreg:$0x2];
	[bflag:$0x3] =	sbarrier.arrive $0xFFFF;
	s2 =	simm.s32 @!p0 $0x1C02  }
0x1ee: {  	[timem:s3], [sflag:s2] =	dma.local @!p0 [hbm:s0], s1  }
0x1ef: {  	s0 =	simm.s32 @!p0 $0x2  }
0x1f0: {  	_ =	swait.ge @!p0 [sflag:s0], s1  }
0x1f1: {  	s1 =	ssub.s32 @!p0 $0x0, s1;
	[sflag:s0] =	ssyncset.done @!p0 $0x0  }
0x1f2: {  	[sflag:s0] =	ssyncadd.s32 @!p0 s1  }
0x1f3: {  	[bflag:$0x3] =	sbarrier.arrive $0xFFFF  }
0x1f4: {  	_ =	shalt  }

// kernel: kernel.21.cloned.1.call-start
scs
__scs_entry_jumppad:
0x0: {  	(pc) =	sbr.rel $0x88, $3  }
0x1: {  	(tag) =	ssettag $0x0;
	lr =	simm.s32 $0x1  }
0x2: {  	[smem:$0x3F96] =	sst lr;
	_ =	strace $0xD0000000  }
0x3: {  	_ = 	snop  }
0x4: {  	_ = 	snop  }
0x5: {  	_ = 	snop  }
0x6: {  	_ = 	snop  }
0x7: {  	_ = 	snop  }
__scs_overlays_trampoline_lowered:
0x8: {  	[smem:$0x3FA5] =	sst s0  }
0x9: {  	[smem:$0x3FA6] =	sst s1  }
0xa: {  	[smem:$0x3FA7] =	sst s2  }
0xb: {  	[smem:$0x3FA8] =	sst s3  }
0xc: {  	[smem:$0x3FA9] =	sst s4  }
0xd: {  	[smem:$0x3FAA] =	sst s5  }
0xe: {  	[smem:$0x3FAB] =	sst s6  }
0xf: {  	[smem:$0x3FAC] =	sst s7  }
0x10: {  	[smem:$0x3FAD] =	sst s8  }
0x11: {  	[smem:$0x3FAE] =	sst s9;
	s0 =	simm.s32 @!p0 $0x0  }
0x12: {  	s1 =	sld [smem:$0x3F94];
	s0 =	simm.s32 @p0 $0x1  }
0x13: {  	[smem:$0x3FAF] =	sst s0;
	s0 =	simm.s32 @!p1 $0x0  }
0x14: {  	s2 =	sld [smem:$0x3F93];
	s0 =	simm.s32 @p1 $0x1  }
0x15: {  	[smem:$0x3FB0] =	sst s0;
	s0 =	simm.s32 @!p2 $0x0  }
0x16: {  	s3 =	sld [smem:$0x3FDB];
	s0 =	simm.s32 @p2 $0x1  }
0x17: {  	s4 =	simm.s32 $0x1BF5;
	[smem:$0x3FB2] =	sst s0  }
0x18: {  	s0 =	sld [smem:$0x3F95];
	_ =	swait.ge [sflag:s4], $0x0  }
0x19: {  	s7 =	sld [smem:$0x3F96]  }
0x1a: {  	s8 =	sadd.s32 $0xFFFFE003, lr  }
0x1b: {  	s9 =	sadd.s32 $0xFFFFFEF7, lr;
	s5 =	simm.s32 $0xFFFFFFFF;
	p2 =	slt.u32 s8, $0xFFFFF086  }
0x1c: {  	p1 =	slt.u32 s9, $0xF7A;
	s5 =	simm.s32 @!p2 $0x0  }
0x1d: {  	s5 =	simm.s32 @p1 $0x1;
	p0 =	seq.s32 s7, s2  }
0x1e: {  	s7 =	smul.u32 @!p0 $0xF7A, s2;
	p2 =	seq.s32 @!p0 s5, $0x0  }
0x1f: {  	s9 =	smul.u32 $0xF7A, s1;
	s8 =	simm.s32 @!p0 $0x1BF5;
	p2 =	por !p2, p0  }
0x20: {  	[sflag:s8] =	ssyncset.s32 @!p0 $0xFFFFF086;
	s6 =	sadd.s32 @!p0 s3, s7;
	s7 =	simm.s32 @!p0 $0x108  }
0x21: {  	s3 =	sadd.s32 s3, s9;
	s6 =	sadd.s32 @!p0 $0x88, s6;
	s7 =	simm.s32 @p2 $0x1082  }
0x22: {  	[simem:s7], [sflag:s8] =	dma.local @!p0 [hbm:s6], $0xF7A  }
0x23: {  	s9 =	sor.u32 $0xD0000000, s2;
	s6 =	simm.s32 $0x108;
	_ =	swait.ge @!p0 [sflag:s8], $0x0  }
0x24: {  	s3 =	sadd.s32 $0x88, s3;
	s6 =	simm.s32 @!p1 $0x1082;
	[sflag:s4] =	ssyncset.s32 $0xFFFFF086  }
0x25: {  	[simem:s6], [sflag:s4] =	dma.local [hbm:s3], $0xF7A  }
0x26: {  	[smem:$0x3F96] =	sst s1;
	(tag) =	ssettag s2;
	_ =	strace s9  }
0x27: {  	s1 =	sld [smem:$0x3FA6]  }
0x28: {  	s2 =	sld [smem:$0x3FA7]  }
0x29: {  	s4 =	sld [smem:$0x3FA9]  }
0x2a: {  	p0 =	seq.s32 s5, $0x0;
	s5 =	sld [smem:$0x3FAA]  }
0x2b: {  	s6 =	sld [smem:$0x3FAB]  }
0x2c: {  	s7 =	sld [smem:$0x3FAC]  }
0x2d: {  	s3 =	simm.s32 $0x108;
	s8 =	sld [smem:$0x3FAD]  }
0x2e: {  	s3 =	simm.s32 @!p0 $0x1082;
	s9 =	sld [smem:$0x3FAE]  }
0x2f: {  	lr =	sadd.s32 s0, s3;
	s0 =	sld [smem:$0x3FA5]  }
0x30: {  	s3 =	sld [smem:$0x3FA8]  }
0x31: {  	[smem:$0x3FB1] =	sst s10  }
0x32: {  	s10 =	sld [smem:$0x3FAF];
	_ =	sdelay $0x3  }
0x33: {  	p0 =	seq.s32 s10, $0x1;
	s10 =	sld [smem:$0x3FB1];
	_ =	sdelay $0x3  }
0x34: {  	[smem:$0x3FB1] =	sst s10  }
0x35: {  	s10 =	sld [smem:$0x3FB0];
	_ =	sdelay $0x3  }
0x36: {  	p1 =	seq.s32 s10, $0x1;
	s10 =	sld [smem:$0x3FB1];
	_ =	sdelay $0x3  }
0x37: {  	[smem:$0x3FB1] =	sst s10  }
0x38: {  	s10 =	sld [smem:$0x3FB2]  }
0x39: {  	_ = 	snop;
	(pc) =	sbr.ind lr, $3  }
0x3a: {  	_ = 	snop  }
0x3b: {  	_ = 	snop  }
0x3c: {  	p2 =	seq.s32 s10, $0x1;
	s10 =	sld [smem:$0x3FB1]  }
0x3d: {  	_ =	shalt  }
0x3e: {  	_ =	shalt  }
0x3f: {  	_ =	shalt  }
0x40: {  	_ =	shalt  }
0x41: {  	_ =	shalt  }
0x42: {  	_ =	shalt  }
0x43: {  	_ =	shalt  }
0x44: {  	_ =	shalt  }
0x45: {  	_ =	shalt  }
0x46: {  	_ =	shalt  }
0x47: {  	_ =	shalt  }
0x48: {  	_ =	shalt  }
0x49: {  	_ =	shalt  }
0x4a: {  	_ =	shalt  }
0x4b: {  	_ =	shalt  }
0x4c: {  	_ =	shalt  }
0x4d: {  	_ =	shalt  }
0x4e: {  	_ =	shalt  }
0x4f: {  	_ =	shalt  }
0x50: {  	_ =	shalt  }
0x51: {  	_ =	shalt  }
0x52: {  	_ =	shalt  }
0x53: {  	_ =	shalt  }
0x54: {  	_ =	shalt  }
0x55: {  	_ =	shalt  }
0x56: {  	_ =	shalt  }
0x57: {  	_ =	shalt  }
0x58: {  	_ =	shalt  }
0x59: {  	_ =	shalt  }
0x5a: {  	_ =	shalt  }
0x5b: {  	_ =	shalt  }
0x5c: {  	_ =	shalt  }
0x5d: {  	_ =	shalt  }
0x5e: {  	_ =	shalt  }
0x5f: {  	_ =	shalt  }
0x60: {  	_ =	shalt  }
0x61: {  	_ =	shalt  }
0x62: {  	_ =	shalt  }
0x63: {  	_ =	shalt  }
0x64: {  	_ =	shalt  }
0x65: {  	_ =	shalt  }
0x66: {  	_ =	shalt  }
0x67: {  	_ =	shalt  }
0x68: {  	_ =	shalt  }
0x69: {  	_ =	shalt  }
0x6a: {  	_ =	shalt  }
0x6b: {  	_ =	shalt  }
0x6c: {  	_ =	shalt  }
0x6d: {  	_ =	shalt  }
0x6e: {  	_ =	shalt  }
0x6f: {  	_ =	shalt  }
0x70: {  	_ =	shalt  }
0x71: {  	_ =	shalt  }
0x72: {  	_ =	shalt  }
0x73: {  	_ =	shalt  }
0x74: {  	_ =	shalt  }
0x75: {  	_ =	shalt  }
0x76: {  	_ =	shalt  }
0x77: {  	_ =	shalt  }
0x78: {  	_ =	shalt  }
0x79: {  	_ =	shalt  }
0x7a: {  	_ =	shalt  }
0x7b: {  	_ =	shalt  }
0x7c: {  	_ =	shalt  }
0x7d: {  	_ =	shalt  }
0x7e: {  	_ =	shalt  }
0x7f: {  	_ =	shalt  }
0x80: {  	_ =	shalt  }
0x81: {  	_ =	shalt  }
0x82: {  	_ =	shalt  }
0x83: {  	_ =	shalt  }
0x84: {  	_ =	shalt  }
0x85: {  	_ =	shalt  }
0x86: {  	_ =	shalt  }
0x87: {  	_ =	shalt  }
.Lfunc_end0:
.L_simem_size_0:
called_computation.5_lowered:
.L_overlay_start_0:
0x88: {  	s2 =	sld [smem:$0x3FD9]  }
0x89: {  	s3 =	sld [smem:$0x3FFE];
	_ =	sdelay $0x1  }
0x8a: {  	s1 =	srdreg.scid  }
0x8b: {  	s0 =	sand.u32 $0x1, s1  }
0x8c: {  	s14 =	sshll.u32 s0, $0xA;
	s2 =	sadd.s32 s3, s2  }
0x8d: {  	s2 =	sadd.s32 s2, s14  }
0x8e: {  	[smem:$0x3FBD] =	sst s2  }
0x8f: {  	_ = 	snop  }
0x90: {  	s2 =	sld [smem:$0x3FD0];
	_ =	sdelay $0x2  }
0x91: {  	s15 =	simm.s32 $0xA;
	s4 =	simm.s32 $0x10  }
0x92: {  	[smem:s4], [sflag:s15] =	dma.local [hbm:s2], $0x1  }
0x93: {  	_ =	swait.eq [sflag:s15], $0x1  }
0x94: {  	[sflag:s15] =	ssyncset.done $0x0  }
0x95: {  	s16 =	sld [smem:$0x12];
	[sflag:s15] =	ssyncadd.s32 $0xFFFFFFFF  }
0x96: {  	s17 =	sld [smem:$0x14];
	(tm) =	ssettm $0x1  }
0x97: {  	s18 =	sld [smem:$0x3FFB];
	_ =	sdelay $0x3  }
0x98: {  	_ =	strace s18  }
0x99: {  	s4 =	sld [smem:$0x3FFC];
	_ =	sdelay $0x3  }
0x9a: {  	_ =	strace s4  }
0x9b: {  	s4 =	sld [smem:$0x3FFD];
	_ =	sdelay $0x3  }
0x9c: {  	_ =	strace s4  }
0x9d: {  	_ =	strace $0x8FFFFFFF  }
0x9e: {  	s19 =	sld [smem:$0x3FDB];
	_ =	sdelay $0x1  }
0x9f: {  	s5 =	simm.s32 $_scs_section_size  }
0xa0: {  	s6 =	simm.s32 $_size__tile_overlayer_lowered;
	s7 =	simm.s32 $_tile_overlayer_lowered  }
0xa1: {  	s22 =	simm.s32 $0x1BFF;
	s21 =	sshll.u32 s7, $0x1;
	s4 =	sadd.s32 s5, s19  }
0xa2: {  	s8 =	simm.s32 $0x0;
	s20 =	sshll.u32 s6, $0x1;
	s6 =	sadd.s32 s21, s4  }
0xa3: {  	[timem:s8], [sflag:s22] =	dma.local [hbm:s6], s20  }
0xa4: {  	_ =	swait.ge [sflag:s22], s20  }
0xa5: {  	s5 =	ssub.s32 $0x0, s20;
	[sflag:s22] =	ssyncset.done $0x0  }
0xa6: {  	[sflag:s22] =	ssyncadd.s32 s5;
	_ =	sdelay $0x1  }
0xa7: {  	s23 =	simm.s32 $0x1B8B  }
0xa8: {  	_ =	swait.ge [sflag:s23], $0x1  }
0xa9: {  	[sflag:s23] =	ssyncset.done $0x0  }
0xaa: {  	s25 =	simm.s32 $0x1B8E;
	s24 =	sld [smem:$0x3FFE];
	[sflag:s23] =	ssyncadd.s32 $0xFFFFFFFF  }
0xab: {  	s26 =	simm.s32 $execute0_lowered;
	[smem:$0x3FD2] =	sst s25  }
0xac: {  	s6 =	sshll.u32 s26, $0x1;
	_ =	strace $0x80000055;
	[dreg:$0x1] =	wrdreg $0xFFFFFFFF  }
0xad: {  	s28 =	simm.s32 $_size_execute0_lowered;
	s4 =	sadd.s32 s4, s6;
	[dreg:$0x0] =	wrdreg $0x0  }
0xae: {  	s6 =	sshll.u32 s28, $0x1;
	[dreg:$0x2] =	wrdreg s4  }
0xaf: {  	[dreg:$0x3] =	wrdreg s6  }
0xb0: {  	[dreg:$0x4] =	wrdreg $0xC0  }
0xb1: {  	_ =	task [dreg:s8], $0x5FFFF  }
0xb2: {  	[dreg:$0x1] =	wrdreg $0xFFFFFFFF  }
0xb3: {  	[dreg:$0x0] =	wrdreg $0x60  }
0xb4: {  	[dreg:$0x2] =	wrdreg s16  }
0xb5: {  	[dreg:$0x3] =	wrdreg s17  }
0xb6: {  	[dreg:$0x4] =	wrdreg s24  }
0xb7: {  	[dreg:$0x5] =	wrdreg $0xA0800  }
0xb8: {  	[dreg:$0x6] =	wrdreg $0x9  }
0xb9: {  	_ =	task.clear_ibuf [dreg:s8], $0x7FFFF;
	_ =	strace $0x90000055  }
0xba: {  	s29 =	simm.s32 $0x9;
	_ =	strace $0x80000057  }
0xbb: {  	_ =	swait.ge [sflag:s29], $0x1  }
0xbc: {  	[sflag:s29] =	ssyncadd.s32 $0xFFFFFFFF  }
0xbd: {  	_ =	strace $0x90000057  }
0xbe: {  	_ =	sfence  }
0xbf: {  	s30 =	sld [smem:$0x0];
	_ =	sdelay $0x2  }
0xc0: {  	s31 =	sshll.u32 s1, $0xD;
	s1 =	sshrl.u32 s1, $0x2  }
0xc1: {  	s3 =	sand.u32 $0x4000, s31;
	s1 =	sadd.s32 s1, s30  }
0xc2: {  	s0 =	sor.u32 s3, s0;
	s1 =	sshll.u32 s1, $0x11  }
0xc3: {  	s0 =	sor.u32 s1, s0  }
0xc4: {  	s0 =	sadd.s32 $0x8F2B, s0  }
0xc5: {  	[sflag:s0] =	ssyncadd.remote.s32 $0x1  }
0xc6: {  	_ =	sfence.sel $0xFFFF  }
0xc7: {  	[dreg:$0x0] =	wrdreg $0xFFFFFFFF;
	(pc) =	sbr.abs _section_cstart, $3  }
0xc8: {  	[dreg:$0x1] =	wrdreg $0xFFFFFFFF  }
0xc9: {  	_ =	task.clear_ibuf [dreg:s8], $0x2FFFF;
	_ =	strace $0x9FFFFFFF  }
0xca: {  	(tm) =	ssettm $0x7FFFFFFF  }
0xcb: {  	_ =	shalt  }
tec
execute0_lowered:
.L_overlay_start_1:
0x0: {  	(tag) =	ssettag $0x1  }
0x1: {  	s0 =	rddreg [dreg:$0x0]  }
0x2: {  	s4 =	rddreg [dreg:$0x1]  }
0x3: {  	s5 =	rddreg [dreg:$0x2]  }
0x4: {  	s1 =	srdreg.scid;
	s2 =	rddreg [dreg:$0x3]  }
0x5: {  	s3 =	simm.s32 $0x0;
	s14 =	simm.s32 $0x100;
	s16 =	simm.s32 $0x880  }
0x6: {  	s17 =	simm.s32 $0x180;
	s19 =	simm.s32 $0x900;
	s20 =	simm.s32 $0x200  }
0x7: {  	s21 =	simm.s32 $0x980;
	[smem:$0x7FF] =	sst s3;
	s11 =	sadd.s32 $0x8400, s5  }
0x8: {  	s15 =	sadd.s32 $0x138800, s2;
	_ =	strace $0x80000056;
	[dreg:$0x12] =	wrdreg s11  }
0x9: {  	s22 =	simm.s32 $0x280;
	s23 =	simm.s32 $0xA00;
	[dreg:$0x15] =	wrdreg s15  }
0xa: {  	s6 =	sand.u32 $0x1, s1;
	s1 =	stileid.u32;
	[dreg:$0x7] =	wrdreg s14  }
0xb: {  	s28 =	simm.s32 $0xD80;
	s7 =	smul.u32 $0x28000, s6;
	[dreg:$0x8] =	wrdreg s16  }
0xc: {  	s29 =	simm.s32 $0x680;
	s8 =	smul.u32 $0x2800, s1;
	[dreg:$0x9] =	wrdreg s17  }
0xd: {  	s30 =	simm.s32 $0xE00;
	s24 =	smul.u32 $0x140000, s6;
	[dreg:$0xa] =	wrdreg s19  }
0xe: {  	s31 =	simm.s32 $0x700;
	s9 =	smul.u32 $0x14000, s1;
	[dreg:$0xb] =	wrdreg s20  }
0xf: {  	s25 =	sshll.u32 s6, $0x4;
	s6 =	ssub.s32 $0x2, s6;
	[dreg:$0xc] =	wrdreg s21  }
0x10: {  	s26 =	smul.u32 $0x50000, s1;
	[dreg:$0xd] =	wrdreg s22;
	s14 =	simm.s32 $0x1000  }
0x11: {  	[dreg:$0xe] =	wrdreg s23;
	s15 =	simm.s32 $0x5000;
	s16 =	simm.s32 $0x1  }
0x12: {  	s17 =	simm.s32 $0xB00;
	s19 =	simm.s32 $0xB80;
	s20 =	simm.s32 $0x480  }
0x13: {  	s21 =	simm.s32 $0xC00;
	s22 =	simm.s32 $0x500;
	s23 =	simm.s32 $0xC80  }
0x14: {  	p0 =	sne.s32 s1, $0x0;
	s11 =	sadd.s32 s25, s5;
	s12 =	sshrl.u32 s6, $0x1  }
0x15: {  	s25 =	simm.s32 $0xA80;
	s7 =	sadd.s32 s8, s7;
	s8 =	sadd.s32 s9, s24  }
0x16: {  	s6 =	ssub.s32 s6, s12;
	s9 =	sshrl.u32 s26, $0x2;
	s12 =	sshll.u32 s1, $0x6  }
0x17: {  	s13 =	sadd.s32 $0x10200, s11;
	s11 =	simm.s32 $0x2;
	s24 =	simm.s32 $0x300  }
0x18: {  	[dreg:$0x10] =	wrdreg s25;
	s26 =	simm.s32 $0x380;
	s25 =	simm.s32 $0xD00  }
0x19: {  	s1 =	simm.s32 $0xE80;
	s7 =	sshrl.u32 s7, $0x3;
	[dreg:$0x14] =	wrdreg s13  }
0x1a: {  	s8 =	sshrl.u32 s8, $0x3;
	s18 =	smax.u32 s6, $0x1;
	[dreg:$0xf] =	wrdreg s24  }
0x1b: {  	s13 =	simm.s32 $0x80;
	[dreg:$0x11] =	wrdreg s26;
	s24 =	simm.s32 $0x580  }
0x1c: {  	s26 =	simm.s32 $0x600;
	s6 =	simm.s32 $0xF00;
	s10 =	sadd.s32 s7, s5  }
0x1d: {  	s5 =	sadd.s32 s8, s5;
	s4 =	sadd.s32 s7, s4;
	[dreg:$0x17] =	wrdreg s18  }
0x1e: {  	s8 =	sadd.s32 s9, s2;
	s9 =	sor.u32 $0x1C02, s12;
	[dreg:$0x6] =	wrdreg s4  }
0x1f: {  	s12 =	simm.s32 $0x800;
	s10 =	sadd.s32 $0x10400, s10;
	[dreg:$0x13] =	wrdreg s9  }
0x20: {  	s18 =	simm.s32 $0x400;
	s5 =	sadd.s32 $0x1A400, s5;
	[dreg:$0x5] =	wrdreg s10  }
0x21: {  	s7 =	simm.s32 $0xF80;
	s8 =	sshrl.u32 s8, $0x3;
	[dreg:$0x16] =	wrdreg s5  }
0x22: {  	s4 =	simm.s32 $0x780;
	s10 =	simm.s32 $0x0;
	[dreg:$0x18] =	wrdreg s8  }
.LBB2_1:
0x23: {  	[dreg:$0x19] =	wrdreg s10  }
0x24: {  	s5 =	rddreg [dreg:$0x12]  }
0x25: {  	[spmem:s8], [sflag:s9] =	dma.local [hbm:s5], $0x2800  }
0x26: {  	_ =	swait.ge [sflag:s11], $0x2800  }
0x27: {  	[sflag:s11] =	ssyncset.done $0x0  }
0x28: {  	[sflag:s11] =	ssyncadd.s32 $0xFFFFD800  }
0x29: {  	[bflag:$0x0] =	sbarrier.arrive $0xFFFF  }
0x2a: {  	s10 =	rddreg [dreg:$0x6]  }
0x2b: {  	s5 =	sadd.s32 $0x0, s10  }
0x2c: {  	[tilespmem:s3], [sflag:$0x2] =	stream.linear.gather [hbm4b:s5+s3], $0x800, $0x38;
	[tilespmem:$0x1E080] =	vst v63  }
0x2d: {  	_ =	swait.ge [sflag:s11], $0x800  }
0x2e: {  	s8 =	rddreg [dreg:$0x5];
	[sflag:s11] =	ssyncset.done $0x0  }
0x2f: {  	[sflag:s11] =	ssyncadd.s32 $0xFFFFF800;
	s5 =	sadd.s32 $0x0, s8  }
0x30: {  	[tilespmem:s12], [sflag:$0x2] =	stream.linear.gather [hbm4b:s5+s3], $0x800, $0x38;
	[tilespmem:$0x1E080] =	vst v63  }
0x31: {  	_ =	swait.ge [sflag:s11], $0x800  }
0x32: {  	[sflag:s11] =	ssyncset.done $0x0  }
0x33: {  	[sflag:s11] =	ssyncadd.s32 $0xFFFFF800  }
0x34: {  	[tilespmem:s14], [sflag:$0x1] =	stream.indirect.gather [hbm4b:s0+s13], $0x80, s3, s13, $0xb8;
	[tilespmem:$0x1E080] =	vst v63  }
0x35: {  	_ = 	snop  }
0x36: {  	[tilespmem:s15], [sflag:$0x1] =	stream.indirect.gather [hbm4b:s0+s13], $0x80, s13, s13, $0xb8;
	[tilespmem:$0x1E080] =	vst v63  }
0x37: {  	_ =	swait.ge [sflag:s16], $0x4000  }
0x38: {  	[sflag:s16] =	ssyncset.done $0x0  }
0x39: {  	[sflag:s16] =	ssyncadd.s32 $0xFFFFC000  }
0x3a: {  	[spmem:s2] =	stream.indirect.scatter.add.f32 [tilespmem:s14], [sflag:$0x2], $0x80, s12, s13, $0xb8;
	[tilespmem:$0x1E080] =	vst v63  }
0x3b: {  	_ =	swait.ge [sflag:s11], $0x4000  }
0x3c: {  	[sflag:s11] =	ssyncset.done $0x0  }
0x3d: {  	s9 =	rddreg [dreg:$0x7];
	[sflag:s11] =	ssyncadd.s32 $0xFFFFC000  }
0x3e: {  	[tilespmem:s14], [sflag:$0x1] =	stream.indirect.gather [hbm4b:s0+s13], $0x80, s9, s13, $0xb8;
	[tilespmem:$0x1E080] =	vst v63  }
0x3f: {  	_ =	swait.ge [sflag:s16], $0x4000  }
0x40: {  	[sflag:s16] =	ssyncset.done $0x0  }
0x41: {  	s10 =	rddreg [dreg:$0x8];
	[sflag:s16] =	ssyncadd.s32 $0xFFFFC000  }
0x42: {  	[spmem:s2] =	stream.indirect.scatter.add.f32 [tilespmem:s15], [sflag:$0x2], $0x80, s10, s13, $0xb8;
	[tilespmem:$0x1E080] =	vst v63  }
0x43: {  	_ =	swait.ge [sflag:s11], $0x4000  }
0x44: {  	[sflag:s11] =	ssyncset.done $0x0  }
0x45: {  	s8 =	rddreg [dreg:$0x9];
	[sflag:s11] =	ssyncadd.s32 $0xFFFFC000  }
0x46: {  	[tilespmem:s15], [sflag:$0x1] =	stream.indirect.gather [hbm4b:s0+s13], $0x80, s8, s13, $0xb8;
	[tilespmem:$0x1E080] =	vst v63  }
0x47: {  	_ =	swait.ge [sflag:s16], $0x4000  }
0x48: {  	[sflag:s16] =	ssyncset.done $0x0  }
0x49: {  	s9 =	rddreg [dreg:$0xa];
	[sflag:s16] =	ssyncadd.s32 $0xFFFFC000  }
0x4a: {  	[spmem:s2] =	stream.indirect.scatter.add.f32 [tilespmem:s14], [sflag:$0x2], $0x80, s9, s13, $0xb8;
	[tilespmem:$0x1E080] =	vst v63  }
0x4b: {  	_ =	swait.ge [sflag:s11], $0x4000  }
0x4c: {  	[sflag:s11] =	ssyncset.done $0x0  }
0x4d: {  	s10 =	rddreg [dreg:$0xb];
	[sflag:s11] =	ssyncadd.s32 $0xFFFFC000  }
0x4e: {  	[tilespmem:s14], [sflag:$0x1] =	stream.indirect.gather [hbm4b:s0+s13], $0x80, s10, s13, $0xb8;
	[tilespmem:$0x1E080] =	vst v63  }
0x4f: {  	_ =	swait.ge [sflag:s16], $0x4000  }
0x50: {  	[sflag:s16] =	ssyncset.done $0x0  }
0x51: {  	s8 =	rddreg [dreg:$0xc];
	[sflag:s16] =	ssyncadd.s32 $0xFFFFC000  }
0x52: {  	[spmem:s2] =	stream.indirect.scatter.add.f32 [tilespmem:s15], [sflag:$0x2], $0x80, s8, s13, $0xb8;
	[tilespmem:$0x1E080] =	vst v63  }
0x53: {  	_ =	swait.ge [sflag:s11], $0x4000  }
0x54: {  	[sflag:s11] =	ssyncset.done $0x0  }
0x55: {  	s9 =	rddreg [dreg:$0xd];
	[sflag:s11] =	ssyncadd.s32 $0xFFFFC000  }
0x56: {  	[tilespmem:s15], [sflag:$0x1] =	stream.indirect.gather [hbm4b:s0+s13], $0x80, s9, s13, $0xb8;
	[tilespmem:$0x1E080] =	vst v63  }
0x57: {  	_ =	swait.ge [sflag:s16], $0x4000  }
0x58: {  	[sflag:s16] =	ssyncset.done $0x0  }
0x59: {  	s10 =	rddreg [dreg:$0xe];
	[sflag:s16] =	ssyncadd.s32 $0xFFFFC000  }
0x5a: {  	[spmem:s2] =	stream.indirect.scatter.add.f32 [tilespmem:s14], [sflag:$0x2], $0x80, s10, s13, $0xb8;
	[tilespmem:$0x1E080] =	vst v63  }
0x5b: {  	_ =	swait.ge [sflag:s11], $0x4000  }
0x5c: {  	[sflag:s11] =	ssyncset.done $0x0  }
0x5d: {  	s8 =	rddreg [dreg:$0xf];
	[sflag:s11] =	ssyncadd.s32 $0xFFFFC000  }
0x5e: {  	[tilespmem:s14], [sflag:$0x1] =	stream.indirect.gather [hbm4b:s0+s13], $0x80, s8, s13, $0xb8;
	[tilespmem:$0x1E080] =	vst v63  }
0x5f: {  	_ =	swait.ge [sflag:s16], $0x4000  }
0x60: {  	[sflag:s16] =	ssyncset.done $0x0  }
0x61: {  	s9 =	rddreg [dreg:$0x10];
	[sflag:s16] =	ssyncadd.s32 $0xFFFFC000  }
0x62: {  	[spmem:s2] =	stream.indirect.scatter.add.f32 [tilespmem:s15], [sflag:$0x2], $0x80, s9, s13, $0xb8;
	[tilespmem:$0x1E080] =	vst v63  }
0x63: {  	_ =	swait.ge [sflag:s11], $0x4000  }
0x64: {  	[sflag:s11] =	ssyncset.done $0x0  }
0x65: {  	s10 =	rddreg [dreg:$0x11];
	[sflag:s11] =	ssyncadd.s32 $0xFFFFC000  }
0x66: {  	[tilespmem:s15], [sflag:$0x1] =	stream.indirect.gather [hbm4b:s0+s13], $0x80, s10, s13, $0xb8;
	[tilespmem:$0x1E080] =	vst v63  }
0x67: {  	_ =	swait.ge [sflag:s16], $0x4000  }
0x68: {  	[sflag:s16] =	ssyncset.done $0x0  }
0x69: {  	[sflag:s16] =	ssyncadd.s32 $0xFFFFC000  }
0x6a: {  	[spmem:s2] =	stream.indirect.scatter.add.f32 [tilespmem:s14], [sflag:$0x2], $0x80, s17, s13, $0xb8;
	[tilespmem:$0x1E080] =	vst v63  }
0x6b: {  	_ =	swait.ge [sflag:s11], $0x4000  }
0x6c: {  	[sflag:s11] =	ssyncset.done $0x0  }
0x6d: {  	[sflag:s11] =	ssyncadd.s32 $0xFFFFC000  }
0x6e: {  	[tilespmem:s14], [sflag:$0x1] =	stream.indirect.gather [hbm4b:s0+s13], $0x80, s18, s13, $0xb8;
	[tilespmem:$0x1E080] =	vst v63  }
0x6f: {  	_ =	swait.ge [sflag:s16], $0x4000  }
0x70: {  	[sflag:s16] =	ssyncset.done $0x0  }
0x71: {  	[sflag:s16] =	ssyncadd.s32 $0xFFFFC000  }
0x72: {  	[spmem:s2] =	stream.indirect.scatter.add.f32 [tilespmem:s15], [sflag:$0x2], $0x80, s19, s13, $0xb8;
	[tilespmem:$0x1E080] =	vst v63  }
0x73: {  	_ =	swait.ge [sflag:s11], $0x4000  }
0x74: {  	[sflag:s11] =	ssyncset.done $0x0  }
0x75: {  	[sflag:s11] =	ssyncadd.s32 $0xFFFFC000  }
0x76: {  	[tilespmem:s15], [sflag:$0x1] =	stream.indirect.gather [hbm4b:s0+s13], $0x80, s20, s13, $0xb8;
	[tilespmem:$0x1E080] =	vst v63  }
0x77: {  	_ =	swait.ge [sflag:s16], $0x4000  }
0x78: {  	[sflag:s16] =	ssyncset.done $0x0  }
0x79: {  	[sflag:s16] =	ssyncadd.s32 $0xFFFFC000  }
0x7a: {  	[spmem:s2] =	stream.indirect.scatter.add.f32 [tilespmem:s14], [sflag:$0x2], $0x80, s21, s13, $0xb8;
	[tilespmem:$0x1E080] =	vst v63  }
0x7b: {  	_ =	swait.ge [sflag:s11], $0x4000  }
0x7c: {  	[sflag:s11] =	ssyncset.done $0x0  }
0x7d: {  	[sflag:s11] =	ssyncadd.s32 $0xFFFFC000  }
0x7e: {  	[tilespmem:s14], [sflag:$0x1] =	stream.indirect.gather [hbm4b:s0+s13], $0x80, s22, s13, $0xb8;
	[tilespmem:$0x1E080] =	vst v63  }
0x7f: {  	_ =	swait.ge [sflag:s16], $0x4000  }
0x80: {  	[sflag:s16] =	ssyncset.done $0x0  }
0x81: {  	[sflag:s16] =	ssyncadd.s32 $0xFFFFC000  }
0x82: {  	[spmem:s2] =	stream.indirect.scatter.add.f32 [tilespmem:s15], [sflag:$0x2], $0x80, s23, s13, $0xb8;
	[tilespmem:$0x1E080] =	vst v63  }
0x83: {  	_ =	swait.ge [sflag:s11], $0x4000  }
0x84: {  	[sflag:s11] =	ssyncset.done $0x0  }
0x85: {  	[sflag:s11] =	ssyncadd.s32 $0xFFFFC000  }
0x86: {  	[tilespmem:s15], [sflag:$0x1] =	stream.indirect.gather [hbm4b:s0+s13], $0x80, s24, s13, $0xb8;
	[tilespmem:$0x1E080] =	vst v63  }
0x87: {  	_ =	swait.ge [sflag:s16], $0x4000  }
0x88: {  	[sflag:s16] =	ssyncset.done $0x0  }
0x89: {  	[sflag:s16] =	ssyncadd.s32 $0xFFFFC000  }
0x8a: {  	[spmem:s2] =	stream.indirect.scatter.add.f32 [tilespmem:s14], [sflag:$0x2], $0x80, s25, s13, $0xb8;
	[tilespmem:$0x1E080] =	vst v63  }
0x8b: {  	_ =	swait.ge [sflag:s11], $0x4000  }
0x8c: {  	[sflag:s11] =	ssyncset.done $0x0  }
0x8d: {  	[sflag:s11] =	ssyncadd.s32 $0xFFFFC000  }
0x8e: {  	[tilespmem:s14], [sflag:$0x1] =	stream.indirect.gather [hbm4b:s0+s13], $0x80, s26, s13, $0xb8;
	[tilespmem:$0x1E080] =	vst v63  }
0x8f: {  	_ =	swait.ge [sflag:s16], $0x4000  }
0x90: {  	[sflag:s16] =	ssyncset.done $0x0  }
0x91: {  	[sflag:s16] =	ssyncadd.s32 $0xFFFFC000  }
0x92: {  	[spmem:s2] =	stream.indirect.scatter.add.f32 [tilespmem:s15], [sflag:$0x2], $0x80, s28, s13, $0xb8;
	[tilespmem:$0x1E080] =	vst v63  }
0x93: {  	_ =	swait.ge [sflag:s11], $0x4000  }
0x94: {  	[sflag:s11] =	ssyncset.done $0x0  }
0x95: {  	[sflag:s11] =	ssyncadd.s32 $0xFFFFC000  }
0x96: {  	[tilespmem:s15], [sflag:$0x1] =	stream.indirect.gather [hbm4b:s0+s13], $0x80, s29, s13, $0xb8;
	[tilespmem:$0x1E080] =	vst v63  }
0x97: {  	_ =	swait.ge [sflag:s16], $0x4000  }
0x98: {  	[sflag:s16] =	ssyncset.done $0x0  }
0x99: {  	[sflag:s16] =	ssyncadd.s32 $0xFFFFC000  }
0x9a: {  	[spmem:s2] =	stream.indirect.scatter.add.f32 [tilespmem:s14], [sflag:$0x2], $0x80, s30, s13, $0xb8;
	[tilespmem:$0x1E080] =	vst v63  }
0x9b: {  	_ =	swait.ge [sflag:s11], $0x4000  }
0x9c: {  	[sflag:s11] =	ssyncset.done $0x0  }
0x9d: {  	[sflag:s11] =	ssyncadd.s32 $0xFFFFC000  }
0x9e: {  	[tilespmem:s14], [sflag:$0x1] =	stream.indirect.gather [hbm4b:s0+s13], $0x80, s31, s13, $0xb8;
	[tilespmem:$0x1E080] =	vst v63  }
0x9f: {  	_ =	swait.ge [sflag:s16], $0x4000  }
0xa0: {  	[sflag:s16] =	ssyncset.done $0x0  }
0xa1: {  	[sflag:s16] =	ssyncadd.s32 $0xFFFFC000  }
0xa2: {  	[spmem:s2] =	stream.indirect.scatter.add.f32 [tilespmem:s15], [sflag:$0x2], $0x80, s1, s13, $0xb8;
	[tilespmem:$0x1E080] =	vst v63  }
0xa3: {  	_ =	swait.ge [sflag:s11], $0x4000  }
0xa4: {  	[sflag:s11] =	ssyncset.done $0x0  }
0xa5: {  	[sflag:s11] =	ssyncadd.s32 $0xFFFFC000  }
0xa6: {  	[tilespmem:s15], [sflag:$0x1] =	stream.indirect.gather [hbm4b:s0+s13], $0x80, s4, s13, $0xb8;
	[tilespmem:$0x1E080] =	vst v63  }
0xa7: {  	_ =	swait.ge [sflag:s16], $0x4000  }
0xa8: {  	[sflag:s16] =	ssyncset.done $0x0  }
0xa9: {  	[sflag:s16] =	ssyncadd.s32 $0xFFFFC000  }
0xaa: {  	[spmem:s2] =	stream.indirect.scatter.add.f32 [tilespmem:s14], [sflag:$0x2], $0x80, s6, s13, $0xb8;
	[tilespmem:$0x1E080] =	vst v63  }
0xab: {  	_ =	swait.ge [sflag:s11], $0x4000  }
0xac: {  	[sflag:s11] =	ssyncset.done $0x0  }
0xad: {  	[sflag:s11] =	ssyncadd.s32 $0xFFFFC000  }
0xae: {  	_ =	swait.ge [sflag:s16], $0x4000  }
0xaf: {  	[sflag:s16] =	ssyncset.done $0x0  }
0xb0: {  	[sflag:s16] =	ssyncadd.s32 $0xFFFFC000  }
0xb1: {  	[spmem:s2] =	stream.indirect.scatter.add.f32 [tilespmem:s15], [sflag:$0x2], $0x80, s7, s13, $0xb8;
	[tilespmem:$0x1E080] =	vst v63  }
0xb2: {  	s5 =	simm.s32 $0x200;
	_ =	swait.ge [sflag:s11], $0x4000  }
0xb3: {  	s9 =	simm.s32 $0x100;
	s10 =	rddreg [dreg:$0x6];
	[sflag:s11] =	ssyncset.done $0x0  }
.LBB2_2:
0xb4: {  	[sflag:s11] =	ssyncadd.s32 $0xFFFFC000;
	s10 =	sadd.s32 s9, s10  }
0xb5: {  	[tilespmem:s3], [sflag:$0x2] =	stream.linear.gather [hbm4b:s10+s3], $0x800, $0x38;
	[tilespmem:$0x1E080] =	vst v63  }
0xb6: {  	_ =	swait.ge [sflag:s11], $0x800  }
0xb7: {  	s10 =	rddreg [dreg:$0x5];
	[sflag:s11] =	ssyncset.done $0x0  }
0xb8: {  	[sflag:s11] =	ssyncadd.s32 $0xFFFFF800;
	s10 =	sadd.s32 s9, s10  }
0xb9: {  	[tilespmem:s12], [sflag:$0x2] =	stream.linear.gather [hbm4b:s10+s3], $0x800, $0x38;
	[tilespmem:$0x1E080] =	vst v63  }
0xba: {  	_ =	swait.ge [sflag:s11], $0x800  }
0xbb: {  	[sflag:s11] =	ssyncset.done $0x0  }
0xbc: {  	[sflag:s11] =	ssyncadd.s32 $0xFFFFF800  }
0xbd: {  	[tilespmem:s14], [sflag:$0x1] =	stream.indirect.gather [hbm4b:s0+s13], $0x80, s3, s13, $0xb8;
	[tilespmem:$0x1E080] =	vst v63  }
0xbe: {  	_ = 	snop  }
0xbf: {  	[tilespmem:s15], [sflag:$0x1] =	stream.indirect.gather [hbm4b:s0+s13], $0x80, s13, s13, $0xb8;
	[tilespmem:$0x1E080] =	vst v63  }
0xc0: {  	_ =	swait.ge [sflag:s16], $0x4000  }
0xc1: {  	[sflag:s16] =	ssyncset.done $0x0  }
0xc2: {  	[sflag:s16] =	ssyncadd.s32 $0xFFFFC000  }
0xc3: {  	[spmem:s2] =	stream.indirect.scatter.add.f32 [tilespmem:s14], [sflag:$0x2], $0x80, s12, s13, $0xb8;
	[tilespmem:$0x1E080] =	vst v63  }
0xc4: {  	_ =	swait.ge [sflag:s11], $0x4000  }
0xc5: {  	[sflag:s11] =	ssyncset.done $0x0  }
0xc6: {  	s10 =	rddreg [dreg:$0x7];
	[sflag:s11] =	ssyncadd.s32 $0xFFFFC000  }
0xc7: {  	[tilespmem:s14], [sflag:$0x1] =	stream.indirect.gather [hbm4b:s0+s13], $0x80, s10, s13, $0xb8;
	[tilespmem:$0x1E080] =	vst v63  }
0xc8: {  	_ =	swait.ge [sflag:s16], $0x4000  }
0xc9: {  	[sflag:s16] =	ssyncset.done $0x0  }
0xca: {  	s10 =	rddreg [dreg:$0x8];
	[sflag:s16] =	ssyncadd.s32 $0xFFFFC000  }
0xcb: {  	[spmem:s2] =	stream.indirect.scatter.add.f32 [tilespmem:s15], [sflag:$0x2], $0x80, s10, s13, $0xb8;
	[tilespmem:$0x1E080] =	vst v63  }
0xcc: {  	_ =	swait.ge [sflag:s11], $0x4000  }
0xcd: {  	[sflag:s11] =	ssyncset.done $0x0  }
0xce: {  	s10 =	rddreg [dreg:$0x9];
	[sflag:s11] =	ssyncadd.s32 $0xFFFFC000  }
0xcf: {  	[tilespmem:s15], [sflag:$0x1] =	stream.indirect.gather [hbm4b:s0+s13], $0x80, s10, s13, $0xb8;
	[tilespmem:$0x1E080] =	vst v63  }
0xd0: {  	_ =	swait.ge [sflag:s16], $0x4000  }
0xd1: {  	[sflag:s16] =	ssyncset.done $0x0  }
0xd2: {  	s10 =	rddreg [dreg:$0xa];
	[sflag:s16] =	ssyncadd.s32 $0xFFFFC000  }
0xd3: {  	[spmem:s2] =	stream.indirect.scatter.add.f32 [tilespmem:s14], [sflag:$0x2], $0x80, s10, s13, $0xb8;
	[tilespmem:$0x1E080] =	vst v63  }
0xd4: {  	_ =	swait.ge [sflag:s11], $0x4000  }
0xd5: {  	[sflag:s11] =	ssyncset.done $0x0  }
0xd6: {  	s10 =	rddreg [dreg:$0xb];
	[sflag:s11] =	ssyncadd.s32 $0xFFFFC000  }
0xd7: {  	[tilespmem:s14], [sflag:$0x1] =	stream.indirect.gather [hbm4b:s0+s13], $0x80, s10, s13, $0xb8;
	[tilespmem:$0x1E080] =	vst v63  }
0xd8: {  	_ =	swait.ge [sflag:s16], $0x4000  }
0xd9: {  	[sflag:s16] =	ssyncset.done $0x0  }
0xda: {  	s10 =	rddreg [dreg:$0xc];
	[sflag:s16] =	ssyncadd.s32 $0xFFFFC000  }
0xdb: {  	[spmem:s2] =	stream.indirect.scatter.add.f32 [tilespmem:s15], [sflag:$0x2], $0x80, s10, s13, $0xb8;
	[tilespmem:$0x1E080] =	vst v63  }
0xdc: {  	_ =	swait.ge [sflag:s11], $0x4000  }
0xdd: {  	[sflag:s11] =	ssyncset.done $0x0  }
0xde: {  	s10 =	rddreg [dreg:$0xd];
	[sflag:s11] =	ssyncadd.s32 $0xFFFFC000  }
0xdf: {  	[tilespmem:s15], [sflag:$0x1] =	stream.indirect.gather [hbm4b:s0+s13], $0x80, s10, s13, $0xb8;
	[tilespmem:$0x1E080] =	vst v63  }
0xe0: {  	_ =	swait.ge [sflag:s16], $0x4000  }
0xe1: {  	[sflag:s16] =	ssyncset.done $0x0  }
0xe2: {  	s10 =	rddreg [dreg:$0xe];
	[sflag:s16] =	ssyncadd.s32 $0xFFFFC000  }
0xe3: {  	[spmem:s2] =	stream.indirect.scatter.add.f32 [tilespmem:s14], [sflag:$0x2], $0x80, s10, s13, $0xb8;
	[tilespmem:$0x1E080] =	vst v63  }
0xe4: {  	_ =	swait.ge [sflag:s11], $0x4000  }
0xe5: {  	[sflag:s11] =	ssyncset.done $0x0  }
0xe6: {  	s10 =	rddreg [dreg:$0xf];
	[sflag:s11] =	ssyncadd.s32 $0xFFFFC000  }
0xe7: {  	[tilespmem:s14], [sflag:$0x1] =	stream.indirect.gather [hbm4b:s0+s13], $0x80, s10, s13, $0xb8;
	[tilespmem:$0x1E080] =	vst v63  }
0xe8: {  	_ =	swait.ge [sflag:s16], $0x4000  }
0xe9: {  	[sflag:s16] =	ssyncset.done $0x0  }
0xea: {  	s10 =	rddreg [dreg:$0x10];
	[sflag:s16] =	ssyncadd.s32 $0xFFFFC000  }
0xeb: {  	[spmem:s2] =	stream.indirect.scatter.add.f32 [tilespmem:s15], [sflag:$0x2], $0x80, s10, s13, $0xb8;
	[tilespmem:$0x1E080] =	vst v63  }
0xec: {  	_ =	swait.ge [sflag:s11], $0x4000  }
0xed: {  	[sflag:s11] =	ssyncset.done $0x0  }
0xee: {  	s10 =	rddreg [dreg:$0x11];
	[sflag:s11] =	ssyncadd.s32 $0xFFFFC000  }
0xef: {  	[tilespmem:s15], [sflag:$0x1] =	stream.indirect.gather [hbm4b:s0+s13], $0x80, s10, s13, $0xb8;
	[tilespmem:$0x1E080] =	vst v63  }
0xf0: {  	_ =	swait.ge [sflag:s16], $0x4000  }
0xf1: {  	[sflag:s16] =	ssyncset.done $0x0  }
0xf2: {  	[sflag:s16] =	ssyncadd.s32 $0xFFFFC000  }
0xf3: {  	[spmem:s2] =	stream.indirect.scatter.add.f32 [tilespmem:s14], [sflag:$0x2], $0x80, s17, s13, $0xb8;
	[tilespmem:$0x1E080] =	vst v63  }
0xf4: {  	_ =	swait.ge [sflag:s11], $0x4000  }
0xf5: {  	[sflag:s11] =	ssyncset.done $0x0  }
0xf6: {  	[sflag:s11] =	ssyncadd.s32 $0xFFFFC000  }
0xf7: {  	[tilespmem:s14], [sflag:$0x1] =	stream.indirect.gather [hbm4b:s0+s13], $0x80, s18, s13, $0xb8;
	[tilespmem:$0x1E080] =	vst v63  }
0xf8: {  	_ =	swait.ge [sflag:s16], $0x4000  }
0xf9: {  	[sflag:s16] =	ssyncset.done $0x0  }
0xfa: {  	[sflag:s16] =	ssyncadd.s32 $0xFFFFC000  }
0xfb: {  	[spmem:s2] =	stream.indirect.scatter.add.f32 [tilespmem:s15], [sflag:$0x2], $0x80, s19, s13, $0xb8;
	[tilespmem:$0x1E080] =	vst v63  }
0xfc: {  	_ =	swait.ge [sflag:s11], $0x4000  }
0xfd: {  	[sflag:s11] =	ssyncset.done $0x0  }
0xfe: {  	[sflag:s11] =	ssyncadd.s32 $0xFFFFC000  }
0xff: {  	[tilespmem:s15], [sflag:$0x1] =	stream.indirect.gather [hbm4b:s0+s13], $0x80, s20, s13, $0xb8;
	[tilespmem:$0x1E080] =	vst v63  }
0x100: {  	_ =	swait.ge [sflag:s16], $0x4000  }
0x101: {  	[sflag:s16] =	ssyncset.done $0x0  }
0x102: {  	[sflag:s16] =	ssyncadd.s32 $0xFFFFC000  }
0x103: {  	[spmem:s2] =	stream.indirect.scatter.add.f32 [tilespmem:s14], [sflag:$0x2], $0x80, s21, s13, $0xb8;
	[tilespmem:$0x1E080] =	vst v63  }
0x104: {  	_ =	swait.ge [sflag:s11], $0x4000  }
0x105: {  	[sflag:s11] =	ssyncset.done $0x0  }
0x106: {  	[sflag:s11] =	ssyncadd.s32 $0xFFFFC000  }
0x107: {  	[tilespmem:s14], [sflag:$0x1] =	stream.indirect.gather [hbm4b:s0+s13], $0x80, s22, s13, $0xb8;
	[tilespmem:$0x1E080] =	vst v63  }
0x108: {  	_ =	swait.ge [sflag:s16], $0x4000  }
0x109: {  	[sflag:s16] =	ssyncset.done $0x0  }
0x10a: {  	[sflag:s16] =	ssyncadd.s32 $0xFFFFC000  }
0x10b: {  	[spmem:s2] =	stream.indirect.scatter.add.f32 [tilespmem:s15], [sflag:$0x2], $0x80, s23, s13, $0xb8;
	[tilespmem:$0x1E080] =	vst v63  }
0x10c: {  	_ =	swait.ge [sflag:s11], $0x4000  }
0x10d: {  	[sflag:s11] =	ssyncset.done $0x0  }
0x10e: {  	[sflag:s11] =	ssyncadd.s32 $0xFFFFC000  }
0x10f: {  	[tilespmem:s15], [sflag:$0x1] =	stream.indirect.gather [hbm4b:s0+s13], $0x80, s24, s13, $0xb8;
	[tilespmem:$0x1E080] =	vst v63  }
0x110: {  	_ =	swait.ge [sflag:s16], $0x4000  }
0x111: {  	[sflag:s16] =	ssyncset.done $0x0  }
0x112: {  	[sflag:s16] =	ssyncadd.s32 $0xFFFFC000  }
0x113: {  	[spmem:s2] =	stream.indirect.scatter.add.f32 [tilespmem:s14], [sflag:$0x2], $0x80, s25, s13, $0xb8;
	[tilespmem:$0x1E080] =	vst v63  }
0x114: {  	_ =	swait.ge [sflag:s11], $0x4000  }
0x115: {  	[sflag:s11] =	ssyncset.done $0x0  }
0x116: {  	[sflag:s11] =	ssyncadd.s32 $0xFFFFC000  }
0x117: {  	[tilespmem:s14], [sflag:$0x1] =	stream.indirect.gather [hbm4b:s0+s13], $0x80, s26, s13, $0xb8;
	[tilespmem:$0x1E080] =	vst v63  }
0x118: {  	_ =	swait.ge [sflag:s16], $0x4000  }
0x119: {  	[sflag:s16] =	ssyncset.done $0x0  }
0x11a: {  	[sflag:s16] =	ssyncadd.s32 $0xFFFFC000  }
0x11b: {  	[spmem:s2] =	stream.indirect.scatter.add.f32 [tilespmem:s15], [sflag:$0x2], $0x80, s28, s13, $0xb8;
	[tilespmem:$0x1E080] =	vst v63  }
0x11c: {  	_ =	swait.ge [sflag:s11], $0x4000  }
0x11d: {  	[sflag:s11] =	ssyncset.done $0x0  }
0x11e: {  	[sflag:s11] =	ssyncadd.s32 $0xFFFFC000  }
0x11f: {  	[tilespmem:s15], [sflag:$0x1] =	stream.indirect.gather [hbm4b:s0+s13], $0x80, s29, s13, $0xb8;
	[tilespmem:$0x1E080] =	vst v63  }
0x120: {  	_ =	swait.ge [sflag:s16], $0x4000  }
0x121: {  	[sflag:s16] =	ssyncset.done $0x0  }
0x122: {  	[sflag:s16] =	ssyncadd.s32 $0xFFFFC000  }
0x123: {  	[spmem:s2] =	stream.indirect.scatter.add.f32 [tilespmem:s14], [sflag:$0x2], $0x80, s30, s13, $0xb8;
	[tilespmem:$0x1E080] =	vst v63  }
0x124: {  	_ =	swait.ge [sflag:s11], $0x4000  }
0x125: {  	[sflag:s11] =	ssyncset.done $0x0  }
0x126: {  	[sflag:s11] =	ssyncadd.s32 $0xFFFFC000  }
0x127: {  	[tilespmem:s14], [sflag:$0x1] =	stream.indirect.gather [hbm4b:s0+s13], $0x80, s31, s13, $0xb8;
	[tilespmem:$0x1E080] =	vst v63  }
0x128: {  	_ =	swait.ge [sflag:s16], $0x4000  }
0x129: {  	[sflag:s16] =	ssyncset.done $0x0  }
0x12a: {  	[sflag:s16] =	ssyncadd.s32 $0xFFFFC000  }
0x12b: {  	[spmem:s2] =	stream.indirect.scatter.add.f32 [tilespmem:s15], [sflag:$0x2], $0x80, s1, s13, $0xb8;
	[tilespmem:$0x1E080] =	vst v63  }
0x12c: {  	_ =	swait.ge [sflag:s11], $0x4000  }
0x12d: {  	[sflag:s11] =	ssyncset.done $0x0  }
0x12e: {  	[sflag:s11] =	ssyncadd.s32 $0xFFFFC000  }
0x12f: {  	[tilespmem:s15], [sflag:$0x1] =	stream.indirect.gather [hbm4b:s0+s13], $0x80, s4, s13, $0xb8;
	[tilespmem:$0x1E080] =	vst v63  }
0x130: {  	_ =	swait.ge [sflag:s16], $0x4000  }
0x131: {  	[sflag:s16] =	ssyncset.done $0x0  }
0x132: {  	[sflag:s16] =	ssyncadd.s32 $0xFFFFC000  }
0x133: {  	[spmem:s2] =	stream.indirect.scatter.add.f32 [tilespmem:s14], [sflag:$0x2], $0x80, s6, s13, $0xb8;
	[tilespmem:$0x1E080] =	vst v63  }
0x134: {  	_ =	swait.ge [sflag:s11], $0x4000  }
0x135: {  	[sflag:s11] =	ssyncset.done $0x0  }
0x136: {  	[sflag:s11] =	ssyncadd.s32 $0xFFFFC000  }
0x137: {  	p1 =	sne.s32 s5, $0x400;
	_ =	swait.ge [sflag:s16], $0x4000  }
.Ltmp0:
0x138: {  	[sflag:s16] =	ssyncset.done $0x0;
	(pc) =	sbr.rel @p1 .LBB2_2-.Ltmp0, $4  }
0x139: {  	[sflag:s16] =	ssyncadd.s32 $0xFFFFC000  }
0x13a: {  	[spmem:s2] =	stream.indirect.scatter.add.f32 [tilespmem:s15], [sflag:$0x2], $0x80, s7, s13, $0xb8;
	[tilespmem:$0x1E080] =	vst v63  }
0x13b: {  	s8 =	smov.u32 s5;
	s5 =	sadd.s32 $0x100, s5;
	_ =	swait.ge [sflag:s11], $0x4000  }
0x13c: {  	s9 =	smov.u32 s8;
	s10 =	rddreg [dreg:$0x6];
	[sflag:s11] =	ssyncset.done $0x0  }
0x13d: {  	[sflag:s11] =	ssyncadd.s32 $0xFFFFC000;
	s5 =	sadd.s32 s9, s10  }
0x13e: {  	[tilespmem:s3], [sflag:$0x2] =	stream.linear.gather [hbm4b:s5+s3], $0x800, $0x38;
	[tilespmem:$0x1E080] =	vst v63  }
0x13f: {  	_ =	swait.ge [sflag:s11], $0x800  }
0x140: {  	s10 =	rddreg [dreg:$0x5];
	[sflag:s11] =	ssyncset.done $0x0  }
0x141: {  	[sflag:s11] =	ssyncadd.s32 $0xFFFFF800;
	s5 =	sadd.s32 s9, s10  }
0x142: {  	[tilespmem:s12], [sflag:$0x2] =	stream.linear.gather [hbm4b:s5+s3], $0x800, $0x38;
	[tilespmem:$0x1E080] =	vst v63  }
0x143: {  	_ =	swait.ge [sflag:s11], $0x800  }
0x144: {  	[sflag:s11] =	ssyncset.done $0x0  }
0x145: {  	[sflag:s11] =	ssyncadd.s32 $0xFFFFF800  }
0x146: {  	[tilespmem:s14], [sflag:$0x1] =	stream.indirect.gather [hbm4b:s0+s13], $0x80, s3, s13, $0xb8;
	[tilespmem:$0x1E080] =	vst v63  }
0x147: {  	_ = 	snop  }
0x148: {  	[tilespmem:s15], [sflag:$0x1] =	stream.indirect.gather [hbm4b:s0+s13], $0x80, s13, s13, $0xb8;
	[tilespmem:$0x1E080] =	vst v63  }
0x149: {  	_ =	swait.ge [sflag:s16], $0x4000  }
0x14a: {  	[sflag:s16] =	ssyncset.done $0x0  }
0x14b: {  	[sflag:s16] =	ssyncadd.s32 $0xFFFFC000  }
0x14c: {  	[spmem:s2] =	stream.indirect.scatter.add.f32 [tilespmem:s14], [sflag:$0x2], $0x80, s12, s13, $0xb8;
	[tilespmem:$0x1E080] =	vst v63  }
0x14d: {  	_ =	swait.ge [sflag:s11], $0x4000  }
0x14e: {  	[sflag:s11] =	ssyncset.done $0x0  }
0x14f: {  	s8 =	rddreg [dreg:$0x7];
	[sflag:s11] =	ssyncadd.s32 $0xFFFFC000  }
0x150: {  	[tilespmem:s14], [sflag:$0x1] =	stream.indirect.gather [hbm4b:s0+s13], $0x80, s8, s13, $0xb8;
	[tilespmem:$0x1E080] =	vst v63  }
0x151: {  	_ =	swait.ge [sflag:s16], $0x4000  }
0x152: {  	[sflag:s16] =	ssyncset.done $0x0  }
0x153: {  	s9 =	rddreg [dreg:$0x8];
	[sflag:s16] =	ssyncadd.s32 $0xFFFFC000  }
0x154: {  	[spmem:s2] =	stream.indirect.scatter.add.f32 [tilespmem:s15], [sflag:$0x2], $0x80, s9, s13, $0xb8;
	[tilespmem:$0x1E080] =	vst v63  }
0x155: {  	_ =	swait.ge [sflag:s11], $0x4000  }
0x156: {  	[sflag:s11] =	ssyncset.done $0x0  }
0x157: {  	s10 =	rddreg [dreg:$0x9];
	[sflag:s11] =	ssyncadd.s32 $0xFFFFC000  }
0x158: {  	[tilespmem:s15], [sflag:$0x1] =	stream.indirect.gather [hbm4b:s0+s13], $0x80, s10, s13, $0xb8;
	[tilespmem:$0x1E080] =	vst v63  }
0x159: {  	_ =	swait.ge [sflag:s16], $0x4000  }
0x15a: {  	[sflag:s16] =	ssyncset.done $0x0  }
0x15b: {  	s8 =	rddreg [dreg:$0xa];
	[sflag:s16] =	ssyncadd.s32 $0xFFFFC000  }
0x15c: {  	[spmem:s2] =	stream.indirect.scatter.add.f32 [tilespmem:s14], [sflag:$0x2], $0x80, s8, s13, $0xb8;
	[tilespmem:$0x1E080] =	vst v63  }
0x15d: {  	_ =	swait.ge [sflag:s11], $0x4000  }
0x15e: {  	[sflag:s11] =	ssyncset.done $0x0  }
0x15f: {  	s9 =	rddreg [dreg:$0xb];
	[sflag:s11] =	ssyncadd.s32 $0xFFFFC000  }
0x160: {  	[tilespmem:s14], [sflag:$0x1] =	stream.indirect.gather [hbm4b:s0+s13], $0x80, s9, s13, $0xb8;
	[tilespmem:$0x1E080] =	vst v63  }
0x161: {  	_ =	swait.ge [sflag:s16], $0x4000  }
0x162: {  	[sflag:s16] =	ssyncset.done $0x0  }
0x163: {  	s10 =	rddreg [dreg:$0xc];
	[sflag:s16] =	ssyncadd.s32 $0xFFFFC000  }
0x164: {  	[spmem:s2] =	stream.indirect.scatter.add.f32 [tilespmem:s15], [sflag:$0x2], $0x80, s10, s13, $0xb8;
	[tilespmem:$0x1E080] =	vst v63  }
0x165: {  	_ =	swait.ge [sflag:s11], $0x4000  }
0x166: {  	[sflag:s11] =	ssyncset.done $0x0  }
0x167: {  	s8 =	rddreg [dreg:$0xd];
	[sflag:s11] =	ssyncadd.s32 $0xFFFFC000  }
0x168: {  	[tilespmem:s15], [sflag:$0x1] =	stream.indirect.gather [hbm4b:s0+s13], $0x80, s8, s13, $0xb8;
	[tilespmem:$0x1E080] =	vst v63  }
0x169: {  	_ =	swait.ge [sflag:s16], $0x4000  }
0x16a: {  	[sflag:s16] =	ssyncset.done $0x0  }
0x16b: {  	s9 =	rddreg [dreg:$0xe];
	[sflag:s16] =	ssyncadd.s32 $0xFFFFC000  }
0x16c: {  	[spmem:s2] =	stream.indirect.scatter.add.f32 [tilespmem:s14], [sflag:$0x2], $0x80, s9, s13, $0xb8;
	[tilespmem:$0x1E080] =	vst v63  }
0x16d: {  	_ =	swait.ge [sflag:s11], $0x4000  }
0x16e: {  	[sflag:s11] =	ssyncset.done $0x0  }
0x16f: {  	s10 =	rddreg [dreg:$0xf];
	[sflag:s11] =	ssyncadd.s32 $0xFFFFC000  }
0x170: {  	[tilespmem:s14], [sflag:$0x1] =	stream.indirect.gather [hbm4b:s0+s13], $0x80, s10, s13, $0xb8;
	[tilespmem:$0x1E080] =	vst v63  }
0x171: {  	_ =	swait.ge [sflag:s16], $0x4000  }
0x172: {  	[sflag:s16] =	ssyncset.done $0x0  }
0x173: {  	s8 =	rddreg [dreg:$0x10];
	[sflag:s16] =	ssyncadd.s32 $0xFFFFC000  }
0x174: {  	[spmem:s2] =	stream.indirect.scatter.add.f32 [tilespmem:s15], [sflag:$0x2], $0x80, s8, s13, $0xb8;
	[tilespmem:$0x1E080] =	vst v63  }
0x175: {  	_ =	swait.ge [sflag:s11], $0x4000  }
0x176: {  	[sflag:s11] =	ssyncset.done $0x0  }
0x177: {  	s9 =	rddreg [dreg:$0x11];
	[sflag:s11] =	ssyncadd.s32 $0xFFFFC000  }
0x178: {  	[tilespmem:s15], [sflag:$0x1] =	stream.indirect.gather [hbm4b:s0+s13], $0x80, s9, s13, $0xb8;
	[tilespmem:$0x1E080] =	vst v63  }
0x179: {  	_ =	swait.ge [sflag:s16], $0x4000  }
0x17a: {  	[sflag:s16] =	ssyncset.done $0x0  }
0x17b: {  	[sflag:s16] =	ssyncadd.s32 $0xFFFFC000  }
0x17c: {  	[spmem:s2] =	stream.indirect.scatter.add.f32 [tilespmem:s14], [sflag:$0x2], $0x80, s17, s13, $0xb8;
	[tilespmem:$0x1E080] =	vst v63  }
0x17d: {  	_ =	swait.ge [sflag:s11], $0x4000  }
0x17e: {  	[sflag:s11] =	ssyncset.done $0x0  }
0x17f: {  	[sflag:s11] =	ssyncadd.s32 $0xFFFFC000  }
0x180: {  	[tilespmem:s14], [sflag:$0x1] =	stream.indirect.gather [hbm4b:s0+s13], $0x80, s18, s13, $0xb8;
	[tilespmem:$0x1E080] =	vst v63  }
0x181: {  	_ =	swait.ge [sflag:s16], $0x4000  }
0x182: {  	[sflag:s16] =	ssyncset.done $0x0  }
0x183: {  	[sflag:s16] =	ssyncadd.s32 $0xFFFFC000  }
0x184: {  	[spmem:s2] =	stream.indirect.scatter.add.f32 [tilespmem:s15], [sflag:$0x2], $0x80, s19, s13, $0xb8;
	[tilespmem:$0x1E080] =	vst v63  }
0x185: {  	_ =	swait.ge [sflag:s11], $0x4000  }
0x186: {  	[sflag:s11] =	ssyncset.done $0x0  }
0x187: {  	[sflag:s11] =	ssyncadd.s32 $0xFFFFC000  }
0x188: {  	[tilespmem:s15], [sflag:$0x1] =	stream.indirect.gather [hbm4b:s0+s13], $0x80, s20, s13, $0xb8;
	[tilespmem:$0x1E080] =	vst v63  }
0x189: {  	_ =	swait.ge [sflag:s16], $0x4000  }
0x18a: {  	[sflag:s16] =	ssyncset.done $0x0  }
0x18b: {  	[sflag:s16] =	ssyncadd.s32 $0xFFFFC000  }
0x18c: {  	[spmem:s2] =	stream.indirect.scatter.add.f32 [tilespmem:s14], [sflag:$0x2], $0x80, s21, s13, $0xb8;
	[tilespmem:$0x1E080] =	vst v63  }
0x18d: {  	_ =	swait.ge [sflag:s11], $0x4000  }
0x18e: {  	[sflag:s11] =	ssyncset.done $0x0  }
0x18f: {  	[sflag:s11] =	ssyncadd.s32 $0xFFFFC000  }
0x190: {  	[tilespmem:s14], [sflag:$0x1] =	stream.indirect.gather [hbm4b:s0+s13], $0x80, s22, s13, $0xb8;
	[tilespmem:$0x1E080] =	vst v63  }
0x191: {  	_ =	swait.ge [sflag:s16], $0x4000  }
0x192: {  	[sflag:s16] =	ssyncset.done $0x0  }
0x193: {  	[sflag:s16] =	ssyncadd.s32 $0xFFFFC000  }
0x194: {  	[spmem:s2] =	stream.indirect.scatter.add.f32 [tilespmem:s15], [sflag:$0x2], $0x80, s23, s13, $0xb8;
	[tilespmem:$0x1E080] =	vst v63  }
0x195: {  	_ =	swait.ge [sflag:s11], $0x4000  }
0x196: {  	[sflag:s11] =	ssyncset.done $0x0  }
0x197: {  	[sflag:s11] =	ssyncadd.s32 $0xFFFFC000  }
0x198: {  	[tilespmem:s15], [sflag:$0x1] =	stream.indirect.gather [hbm4b:s0+s13], $0x80, s24, s13, $0xb8;
	[tilespmem:$0x1E080] =	vst v63  }
0x199: {  	_ =	swait.ge [sflag:s16], $0x4000  }
0x19a: {  	[sflag:s16] =	ssyncset.done $0x0  }
0x19b: {  	[sflag:s16] =	ssyncadd.s32 $0xFFFFC000  }
0x19c: {  	[spmem:s2] =	stream.indirect.scatter.add.f32 [tilespmem:s14], [sflag:$0x2], $0x80, s25, s13, $0xb8;
	[tilespmem:$0x1E080] =	vst v63  }
0x19d: {  	_ =	swait.ge [sflag:s11], $0x4000  }
0x19e: {  	[sflag:s11] =	ssyncset.done $0x0  }
0x19f: {  	[sflag:s11] =	ssyncadd.s32 $0xFFFFC000  }
0x1a0: {  	[tilespmem:s14], [sflag:$0x1] =	stream.indirect.gather [hbm4b:s0+s13], $0x80, s26, s13, $0xb8;
	[tilespmem:$0x1E080] =	vst v63  }
0x1a1: {  	_ =	swait.ge [sflag:s16], $0x4000  }
0x1a2: {  	[sflag:s16] =	ssyncset.done $0x0  }
0x1a3: {  	[sflag:s16] =	ssyncadd.s32 $0xFFFFC000  }
0x1a4: {  	[spmem:s2] =	stream.indirect.scatter.add.f32 [tilespmem:s15], [sflag:$0x2], $0x80, s28, s13, $0xb8;
	[tilespmem:$0x1E080] =	vst v63  }
0x1a5: {  	_ =	swait.ge [sflag:s11], $0x4000  }
0x1a6: {  	[sflag:s11] =	ssyncset.done $0x0  }
0x1a7: {  	[sflag:s11] =	ssyncadd.s32 $0xFFFFC000  }
0x1a8: {  	[tilespmem:s15], [sflag:$0x1] =	stream.indirect.gather [hbm4b:s0+s13], $0x80, s29, s13, $0xb8;
	[tilespmem:$0x1E080] =	vst v63  }
0x1a9: {  	_ =	swait.ge [sflag:s16], $0x4000  }
0x1aa: {  	[sflag:s16] =	ssyncset.done $0x0  }
0x1ab: {  	[sflag:s16] =	ssyncadd.s32 $0xFFFFC000  }
0x1ac: {  	[spmem:s2] =	stream.indirect.scatter.add.f32 [tilespmem:s14], [sflag:$0x2], $0x80, s30, s13, $0xb8;
	[tilespmem:$0x1E080] =	vst v63  }
0x1ad: {  	_ =	swait.ge [sflag:s11], $0x4000  }
0x1ae: {  	[sflag:s11] =	ssyncset.done $0x0  }
0x1af: {  	[sflag:s11] =	ssyncadd.s32 $0xFFFFC000  }
0x1b0: {  	[tilespmem:s14], [sflag:$0x1] =	stream.indirect.gather [hbm4b:s0+s13], $0x80, s31, s13, $0xb8;
	[tilespmem:$0x1E080] =	vst v63  }
0x1b1: {  	_ =	swait.ge [sflag:s16], $0x4000  }
0x1b2: {  	[sflag:s16] =	ssyncset.done $0x0  }
0x1b3: {  	[sflag:s16] =	ssyncadd.s32 $0xFFFFC000  }
0x1b4: {  	[spmem:s2] =	stream.indirect.scatter.add.f32 [tilespmem:s15], [sflag:$0x2], $0x80, s1, s13, $0xb8;
	[tilespmem:$0x1E080] =	vst v63  }
0x1b5: {  	_ =	swait.ge [sflag:s11], $0x4000  }
0x1b6: {  	[sflag:s11] =	ssyncset.done $0x0  }
0x1b7: {  	[sflag:s11] =	ssyncadd.s32 $0xFFFFC000  }
0x1b8: {  	[tilespmem:s15], [sflag:$0x1] =	stream.indirect.gather [hbm4b:s0+s13], $0x80, s4, s13, $0xb8;
	[tilespmem:$0x1E080] =	vst v63  }
0x1b9: {  	_ =	swait.ge [sflag:s16], $0x4000  }
0x1ba: {  	[sflag:s16] =	ssyncset.done $0x0  }
0x1bb: {  	[sflag:s16] =	ssyncadd.s32 $0xFFFFC000  }
0x1bc: {  	[spmem:s2] =	stream.indirect.scatter.add.f32 [tilespmem:s14], [sflag:$0x2], $0x80, s6, s13, $0xb8;
	[tilespmem:$0x1E080] =	vst v63  }
0x1bd: {  	_ =	swait.ge [sflag:s11], $0x4000  }
0x1be: {  	[sflag:s11] =	ssyncset.done $0x0  }
0x1bf: {  	[sflag:s11] =	ssyncadd.s32 $0xFFFFC000  }
0x1c0: {  	_ =	swait.ge [sflag:s16], $0x4000  }
0x1c1: {  	[sflag:s16] =	ssyncset.done $0x0  }
0x1c2: {  	[sflag:s16] =	ssyncadd.s32 $0xFFFFC000  }
0x1c3: {  	[spmem:s2] =	stream.indirect.scatter.add.f32 [tilespmem:s15], [sflag:$0x2], $0x80, s7, s13, $0xb8;
	[tilespmem:$0x1E080] =	vst v63  }
0x1c4: {  	_ =	swait.ge [sflag:s11], $0x4000  }
0x1c5: {  	[sflag:s11] =	ssyncset.done $0x0  }
0x1c6: {  	[sflag:s11] =	ssyncadd.s32 $0xFFFFC000  }
0x1c7: {  	[bflag:$0x0] =	sbarrier.arrive $0xFFFF  }
0x1c8: {  	s5 =	simm.s32 @!p0 $0x0;
	s8 =	simm.s32 @!p0 $0x9000;
	s9 =	rddreg [dreg:$0x14]  }
0x1c9: {  	[tilespmem:s8], [sflag:$0x2] =	stream.linear.gather @!p0 [hbm4b:s9+s5], $0x80, $0x38;
	[tilespmem:$0x1E080] =	vst v63  }
0x1ca: {  	s5 =	simm.s32 @!p0 $0x2  }
0x1cb: {  	_ =	swait.ge @!p0 [sflag:s5], $0x80  }
0x1cc: {  	[sflag:s5] =	ssyncset.done @!p0 $0x0  }
0x1cd: {  	s9 =	simm.s32 @!p0 $0x9080;
	s10 =	rddreg [dreg:$0x15];
	[sflag:s5] =	ssyncadd.s32 @!p0 $0xFFFFFF80  }
0x1ce: {  	[tilespmem:s9], [sflag:$0x2] =	stream.linear.gather @!p0 [spmem:s10], $0x1000, $0x38;
	[tilespmem:$0x1E080] =	vst v63  }
0x1cf: {  	_ =	swait.ge @!p0 [sflag:s5], $0x1000  }
0x1d0: {  	[sflag:s5] =	ssyncset.done @!p0 $0x0  }
0x1d1: {  	s10 =	simm.s32 @!p0 $0x20;
	[sflag:s5] =	ssyncadd.s32 @!p0 $0xFFFFF000  }
0x1d2: {  	[spmem:s2] =	stream.indirect.scatter.add.f32 @!p0 [tilespmem:s9], [sflag:$0x2], $0x80, s8, s10, $0xb8;
	[tilespmem:$0x1E080] =	vst v63  }
0x1d3: {  	_ =	swait.ge @!p0 [sflag:s5], $0x1000  }
0x1d4: {  	[sflag:s5] =	ssyncset.done @!p0 $0x0  }
0x1d5: {  	[sflag:s5] =	ssyncadd.s32 @!p0 $0xFFFFF000  }
0x1d6: {  	[bflag:$0x0] =	sbarrier.arrive $0xFFFF  }
0x1d7: {  	s9 =	rddreg [dreg:$0x13]  }
0x1d8: {  	s10 =	rddreg [dreg:$0x16]  }
0x1d9: {  	s8 =	rddreg [dreg:$0x18]  }
0x1da: {  	[hbm:s10], [sflag:s9] =	dma.local [spmem:s8], $0x2800  }
0x1db: {  	_ =	swait.ge [sflag:s11], $0x2800  }
0x1dc: {  	s5 =	rddreg [dreg:$0x19]  }
0x1dd: {  	s10 =	sadd.s32 $0x1, s5;
	s5 =	rddreg [dreg:$0x17]  }
0x1de: {  	p1 =	sne.s32 s10, s5  }
.Ltmp1:
0x1df: {  	_ = 	snop;
	(pc) =	sbr.rel @p1 .LBB2_1-.Ltmp1, $3  }
0x1e0: {  	_ =	sdelay $0x1  }
0x1e1: {  	[sflag:s11] =	ssyncset.done $0x0  }
0x1e2: {  	[sflag:s11] =	ssyncadd.s32 $0xFFFFD800  }
0x1e3: {  	_ =	sfence.sel $0x180000  }
0x1e4: {  	[bflag:$0x0] =	sbarrier.arrive $0xFFFF  }
0x1e5: {  	_ =	strace $0x90000056  }
0x1e6: {  	[bflag:$0x2] =	sbarrier.arrive $0xFFFF  }
0x1e7: {  	s0 =	rddreg [dreg:$0x4]  }
0x1e8: {  	s0 =	sadd.s32 @!p0 $0x100000, s0  }
0x1e9: {  	[sflag:s0] =	ssyncadd.tile.s32 @!p0 $0x1;
	_ =	shalt  }
.Lfunc_end2:
_tile_overlayer_lowered:
.L_overlay_start_2:
0x1ea: {  	(tag) =	ssettag $0x2  }
0x1eb: {  	s0 =	rddreg [dreg:$0x0];
	s2 =	stileid.u32  }
0x1ec: {  	s1 =	rddreg [dreg:$0x1];
	p0 =	sne.s32 s2, $0x0  }
0x1ed: {  	s3 =	rddreg [dreg:$0x2];
	[bflag:$0x3] =	sbarrier.arrive $0xFFFF;
	s2 =	simm.s32 @!p0 $0x1C02  }
0x1ee: {  	[timem:s3], [sflag:s2] =	dma.local @!p0 [hbm:s0], s1  }
0x1ef: {  	s0 =	simm.s32 @!p0 $0x2  }
0x1f0: {  	_ =	swait.ge @!p0 [sflag:s0], s1  }
0x1f1: {  	s1 =	ssub.s32 @!p0 $0x0, s1;
	[sflag:s0] =	ssyncset.done @!p0 $0x0  }
0x1f2: {  	[sflag:s0] =	ssyncadd.s32 @!p0 s1  }
0x1f3: {  	[bflag:$0x3] =	sbarrier.arrive $0xFFFF  }
0x1f4: {  	_ =	shalt  }

// kernel: kernel.24.cloned.1.call-start
scs
__scs_entry_jumppad:
0x0: {  	(pc) =	sbr.rel $0x88, $3  }
0x1: {  	(tag) =	ssettag $0x0;
	lr =	simm.s32 $0x1  }
0x2: {  	[smem:$0x3F96] =	sst lr;
	_ =	strace $0xD0000000  }
0x3: {  	_ = 	snop  }
0x4: {  	_ = 	snop  }
0x5: {  	_ = 	snop  }
0x6: {  	_ = 	snop  }
0x7: {  	_ = 	snop  }
__scs_overlays_trampoline_lowered:
0x8: {  	[smem:$0x3FA5] =	sst s0  }
0x9: {  	[smem:$0x3FA6] =	sst s1  }
0xa: {  	[smem:$0x3FA7] =	sst s2  }
0xb: {  	[smem:$0x3FA8] =	sst s3  }
0xc: {  	[smem:$0x3FA9] =	sst s4  }
0xd: {  	[smem:$0x3FAA] =	sst s5  }
0xe: {  	[smem:$0x3FAB] =	sst s6  }
0xf: {  	[smem:$0x3FAC] =	sst s7  }
0x10: {  	[smem:$0x3FAD] =	sst s8  }
0x11: {  	[smem:$0x3FAE] =	sst s9;
	s0 =	simm.s32 @!p0 $0x0  }
0x12: {  	s1 =	sld [smem:$0x3F94];
	s0 =	simm.s32 @p0 $0x1  }
0x13: {  	[smem:$0x3FAF] =	sst s0;
	s0 =	simm.s32 @!p1 $0x0  }
0x14: {  	s2 =	sld [smem:$0x3F93];
	s0 =	simm.s32 @p1 $0x1  }
0x15: {  	[smem:$0x3FB0] =	sst s0;
	s0 =	simm.s32 @!p2 $0x0  }
0x16: {  	s3 =	sld [smem:$0x3FDB];
	s0 =	simm.s32 @p2 $0x1  }
0x17: {  	s4 =	simm.s32 $0x1BF5;
	[smem:$0x3FB2] =	sst s0  }
0x18: {  	s0 =	sld [smem:$0x3F95];
	_ =	swait.ge [sflag:s4], $0x0  }
0x19: {  	s7 =	sld [smem:$0x3F96]  }
0x1a: {  	s8 =	sadd.s32 $0xFFFFE003, lr  }
0x1b: {  	s9 =	sadd.s32 $0xFFFFFEF7, lr;
	s5 =	simm.s32 $0xFFFFFFFF;
	p2 =	slt.u32 s8, $0xFFFFF086  }
0x1c: {  	p1 =	slt.u32 s9, $0xF7A;
	s5 =	simm.s32 @!p2 $0x0  }
0x1d: {  	s5 =	simm.s32 @p1 $0x1;
	p0 =	seq.s32 s7, s2  }
0x1e: {  	s7 =	smul.u32 @!p0 $0xF7A, s2;
	p2 =	seq.s32 @!p0 s5, $0x0  }
0x1f: {  	s9 =	smul.u32 $0xF7A, s1;
	s8 =	simm.s32 @!p0 $0x1BF5;
	p2 =	por !p2, p0  }
0x20: {  	[sflag:s8] =	ssyncset.s32 @!p0 $0xFFFFF086;
	s6 =	sadd.s32 @!p0 s3, s7;
	s7 =	simm.s32 @!p0 $0x108  }
0x21: {  	s3 =	sadd.s32 s3, s9;
	s6 =	sadd.s32 @!p0 $0x88, s6;
	s7 =	simm.s32 @p2 $0x1082  }
0x22: {  	[simem:s7], [sflag:s8] =	dma.local @!p0 [hbm:s6], $0xF7A  }
0x23: {  	s9 =	sor.u32 $0xD0000000, s2;
	s6 =	simm.s32 $0x108;
	_ =	swait.ge @!p0 [sflag:s8], $0x0  }
0x24: {  	s3 =	sadd.s32 $0x88, s3;
	s6 =	simm.s32 @!p1 $0x1082;
	[sflag:s4] =	ssyncset.s32 $0xFFFFF086  }
0x25: {  	[simem:s6], [sflag:s4] =	dma.local [hbm:s3], $0xF7A  }
0x26: {  	[smem:$0x3F96] =	sst s1;
	(tag) =	ssettag s2;
	_ =	strace s9  }
0x27: {  	s1 =	sld [smem:$0x3FA6]  }
0x28: {  	s2 =	sld [smem:$0x3FA7]  }
0x29: {  	s4 =	sld [smem:$0x3FA9]  }
0x2a: {  	p0 =	seq.s32 s5, $0x0;
	s5 =	sld [smem:$0x3FAA]  }
0x2b: {  	s6 =	sld [smem:$0x3FAB]  }
0x2c: {  	s7 =	sld [smem:$0x3FAC]  }
0x2d: {  	s3 =	simm.s32 $0x108;
	s8 =	sld [smem:$0x3FAD]  }
0x2e: {  	s3 =	simm.s32 @!p0 $0x1082;
	s9 =	sld [smem:$0x3FAE]  }
0x2f: {  	lr =	sadd.s32 s0, s3;
	s0 =	sld [smem:$0x3FA5]  }
0x30: {  	s3 =	sld [smem:$0x3FA8]  }
0x31: {  	[smem:$0x3FB1] =	sst s10  }
0x32: {  	s10 =	sld [smem:$0x3FAF];
	_ =	sdelay $0x3  }
0x33: {  	p0 =	seq.s32 s10, $0x1;
	s10 =	sld [smem:$0x3FB1];
	_ =	sdelay $0x3  }
0x34: {  	[smem:$0x3FB1] =	sst s10  }
0x35: {  	s10 =	sld [smem:$0x3FB0];
	_ =	sdelay $0x3  }
0x36: {  	p1 =	seq.s32 s10, $0x1;
	s10 =	sld [smem:$0x3FB1];
	_ =	sdelay $0x3  }
0x37: {  	[smem:$0x3FB1] =	sst s10  }
0x38: {  	s10 =	sld [smem:$0x3FB2]  }
0x39: {  	_ = 	snop;
	(pc) =	sbr.ind lr, $3  }
0x3a: {  	_ = 	snop  }
0x3b: {  	_ = 	snop  }
0x3c: {  	p2 =	seq.s32 s10, $0x1;
	s10 =	sld [smem:$0x3FB1]  }
0x3d: {  	_ =	shalt  }
0x3e: {  	_ =	shalt  }
0x3f: {  	_ =	shalt  }
0x40: {  	_ =	shalt  }
0x41: {  	_ =	shalt  }
0x42: {  	_ =	shalt  }
0x43: {  	_ =	shalt  }
0x44: {  	_ =	shalt  }
0x45: {  	_ =	shalt  }
0x46: {  	_ =	shalt  }
0x47: {  	_ =	shalt  }
0x48: {  	_ =	shalt  }
0x49: {  	_ =	shalt  }
0x4a: {  	_ =	shalt  }
0x4b: {  	_ =	shalt  }
0x4c: {  	_ =	shalt  }
0x4d: {  	_ =	shalt  }
0x4e: {  	_ =	shalt  }
0x4f: {  	_ =	shalt  }
0x50: {  	_ =	shalt  }
0x51: {  	_ =	shalt  }
0x52: {  	_ =	shalt  }
0x53: {  	_ =	shalt  }
0x54: {  	_ =	shalt  }
0x55: {  	_ =	shalt  }
0x56: {  	_ =	shalt  }
0x57: {  	_ =	shalt  }
0x58: {  	_ =	shalt  }
0x59: {  	_ =	shalt  }
0x5a: {  	_ =	shalt  }
0x5b: {  	_ =	shalt  }
0x5c: {  	_ =	shalt  }
0x5d: {  	_ =	shalt  }
0x5e: {  	_ =	shalt  }
0x5f: {  	_ =	shalt  }
0x60: {  	_ =	shalt  }
0x61: {  	_ =	shalt  }
0x62: {  	_ =	shalt  }
0x63: {  	_ =	shalt  }
0x64: {  	_ =	shalt  }
0x65: {  	_ =	shalt  }
0x66: {  	_ =	shalt  }
0x67: {  	_ =	shalt  }
0x68: {  	_ =	shalt  }
0x69: {  	_ =	shalt  }
0x6a: {  	_ =	shalt  }
0x6b: {  	_ =	shalt  }
0x6c: {  	_ =	shalt  }
0x6d: {  	_ =	shalt  }
0x6e: {  	_ =	shalt  }
0x6f: {  	_ =	shalt  }
0x70: {  	_ =	shalt  }
0x71: {  	_ =	shalt  }
0x72: {  	_ =	shalt  }
0x73: {  	_ =	shalt  }
0x74: {  	_ =	shalt  }
0x75: {  	_ =	shalt  }
0x76: {  	_ =	shalt  }
0x77: {  	_ =	shalt  }
0x78: {  	_ =	shalt  }
0x79: {  	_ =	shalt  }
0x7a: {  	_ =	shalt  }
0x7b: {  	_ =	shalt  }
0x7c: {  	_ =	shalt  }
0x7d: {  	_ =	shalt  }
0x7e: {  	_ =	shalt  }
0x7f: {  	_ =	shalt  }
0x80: {  	_ =	shalt  }
0x81: {  	_ =	shalt  }
0x82: {  	_ =	shalt  }
0x83: {  	_ =	shalt  }
0x84: {  	_ =	shalt  }
0x85: {  	_ =	shalt  }
0x86: {  	_ =	shalt  }
0x87: {  	_ =	shalt  }
.Lfunc_end0:
.L_simem_size_0:
called_computation.6_lowered:
.L_overlay_start_0:
0x88: {  	s2 =	sld [smem:$0x3FD9]  }
0x89: {  	s3 =	sld [smem:$0x3FFE];
	_ =	sdelay $0x1  }
0x8a: {  	s1 =	srdreg.scid  }
0x8b: {  	s0 =	sand.u32 $0x1, s1  }
0x8c: {  	s14 =	sshll.u32 s0, $0xA;
	s2 =	sadd.s32 s3, s2  }
0x8d: {  	s2 =	sadd.s32 s2, s14  }
0x8e: {  	[smem:$0x3FBD] =	sst s2  }
0x8f: {  	_ = 	snop  }
0x90: {  	s2 =	sld [smem:$0x3FD0];
	_ =	sdelay $0x2  }
0x91: {  	s15 =	simm.s32 $0xA;
	s4 =	simm.s32 $0x10  }
0x92: {  	[smem:s4], [sflag:s15] =	dma.local [hbm:s2], $0x1  }
0x93: {  	_ =	swait.eq [sflag:s15], $0x1  }
0x94: {  	[sflag:s15] =	ssyncset.done $0x0  }
0x95: {  	s16 =	sld [smem:$0x13];
	[sflag:s15] =	ssyncadd.s32 $0xFFFFFFFF  }
0x96: {  	s17 =	sld [smem:$0x14];
	(tm) =	ssettm $0x1  }
0x97: {  	s18 =	sld [smem:$0x3FFB];
	_ =	sdelay $0x3  }
0x98: {  	_ =	strace s18  }
0x99: {  	s4 =	sld [smem:$0x3FFC];
	_ =	sdelay $0x3  }
0x9a: {  	_ =	strace s4  }
0x9b: {  	s4 =	sld [smem:$0x3FFD];
	_ =	sdelay $0x3  }
0x9c: {  	_ =	strace s4  }
0x9d: {  	_ =	strace $0x8FFFFFFF  }
0x9e: {  	s19 =	sld [smem:$0x3FDB];
	_ =	sdelay $0x1  }
0x9f: {  	s5 =	simm.s32 $_scs_section_size  }
0xa0: {  	s6 =	simm.s32 $_size__tile_overlayer_lowered;
	s7 =	simm.s32 $_tile_overlayer_lowered  }
0xa1: {  	s22 =	simm.s32 $0x1BFF;
	s21 =	sshll.u32 s7, $0x1;
	s4 =	sadd.s32 s5, s19  }
0xa2: {  	s8 =	simm.s32 $0x0;
	s20 =	sshll.u32 s6, $0x1;
	s6 =	sadd.s32 s21, s4  }
0xa3: {  	[timem:s8], [sflag:s22] =	dma.local [hbm:s6], s20  }
0xa4: {  	_ =	swait.ge [sflag:s22], s20  }
0xa5: {  	s5 =	ssub.s32 $0x0, s20;
	[sflag:s22] =	ssyncset.done $0x0  }
0xa6: {  	[sflag:s22] =	ssyncadd.s32 s5;
	_ =	sdelay $0x1  }
0xa7: {  	s23 =	simm.s32 $0x1B8B  }
0xa8: {  	_ =	swait.ge [sflag:s23], $0x1  }
0xa9: {  	[sflag:s23] =	ssyncset.done $0x0  }
0xaa: {  	s25 =	simm.s32 $0x1B8E;
	s24 =	sld [smem:$0x3FFE];
	[sflag:s23] =	ssyncadd.s32 $0xFFFFFFFF  }
0xab: {  	s26 =	simm.s32 $execute0_lowered;
	[smem:$0x3FD2] =	sst s25  }
0xac: {  	s6 =	sshll.u32 s26, $0x1;
	_ =	strace $0x80000058;
	[dreg:$0x1] =	wrdreg $0xFFFFFFFF  }
0xad: {  	s28 =	simm.s32 $_size_execute0_lowered;
	s4 =	sadd.s32 s4, s6;
	[dreg:$0x0] =	wrdreg $0x0  }
0xae: {  	s6 =	sshll.u32 s28, $0x1;
	[dreg:$0x2] =	wrdreg s4  }
0xaf: {  	[dreg:$0x3] =	wrdreg s6  }
0xb0: {  	[dreg:$0x4] =	wrdreg $0xC0  }
0xb1: {  	_ =	task [dreg:s8], $0x5FFFF  }
0xb2: {  	[dreg:$0x1] =	wrdreg $0xFFFFFFFF  }
0xb3: {  	[dreg:$0x0] =	wrdreg $0x60  }
0xb4: {  	[dreg:$0x2] =	wrdreg s16  }
0xb5: {  	[dreg:$0x3] =	wrdreg s17  }
0xb6: {  	[dreg:$0x4] =	wrdreg s24  }
0xb7: {  	[dreg:$0x5] =	wrdreg $0xA0800  }
0xb8: {  	[dreg:$0x6] =	wrdreg $0x9  }
0xb9: {  	_ =	task.clear_ibuf [dreg:s8], $0x7FFFF;
	_ =	strace $0x90000058  }
0xba: {  	s29 =	simm.s32 $0x9;
	_ =	strace $0x8000005A  }
0xbb: {  	_ =	swait.ge [sflag:s29], $0x1  }
0xbc: {  	[sflag:s29] =	ssyncadd.s32 $0xFFFFFFFF  }
0xbd: {  	_ =	strace $0x9000005A  }
0xbe: {  	_ =	sfence  }
0xbf: {  	s30 =	sld [smem:$0x0];
	_ =	sdelay $0x2  }
0xc0: {  	s31 =	sshll.u32 s1, $0xD;
	s1 =	sshrl.u32 s1, $0x2  }
0xc1: {  	s3 =	sand.u32 $0x4000, s31;
	s1 =	sadd.s32 s1, s30  }
0xc2: {  	s0 =	sor.u32 s3, s0;
	s1 =	sshll.u32 s1, $0x11  }
0xc3: {  	s0 =	sor.u32 s1, s0  }
0xc4: {  	s0 =	sadd.s32 $0x8F2B, s0  }
0xc5: {  	[sflag:s0] =	ssyncadd.remote.s32 $0x1  }
0xc6: {  	_ =	sfence.sel $0xFFFF  }
0xc7: {  	[dreg:$0x0] =	wrdreg $0xFFFFFFFF;
	(pc) =	sbr.abs _section_cstart, $3  }
0xc8: {  	[dreg:$0x1] =	wrdreg $0xFFFFFFFF  }
0xc9: {  	_ =	task.clear_ibuf [dreg:s8], $0x2FFFF;
	_ =	strace $0x9FFFFFFF  }
0xca: {  	(tm) =	ssettm $0x7FFFFFFF  }
0xcb: {  	_ =	shalt  }
tec
execute0_lowered:
.L_overlay_start_1:
0x0: {  	(tag) =	ssettag $0x1  }
0x1: {  	s0 =	rddreg [dreg:$0x0]  }
0x2: {  	s4 =	rddreg [dreg:$0x1]  }
0x3: {  	s5 =	rddreg [dreg:$0x2]  }
0x4: {  	s1 =	srdreg.scid;
	s2 =	rddreg [dreg:$0x3]  }
0x5: {  	s3 =	simm.s32 $0x0;
	s14 =	simm.s32 $0x100;
	s16 =	simm.s32 $0x880  }
0x6: {  	s17 =	simm.s32 $0x180;
	s19 =	simm.s32 $0x900;
	s20 =	simm.s32 $0x200  }
0x7: {  	s21 =	simm.s32 $0x980;
	[smem:$0x7FF] =	sst s3;
	s11 =	sadd.s32 $0x8400, s5  }
0x8: {  	s15 =	sadd.s32 $0x138800, s2;
	_ =	strace $0x80000059;
	[dreg:$0x12] =	wrdreg s11  }
0x9: {  	s22 =	simm.s32 $0x280;
	s23 =	simm.s32 $0xA00;
	[dreg:$0x15] =	wrdreg s15  }
0xa: {  	s6 =	sand.u32 $0x1, s1;
	s1 =	stileid.u32;
	[dreg:$0x7] =	wrdreg s14  }
0xb: {  	s28 =	simm.s32 $0xD80;
	s7 =	smul.u32 $0x28000, s6;
	[dreg:$0x8] =	wrdreg s16  }
0xc: {  	s29 =	simm.s32 $0x680;
	s8 =	smul.u32 $0x2800, s1;
	[dreg:$0x9] =	wrdreg s17  }
0xd: {  	s30 =	simm.s32 $0xE00;
	s24 =	smul.u32 $0x140000, s6;
	[dreg:$0xa] =	wrdreg s19  }
0xe: {  	s31 =	simm.s32 $0x700;
	s9 =	smul.u32 $0x14000, s1;
	[dreg:$0xb] =	wrdreg s20  }
0xf: {  	s25 =	sshll.u32 s6, $0x4;
	s6 =	ssub.s32 $0x2, s6;
	[dreg:$0xc] =	wrdreg s21  }
0x10: {  	s26 =	smul.u32 $0x50000, s1;
	[dreg:$0xd] =	wrdreg s22;
	s14 =	simm.s32 $0x1000  }
0x11: {  	[dreg:$0xe] =	wrdreg s23;
	s15 =	simm.s32 $0x5000;
	s16 =	simm.s32 $0x1  }
0x12: {  	s17 =	simm.s32 $0xB00;
	s19 =	simm.s32 $0xB80;
	s20 =	simm.s32 $0x480  }
0x13: {  	s21 =	simm.s32 $0xC00;
	s22 =	simm.s32 $0x500;
	s23 =	simm.s32 $0xC80  }
0x14: {  	p0 =	sne.s32 s1, $0x0;
	s11 =	sadd.s32 s25, s5;
	s12 =	sshrl.u32 s6, $0x1  }
0x15: {  	s25 =	simm.s32 $0xA80;
	s7 =	sadd.s32 s8, s7;
	s8 =	sadd.s32 s9, s24  }
0x16: {  	s6 =	ssub.s32 s6, s12;
	s9 =	sshrl.u32 s26, $0x2;
	s12 =	sshll.u32 s1, $0x6  }
0x17: {  	s13 =	sadd.s32 $0x10200, s11;
	s11 =	simm.s32 $0x2;
	s24 =	simm.s32 $0x300  }
0x18: {  	[dreg:$0x10] =	wrdreg s25;
	s26 =	simm.s32 $0x380;
	s25 =	simm.s32 $0xD00  }
0x19: {  	s1 =	simm.s32 $0xE80;
	s7 =	sshrl.u32 s7, $0x3;
	[dreg:$0x14] =	wrdreg s13  }
0x1a: {  	s8 =	sshrl.u32 s8, $0x3;
	s18 =	smax.u32 s6, $0x1;
	[dreg:$0xf] =	wrdreg s24  }
0x1b: {  	s13 =	simm.s32 $0x80;
	[dreg:$0x11] =	wrdreg s26;
	s24 =	simm.s32 $0x580  }
0x1c: {  	s26 =	simm.s32 $0x600;
	s6 =	simm.s32 $0xF00;
	s10 =	sadd.s32 s7, s5  }
0x1d: {  	s5 =	sadd.s32 s8, s5;
	s4 =	sadd.s32 s7, s4;
	[dreg:$0x17] =	wrdreg s18  }
0x1e: {  	s8 =	sadd.s32 s9, s2;
	s9 =	sor.u32 $0x1C02, s12;
	[dreg:$0x6] =	wrdreg s4  }
0x1f: {  	s12 =	simm.s32 $0x800;
	s10 =	sadd.s32 $0x10400, s10;
	[dreg:$0x13] =	wrdreg s9  }
0x20: {  	s18 =	simm.s32 $0x400;
	s5 =	sadd.s32 $0x1A400, s5;
	[dreg:$0x5] =	wrdreg s10  }
0x21: {  	s7 =	simm.s32 $0xF80;
	s8 =	sshrl.u32 s8, $0x3;
	[dreg:$0x16] =	wrdreg s5  }
0x22: {  	s4 =	simm.s32 $0x780;
	s10 =	simm.s32 $0x0;
	[dreg:$0x18] =	wrdreg s8  }
.LBB2_1:
0x23: {  	[dreg:$0x19] =	wrdreg s10  }
0x24: {  	s5 =	rddreg [dreg:$0x12]  }
0x25: {  	[spmem:s8], [sflag:s9] =	dma.local [hbm:s5], $0x2800  }
0x26: {  	_ =	swait.ge [sflag:s11], $0x2800  }
0x27: {  	[sflag:s11] =	ssyncset.done $0x0  }
0x28: {  	[sflag:s11] =	ssyncadd.s32 $0xFFFFD800  }
0x29: {  	[bflag:$0x0] =	sbarrier.arrive $0xFFFF  }
0x2a: {  	s10 =	rddreg [dreg:$0x6]  }
0x2b: {  	s5 =	sadd.s32 $0x0, s10  }
0x2c: {  	[tilespmem:s3], [sflag:$0x2] =	stream.linear.gather [hbm4b:s5+s3], $0x800, $0x38;
	[tilespmem:$0x1E080] =	vst v63  }
0x2d: {  	_ =	swait.ge [sflag:s11], $0x800  }
0x2e: {  	s8 =	rddreg [dreg:$0x5];
	[sflag:s11] =	ssyncset.done $0x0  }
0x2f: {  	[sflag:s11] =	ssyncadd.s32 $0xFFFFF800;
	s5 =	sadd.s32 $0x0, s8  }
0x30: {  	[tilespmem:s12], [sflag:$0x2] =	stream.linear.gather [hbm4b:s5+s3], $0x800, $0x38;
	[tilespmem:$0x1E080] =	vst v63  }
0x31: {  	_ =	swait.ge [sflag:s11], $0x800  }
0x32: {  	[sflag:s11] =	ssyncset.done $0x0  }
0x33: {  	[sflag:s11] =	ssyncadd.s32 $0xFFFFF800  }
0x34: {  	[tilespmem:s14], [sflag:$0x1] =	stream.indirect.gather [hbm4b:s0+s13], $0x80, s3, s13, $0xb8;
	[tilespmem:$0x1E080] =	vst v63  }
0x35: {  	_ = 	snop  }
0x36: {  	[tilespmem:s15], [sflag:$0x1] =	stream.indirect.gather [hbm4b:s0+s13], $0x80, s13, s13, $0xb8;
	[tilespmem:$0x1E080] =	vst v63  }
0x37: {  	_ =	swait.ge [sflag:s16], $0x4000  }
0x38: {  	[sflag:s16] =	ssyncset.done $0x0  }
0x39: {  	[sflag:s16] =	ssyncadd.s32 $0xFFFFC000  }
0x3a: {  	[spmem:s2] =	stream.indirect.scatter.add.f32 [tilespmem:s14], [sflag:$0x2], $0x80, s12, s13, $0xb8;
	[tilespmem:$0x1E080] =	vst v63  }
0x3b: {  	_ =	swait.ge [sflag:s11], $0x4000  }
0x3c: {  	[sflag:s11] =	ssyncset.done $0x0  }
0x3d: {  	s9 =	rddreg [dreg:$0x7];
	[sflag:s11] =	ssyncadd.s32 $0xFFFFC000  }
0x3e: {  	[tilespmem:s14], [sflag:$0x1] =	stream.indirect.gather [hbm4b:s0+s13], $0x80, s9, s13, $0xb8;
	[tilespmem:$0x1E080] =	vst v63  }
0x3f: {  	_ =	swait.ge [sflag:s16], $0x4000  }
0x40: {  	[sflag:s16] =	ssyncset.done $0x0  }
0x41: {  	s10 =	rddreg [dreg:$0x8];
	[sflag:s16] =	ssyncadd.s32 $0xFFFFC000  }
0x42: {  	[spmem:s2] =	stream.indirect.scatter.add.f32 [tilespmem:s15], [sflag:$0x2], $0x80, s10, s13, $0xb8;
	[tilespmem:$0x1E080] =	vst v63  }
0x43: {  	_ =	swait.ge [sflag:s11], $0x4000  }
0x44: {  	[sflag:s11] =	ssyncset.done $0x0  }
0x45: {  	s8 =	rddreg [dreg:$0x9];
	[sflag:s11] =	ssyncadd.s32 $0xFFFFC000  }
0x46: {  	[tilespmem:s15], [sflag:$0x1] =	stream.indirect.gather [hbm4b:s0+s13], $0x80, s8, s13, $0xb8;
	[tilespmem:$0x1E080] =	vst v63  }
0x47: {  	_ =	swait.ge [sflag:s16], $0x4000  }
0x48: {  	[sflag:s16] =	ssyncset.done $0x0  }
0x49: {  	s9 =	rddreg [dreg:$0xa];
	[sflag:s16] =	ssyncadd.s32 $0xFFFFC000  }
0x4a: {  	[spmem:s2] =	stream.indirect.scatter.add.f32 [tilespmem:s14], [sflag:$0x2], $0x80, s9, s13, $0xb8;
	[tilespmem:$0x1E080] =	vst v63  }
0x4b: {  	_ =	swait.ge [sflag:s11], $0x4000  }
0x4c: {  	[sflag:s11] =	ssyncset.done $0x0  }
0x4d: {  	s10 =	rddreg [dreg:$0xb];
	[sflag:s11] =	ssyncadd.s32 $0xFFFFC000  }
0x4e: {  	[tilespmem:s14], [sflag:$0x1] =	stream.indirect.gather [hbm4b:s0+s13], $0x80, s10, s13, $0xb8;
	[tilespmem:$0x1E080] =	vst v63  }
0x4f: {  	_ =	swait.ge [sflag:s16], $0x4000  }
0x50: {  	[sflag:s16] =	ssyncset.done $0x0  }
0x51: {  	s8 =	rddreg [dreg:$0xc];
	[sflag:s16] =	ssyncadd.s32 $0xFFFFC000  }
0x52: {  	[spmem:s2] =	stream.indirect.scatter.add.f32 [tilespmem:s15], [sflag:$0x2], $0x80, s8, s13, $0xb8;
	[tilespmem:$0x1E080] =	vst v63  }
0x53: {  	_ =	swait.ge [sflag:s11], $0x4000  }
0x54: {  	[sflag:s11] =	ssyncset.done $0x0  }
0x55: {  	s9 =	rddreg [dreg:$0xd];
	[sflag:s11] =	ssyncadd.s32 $0xFFFFC000  }
0x56: {  	[tilespmem:s15], [sflag:$0x1] =	stream.indirect.gather [hbm4b:s0+s13], $0x80, s9, s13, $0xb8;
	[tilespmem:$0x1E080] =	vst v63  }
0x57: {  	_ =	swait.ge [sflag:s16], $0x4000  }
0x58: {  	[sflag:s16] =	ssyncset.done $0x0  }
0x59: {  	s10 =	rddreg [dreg:$0xe];
	[sflag:s16] =	ssyncadd.s32 $0xFFFFC000  }
0x5a: {  	[spmem:s2] =	stream.indirect.scatter.add.f32 [tilespmem:s14], [sflag:$0x2], $0x80, s10, s13, $0xb8;
	[tilespmem:$0x1E080] =	vst v63  }
0x5b: {  	_ =	swait.ge [sflag:s11], $0x4000  }
0x5c: {  	[sflag:s11] =	ssyncset.done $0x0  }
0x5d: {  	s8 =	rddreg [dreg:$0xf];
	[sflag:s11] =	ssyncadd.s32 $0xFFFFC000  }
0x5e: {  	[tilespmem:s14], [sflag:$0x1] =	stream.indirect.gather [hbm4b:s0+s13], $0x80, s8, s13, $0xb8;
	[tilespmem:$0x1E080] =	vst v63  }
0x5f: {  	_ =	swait.ge [sflag:s16], $0x4000  }
0x60: {  	[sflag:s16] =	ssyncset.done $0x0  }
0x61: {  	s9 =	rddreg [dreg:$0x10];
	[sflag:s16] =	ssyncadd.s32 $0xFFFFC000  }
0x62: {  	[spmem:s2] =	stream.indirect.scatter.add.f32 [tilespmem:s15], [sflag:$0x2], $0x80, s9, s13, $0xb8;
	[tilespmem:$0x1E080] =	vst v63  }
0x63: {  	_ =	swait.ge [sflag:s11], $0x4000  }
0x64: {  	[sflag:s11] =	ssyncset.done $0x0  }
0x65: {  	s10 =	rddreg [dreg:$0x11];
	[sflag:s11] =	ssyncadd.s32 $0xFFFFC000  }
0x66: {  	[tilespmem:s15], [sflag:$0x1] =	stream.indirect.gather [hbm4b:s0+s13], $0x80, s10, s13, $0xb8;
	[tilespmem:$0x1E080] =	vst v63  }
0x67: {  	_ =	swait.ge [sflag:s16], $0x4000  }
0x68: {  	[sflag:s16] =	ssyncset.done $0x0  }
0x69: {  	[sflag:s16] =	ssyncadd.s32 $0xFFFFC000  }
0x6a: {  	[spmem:s2] =	stream.indirect.scatter.add.f32 [tilespmem:s14], [sflag:$0x2], $0x80, s17, s13, $0xb8;
	[tilespmem:$0x1E080] =	vst v63  }
0x6b: {  	_ =	swait.ge [sflag:s11], $0x4000  }
0x6c: {  	[sflag:s11] =	ssyncset.done $0x0  }
0x6d: {  	[sflag:s11] =	ssyncadd.s32 $0xFFFFC000  }
0x6e: {  	[tilespmem:s14], [sflag:$0x1] =	stream.indirect.gather [hbm4b:s0+s13], $0x80, s18, s13, $0xb8;
	[tilespmem:$0x1E080] =	vst v63  }
0x6f: {  	_ =	swait.ge [sflag:s16], $0x4000  }
0x70: {  	[sflag:s16] =	ssyncset.done $0x0  }
0x71: {  	[sflag:s16] =	ssyncadd.s32 $0xFFFFC000  }
0x72: {  	[spmem:s2] =	stream.indirect.scatter.add.f32 [tilespmem:s15], [sflag:$0x2], $0x80, s19, s13, $0xb8;
	[tilespmem:$0x1E080] =	vst v63  }
0x73: {  	_ =	swait.ge [sflag:s11], $0x4000  }
0x74: {  	[sflag:s11] =	ssyncset.done $0x0  }
0x75: {  	[sflag:s11] =	ssyncadd.s32 $0xFFFFC000  }
0x76: {  	[tilespmem:s15], [sflag:$0x1] =	stream.indirect.gather [hbm4b:s0+s13], $0x80, s20, s13, $0xb8;
	[tilespmem:$0x1E080] =	vst v63  }
0x77: {  	_ =	swait.ge [sflag:s16], $0x4000  }
0x78: {  	[sflag:s16] =	ssyncset.done $0x0  }
0x79: {  	[sflag:s16] =	ssyncadd.s32 $0xFFFFC000  }
0x7a: {  	[spmem:s2] =	stream.indirect.scatter.add.f32 [tilespmem:s14], [sflag:$0x2], $0x80, s21, s13, $0xb8;
	[tilespmem:$0x1E080] =	vst v63  }
0x7b: {  	_ =	swait.ge [sflag:s11], $0x4000  }
0x7c: {  	[sflag:s11] =	ssyncset.done $0x0  }
0x7d: {  	[sflag:s11] =	ssyncadd.s32 $0xFFFFC000  }
0x7e: {  	[tilespmem:s14], [sflag:$0x1] =	stream.indirect.gather [hbm4b:s0+s13], $0x80, s22, s13, $0xb8;
	[tilespmem:$0x1E080] =	vst v63  }
0x7f: {  	_ =	swait.ge [sflag:s16], $0x4000  }
0x80: {  	[sflag:s16] =	ssyncset.done $0x0  }
0x81: {  	[sflag:s16] =	ssyncadd.s32 $0xFFFFC000  }
0x82: {  	[spmem:s2] =	stream.indirect.scatter.add.f32 [tilespmem:s15], [sflag:$0x2], $0x80, s23, s13, $0xb8;
	[tilespmem:$0x1E080] =	vst v63  }
0x83: {  	_ =	swait.ge [sflag:s11], $0x4000  }
0x84: {  	[sflag:s11] =	ssyncset.done $0x0  }
0x85: {  	[sflag:s11] =	ssyncadd.s32 $0xFFFFC000  }
0x86: {  	[tilespmem:s15], [sflag:$0x1] =	stream.indirect.gather [hbm4b:s0+s13], $0x80, s24, s13, $0xb8;
	[tilespmem:$0x1E080] =	vst v63  }
0x87: {  	_ =	swait.ge [sflag:s16], $0x4000  }
0x88: {  	[sflag:s16] =	ssyncset.done $0x0  }
0x89: {  	[sflag:s16] =	ssyncadd.s32 $0xFFFFC000  }
0x8a: {  	[spmem:s2] =	stream.indirect.scatter.add.f32 [tilespmem:s14], [sflag:$0x2], $0x80, s25, s13, $0xb8;
	[tilespmem:$0x1E080] =	vst v63  }
0x8b: {  	_ =	swait.ge [sflag:s11], $0x4000  }
0x8c: {  	[sflag:s11] =	ssyncset.done $0x0  }
0x8d: {  	[sflag:s11] =	ssyncadd.s32 $0xFFFFC000  }
0x8e: {  	[tilespmem:s14], [sflag:$0x1] =	stream.indirect.gather [hbm4b:s0+s13], $0x80, s26, s13, $0xb8;
	[tilespmem:$0x1E080] =	vst v63  }
0x8f: {  	_ =	swait.ge [sflag:s16], $0x4000  }
0x90: {  	[sflag:s16] =	ssyncset.done $0x0  }
0x91: {  	[sflag:s16] =	ssyncadd.s32 $0xFFFFC000  }
0x92: {  	[spmem:s2] =	stream.indirect.scatter.add.f32 [tilespmem:s15], [sflag:$0x2], $0x80, s28, s13, $0xb8;
	[tilespmem:$0x1E080] =	vst v63  }
0x93: {  	_ =	swait.ge [sflag:s11], $0x4000  }
0x94: {  	[sflag:s11] =	ssyncset.done $0x0  }
0x95: {  	[sflag:s11] =	ssyncadd.s32 $0xFFFFC000  }
0x96: {  	[tilespmem:s15], [sflag:$0x1] =	stream.indirect.gather [hbm4b:s0+s13], $0x80, s29, s13, $0xb8;
	[tilespmem:$0x1E080] =	vst v63  }
0x97: {  	_ =	swait.ge [sflag:s16], $0x4000  }
0x98: {  	[sflag:s16] =	ssyncset.done $0x0  }
0x99: {  	[sflag:s16] =	ssyncadd.s32 $0xFFFFC000  }
0x9a: {  	[spmem:s2] =	stream.indirect.scatter.add.f32 [tilespmem:s14], [sflag:$0x2], $0x80, s30, s13, $0xb8;
	[tilespmem:$0x1E080] =	vst v63  }
0x9b: {  	_ =	swait.ge [sflag:s11], $0x4000  }
0x9c: {  	[sflag:s11] =	ssyncset.done $0x0  }
0x9d: {  	[sflag:s11] =	ssyncadd.s32 $0xFFFFC000  }
0x9e: {  	[tilespmem:s14], [sflag:$0x1] =	stream.indirect.gather [hbm4b:s0+s13], $0x80, s31, s13, $0xb8;
	[tilespmem:$0x1E080] =	vst v63  }
0x9f: {  	_ =	swait.ge [sflag:s16], $0x4000  }
0xa0: {  	[sflag:s16] =	ssyncset.done $0x0  }
0xa1: {  	[sflag:s16] =	ssyncadd.s32 $0xFFFFC000  }
0xa2: {  	[spmem:s2] =	stream.indirect.scatter.add.f32 [tilespmem:s15], [sflag:$0x2], $0x80, s1, s13, $0xb8;
	[tilespmem:$0x1E080] =	vst v63  }
0xa3: {  	_ =	swait.ge [sflag:s11], $0x4000  }
0xa4: {  	[sflag:s11] =	ssyncset.done $0x0  }
0xa5: {  	[sflag:s11] =	ssyncadd.s32 $0xFFFFC000  }
0xa6: {  	[tilespmem:s15], [sflag:$0x1] =	stream.indirect.gather [hbm4b:s0+s13], $0x80, s4, s13, $0xb8;
	[tilespmem:$0x1E080] =	vst v63  }
0xa7: {  	_ =	swait.ge [sflag:s16], $0x4000  }
0xa8: {  	[sflag:s16] =	ssyncset.done $0x0  }
0xa9: {  	[sflag:s16] =	ssyncadd.s32 $0xFFFFC000  }
0xaa: {  	[spmem:s2] =	stream.indirect.scatter.add.f32 [tilespmem:s14], [sflag:$0x2], $0x80, s6, s13, $0xb8;
	[tilespmem:$0x1E080] =	vst v63  }
0xab: {  	_ =	swait.ge [sflag:s11], $0x4000  }
0xac: {  	[sflag:s11] =	ssyncset.done $0x0  }
0xad: {  	[sflag:s11] =	ssyncadd.s32 $0xFFFFC000  }
0xae: {  	_ =	swait.ge [sflag:s16], $0x4000  }
0xaf: {  	[sflag:s16] =	ssyncset.done $0x0  }
0xb0: {  	[sflag:s16] =	ssyncadd.s32 $0xFFFFC000  }
0xb1: {  	[spmem:s2] =	stream.indirect.scatter.add.f32 [tilespmem:s15], [sflag:$0x2], $0x80, s7, s13, $0xb8;
	[tilespmem:$0x1E080] =	vst v63  }
0xb2: {  	s5 =	simm.s32 $0x200;
	_ =	swait.ge [sflag:s11], $0x4000  }
0xb3: {  	s9 =	simm.s32 $0x100;
	s10 =	rddreg [dreg:$0x6];
	[sflag:s11] =	ssyncset.done $0x0  }
.LBB2_2:
0xb4: {  	[sflag:s11] =	ssyncadd.s32 $0xFFFFC000;
	s10 =	sadd.s32 s9, s10  }
0xb5: {  	[tilespmem:s3], [sflag:$0x2] =	stream.linear.gather [hbm4b:s10+s3], $0x800, $0x38;
	[tilespmem:$0x1E080] =	vst v63  }
0xb6: {  	_ =	swait.ge [sflag:s11], $0x800  }
0xb7: {  	s10 =	rddreg [dreg:$0x5];
	[sflag:s11] =	ssyncset.done $0x0  }
0xb8: {  	[sflag:s11] =	ssyncadd.s32 $0xFFFFF800;
	s10 =	sadd.s32 s9, s10  }
0xb9: {  	[tilespmem:s12], [sflag:$0x2] =	stream.linear.gather [hbm4b:s10+s3], $0x800, $0x38;
	[tilespmem:$0x1E080] =	vst v63  }
0xba: {  	_ =	swait.ge [sflag:s11], $0x800  }
0xbb: {  	[sflag:s11] =	ssyncset.done $0x0  }
0xbc: {  	[sflag:s11] =	ssyncadd.s32 $0xFFFFF800  }
0xbd: {  	[tilespmem:s14], [sflag:$0x1] =	stream.indirect.gather [hbm4b:s0+s13], $0x80, s3, s13, $0xb8;
	[tilespmem:$0x1E080] =	vst v63  }
0xbe: {  	_ = 	snop  }
0xbf: {  	[tilespmem:s15], [sflag:$0x1] =	stream.indirect.gather [hbm4b:s0+s13], $0x80, s13, s13, $0xb8;
	[tilespmem:$0x1E080] =	vst v63  }
0xc0: {  	_ =	swait.ge [sflag:s16], $0x4000  }
0xc1: {  	[sflag:s16] =	ssyncset.done $0x0  }
0xc2: {  	[sflag:s16] =	ssyncadd.s32 $0xFFFFC000  }
0xc3: {  	[spmem:s2] =	stream.indirect.scatter.add.f32 [tilespmem:s14], [sflag:$0x2], $0x80, s12, s13, $0xb8;
	[tilespmem:$0x1E080] =	vst v63  }
0xc4: {  	_ =	swait.ge [sflag:s11], $0x4000  }
0xc5: {  	[sflag:s11] =	ssyncset.done $0x0  }
0xc6: {  	s10 =	rddreg [dreg:$0x7];
	[sflag:s11] =	ssyncadd.s32 $0xFFFFC000  }
0xc7: {  	[tilespmem:s14], [sflag:$0x1] =	stream.indirect.gather [hbm4b:s0+s13], $0x80, s10, s13, $0xb8;
	[tilespmem:$0x1E080] =	vst v63  }
0xc8: {  	_ =	swait.ge [sflag:s16], $0x4000  }
0xc9: {  	[sflag:s16] =	ssyncset.done $0x0  }
0xca: {  	s10 =	rddreg [dreg:$0x8];
	[sflag:s16] =	ssyncadd.s32 $0xFFFFC000  }
0xcb: {  	[spmem:s2] =	stream.indirect.scatter.add.f32 [tilespmem:s15], [sflag:$0x2], $0x80, s10, s13, $0xb8;
	[tilespmem:$0x1E080] =	vst v63  }
0xcc: {  	_ =	swait.ge [sflag:s11], $0x4000  }
0xcd: {  	[sflag:s11] =	ssyncset.done $0x0  }
0xce: {  	s10 =	rddreg [dreg:$0x9];
	[sflag:s11] =	ssyncadd.s32 $0xFFFFC000  }
0xcf: {  	[tilespmem:s15], [sflag:$0x1] =	stream.indirect.gather [hbm4b:s0+s13], $0x80, s10, s13, $0xb8;
	[tilespmem:$0x1E080] =	vst v63  }
0xd0: {  	_ =	swait.ge [sflag:s16], $0x4000  }
0xd1: {  	[sflag:s16] =	ssyncset.done $0x0  }
0xd2: {  	s10 =	rddreg [dreg:$0xa];
	[sflag:s16] =	ssyncadd.s32 $0xFFFFC000  }
0xd3: {  	[spmem:s2] =	stream.indirect.scatter.add.f32 [tilespmem:s14], [sflag:$0x2], $0x80, s10, s13, $0xb8;
	[tilespmem:$0x1E080] =	vst v63  }
0xd4: {  	_ =	swait.ge [sflag:s11], $0x4000  }
0xd5: {  	[sflag:s11] =	ssyncset.done $0x0  }
0xd6: {  	s10 =	rddreg [dreg:$0xb];
	[sflag:s11] =	ssyncadd.s32 $0xFFFFC000  }
0xd7: {  	[tilespmem:s14], [sflag:$0x1] =	stream.indirect.gather [hbm4b:s0+s13], $0x80, s10, s13, $0xb8;
	[tilespmem:$0x1E080] =	vst v63  }
0xd8: {  	_ =	swait.ge [sflag:s16], $0x4000  }
0xd9: {  	[sflag:s16] =	ssyncset.done $0x0  }
0xda: {  	s10 =	rddreg [dreg:$0xc];
	[sflag:s16] =	ssyncadd.s32 $0xFFFFC000  }
0xdb: {  	[spmem:s2] =	stream.indirect.scatter.add.f32 [tilespmem:s15], [sflag:$0x2], $0x80, s10, s13, $0xb8;
	[tilespmem:$0x1E080] =	vst v63  }
0xdc: {  	_ =	swait.ge [sflag:s11], $0x4000  }
0xdd: {  	[sflag:s11] =	ssyncset.done $0x0  }
0xde: {  	s10 =	rddreg [dreg:$0xd];
	[sflag:s11] =	ssyncadd.s32 $0xFFFFC000  }
0xdf: {  	[tilespmem:s15], [sflag:$0x1] =	stream.indirect.gather [hbm4b:s0+s13], $0x80, s10, s13, $0xb8;
	[tilespmem:$0x1E080] =	vst v63  }
0xe0: {  	_ =	swait.ge [sflag:s16], $0x4000  }
0xe1: {  	[sflag:s16] =	ssyncset.done $0x0  }
0xe2: {  	s10 =	rddreg [dreg:$0xe];
	[sflag:s16] =	ssyncadd.s32 $0xFFFFC000  }
0xe3: {  	[spmem:s2] =	stream.indirect.scatter.add.f32 [tilespmem:s14], [sflag:$0x2], $0x80, s10, s13, $0xb8;
	[tilespmem:$0x1E080] =	vst v63  }
0xe4: {  	_ =	swait.ge [sflag:s11], $0x4000  }
0xe5: {  	[sflag:s11] =	ssyncset.done $0x0  }
0xe6: {  	s10 =	rddreg [dreg:$0xf];
	[sflag:s11] =	ssyncadd.s32 $0xFFFFC000  }
0xe7: {  	[tilespmem:s14], [sflag:$0x1] =	stream.indirect.gather [hbm4b:s0+s13], $0x80, s10, s13, $0xb8;
	[tilespmem:$0x1E080] =	vst v63  }
0xe8: {  	_ =	swait.ge [sflag:s16], $0x4000  }
0xe9: {  	[sflag:s16] =	ssyncset.done $0x0  }
0xea: {  	s10 =	rddreg [dreg:$0x10];
	[sflag:s16] =	ssyncadd.s32 $0xFFFFC000  }
0xeb: {  	[spmem:s2] =	stream.indirect.scatter.add.f32 [tilespmem:s15], [sflag:$0x2], $0x80, s10, s13, $0xb8;
	[tilespmem:$0x1E080] =	vst v63  }
0xec: {  	_ =	swait.ge [sflag:s11], $0x4000  }
0xed: {  	[sflag:s11] =	ssyncset.done $0x0  }
0xee: {  	s10 =	rddreg [dreg:$0x11];
	[sflag:s11] =	ssyncadd.s32 $0xFFFFC000  }
0xef: {  	[tilespmem:s15], [sflag:$0x1] =	stream.indirect.gather [hbm4b:s0+s13], $0x80, s10, s13, $0xb8;
	[tilespmem:$0x1E080] =	vst v63  }
0xf0: {  	_ =	swait.ge [sflag:s16], $0x4000  }
0xf1: {  	[sflag:s16] =	ssyncset.done $0x0  }
0xf2: {  	[sflag:s16] =	ssyncadd.s32 $0xFFFFC000  }
0xf3: {  	[spmem:s2] =	stream.indirect.scatter.add.f32 [tilespmem:s14], [sflag:$0x2], $0x80, s17, s13, $0xb8;
	[tilespmem:$0x1E080] =	vst v63  }
0xf4: {  	_ =	swait.ge [sflag:s11], $0x4000  }
0xf5: {  	[sflag:s11] =	ssyncset.done $0x0  }
0xf6: {  	[sflag:s11] =	ssyncadd.s32 $0xFFFFC000  }
0xf7: {  	[tilespmem:s14], [sflag:$0x1] =	stream.indirect.gather [hbm4b:s0+s13], $0x80, s18, s13, $0xb8;
	[tilespmem:$0x1E080] =	vst v63  }
0xf8: {  	_ =	swait.ge [sflag:s16], $0x4000  }
0xf9: {  	[sflag:s16] =	ssyncset.done $0x0  }
0xfa: {  	[sflag:s16] =	ssyncadd.s32 $0xFFFFC000  }
0xfb: {  	[spmem:s2] =	stream.indirect.scatter.add.f32 [tilespmem:s15], [sflag:$0x2], $0x80, s19, s13, $0xb8;
	[tilespmem:$0x1E080] =	vst v63  }
0xfc: {  	_ =	swait.ge [sflag:s11], $0x4000  }
0xfd: {  	[sflag:s11] =	ssyncset.done $0x0  }
0xfe: {  	[sflag:s11] =	ssyncadd.s32 $0xFFFFC000  }
0xff: {  	[tilespmem:s15], [sflag:$0x1] =	stream.indirect.gather [hbm4b:s0+s13], $0x80, s20, s13, $0xb8;
	[tilespmem:$0x1E080] =	vst v63  }
0x100: {  	_ =	swait.ge [sflag:s16], $0x4000  }
0x101: {  	[sflag:s16] =	ssyncset.done $0x0  }
0x102: {  	[sflag:s16] =	ssyncadd.s32 $0xFFFFC000  }
0x103: {  	[spmem:s2] =	stream.indirect.scatter.add.f32 [tilespmem:s14], [sflag:$0x2], $0x80, s21, s13, $0xb8;
	[tilespmem:$0x1E080] =	vst v63  }
0x104: {  	_ =	swait.ge [sflag:s11], $0x4000  }
0x105: {  	[sflag:s11] =	ssyncset.done $0x0  }
0x106: {  	[sflag:s11] =	ssyncadd.s32 $0xFFFFC000  }
0x107: {  	[tilespmem:s14], [sflag:$0x1] =	stream.indirect.gather [hbm4b:s0+s13], $0x80, s22, s13, $0xb8;
	[tilespmem:$0x1E080] =	vst v63  }
0x108: {  	_ =	swait.ge [sflag:s16], $0x4000  }
0x109: {  	[sflag:s16] =	ssyncset.done $0x0  }
0x10a: {  	[sflag:s16] =	ssyncadd.s32 $0xFFFFC000  }
0x10b: {  	[spmem:s2] =	stream.indirect.scatter.add.f32 [tilespmem:s15], [sflag:$0x2], $0x80, s23, s13, $0xb8;
	[tilespmem:$0x1E080] =	vst v63  }
0x10c: {  	_ =	swait.ge [sflag:s11], $0x4000  }
0x10d: {  	[sflag:s11] =	ssyncset.done $0x0  }
0x10e: {  	[sflag:s11] =	ssyncadd.s32 $0xFFFFC000  }
0x10f: {  	[tilespmem:s15], [sflag:$0x1] =	stream.indirect.gather [hbm4b:s0+s13], $0x80, s24, s13, $0xb8;
	[tilespmem:$0x1E080] =	vst v63  }
0x110: {  	_ =	swait.ge [sflag:s16], $0x4000  }
0x111: {  	[sflag:s16] =	ssyncset.done $0x0  }
0x112: {  	[sflag:s16] =	ssyncadd.s32 $0xFFFFC000  }
0x113: {  	[spmem:s2] =	stream.indirect.scatter.add.f32 [tilespmem:s14], [sflag:$0x2], $0x80, s25, s13, $0xb8;
	[tilespmem:$0x1E080] =	vst v63  }
0x114: {  	_ =	swait.ge [sflag:s11], $0x4000  }
0x115: {  	[sflag:s11] =	ssyncset.done $0x0  }
0x116: {  	[sflag:s11] =	ssyncadd.s32 $0xFFFFC000  }
0x117: {  	[tilespmem:s14], [sflag:$0x1] =	stream.indirect.gather [hbm4b:s0+s13], $0x80, s26, s13, $0xb8;
	[tilespmem:$0x1E080] =	vst v63  }
0x118: {  	_ =	swait.ge [sflag:s16], $0x4000  }
0x119: {  	[sflag:s16] =	ssyncset.done $0x0  }
0x11a: {  	[sflag:s16] =	ssyncadd.s32 $0xFFFFC000  }
0x11b: {  	[spmem:s2] =	stream.indirect.scatter.add.f32 [tilespmem:s15], [sflag:$0x2], $0x80, s28, s13, $0xb8;
	[tilespmem:$0x1E080] =	vst v63  }
0x11c: {  	_ =	swait.ge [sflag:s11], $0x4000  }
0x11d: {  	[sflag:s11] =	ssyncset.done $0x0  }
0x11e: {  	[sflag:s11] =	ssyncadd.s32 $0xFFFFC000  }
0x11f: {  	[tilespmem:s15], [sflag:$0x1] =	stream.indirect.gather [hbm4b:s0+s13], $0x80, s29, s13, $0xb8;
	[tilespmem:$0x1E080] =	vst v63  }
0x120: {  	_ =	swait.ge [sflag:s16], $0x4000  }
0x121: {  	[sflag:s16] =	ssyncset.done $0x0  }
0x122: {  	[sflag:s16] =	ssyncadd.s32 $0xFFFFC000  }
0x123: {  	[spmem:s2] =	stream.indirect.scatter.add.f32 [tilespmem:s14], [sflag:$0x2], $0x80, s30, s13, $0xb8;
	[tilespmem:$0x1E080] =	vst v63  }
0x124: {  	_ =	swait.ge [sflag:s11], $0x4000  }
0x125: {  	[sflag:s11] =	ssyncset.done $0x0  }
0x126: {  	[sflag:s11] =	ssyncadd.s32 $0xFFFFC000  }
0x127: {  	[tilespmem:s14], [sflag:$0x1] =	stream.indirect.gather [hbm4b:s0+s13], $0x80, s31, s13, $0xb8;
	[tilespmem:$0x1E080] =	vst v63  }
0x128: {  	_ =	swait.ge [sflag:s16], $0x4000  }
0x129: {  	[sflag:s16] =	ssyncset.done $0x0  }
0x12a: {  	[sflag:s16] =	ssyncadd.s32 $0xFFFFC000  }
0x12b: {  	[spmem:s2] =	stream.indirect.scatter.add.f32 [tilespmem:s15], [sflag:$0x2], $0x80, s1, s13, $0xb8;
	[tilespmem:$0x1E080] =	vst v63  }
0x12c: {  	_ =	swait.ge [sflag:s11], $0x4000  }
0x12d: {  	[sflag:s11] =	ssyncset.done $0x0  }
0x12e: {  	[sflag:s11] =	ssyncadd.s32 $0xFFFFC000  }
0x12f: {  	[tilespmem:s15], [sflag:$0x1] =	stream.indirect.gather [hbm4b:s0+s13], $0x80, s4, s13, $0xb8;
	[tilespmem:$0x1E080] =	vst v63  }
0x130: {  	_ =	swait.ge [sflag:s16], $0x4000  }
0x131: {  	[sflag:s16] =	ssyncset.done $0x0  }
0x132: {  	[sflag:s16] =	ssyncadd.s32 $0xFFFFC000  }
0x133: {  	[spmem:s2] =	stream.indirect.scatter.add.f32 [tilespmem:s14], [sflag:$0x2], $0x80, s6, s13, $0xb8;
	[tilespmem:$0x1E080] =	vst v63  }
0x134: {  	_ =	swait.ge [sflag:s11], $0x4000  }
0x135: {  	[sflag:s11] =	ssyncset.done $0x0  }
0x136: {  	[sflag:s11] =	ssyncadd.s32 $0xFFFFC000  }
0x137: {  	p1 =	sne.s32 s5, $0x400;
	_ =	swait.ge [sflag:s16], $0x4000  }
.Ltmp0:
0x138: {  	[sflag:s16] =	ssyncset.done $0x0;
	(pc) =	sbr.rel @p1 .LBB2_2-.Ltmp0, $4  }
0x139: {  	[sflag:s16] =	ssyncadd.s32 $0xFFFFC000  }
0x13a: {  	[spmem:s2] =	stream.indirect.scatter.add.f32 [tilespmem:s15], [sflag:$0x2], $0x80, s7, s13, $0xb8;
	[tilespmem:$0x1E080] =	vst v63  }
0x13b: {  	s8 =	smov.u32 s5;
	s5 =	sadd.s32 $0x100, s5;
	_ =	swait.ge [sflag:s11], $0x4000  }
0x13c: {  	s9 =	smov.u32 s8;
	s10 =	rddreg [dreg:$0x6];
	[sflag:s11] =	ssyncset.done $0x0  }
0x13d: {  	[sflag:s11] =	ssyncadd.s32 $0xFFFFC000;
	s5 =	sadd.s32 s9, s10  }
0x13e: {  	[tilespmem:s3], [sflag:$0x2] =	stream.linear.gather [hbm4b:s5+s3], $0x800, $0x38;
	[tilespmem:$0x1E080] =	vst v63  }
0x13f: {  	_ =	swait.ge [sflag:s11], $0x800  }
0x140: {  	s10 =	rddreg [dreg:$0x5];
	[sflag:s11] =	ssyncset.done $0x0  }
0x141: {  	[sflag:s11] =	ssyncadd.s32 $0xFFFFF800;
	s5 =	sadd.s32 s9, s10  }
0x142: {  	[tilespmem:s12], [sflag:$0x2] =	stream.linear.gather [hbm4b:s5+s3], $0x800, $0x38;
	[tilespmem:$0x1E080] =	vst v63  }
0x143: {  	_ =	swait.ge [sflag:s11], $0x800  }
0x144: {  	[sflag:s11] =	ssyncset.done $0x0  }
0x145: {  	[sflag:s11] =	ssyncadd.s32 $0xFFFFF800  }
0x146: {  	[tilespmem:s14], [sflag:$0x1] =	stream.indirect.gather [hbm4b:s0+s13], $0x80, s3, s13, $0xb8;
	[tilespmem:$0x1E080] =	vst v63  }
0x147: {  	_ = 	snop  }
0x148: {  	[tilespmem:s15], [sflag:$0x1] =	stream.indirect.gather [hbm4b:s0+s13], $0x80, s13, s13, $0xb8;
	[tilespmem:$0x1E080] =	vst v63  }
0x149: {  	_ =	swait.ge [sflag:s16], $0x4000  }
0x14a: {  	[sflag:s16] =	ssyncset.done $0x0  }
0x14b: {  	[sflag:s16] =	ssyncadd.s32 $0xFFFFC000  }
0x14c: {  	[spmem:s2] =	stream.indirect.scatter.add.f32 [tilespmem:s14], [sflag:$0x2], $0x80, s12, s13, $0xb8;
	[tilespmem:$0x1E080] =	vst v63  }
0x14d: {  	_ =	swait.ge [sflag:s11], $0x4000  }
0x14e: {  	[sflag:s11] =	ssyncset.done $0x0  }
0x14f: {  	s8 =	rddreg [dreg:$0x7];
	[sflag:s11] =	ssyncadd.s32 $0xFFFFC000  }
0x150: {  	[tilespmem:s14], [sflag:$0x1] =	stream.indirect.gather [hbm4b:s0+s13], $0x80, s8, s13, $0xb8;
	[tilespmem:$0x1E080] =	vst v63  }
0x151: {  	_ =	swait.ge [sflag:s16], $0x4000  }
0x152: {  	[sflag:s16] =	ssyncset.done $0x0  }
0x153: {  	s9 =	rddreg [dreg:$0x8];
	[sflag:s16] =	ssyncadd.s32 $0xFFFFC000  }
0x154: {  	[spmem:s2] =	stream.indirect.scatter.add.f32 [tilespmem:s15], [sflag:$0x2], $0x80, s9, s13, $0xb8;
	[tilespmem:$0x1E080] =	vst v63  }
0x155: {  	_ =	swait.ge [sflag:s11], $0x4000  }
0x156: {  	[sflag:s11] =	ssyncset.done $0x0  }
0x157: {  	s10 =	rddreg [dreg:$0x9];
	[sflag:s11] =	ssyncadd.s32 $0xFFFFC000  }
0x158: {  	[tilespmem:s15], [sflag:$0x1] =	stream.indirect.gather [hbm4b:s0+s13], $0x80, s10, s13, $0xb8;
	[tilespmem:$0x1E080] =	vst v63  }
0x159: {  	_ =	swait.ge [sflag:s16], $0x4000  }
0x15a: {  	[sflag:s16] =	ssyncset.done $0x0  }
0x15b: {  	s8 =	rddreg [dreg:$0xa];
	[sflag:s16] =	ssyncadd.s32 $0xFFFFC000  }
0x15c: {  	[spmem:s2] =	stream.indirect.scatter.add.f32 [tilespmem:s14], [sflag:$0x2], $0x80, s8, s13, $0xb8;
	[tilespmem:$0x1E080] =	vst v63  }
0x15d: {  	_ =	swait.ge [sflag:s11], $0x4000  }
0x15e: {  	[sflag:s11] =	ssyncset.done $0x0  }
0x15f: {  	s9 =	rddreg [dreg:$0xb];
	[sflag:s11] =	ssyncadd.s32 $0xFFFFC000  }
0x160: {  	[tilespmem:s14], [sflag:$0x1] =	stream.indirect.gather [hbm4b:s0+s13], $0x80, s9, s13, $0xb8;
	[tilespmem:$0x1E080] =	vst v63  }
0x161: {  	_ =	swait.ge [sflag:s16], $0x4000  }
0x162: {  	[sflag:s16] =	ssyncset.done $0x0  }
0x163: {  	s10 =	rddreg [dreg:$0xc];
	[sflag:s16] =	ssyncadd.s32 $0xFFFFC000  }
0x164: {  	[spmem:s2] =	stream.indirect.scatter.add.f32 [tilespmem:s15], [sflag:$0x2], $0x80, s10, s13, $0xb8;
	[tilespmem:$0x1E080] =	vst v63  }
0x165: {  	_ =	swait.ge [sflag:s11], $0x4000  }
0x166: {  	[sflag:s11] =	ssyncset.done $0x0  }
0x167: {  	s8 =	rddreg [dreg:$0xd];
	[sflag:s11] =	ssyncadd.s32 $0xFFFFC000  }
0x168: {  	[tilespmem:s15], [sflag:$0x1] =	stream.indirect.gather [hbm4b:s0+s13], $0x80, s8, s13, $0xb8;
	[tilespmem:$0x1E080] =	vst v63  }
0x169: {  	_ =	swait.ge [sflag:s16], $0x4000  }
0x16a: {  	[sflag:s16] =	ssyncset.done $0x0  }
0x16b: {  	s9 =	rddreg [dreg:$0xe];
	[sflag:s16] =	ssyncadd.s32 $0xFFFFC000  }
0x16c: {  	[spmem:s2] =	stream.indirect.scatter.add.f32 [tilespmem:s14], [sflag:$0x2], $0x80, s9, s13, $0xb8;
	[tilespmem:$0x1E080] =	vst v63  }
0x16d: {  	_ =	swait.ge [sflag:s11], $0x4000  }
0x16e: {  	[sflag:s11] =	ssyncset.done $0x0  }
0x16f: {  	s10 =	rddreg [dreg:$0xf];
	[sflag:s11] =	ssyncadd.s32 $0xFFFFC000  }
0x170: {  	[tilespmem:s14], [sflag:$0x1] =	stream.indirect.gather [hbm4b:s0+s13], $0x80, s10, s13, $0xb8;
	[tilespmem:$0x1E080] =	vst v63  }
0x171: {  	_ =	swait.ge [sflag:s16], $0x4000  }
0x172: {  	[sflag:s16] =	ssyncset.done $0x0  }
0x173: {  	s8 =	rddreg [dreg:$0x10];
	[sflag:s16] =	ssyncadd.s32 $0xFFFFC000  }
0x174: {  	[spmem:s2] =	stream.indirect.scatter.add.f32 [tilespmem:s15], [sflag:$0x2], $0x80, s8, s13, $0xb8;
	[tilespmem:$0x1E080] =	vst v63  }
0x175: {  	_ =	swait.ge [sflag:s11], $0x4000  }
0x176: {  	[sflag:s11] =	ssyncset.done $0x0  }
0x177: {  	s9 =	rddreg [dreg:$0x11];
	[sflag:s11] =	ssyncadd.s32 $0xFFFFC000  }
0x178: {  	[tilespmem:s15], [sflag:$0x1] =	stream.indirect.gather [hbm4b:s0+s13], $0x80, s9, s13, $0xb8;
	[tilespmem:$0x1E080] =	vst v63  }
0x179: {  	_ =	swait.ge [sflag:s16], $0x4000  }
0x17a: {  	[sflag:s16] =	ssyncset.done $0x0  }
0x17b: {  	[sflag:s16] =	ssyncadd.s32 $0xFFFFC000  }
0x17c: {  	[spmem:s2] =	stream.indirect.scatter.add.f32 [tilespmem:s14], [sflag:$0x2], $0x80, s17, s13, $0xb8;
	[tilespmem:$0x1E080] =	vst v63  }
0x17d: {  	_ =	swait.ge [sflag:s11], $0x4000  }
0x17e: {  	[sflag:s11] =	ssyncset.done $0x0  }
0x17f: {  	[sflag:s11] =	ssyncadd.s32 $0xFFFFC000  }
0x180: {  	[tilespmem:s14], [sflag:$0x1] =	stream.indirect.gather [hbm4b:s0+s13], $0x80, s18, s13, $0xb8;
	[tilespmem:$0x1E080] =	vst v63  }
0x181: {  	_ =	swait.ge [sflag:s16], $0x4000  }
0x182: {  	[sflag:s16] =	ssyncset.done $0x0  }
0x183: {  	[sflag:s16] =	ssyncadd.s32 $0xFFFFC000  }
0x184: {  	[spmem:s2] =	stream.indirect.scatter.add.f32 [tilespmem:s15], [sflag:$0x2], $0x80, s19, s13, $0xb8;
	[tilespmem:$0x1E080] =	vst v63  }
0x185: {  	_ =	swait.ge [sflag:s11], $0x4000  }
0x186: {  	[sflag:s11] =	ssyncset.done $0x0  }
0x187: {  	[sflag:s11] =	ssyncadd.s32 $0xFFFFC000  }
0x188: {  	[tilespmem:s15], [sflag:$0x1] =	stream.indirect.gather [hbm4b:s0+s13], $0x80, s20, s13, $0xb8;
	[tilespmem:$0x1E080] =	vst v63  }
0x189: {  	_ =	swait.ge [sflag:s16], $0x4000  }
0x18a: {  	[sflag:s16] =	ssyncset.done $0x0  }
0x18b: {  	[sflag:s16] =	ssyncadd.s32 $0xFFFFC000  }
0x18c: {  	[spmem:s2] =	stream.indirect.scatter.add.f32 [tilespmem:s14], [sflag:$0x2], $0x80, s21, s13, $0xb8;
	[tilespmem:$0x1E080] =	vst v63  }
0x18d: {  	_ =	swait.ge [sflag:s11], $0x4000  }
0x18e: {  	[sflag:s11] =	ssyncset.done $0x0  }
0x18f: {  	[sflag:s11] =	ssyncadd.s32 $0xFFFFC000  }
0x190: {  	[tilespmem:s14], [sflag:$0x1] =	stream.indirect.gather [hbm4b:s0+s13], $0x80, s22, s13, $0xb8;
	[tilespmem:$0x1E080] =	vst v63  }
0x191: {  	_ =	swait.ge [sflag:s16], $0x4000  }
0x192: {  	[sflag:s16] =	ssyncset.done $0x0  }
0x193: {  	[sflag:s16] =	ssyncadd.s32 $0xFFFFC000  }
0x194: {  	[spmem:s2] =	stream.indirect.scatter.add.f32 [tilespmem:s15], [sflag:$0x2], $0x80, s23, s13, $0xb8;
	[tilespmem:$0x1E080] =	vst v63  }
0x195: {  	_ =	swait.ge [sflag:s11], $0x4000  }
0x196: {  	[sflag:s11] =	ssyncset.done $0x0  }
0x197: {  	[sflag:s11] =	ssyncadd.s32 $0xFFFFC000  }
0x198: {  	[tilespmem:s15], [sflag:$0x1] =	stream.indirect.gather [hbm4b:s0+s13], $0x80, s24, s13, $0xb8;
	[tilespmem:$0x1E080] =	vst v63  }
0x199: {  	_ =	swait.ge [sflag:s16], $0x4000  }
0x19a: {  	[sflag:s16] =	ssyncset.done $0x0  }
0x19b: {  	[sflag:s16] =	ssyncadd.s32 $0xFFFFC000  }
0x19c: {  	[spmem:s2] =	stream.indirect.scatter.add.f32 [tilespmem:s14], [sflag:$0x2], $0x80, s25, s13, $0xb8;
	[tilespmem:$0x1E080] =	vst v63  }
0x19d: {  	_ =	swait.ge [sflag:s11], $0x4000  }
0x19e: {  	[sflag:s11] =	ssyncset.done $0x0  }
0x19f: {  	[sflag:s11] =	ssyncadd.s32 $0xFFFFC000  }
0x1a0: {  	[tilespmem:s14], [sflag:$0x1] =	stream.indirect.gather [hbm4b:s0+s13], $0x80, s26, s13, $0xb8;
	[tilespmem:$0x1E080] =	vst v63  }
0x1a1: {  	_ =	swait.ge [sflag:s16], $0x4000  }
0x1a2: {  	[sflag:s16] =	ssyncset.done $0x0  }
0x1a3: {  	[sflag:s16] =	ssyncadd.s32 $0xFFFFC000  }
0x1a4: {  	[spmem:s2] =	stream.indirect.scatter.add.f32 [tilespmem:s15], [sflag:$0x2], $0x80, s28, s13, $0xb8;
	[tilespmem:$0x1E080] =	vst v63  }
0x1a5: {  	_ =	swait.ge [sflag:s11], $0x4000  }
0x1a6: {  	[sflag:s11] =	ssyncset.done $0x0  }
0x1a7: {  	[sflag:s11] =	ssyncadd.s32 $0xFFFFC000  }
0x1a8: {  	[tilespmem:s15], [sflag:$0x1] =	stream.indirect.gather [hbm4b:s0+s13], $0x80, s29, s13, $0xb8;
	[tilespmem:$0x1E080] =	vst v63  }
0x1a9: {  	_ =	swait.ge [sflag:s16], $0x4000  }
0x1aa: {  	[sflag:s16] =	ssyncset.done $0x0  }
0x1ab: {  	[sflag:s16] =	ssyncadd.s32 $0xFFFFC000  }
0x1ac: {  	[spmem:s2] =	stream.indirect.scatter.add.f32 [tilespmem:s14], [sflag:$0x2], $0x80, s30, s13, $0xb8;
	[tilespmem:$0x1E080] =	vst v63  }
0x1ad: {  	_ =	swait.ge [sflag:s11], $0x4000  }
0x1ae: {  	[sflag:s11] =	ssyncset.done $0x0  }
0x1af: {  	[sflag:s11] =	ssyncadd.s32 $0xFFFFC000  }
0x1b0: {  	[tilespmem:s14], [sflag:$0x1] =	stream.indirect.gather [hbm4b:s0+s13], $0x80, s31, s13, $0xb8;
	[tilespmem:$0x1E080] =	vst v63  }
0x1b1: {  	_ =	swait.ge [sflag:s16], $0x4000  }
0x1b2: {  	[sflag:s16] =	ssyncset.done $0x0  }
0x1b3: {  	[sflag:s16] =	ssyncadd.s32 $0xFFFFC000  }
0x1b4: {  	[spmem:s2] =	stream.indirect.scatter.add.f32 [tilespmem:s15], [sflag:$0x2], $0x80, s1, s13, $0xb8;
	[tilespmem:$0x1E080] =	vst v63  }
0x1b5: {  	_ =	swait.ge [sflag:s11], $0x4000  }
0x1b6: {  	[sflag:s11] =	ssyncset.done $0x0  }
0x1b7: {  	[sflag:s11] =	ssyncadd.s32 $0xFFFFC000  }
0x1b8: {  	[tilespmem:s15], [sflag:$0x1] =	stream.indirect.gather [hbm4b:s0+s13], $0x80, s4, s13, $0xb8;
	[tilespmem:$0x1E080] =	vst v63  }
0x1b9: {  	_ =	swait.ge [sflag:s16], $0x4000  }
0x1ba: {  	[sflag:s16] =	ssyncset.done $0x0  }
0x1bb: {  	[sflag:s16] =	ssyncadd.s32 $0xFFFFC000  }
0x1bc: {  	[spmem:s2] =	stream.indirect.scatter.add.f32 [tilespmem:s14], [sflag:$0x2], $0x80, s6, s13, $0xb8;
	[tilespmem:$0x1E080] =	vst v63  }
0x1bd: {  	_ =	swait.ge [sflag:s11], $0x4000  }
0x1be: {  	[sflag:s11] =	ssyncset.done $0x0  }
0x1bf: {  	[sflag:s11] =	ssyncadd.s32 $0xFFFFC000  }
0x1c0: {  	_ =	swait.ge [sflag:s16], $0x4000  }
0x1c1: {  	[sflag:s16] =	ssyncset.done $0x0  }
0x1c2: {  	[sflag:s16] =	ssyncadd.s32 $0xFFFFC000  }
0x1c3: {  	[spmem:s2] =	stream.indirect.scatter.add.f32 [tilespmem:s15], [sflag:$0x2], $0x80, s7, s13, $0xb8;
	[tilespmem:$0x1E080] =	vst v63  }
0x1c4: {  	_ =	swait.ge [sflag:s11], $0x4000  }
0x1c5: {  	[sflag:s11] =	ssyncset.done $0x0  }
0x1c6: {  	[sflag:s11] =	ssyncadd.s32 $0xFFFFC000  }
0x1c7: {  	[bflag:$0x0] =	sbarrier.arrive $0xFFFF  }
0x1c8: {  	s5 =	simm.s32 @!p0 $0x0;
	s8 =	simm.s32 @!p0 $0x9000;
	s9 =	rddreg [dreg:$0x14]  }
0x1c9: {  	[tilespmem:s8], [sflag:$0x2] =	stream.linear.gather @!p0 [hbm4b:s9+s5], $0x80, $0x38;
	[tilespmem:$0x1E080] =	vst v63  }
0x1ca: {  	s5 =	simm.s32 @!p0 $0x2  }
0x1cb: {  	_ =	swait.ge @!p0 [sflag:s5], $0x80  }
0x1cc: {  	[sflag:s5] =	ssyncset.done @!p0 $0x0  }
0x1cd: {  	s9 =	simm.s32 @!p0 $0x9080;
	s10 =	rddreg [dreg:$0x15];
	[sflag:s5] =	ssyncadd.s32 @!p0 $0xFFFFFF80  }
0x1ce: {  	[tilespmem:s9], [sflag:$0x2] =	stream.linear.gather @!p0 [spmem:s10], $0x1000, $0x38;
	[tilespmem:$0x1E080] =	vst v63  }
0x1cf: {  	_ =	swait.ge @!p0 [sflag:s5], $0x1000  }
0x1d0: {  	[sflag:s5] =	ssyncset.done @!p0 $0x0  }
0x1d1: {  	s10 =	simm.s32 @!p0 $0x20;
	[sflag:s5] =	ssyncadd.s32 @!p0 $0xFFFFF000  }
0x1d2: {  	[spmem:s2] =	stream.indirect.scatter.add.f32 @!p0 [tilespmem:s9], [sflag:$0x2], $0x80, s8, s10, $0xb8;
	[tilespmem:$0x1E080] =	vst v63  }
0x1d3: {  	_ =	swait.ge @!p0 [sflag:s5], $0x1000  }
0x1d4: {  	[sflag:s5] =	ssyncset.done @!p0 $0x0  }
0x1d5: {  	[sflag:s5] =	ssyncadd.s32 @!p0 $0xFFFFF000  }
0x1d6: {  	[bflag:$0x0] =	sbarrier.arrive $0xFFFF  }
0x1d7: {  	s9 =	rddreg [dreg:$0x13]  }
0x1d8: {  	s10 =	rddreg [dreg:$0x16]  }
0x1d9: {  	s8 =	rddreg [dreg:$0x18]  }
0x1da: {  	[hbm:s10], [sflag:s9] =	dma.local [spmem:s8], $0x2800  }
0x1db: {  	_ =	swait.ge [sflag:s11], $0x2800  }
0x1dc: {  	s5 =	rddreg [dreg:$0x19]  }
0x1dd: {  	s10 =	sadd.s32 $0x1, s5;
	s5 =	rddreg [dreg:$0x17]  }
0x1de: {  	p1 =	sne.s32 s10, s5  }
.Ltmp1:
0x1df: {  	_ = 	snop;
	(pc) =	sbr.rel @p1 .LBB2_1-.Ltmp1, $3  }
0x1e0: {  	_ =	sdelay $0x1  }
0x1e1: {  	[sflag:s11] =	ssyncset.done $0x0  }
0x1e2: {  	[sflag:s11] =	ssyncadd.s32 $0xFFFFD800  }
0x1e3: {  	_ =	sfence.sel $0x180000  }
0x1e4: {  	[bflag:$0x0] =	sbarrier.arrive $0xFFFF  }
0x1e5: {  	_ =	strace $0x90000059  }
0x1e6: {  	[bflag:$0x2] =	sbarrier.arrive $0xFFFF  }
0x1e7: {  	s0 =	rddreg [dreg:$0x4]  }
0x1e8: {  	s0 =	sadd.s32 @!p0 $0x100000, s0  }
0x1e9: {  	[sflag:s0] =	ssyncadd.tile.s32 @!p0 $0x1;
	_ =	shalt  }
.Lfunc_end2:
_tile_overlayer_lowered:
.L_overlay_start_2:
0x1ea: {  	(tag) =	ssettag $0x2  }
0x1eb: {  	s0 =	rddreg [dreg:$0x0];
	s2 =	stileid.u32  }
0x1ec: {  	s1 =	rddreg [dreg:$0x1];
	p0 =	sne.s32 s2, $0x0  }
0x1ed: {  	s3 =	rddreg [dreg:$0x2];
	[bflag:$0x3] =	sbarrier.arrive $0xFFFF;
	s2 =	simm.s32 @!p0 $0x1C02  }
0x1ee: {  	[timem:s3], [sflag:s2] =	dma.local @!p0 [hbm:s0], s1  }
0x1ef: {  	s0 =	simm.s32 @!p0 $0x2  }
0x1f0: {  	_ =	swait.ge @!p0 [sflag:s0], s1  }
0x1f1: {  	s1 =	ssub.s32 @!p0 $0x0, s1;
	[sflag:s0] =	ssyncset.done @!p0 $0x0  }
0x1f2: {  	[sflag:s0] =	ssyncadd.s32 @!p0 s1  }
0x1f3: {  	[bflag:$0x3] =	sbarrier.arrive $0xFFFF  }
0x1f4: {  	_ =	shalt  }

</sc_bundles>
